<compile_context>
chip_gen: v7x
topology: tpu7x:2x2x1
jax: 0.10.2.dev20260603
libtpu: 0.0.44.dev20260713+nightly
codegen_flags: <defaults>
</compile_context>

<pallas_src>
import functools

import numpy as np

import jax
import jax.numpy as jnp
from jax.experimental import pallas as pl
from jax.experimental.pallas import tpu as pltpu
from jax.experimental.pallas import tpu_sc as plsc

BN_EPS = 1e-5


_SQC = float(np.sqrt(np.float32(1.0 + BN_EPS)))


def _rb16(v):
    return v.astype(jnp.bfloat16).astype(jnp.float32)



def _fps_call(xp, yp, zp, npoint):
    B, Npad = xp.shape

    def body(x_ref, y_ref, z_ref, cx_ref, cy_ref, cz_ref):
        x = x_ref[...]
        y = y_ref[...]
        z = z_ref[...]
        iota = jax.lax.broadcasted_iota(jnp.int32, (B, Npad), 1)
        iota_np = jax.lax.broadcasted_iota(jnp.int32, (B, npoint), 1)

        def step(i, carry):
            dist, far, cxs, cys, czs = carry
            oh = (iota == far).astype(jnp.float32)
            cx = jnp.sum(x * oh, axis=1, keepdims=True)
            cy = jnp.sum(y * oh, axis=1, keepdims=True)
            cz = jnp.sum(z * oh, axis=1, keepdims=True)
            sel = iota_np == i
            cxs = jnp.where(sel, cx, cxs)
            cys = jnp.where(sel, cy, cys)
            czs = jnp.where(sel, cz, czs)
            dx = x - cx
            dy = y - cy
            dz = z - cz
            d = dx * dx + dy * dy + dz * dz
            dist = jnp.minimum(dist, d)
            mx = jnp.max(dist, axis=1, keepdims=True)
            far = jnp.min(jnp.where(dist == mx, iota, Npad),
                          axis=1, keepdims=True).astype(jnp.int32)
            return dist, far, cxs, cys, czs

        zc = jnp.zeros((B, npoint), jnp.float32)
        init = (jnp.full((B, Npad), 1e10, jnp.float32),
                jnp.zeros((B, 1), jnp.int32), zc, zc, zc)
        _, _, cxs, cys, czs = jax.lax.fori_loop(0, npoint, step, init)
        cx_ref[...] = cxs
        cy_ref[...] = cys
        cz_ref[...] = czs

    out = [jax.ShapeDtypeStruct((B, npoint), jnp.float32)] * 3
    return pl.pallas_call(body, out_shape=out)(xp, yp, zp)



def _bq_call(xp, yp, zp, cx, cy, cz, radius, nsample, n_real):
    B, Npad = xp.shape
    Spad = cx.shape[1]
    SB = 128
    r2 = radius ** 2

    def body(x_ref, y_ref, z_ref, cx_ref, cy_ref, cz_ref, o_ref):
        x = x_ref[0]
        y = y_ref[0]
        z = z_ref[0]
        a = cx_ref[0]
        b = cy_ref[0]
        c = cz_ref[0]
        xr = _rb16(x)
        yr = _rb16(y)
        zr = _rb16(z)
        ar = _rb16(a)
        br = _rb16(b)
        cr = _rb16(c)
        m = ar * xr + br * yr
        m = m + cr * zr
        d = -2.0 * m
        d = d + ((a * a + b * b) + c * c)
        d = d + ((x * x + y * y) + z * z)
        iota = jax.lax.broadcasted_iota(jnp.int32, (SB, Npad), 1)
        cand = jnp.where(d <= r2, iota, n_real)
        cols = []
        for _ in range(nsample):
            mn = jnp.min(cand, axis=1, keepdims=True)
            cols.append(mn)
            cand = jnp.where(cand == mn, n_real, cand)
        idx = jnp.concatenate(cols, axis=1)
        first = idx[:, 0:1]
        idx = jnp.where(idx == n_real, first, idx)
        o_ref[0] = idx

    return pl.pallas_call(
        body,
        grid=(B, Spad // SB),
        in_specs=[pl.BlockSpec((1, 1, Npad), lambda bb, s: (bb, 0, 0))] * 3
        + [pl.BlockSpec((1, SB, 1), lambda bb, s: (bb, s, 0))] * 3,
        out_specs=pl.BlockSpec((1, SB, nsample), lambda bb, s: (bb, s, 0)),
        out_shape=jax.ShapeDtypeStruct((B, Spad, nsample), jnp.int32),
    )(xp.reshape(B, 1, Npad), yp.reshape(B, 1, Npad), zp.reshape(B, 1, Npad),
      cx, cy, cz)



def _sc_gather(table, idx_flat):
    num = idx_flat.shape[0]
    vdim = table.shape[1]
    nchunks = num // 128
    nw = 32
    mesh = plsc.VectorSubcoreMesh(core_axis_name="c", subcore_axis_name="s")

    @functools.partial(
        pl.kernel, mesh=mesh,
        out_type=jax.ShapeDtypeStruct((num, vdim), table.dtype),
        scratch_types=[pltpu.VMEM((128,), jnp.int32),
                       pltpu.VMEM((128, vdim), table.dtype)],
    )
    def k(table_hbm, idx_hbm, out_hbm, idx_v, rows_v):
        wid = jax.lax.axis_index("s") * 2 + jax.lax.axis_index("c")

        @pl.loop(wid, nchunks, step=nw)
        def _(c):
            pltpu.sync_copy(idx_hbm.at[pl.ds(c * 128, 128)], idx_v)
            pltpu.sync_copy(table_hbm.at[idx_v], rows_v)
            pltpu.sync_copy(rows_v, out_hbm.at[pl.ds(c * 128, 128)])

    return k(table, idx_flat)



def _sa_mlp_call(g, cen, layers, s_count, ns):
    B, _, cpad = g.shape
    cout = layers[-1][0].shape[1]
    nlay = len(layers)

    def body(*refs):
        g_ref, c_ref = refs[0], refs[1]
        wrefs = refs[2:2 + 4 * nlay]
        o_ref = refs[2 + 4 * nlay]
        x = g_ref[0]
        c = c_ref[0]
        x = x.reshape(s_count, ns, cpad) - c[:, None, :]
        x = x.reshape(s_count * ns, cpad)
        for i in range(nlay):
            w = wrefs[4 * i][...]
            bb = wrefs[4 * i + 1][...]
            ga = wrefs[4 * i + 2][...]
            be = wrefs[4 * i + 3][...]
            y = jnp.dot(x.astype(jnp.bfloat16), w.astype(jnp.bfloat16),
                        preferred_element_type=jnp.float32) + bb
            x = jnp.maximum(ga * y / _SQC + be, 0.0)
        o_ref[0] = jnp.max(x.reshape(s_count, ns, cout), axis=1)

    w_specs = []
    w_args = []
    for lay in layers:
        for arr in lay:
            w_specs.append(pl.BlockSpec(arr.shape, lambda b_: (0, 0)))
            w_args.append(arr)

    return pl.pallas_call(
        body,
        grid=(B,),
        in_specs=[pl.BlockSpec((1, s_count * ns, cpad), lambda b_: (b_, 0, 0)),
                  pl.BlockSpec((1, s_count, cpad), lambda b_: (b_, 0, 0))]
        + w_specs,
        out_specs=pl.BlockSpec((1, s_count, cout), lambda b_: (b_, 0, 0)),
        out_shape=jax.ShapeDtypeStruct((B, s_count, cout), jnp.float32),
    )(g, cen, *w_args)



def _fp_call(x1, x2, p2, p1, layers, relu_flags, bn_flags, nblk):
    B, n1pad, _ = x1[0].shape
    spad = x2[0].shape[2]
    nlay = len(layers)
    cout = layers[-1][0].shape[1]
    has_p1 = p1 is not None

    def body(*refs):
        i = 0
        ax_ref, ay_ref, az_ref = refs[0:3]
        bx_ref, by_ref, bz_ref = refs[3:6]
        p2_ref = refs[6]
        i = 7
        p1_ref = None
        if has_p1:
            p1_ref = refs[7]
            i = 8
        wrefs = refs[i:i + 4 * nlay]
        o_ref = refs[i + 4 * nlay]

        ax = ax_ref[0]
        ay = ay_ref[0]
        az = az_ref[0]
        bx = bx_ref[0]
        by = by_ref[0]
        bz = bz_ref[0]
        axr = _rb16(ax)
        ayr = _rb16(ay)
        azr = _rb16(az)
        bxr = _rb16(bx)
        byr = _rb16(by)
        bzr = _rb16(bz)
        m = axr * bxr + ayr * byr
        m = m + azr * bzr
        d = -2.0 * m
        d = d + ((ax * ax + ay * ay) + az * az)
        d = d + ((bx * bx + by * by) + bz * bz)

        iota = jax.lax.broadcasted_iota(jnp.int32, (nblk, spad), 1)
        cand = d
        norm = jnp.zeros((nblk, 1), jnp.float32)
        wsum = jnp.zeros((nblk, spad), jnp.float32)
        for _ in range(3):
            dk = jnp.min(cand, axis=1, keepdims=True)
            ik = jnp.min(jnp.where(cand == dk, iota, spad),
                         axis=1, keepdims=True).astype(jnp.int32)
            oh = (iota == ik).astype(jnp.float32)
            recip = 1.0 / (dk + 1e-8)
            norm = norm + recip
            wsum = wsum + oh * recip
            cand = jnp.where(oh > 0.0, jnp.inf, cand)
        wmat = wsum / norm
        interp = jnp.dot(wmat, p2_ref[0], preferred_element_type=jnp.float32,
                         precision=jax.lax.Precision.HIGHEST)
        if has_p1:
            x = jnp.concatenate([p1_ref[0], interp], axis=1)
        else:
            x = interp
        for li in range(nlay):
            w = wrefs[4 * li][...]
            bb = wrefs[4 * li + 1][...]
            ga = wrefs[4 * li + 2][...]
            be = wrefs[4 * li + 3][...]
            x = jnp.dot(x.astype(jnp.bfloat16), w.astype(jnp.bfloat16),
                        preferred_element_type=jnp.float32) + bb
            if bn_flags[li]:
                x = ga * x / _SQC + be
            if relu_flags[li]:
                x = jnp.maximum(x, 0.0)
        o_ref[0] = x

    in_specs = [pl.BlockSpec((1, nblk, 1), lambda b_, nb: (b_, nb, 0))] * 3
    in_specs += [pl.BlockSpec((1, 1, spad), lambda b_, nb: (b_, 0, 0))] * 3
    in_specs += [pl.BlockSpec((1, spad, p2.shape[2]),
                              lambda b_, nb: (b_, 0, 0))]
    args = list(x1) + list(x2) + [p2]
    if has_p1:
        in_specs += [pl.BlockSpec((1, nblk, p1.shape[2]),
                                  lambda b_, nb: (b_, nb, 0))]
        args.append(p1)
    w_args = []
    for lay in layers:
        for arr in lay:
            in_specs.append(pl.BlockSpec(arr.shape, lambda b_, nb: (0, 0)))
            w_args.append(arr)

    return pl.pallas_call(
        body,
        grid=(B, n1pad // nblk),
        in_specs=in_specs,
        out_specs=pl.BlockSpec((1, nblk, cout), lambda b_, nb: (b_, nb, 0)),
        out_shape=jax.ShapeDtypeStruct((B, n1pad, cout), jnp.float32),
    )(*args, *w_args)



def _prep_layer(layer, cpad=None):
    w, b, g, be = layer
    wt = w.T
    if cpad is not None and wt.shape[0] < cpad:
        wt = jnp.pad(wt, ((0, cpad - wt.shape[0]), (0, 0)))
    return wt, b[None, :], g[None, :], be[None, :]


def _pad_lanes(a, npad, mode):
    b, n = a.shape
    if npad == n:
        return a
    if mode == "dup0":
        fill = jnp.broadcast_to(a[:, 0:1], (b, npad - n))
    else:
        fill = jnp.full((b, npad - n), 1e9, a.dtype)
    return jnp.concatenate([a, fill], axis=1)


def _pad_rows(a, npad, value=0.0):
    if a.shape[1] == npad:
        return a
    return jnp.pad(a, ((0, 0), (0, npad - a.shape[1]), (0, 0)),
                   constant_values=value)


def _set_abstraction(cx, cy, cz, feats, xyz_cols, npoint, radius, ns,
                     layers_raw, n_real, npad, spad, cpad):
    b = cx.shape[0]
    fx = _pad_lanes(cx, npad, "dup0")
    fy = _pad_lanes(cy, npad, "dup0")
    fz = _pad_lanes(cz, npad, "dup0")
    ncx, ncy, ncz = _fps_call(fx, fy, fz, npoint)
    qx = _pad_lanes(cx, npad, "far")
    qy = _pad_lanes(cy, npad, "far")
    qz = _pad_lanes(cz, npad, "far")
    ccx = _pad_lanes(ncx, spad, "far")[:, :, None]
    ccy = _pad_lanes(ncy, spad, "far")[:, :, None]
    ccz = _pad_lanes(ncz, spad, "far")[:, :, None]
    idx = _bq_call(qx, qy, qz, ccx, ccy, ccz, radius, ns, n_real)
    idx = idx[:, :npoint, :]
    ctab = xyz_cols.shape[2]
    table = xyz_cols
    if ctab < cpad:
        table = jnp.pad(table, ((0, 0), (0, 0), (0, cpad - ctab)))
    table = table.reshape(b * n_real, cpad)
    idx_flat = (idx + (jnp.arange(b, dtype=jnp.int32) * n_real)[:, None, None])
    idx_flat = idx_flat.reshape(-1)
    gathered = _sc_gather(table, idx_flat).reshape(b, npoint * ns, cpad)
    cen = jnp.stack([ncx, ncy, ncz], axis=-1)
    cen = jnp.pad(cen, ((0, 0), (0, 0), (0, cpad - 3)))
    layers = [_prep_layer(l, cpad if i == 0 else None)
              for i, l in enumerate(layers_raw)]
    new_points = _sa_mlp_call(gathered, cen, layers, npoint, ns)
    return ncx, ncy, ncz, new_points


def kernel(point_clouds, params):
    b, n0, _ = point_clouds.shape
    x0 = point_clouds[:, :, 0]
    y0 = point_clouds[:, :, 1]
    z0 = point_clouds[:, :, 2]

    c1x, c1y, c1z, l1_points = _set_abstraction(
        x0, y0, z0, None, point_clouds, 1180, 0.2, 16,
        params['sa1'], n_real=n0, npad=4736, spad=1280, cpad=128)

    tab2 = jnp.concatenate(
        [jnp.stack([c1x, c1y, c1z], axis=-1), l1_points], axis=-1)
    c2x, c2y, c2z, l2_points = _set_abstraction(
        c1x, c1y, c1z, None, tab2, 295, 0.4, 16,
        params['sa2'], n_real=1180, npad=1280, spad=384, cpad=128)

    tab3 = jnp.concatenate(
        [jnp.stack([c2x, c2y, c2z], axis=-1), l2_points], axis=-1)
    c3x, c3y, c3z, l3_points = _set_abstraction(
        c2x, c2y, c2z, None, tab3, 59, 0.6, 16,
        params['sa3'], n_real=295, npad=384, spad=128, cpad=256)

    fp3_layers = [_prep_layer(l) for l in params['fp3']]
    x1 = [_pad_lanes(c, 384, "far")[:, :, None] for c in (c2x, c2y, c2z)]
    x2 = [_pad_lanes(c, 128, "far")[:, None, :] for c in (c3x, c3y, c3z)]
    p2 = _pad_rows(l3_points, 128)
    p1 = _pad_rows(l2_points, 384)
    fp3_out = _fp_call(x1, x2, p2, p1, fp3_layers, [True, True],
                       [True, True], 384)
    fp3_out = fp3_out[:, :295, :]

    fp2_layers = [_prep_layer(l) for l in params['fp2']]
    x1 = [_pad_lanes(c, 1280, "far")[:, :, None] for c in (c1x, c1y, c1z)]
    x2 = [_pad_lanes(c, 384, "far")[:, None, :] for c in (c2x, c2y, c2z)]
    p2 = _pad_rows(fp3_out, 384)
    p1 = _pad_rows(l1_points, 1280)
    fp2_out = _fp_call(x1, x2, p2, p1, fp2_layers, [True, True],
                       [True, True], 1280)
    fp2_out = fp2_out[:, :1180, :]

    fp1_layers = [_prep_layer(l) for l in params['fp1']]
    head1 = _prep_layer(params['head1'])
    w2, b2 = params['head2']
    ones1 = jnp.ones((1, 1), jnp.float32)
    zeros1 = jnp.zeros((1, 1), jnp.float32)
    head2 = (w2.T, b2[None, :], ones1, zeros1)
    layers = fp1_layers + [head1, head2]
    relu_flags = [True, True, True, True, False]
    bn_flags = [True, True, True, True, False]
    x1 = [_pad_lanes(c, 4736, "far")[:, :, None] for c in (x0, y0, z0)]
    x2 = [_pad_lanes(c, 1280, "far")[:, None, :] for c in (c1x, c1y, c1z)]
    p2 = _pad_rows(fp2_out, 1280)
    out = _fp_call(x1, x2, p2, None, layers, relu_flags, bn_flags, 592)
    return out[:, :n0, 0]

# --- scband reference (transcript-rebuilt; emitter-appended) ---
"""Pipeline reference for scband-point-net-33569464385759 (READ-ONLY COPY).

The authoritative reference and input builder live on the scoring server;
editing this copy changes nothing except your own understanding.
"""

import jax, jax.numpy as jnp
import numpy as np

BN_EPS = 1e-5


def square_distance(src, dst):
    d = -2.0 * jnp.matmul(src, jnp.transpose(dst, (0, 2, 1)))
    d = d + jnp.sum(src ** 2, -1)[:, :, None]
    d = d + jnp.sum(dst ** 2, -1)[:, None, :]
    return d


def index_points(points, idx):
    B = points.shape[0]
    batch = jnp.arange(B).reshape((B,) + (1,) * (idx.ndim - 1))
    return points[batch, idx]


def farthest_point_sample(xyz, npoint):
    xyz = jax.lax.stop_gradient(xyz)
    B, N, _ = xyz.shape

    def step(state, _):
        distance, farthest = state
        centroid = index_points(xyz, farthest[:, None])
        dist = jnp.sum((xyz - centroid) ** 2, -1)
        distance = jnp.minimum(distance, dist)
        new_farthest = jnp.argmax(distance, -1).astype(jnp.int32)
        return (distance, new_farthest), farthest

    init = (jnp.full((B, N), 1e10, dtype=xyz.dtype), jnp.zeros((B,), dtype=jnp.int32))
    _, cents = jax.lax.scan(step, init, None, length=npoint)
    return jnp.transpose(cents, (1, 0))


def query_ball_point(radius, nsample, xyz, new_xyz):
    B, N, _ = xyz.shape
    S = new_xyz.shape[1]
    sqrdists = jax.lax.stop_gradient(square_distance(new_xyz, xyz))
    gidx = jnp.broadcast_to(jnp.arange(N, dtype=jnp.int32), (B, S, N))
    gidx = jnp.where(sqrdists > radius ** 2, N, gidx)
    gidx = jnp.sort(gidx, axis=-1)[:, :, :nsample]
    first = gidx[:, :, 0:1]
    gidx = jnp.where(gidx == N, first, gidx)
    return gidx


def bn_relu(x, gamma, beta):
    # eval-mode batchnorm (running_mean=0, running_var=1), channel-last
    return jax.nn.relu(gamma * x / jnp.sqrt(1.0 + BN_EPS) + beta)


def set_abstraction(xyz_bcn, points_bcn, npoint, radius, nsample, layer_params):
    xyz = jnp.transpose(xyz_bcn, (0, 2, 1))
    fps_idx = farthest_point_sample(xyz, npoint)
    new_xyz = index_points(xyz, fps_idx)
    idx = query_ball_point(radius, nsample, xyz, new_xyz)
    grouped_xyz = index_points(xyz, idx) - new_xyz[:, :, None, :]
    if points_bcn is not None:
        points = jnp.transpose(points_bcn, (0, 2, 1))
        x = jnp.concatenate([grouped_xyz, index_points(points, idx)], axis=-1)
    else:
        x = grouped_xyz
    for (W, b, gamma, beta) in layer_params:
        x = bn_relu(jnp.einsum('bskc,oc->bsko', x, W) + b, gamma, beta)
    new_points = jnp.max(x, axis=2)
    return jnp.transpose(new_xyz, (0, 2, 1)), jnp.transpose(new_points, (0, 2, 1))


def feature_propagation(xyz1_bcn, xyz2_bcn, points1_bcn, points2_bcn, layer_params):
    xyz1 = jnp.transpose(xyz1_bcn, (0, 2, 1))
    xyz2 = jnp.transpose(xyz2_bcn, (0, 2, 1))
    points2 = jnp.transpose(points2_bcn, (0, 2, 1))
    B, N, _ = xyz1.shape
    S = xyz2.shape[1]
    if S == 1:
        interpolated = jnp.broadcast_to(points2, (B, N, points2.shape[-1]))
    else:
        dists = square_distance(xyz1, xyz2)
        idx = jax.lax.stop_gradient(jnp.argsort(dists, axis=-1)[:, :, :3])
        d3 = jnp.take_along_axis(dists, idx, axis=-1)
        dist_recip = 1.0 / (d3 + 1e-8)
        norm = jnp.sum(dist_recip, axis=2, keepdims=True)
        weight = dist_recip / norm
        interpolated = jnp.sum(index_points(points2, idx) * weight[..., None], axis=2)
    if points1_bcn is not None:
        x = jnp.concatenate([jnp.transpose(points1_bcn, (0, 2, 1)), interpolated], axis=-1)
    else:
        x = interpolated
    for (W, b, gamma, beta) in layer_params:
        x = bn_relu(jnp.einsum('bnc,oc->bno', x, W) + b, gamma, beta)
    return jnp.transpose(x, (0, 2, 1))


def pointnet_forward(point_clouds, params):
    l0_xyz = jnp.transpose(point_clouds[..., :3], (0, 2, 1))
    l0_points = jnp.transpose(point_clouds[..., 3:], (0, 2, 1))
    l1_xyz, l1_points = set_abstraction(l0_xyz, l0_points, 1180, 0.2, 16, params['sa1'])
    l2_xyz, l2_points = set_abstraction(l1_xyz, l1_points, 295, 0.4, 16, params['sa2'])
    l3_xyz, l3_points = set_abstraction(l2_xyz, l2_points, 59, 0.6, 16, params['sa3'])
    l2_points = feature_propagation(l2_xyz, l3_xyz, l2_points, l3_points, params['fp3'])
    l1_points = feature_propagation(l1_xyz, l2_xyz, l1_points, l2_points, params['fp2'])
    l0_points = feature_propagation(l0_xyz, l1_xyz, None, l1_points, params['fp1'])
    W1, b1, g1, be1 = params['head1']
    x = jnp.einsum('bcn,oc->bon', l0_points, W1) + b1[None, :, None]
    x = jax.nn.relu(g1[None, :, None] * x / jnp.sqrt(1.0 + BN_EPS) + be1[None, :, None])
    # dropout is identity in eval mode
    W2, b2 = params['head2']
    log_odds = jnp.einsum('bcn,oc->bon', x, W2) + b2[None, :, None]
    return jnp.squeeze(log_odds, axis=1)


def _mlp_params(key, in_c, mlp):
    layers = []
    for out_c in mlp:
        key, k1 = jax.random.split(key)
        W = jax.random.normal(k1, (out_c, in_c), dtype=jnp.float32) * 0.05
        layers.append((W, jnp.zeros((out_c,), jnp.float32), jnp.ones((out_c,), jnp.float32), jnp.zeros((out_c,), jnp.float32)))
        in_c = out_c
    return key, layers


def setup_inputs(seed: int = 0):
    key = jax.random.key(seed)
    key, kp = jax.random.split(key)
    point_clouds = jax.random.uniform(kp, (8, 4720, 4), dtype=jnp.float32)
    params = {}
    key, params['sa1'] = _mlp_params(key, 4, [32, 32, 64])
    key, params['sa2'] = _mlp_params(key, 67, [64, 64, 128])
    key, params['sa3'] = _mlp_params(key, 131, [128, 128, 256])
    key, params['fp3'] = _mlp_params(key, 384, [256, 256])
    key, params['fp2'] = _mlp_params(key, 320, [256, 128])
    key, params['fp1'] = _mlp_params(key, 128, [128, 128, 128])
    key, k1, k2 = jax.random.split(key, 3)
    params['head1'] = (jax.random.normal(k1, (128, 128), jnp.float32) * 0.05, jnp.zeros((128,), jnp.float32), jnp.ones((128,), jnp.float32), jnp.zeros((128,), jnp.float32))
    params['head2'] = (jax.random.normal(k2, (1, 128), jnp.float32) * 0.05, jnp.zeros((1,), jnp.float32))
    return {'point_clouds': point_clouds, 'params': params}


def reference(point_clouds, params):
    return pointnet_forward(point_clouds, params)

if __name__ == "__main__":
    import jax
    _d = setup_inputs()
    print(jax.jit(kernel)(*tuple(_d.values())))

</pallas_src>

<mosaic_0001>
#map = affine_map<(d0, d1) -> (0, 0)>
#map1 = affine_map<(d0, d1) -> (0)>
module attributes {stable_mosaic.version = 14 : i64} {
  func.func @k(%arg0: i32, %arg1: i32, %arg2: memref<37760x128xf32, #tpu.memory_space<hbm>>, %arg3: memref<151040xi32, #tpu.memory_space<hbm>>, %arg4: memref<151040x128xf32, #tpu.memory_space<hbm>>, %arg5: memref<128xi32, #tpu.memory_space<vmem>>, %arg6: memref<128x128xf32, #tpu.memory_space<vmem>>) attributes {dimension_semantics = [#tpu.dimension_semantics<core_parallel>, #tpu.dimension_semantics<subcore_parallel>], iteration_bounds = array<i64: 2, 16>, scalar_prefetch = 0 : i64, scratch_operands = 2 : i64, tpu.core_type = #tpu.core_type<sc_vector_subcore>, window_params = [{transform_indices = #map}, {transform_indices = #map1}, {transform_indices = #map}]} {
    %mul3A = arith.constant 2 : i32
    %mul3A_0 = arith.muli %arg1, %mul3A : i32
    %add3A = arith.addi %mul3A_0, %arg0 : i32
    %sub3A = arith.constant 1180 : i32
    %sub3A_1 = arith.subi %sub3A, %add3A : i32
    %sub3A_2 = arith.constant 32 : i32
    %sub3A_3 = arith.constant 1 : i32
    %sub3A_4 = arith.subi %sub3A_2, %sub3A_3 : i32
    %add3A_5 = arith.addi %sub3A_1, %sub3A_4 : i32
    %div3A = arith.constant 32 : i32
    %div3A_6 = arith.divsi %add3A_5, %div3A : i32
    %while3A = arith.constant 32 : i32
    %while3A_7 = arith.constant 0 : i32
    %while3A_8 = arith.subi %div3A_6, %while3A_7 : i32
    %while3A_9 = arith.addi %while3A_7, %while3A_8 : i32
    %while3A_10 = arith.constant 1 : i32
    %while3A_11 = arith.divsi %while3A_8, %while3A_10 : i32
    %while3A_12 = arith.muli %while3A_11, %while3A_10 : i32
    %while3A_13 = arith.addi %while3A_7, %while3A_12 : i32
    %while3A_14 = arith.constant 1 : i32
    scf.for %while3A_16 = %while3A_7 to %while3A_13 step %while3A_14  : i32 {
      %mul3A_17 = arith.muli %while3A_16, %while3A : i32
      %add3A_18 = arith.addi %add3A, %mul3A_17 : i32
      %mul3A_19 = arith.constant 128 : i32
      %mul3A_20 = arith.muli %add3A_18, %mul3A_19 : i32
      "tpu.region"() ({
        %run_scoped3A = tpu.sem_alloc : memref<!tpu.dma_semaphore, #tpu.memory_space<semaphore_mem>>
        %dma_start3A = tpu.memref_slice %arg3[%mul3A_20] : memref<151040xi32, #tpu.memory_space<hbm>> -> memref<128xi32, #tpu.memory_space<hbm>>
        %dma_start3A_23 = tpu.memref_slice %arg3[%mul3A_20] : memref<151040xi32, #tpu.memory_space<hbm>> -> memref<128xi32, #tpu.memory_space<hbm>>
        tpu.enqueue_dma source(%dma_start3A_23 : memref<128xi32, #tpu.memory_space<hbm>>) target(%arg5 : memref<128xi32, #tpu.memory_space<vmem>>) target_semaphore(%run_scoped3A : memref<!tpu.dma_semaphore, #tpu.memory_space<semaphore_mem>>)
        %dma_wait3A = tpu.memref_slice %arg3[%mul3A_20] : memref<151040xi32, #tpu.memory_space<hbm>> -> memref<128xi32, #tpu.memory_space<hbm>>
        %dma_wait3A_24 = tpu.memref_slice %arg3[%mul3A_20] : memref<151040xi32, #tpu.memory_space<hbm>> -> memref<128xi32, #tpu.memory_space<hbm>>
        tpu.wait_dma2 semaphore(%run_scoped3A : memref<!tpu.dma_semaphore, #tpu.memory_space<semaphore_mem>>) src(%dma_wait3A_24 : memref<128xi32, #tpu.memory_space<hbm>>) dst(%arg5 : memref<128xi32, #tpu.memory_space<vmem>>)
        tpu.yield
      }) : () -> ()
      "tpu.region"() ({
        %run_scoped3A = tpu.sem_alloc : memref<!tpu.dma_semaphore, #tpu.memory_space<semaphore_mem>>
        %dma_start3A = arith.constant 0 : i32
        %dma_start3A_23 = arith.constant 0 : i32
        %dma_start3A_24 = tpu.memref_slice %arg2[%dma_start3A, %dma_start3A_23] : memref<37760x128xf32, #tpu.memory_space<hbm>> -> memref<37760x128xf32, #tpu.memory_space<hbm>>
        tpu.enqueue_indirect_dma source(%dma_start3A_24 : memref<37760x128xf32, #tpu.memory_space<hbm>>) target(%arg6 : memref<128x128xf32, #tpu.memory_space<vmem>>) offsets(%arg5 : memref<128xi32, #tpu.memory_space<vmem>>) semaphore(%run_scoped3A : memref<!tpu.dma_semaphore, #tpu.memory_space<semaphore_mem>>)
        %dma_wait3A = arith.constant 0 : i32
        %dma_wait3A_25 = arith.constant 0 : i32
        %dma_wait3A_26 = tpu.memref_slice %arg2[%dma_wait3A, %dma_wait3A_25] : memref<37760x128xf32, #tpu.memory_space<hbm>> -> memref<37760x128xf32, #tpu.memory_space<hbm>>
        tpu.wait_indirect_dma semaphore(%run_scoped3A : memref<!tpu.dma_semaphore, #tpu.memory_space<semaphore_mem>>) src(%dma_wait3A_26 : memref<37760x128xf32, #tpu.memory_space<hbm>>) dst(%arg6 : memref<128x128xf32, #tpu.memory_space<vmem>>)
        tpu.yield
      }) : () -> ()
      %mul3A_21 = arith.constant 128 : i32
      %mul3A_22 = arith.muli %add3A_18, %mul3A_21 : i32
      "tpu.region"() ({
        %run_scoped3A = tpu.sem_alloc : memref<!tpu.dma_semaphore, #tpu.memory_space<semaphore_mem>>
        %dma_start3A = arith.constant 0 : i32
        %dma_start3A_23 = tpu.memref_slice %arg4[%mul3A_22, %dma_start3A] : memref<151040x128xf32, #tpu.memory_space<hbm>> -> memref<128x128xf32, #tpu.memory_space<hbm>>
        %dma_start3A_24 = arith.constant 0 : i32
        %dma_start3A_25 = tpu.memref_slice %arg4[%mul3A_22, %dma_start3A_24] : memref<151040x128xf32, #tpu.memory_space<hbm>> -> memref<128x128xf32, #tpu.memory_space<hbm>>
        tpu.enqueue_dma source(%arg6 : memref<128x128xf32, #tpu.memory_space<vmem>>) target(%dma_start3A_25 : memref<128x128xf32, #tpu.memory_space<hbm>>) target_semaphore(%run_scoped3A : memref<!tpu.dma_semaphore, #tpu.memory_space<semaphore_mem>>)
        %dma_wait3A = arith.constant 0 : i32
        %dma_wait3A_26 = tpu.memref_slice %arg4[%mul3A_22, %dma_wait3A] : memref<151040x128xf32, #tpu.memory_space<hbm>> -> memref<128x128xf32, #tpu.memory_space<hbm>>
        %dma_wait3A_27 = arith.constant 0 : i32
        %dma_wait3A_28 = tpu.memref_slice %arg4[%mul3A_22, %dma_wait3A_27] : memref<151040x128xf32, #tpu.memory_space<hbm>> -> memref<128x128xf32, #tpu.memory_space<hbm>>
        tpu.wait_dma2 semaphore(%run_scoped3A : memref<!tpu.dma_semaphore, #tpu.memory_space<semaphore_mem>>) src(%arg6 : memref<128x128xf32, #tpu.memory_space<vmem>>) dst(%dma_wait3A_28 : memref<128x128xf32, #tpu.memory_space<hbm>>)
        tpu.yield
      }) : () -> ()
    }
    %while3A_15 = arith.constant 1 : i32
    scf.for %while3A_16 = %while3A_13 to %while3A_9 step %while3A_15  : i32 {
      %mul3A_17 = arith.muli %while3A_16, %while3A : i32
      %add3A_18 = arith.addi %add3A, %mul3A_17 : i32
      %mul3A_19 = arith.constant 128 : i32
      %mul3A_20 = arith.muli %add3A_18, %mul3A_19 : i32
      "tpu.region"() ({
        %run_scoped3A = tpu.sem_alloc : memref<!tpu.dma_semaphore, #tpu.memory_space<semaphore_mem>>
        %dma_start3A = tpu.memref_slice %arg3[%mul3A_20] : memref<151040xi32, #tpu.memory_space<hbm>> -> memref<128xi32, #tpu.memory_space<hbm>>
        %dma_start3A_23 = tpu.memref_slice %arg3[%mul3A_20] : memref<151040xi32, #tpu.memory_space<hbm>> -> memref<128xi32, #tpu.memory_space<hbm>>
        tpu.enqueue_dma source(%dma_start3A_23 : memref<128xi32, #tpu.memory_space<hbm>>) target(%arg5 : memref<128xi32, #tpu.memory_space<vmem>>) target_semaphore(%run_scoped3A : memref<!tpu.dma_semaphore, #tpu.memory_space<semaphore_mem>>)
        %dma_wait3A = tpu.memref_slice %arg3[%mul3A_20] : memref<151040xi32, #tpu.memory_space<hbm>> -> memref<128xi32, #tpu.memory_space<hbm>>
        %dma_wait3A_24 = tpu.memref_slice %arg3[%mul3A_20] : memref<151040xi32, #tpu.memory_space<hbm>> -> memref<128xi32, #tpu.memory_space<hbm>>
        tpu.wait_dma2 semaphore(%run_scoped3A : memref<!tpu.dma_semaphore, #tpu.memory_space<semaphore_mem>>) src(%dma_wait3A_24 : memref<128xi32, #tpu.memory_space<hbm>>) dst(%arg5 : memref<128xi32, #tpu.memory_space<vmem>>)
        tpu.yield
      }) : () -> ()
      "tpu.region"() ({
        %run_scoped3A = tpu.sem_alloc : memref<!tpu.dma_semaphore, #tpu.memory_space<semaphore_mem>>
        %dma_start3A = arith.constant 0 : i32
        %dma_start3A_23 = arith.constant 0 : i32
        %dma_start3A_24 = tpu.memref_slice %arg2[%dma_start3A, %dma_start3A_23] : memref<37760x128xf32, #tpu.memory_space<hbm>> -> memref<37760x128xf32, #tpu.memory_space<hbm>>
        tpu.enqueue_indirect_dma source(%dma_start3A_24 : memref<37760x128xf32, #tpu.memory_space<hbm>>) target(%arg6 : memref<128x128xf32, #tpu.memory_space<vmem>>) offsets(%arg5 : memref<128xi32, #tpu.memory_space<vmem>>) semaphore(%run_scoped3A : memref<!tpu.dma_semaphore, #tpu.memory_space<semaphore_mem>>)
        %dma_wait3A = arith.constant 0 : i32
        %dma_wait3A_25 = arith.constant 0 : i32
        %dma_wait3A_26 = tpu.memref_slice %arg2[%dma_wait3A, %dma_wait3A_25] : memref<37760x128xf32, #tpu.memory_space<hbm>> -> memref<37760x128xf32, #tpu.memory_space<hbm>>
        tpu.wait_indirect_dma semaphore(%run_scoped3A : memref<!tpu.dma_semaphore, #tpu.memory_space<semaphore_mem>>) src(%dma_wait3A_26 : memref<37760x128xf32, #tpu.memory_space<hbm>>) dst(%arg6 : memref<128x128xf32, #tpu.memory_space<vmem>>)
        tpu.yield
      }) : () -> ()
      %mul3A_21 = arith.constant 128 : i32
      %mul3A_22 = arith.muli %add3A_18, %mul3A_21 : i32
      "tpu.region"() ({
        %run_scoped3A = tpu.sem_alloc : memref<!tpu.dma_semaphore, #tpu.memory_space<semaphore_mem>>
        %dma_start3A = arith.constant 0 : i32
        %dma_start3A_23 = tpu.memref_slice %arg4[%mul3A_22, %dma_start3A] : memref<151040x128xf32, #tpu.memory_space<hbm>> -> memref<128x128xf32, #tpu.memory_space<hbm>>
        %dma_start3A_24 = arith.constant 0 : i32
        %dma_start3A_25 = tpu.memref_slice %arg4[%mul3A_22, %dma_start3A_24] : memref<151040x128xf32, #tpu.memory_space<hbm>> -> memref<128x128xf32, #tpu.memory_space<hbm>>
        tpu.enqueue_dma source(%arg6 : memref<128x128xf32, #tpu.memory_space<vmem>>) target(%dma_start3A_25 : memref<128x128xf32, #tpu.memory_space<hbm>>) target_semaphore(%run_scoped3A : memref<!tpu.dma_semaphore, #tpu.memory_space<semaphore_mem>>)
        %dma_wait3A = arith.constant 0 : i32
        %dma_wait3A_26 = tpu.memref_slice %arg4[%mul3A_22, %dma_wait3A] : memref<151040x128xf32, #tpu.memory_space<hbm>> -> memref<128x128xf32, #tpu.memory_space<hbm>>
        %dma_wait3A_27 = arith.constant 0 : i32
        %dma_wait3A_28 = tpu.memref_slice %arg4[%mul3A_22, %dma_wait3A_27] : memref<151040x128xf32, #tpu.memory_space<hbm>> -> memref<128x128xf32, #tpu.memory_space<hbm>>
        tpu.wait_dma2 semaphore(%run_scoped3A : memref<!tpu.dma_semaphore, #tpu.memory_space<semaphore_mem>>) src(%arg6 : memref<128x128xf32, #tpu.memory_space<vmem>>) dst(%dma_wait3A_28 : memref<128x128xf32, #tpu.memory_space<hbm>>)
        tpu.yield
      }) : () -> ()
    }
    return
  }
}

#map = affine_map<(d0, d1) -> (0, 0)>
#map1 = affine_map<(d0, d1) -> (0)>
module attributes {stable_mosaic.version = 14 : i64} {
  func.func @k(%arg0: i32, %arg1: i32, %arg2: memref<2360x256xf32, #tpu.memory_space<hbm>>, %arg3: memref<7552xi32, #tpu.memory_space<hbm>>, %arg4: memref<7552x256xf32, #tpu.memory_space<hbm>>, %arg5: memref<128xi32, #tpu.memory_space<vmem>>, %arg6: memref<128x256xf32, #tpu.memory_space<vmem>>) attributes {dimension_semantics = [#tpu.dimension_semantics<core_parallel>, #tpu.dimension_semantics<subcore_parallel>], iteration_bounds = array<i64: 2, 16>, scalar_prefetch = 0 : i64, scratch_operands = 2 : i64, tpu.core_type = #tpu.core_type<sc_vector_subcore>, window_params = [{transform_indices = #map}, {transform_indices = #map1}, {transform_indices = #map}]} {
    %mul3A = arith.constant 2 : i32
    %mul3A_0 = arith.muli %arg1, %mul3A : i32
    %add3A = arith.addi %mul3A_0, %arg0 : i32
    %sub3A = arith.constant 59 : i32
    %sub3A_1 = arith.subi %sub3A, %add3A : i32
    %sub3A_2 = arith.constant 32 : i32
    %sub3A_3 = arith.constant 1 : i32
    %sub3A_4 = arith.subi %sub3A_2, %sub3A_3 : i32
    %add3A_5 = arith.addi %sub3A_1, %sub3A_4 : i32
    %div3A = arith.constant 32 : i32
    %div3A_6 = arith.divsi %add3A_5, %div3A : i32
    %while3A = arith.constant 32 : i32
    %while3A_7 = arith.constant 0 : i32
    %while3A_8 = arith.subi %div3A_6, %while3A_7 : i32
    %while3A_9 = arith.addi %while3A_7, %while3A_8 : i32
    %while3A_10 = arith.constant 1 : i32
    %while3A_11 = arith.divsi %while3A_8, %while3A_10 : i32
    %while3A_12 = arith.muli %while3A_11, %while3A_10 : i32
    %while3A_13 = arith.addi %while3A_7, %while3A_12 : i32
    %while3A_14 = arith.constant 1 : i32
    scf.for %while3A_16 = %while3A_7 to %while3A_13 step %while3A_14  : i32 {
      %mul3A_17 = arith.muli %while3A_16, %while3A : i32
      %add3A_18 = arith.addi %add3A, %mul3A_17 : i32
      %mul3A_19 = arith.constant 128 : i32
      %mul3A_20 = arith.muli %add3A_18, %mul3A_19 : i32
      "tpu.region"() ({
        %run_scoped3A = tpu.sem_alloc : memref<!tpu.dma_semaphore, #tpu.memory_space<semaphore_mem>>
        %dma_start3A = tpu.memref_slice %arg3[%mul3A_20] : memref<7552xi32, #tpu.memory_space<hbm>> -> memref<128xi32, #tpu.memory_space<hbm>>
        %dma_start3A_23 = tpu.memref_slice %arg3[%mul3A_20] : memref<7552xi32, #tpu.memory_space<hbm>> -> memref<128xi32, #tpu.memory_space<hbm>>
        tpu.enqueue_dma source(%dma_start3A_23 : memref<128xi32, #tpu.memory_space<hbm>>) target(%arg5 : memref<128xi32, #tpu.memory_space<vmem>>) target_semaphore(%run_scoped3A : memref<!tpu.dma_semaphore, #tpu.memory_space<semaphore_mem>>)
        %dma_wait3A = tpu.memref_slice %arg3[%mul3A_20] : memref<7552xi32, #tpu.memory_space<hbm>> -> memref<128xi32, #tpu.memory_space<hbm>>
        %dma_wait3A_24 = tpu.memref_slice %arg3[%mul3A_20] : memref<7552xi32, #tpu.memory_space<hbm>> -> memref<128xi32, #tpu.memory_space<hbm>>
        tpu.wait_dma2 semaphore(%run_scoped3A : memref<!tpu.dma_semaphore, #tpu.memory_space<semaphore_mem>>) src(%dma_wait3A_24 : memref<128xi32, #tpu.memory_space<hbm>>) dst(%arg5 : memref<128xi32, #tpu.memory_space<vmem>>)
        tpu.yield
      }) : () -> ()
      "tpu.region"() ({
        %run_scoped3A = tpu.sem_alloc : memref<!tpu.dma_semaphore, #tpu.memory_space<semaphore_mem>>
        %dma_start3A = arith.constant 0 : i32
        %dma_start3A_23 = arith.constant 0 : i32
        %dma_start3A_24 = tpu.memref_slice %arg2[%dma_start3A, %dma_start3A_23] : memref<2360x256xf32, #tpu.memory_space<hbm>> -> memref<2360x256xf32, #tpu.memory_space<hbm>>
        tpu.enqueue_indirect_dma source(%dma_start3A_24 : memref<2360x256xf32, #tpu.memory_space<hbm>>) target(%arg6 : memref<128x256xf32, #tpu.memory_space<vmem>>) offsets(%arg5 : memref<128xi32, #tpu.memory_space<vmem>>) semaphore(%run_scoped3A : memref<!tpu.dma_semaphore, #tpu.memory_space<semaphore_mem>>)
        %dma_wait3A = arith.constant 0 : i32
        %dma_wait3A_25 = arith.constant 0 : i32
        %dma_wait3A_26 = tpu.memref_slice %arg2[%dma_wait3A, %dma_wait3A_25] : memref<2360x256xf32, #tpu.memory_space<hbm>> -> memref<2360x256xf32, #tpu.memory_space<hbm>>
        tpu.wait_indirect_dma semaphore(%run_scoped3A : memref<!tpu.dma_semaphore, #tpu.memory_space<semaphore_mem>>) src(%dma_wait3A_26 : memref<2360x256xf32, #tpu.memory_space<hbm>>) dst(%arg6 : memref<128x256xf32, #tpu.memory_space<vmem>>)
        tpu.yield
      }) : () -> ()
      %mul3A_21 = arith.constant 128 : i32
      %mul3A_22 = arith.muli %add3A_18, %mul3A_21 : i32
      "tpu.region"() ({
        %run_scoped3A = tpu.sem_alloc : memref<!tpu.dma_semaphore, #tpu.memory_space<semaphore_mem>>
        %dma_start3A = arith.constant 0 : i32
        %dma_start3A_23 = tpu.memref_slice %arg4[%mul3A_22, %dma_start3A] : memref<7552x256xf32, #tpu.memory_space<hbm>> -> memref<128x256xf32, #tpu.memory_space<hbm>>
        %dma_start3A_24 = arith.constant 0 : i32
        %dma_start3A_25 = tpu.memref_slice %arg4[%mul3A_22, %dma_start3A_24] : memref<7552x256xf32, #tpu.memory_space<hbm>> -> memref<128x256xf32, #tpu.memory_space<hbm>>
        tpu.enqueue_dma source(%arg6 : memref<128x256xf32, #tpu.memory_space<vmem>>) target(%dma_start3A_25 : memref<128x256xf32, #tpu.memory_space<hbm>>) target_semaphore(%run_scoped3A : memref<!tpu.dma_semaphore, #tpu.memory_space<semaphore_mem>>)
        %dma_wait3A = arith.constant 0 : i32
        %dma_wait3A_26 = tpu.memref_slice %arg4[%mul3A_22, %dma_wait3A] : memref<7552x256xf32, #tpu.memory_space<hbm>> -> memref<128x256xf32, #tpu.memory_space<hbm>>
        %dma_wait3A_27 = arith.constant 0 : i32
        %dma_wait3A_28 = tpu.memref_slice %arg4[%mul3A_22, %dma_wait3A_27] : memref<7552x256xf32, #tpu.memory_space<hbm>> -> memref<128x256xf32, #tpu.memory_space<hbm>>
        tpu.wait_dma2 semaphore(%run_scoped3A : memref<!tpu.dma_semaphore, #tpu.memory_space<semaphore_mem>>) src(%arg6 : memref<128x256xf32, #tpu.memory_space<vmem>>) dst(%dma_wait3A_28 : memref<128x256xf32, #tpu.memory_space<hbm>>)
        tpu.yield
      }) : () -> ()
    }
    %while3A_15 = arith.constant 1 : i32
    scf.for %while3A_16 = %while3A_13 to %while3A_9 step %while3A_15  : i32 {
      %mul3A_17 = arith.muli %while3A_16, %while3A : i32
      %add3A_18 = arith.addi %add3A, %mul3A_17 : i32
      %mul3A_19 = arith.constant 128 : i32
      %mul3A_20 = arith.muli %add3A_18, %mul3A_19 : i32
      "tpu.region"() ({
        %run_scoped3A = tpu.sem_alloc : memref<!tpu.dma_semaphore, #tpu.memory_space<semaphore_mem>>
        %dma_start3A = tpu.memref_slice %arg3[%mul3A_20] : memref<7552xi32, #tpu.memory_space<hbm>> -> memref<128xi32, #tpu.memory_space<hbm>>
        %dma_start3A_23 = tpu.memref_slice %arg3[%mul3A_20] : memref<7552xi32, #tpu.memory_space<hbm>> -> memref<128xi32, #tpu.memory_space<hbm>>
        tpu.enqueue_dma source(%dma_start3A_23 : memref<128xi32, #tpu.memory_space<hbm>>) target(%arg5 : memref<128xi32, #tpu.memory_space<vmem>>) target_semaphore(%run_scoped3A : memref<!tpu.dma_semaphore, #tpu.memory_space<semaphore_mem>>)
        %dma_wait3A = tpu.memref_slice %arg3[%mul3A_20] : memref<7552xi32, #tpu.memory_space<hbm>> -> memref<128xi32, #tpu.memory_space<hbm>>
        %dma_wait3A_24 = tpu.memref_slice %arg3[%mul3A_20] : memref<7552xi32, #tpu.memory_space<hbm>> -> memref<128xi32, #tpu.memory_space<hbm>>
        tpu.wait_dma2 semaphore(%run_scoped3A : memref<!tpu.dma_semaphore, #tpu.memory_space<semaphore_mem>>) src(%dma_wait3A_24 : memref<128xi32, #tpu.memory_space<hbm>>) dst(%arg5 : memref<128xi32, #tpu.memory_space<vmem>>)
        tpu.yield
      }) : () -> ()
      "tpu.region"() ({
        %run_scoped3A = tpu.sem_alloc : memref<!tpu.dma_semaphore, #tpu.memory_space<semaphore_mem>>
        %dma_start3A = arith.constant 0 : i32
        %dma_start3A_23 = arith.constant 0 : i32
        %dma_start3A_24 = tpu.memref_slice %arg2[%dma_start3A, %dma_start3A_23] : memref<2360x256xf32, #tpu.memory_space<hbm>> -> memref<2360x256xf32, #tpu.memory_space<hbm>>
        tpu.enqueue_indirect_dma source(%dma_start3A_24 : memref<2360x256xf32, #tpu.memory_space<hbm>>) target(%arg6 : memref<128x256xf32, #tpu.memory_space<vmem>>) offsets(%arg5 : memref<128xi32, #tpu.memory_space<vmem>>) semaphore(%run_scoped3A : memref<!tpu.dma_semaphore, #tpu.memory_space<semaphore_mem>>)
        %dma_wait3A = arith.constant 0 : i32
        %dma_wait3A_25 = arith.constant 0 : i32
        %dma_wait3A_26 = tpu.memref_slice %arg2[%dma_wait3A, %dma_wait3A_25] : memref<2360x256xf32, #tpu.memory_space<hbm>> -> memref<2360x256xf32, #tpu.memory_space<hbm>>
        tpu.wait_indirect_dma semaphore(%run_scoped3A : memref<!tpu.dma_semaphore, #tpu.memory_space<semaphore_mem>>) src(%dma_wait3A_26 : memref<2360x256xf32, #tpu.memory_space<hbm>>) dst(%arg6 : memref<128x256xf32, #tpu.memory_space<vmem>>)
        tpu.yield
      }) : () -> ()
      %mul3A_21 = arith.constant 128 : i32
      %mul3A_22 = arith.muli %add3A_18, %mul3A_21 : i32
      "tpu.region"() ({
        %run_scoped3A = tpu.sem_alloc : memref<!tpu.dma_semaphore, #tpu.memory_space<semaphore_mem>>
        %dma_start3A = arith.constant 0 : i32
        %dma_start3A_23 = tpu.memref_slice %arg4[%mul3A_22, %dma_start3A] : memref<7552x256xf32, #tpu.memory_space<hbm>> -> memref<128x256xf32, #tpu.memory_space<hbm>>
        %dma_start3A_24 = arith.constant 0 : i32
        %dma_start3A_25 = tpu.memref_slice %arg4[%mul3A_22, %dma_start3A_24] : memref<7552x256xf32, #tpu.memory_space<hbm>> -> memref<128x256xf32, #tpu.memory_space<hbm>>
        tpu.enqueue_dma source(%arg6 : memref<128x256xf32, #tpu.memory_space<vmem>>) target(%dma_start3A_25 : memref<128x256xf32, #tpu.memory_space<hbm>>) target_semaphore(%run_scoped3A : memref<!tpu.dma_semaphore, #tpu.memory_space<semaphore_mem>>)
        %dma_wait3A = arith.constant 0 : i32
        %dma_wait3A_26 = tpu.memref_slice %arg4[%mul3A_22, %dma_wait3A] : memref<7552x256xf32, #tpu.memory_space<hbm>> -> memref<128x256xf32, #tpu.memory_space<hbm>>
        %dma_wait3A_27 = arith.constant 0 : i32
        %dma_wait3A_28 = tpu.memref_slice %arg4[%mul3A_22, %dma_wait3A_27] : memref<7552x256xf32, #tpu.memory_space<hbm>> -> memref<128x256xf32, #tpu.memory_space<hbm>>
        tpu.wait_dma2 semaphore(%run_scoped3A : memref<!tpu.dma_semaphore, #tpu.memory_space<semaphore_mem>>) src(%arg6 : memref<128x256xf32, #tpu.memory_space<vmem>>) dst(%dma_wait3A_28 : memref<128x256xf32, #tpu.memory_space<hbm>>)
        tpu.yield
      }) : () -> ()
    }
    return
  }
}

#map = affine_map<(d0, d1) -> (0, 0)>
#map1 = affine_map<(d0, d1) -> (0)>
module attributes {stable_mosaic.version = 14 : i64} {
  func.func @k(%arg0: i32, %arg1: i32, %arg2: memref<9440x128xf32, #tpu.memory_space<hbm>>, %arg3: memref<37760xi32, #tpu.memory_space<hbm>>, %arg4: memref<37760x128xf32, #tpu.memory_space<hbm>>, %arg5: memref<128xi32, #tpu.memory_space<vmem>>, %arg6: memref<128x128xf32, #tpu.memory_space<vmem>>) attributes {dimension_semantics = [#tpu.dimension_semantics<core_parallel>, #tpu.dimension_semantics<subcore_parallel>], iteration_bounds = array<i64: 2, 16>, scalar_prefetch = 0 : i64, scratch_operands = 2 : i64, tpu.core_type = #tpu.core_type<sc_vector_subcore>, window_params = [{transform_indices = #map}, {transform_indices = #map1}, {transform_indices = #map}]} {
    %mul3A = arith.constant 2 : i32
    %mul3A_0 = arith.muli %arg1, %mul3A : i32
    %add3A = arith.addi %mul3A_0, %arg0 : i32
    %sub3A = arith.constant 295 : i32
    %sub3A_1 = arith.subi %sub3A, %add3A : i32
    %sub3A_2 = arith.constant 32 : i32
    %sub3A_3 = arith.constant 1 : i32
    %sub3A_4 = arith.subi %sub3A_2, %sub3A_3 : i32
    %add3A_5 = arith.addi %sub3A_1, %sub3A_4 : i32
    %div3A = arith.constant 32 : i32
    %div3A_6 = arith.divsi %add3A_5, %div3A : i32
    %while3A = arith.constant 32 : i32
    %while3A_7 = arith.constant 0 : i32
    %while3A_8 = arith.subi %div3A_6, %while3A_7 : i32
    %while3A_9 = arith.addi %while3A_7, %while3A_8 : i32
    %while3A_10 = arith.constant 1 : i32
    %while3A_11 = arith.divsi %while3A_8, %while3A_10 : i32
    %while3A_12 = arith.muli %while3A_11, %while3A_10 : i32
    %while3A_13 = arith.addi %while3A_7, %while3A_12 : i32
    %while3A_14 = arith.constant 1 : i32
    scf.for %while3A_16 = %while3A_7 to %while3A_13 step %while3A_14  : i32 {
      %mul3A_17 = arith.muli %while3A_16, %while3A : i32
      %add3A_18 = arith.addi %add3A, %mul3A_17 : i32
      %mul3A_19 = arith.constant 128 : i32
      %mul3A_20 = arith.muli %add3A_18, %mul3A_19 : i32
      "tpu.region"() ({
        %run_scoped3A = tpu.sem_alloc : memref<!tpu.dma_semaphore, #tpu.memory_space<semaphore_mem>>
        %dma_start3A = tpu.memref_slice %arg3[%mul3A_20] : memref<37760xi32, #tpu.memory_space<hbm>> -> memref<128xi32, #tpu.memory_space<hbm>>
        %dma_start3A_23 = tpu.memref_slice %arg3[%mul3A_20] : memref<37760xi32, #tpu.memory_space<hbm>> -> memref<128xi32, #tpu.memory_space<hbm>>
        tpu.enqueue_dma source(%dma_start3A_23 : memref<128xi32, #tpu.memory_space<hbm>>) target(%arg5 : memref<128xi32, #tpu.memory_space<vmem>>) target_semaphore(%run_scoped3A : memref<!tpu.dma_semaphore, #tpu.memory_space<semaphore_mem>>)
        %dma_wait3A = tpu.memref_slice %arg3[%mul3A_20] : memref<37760xi32, #tpu.memory_space<hbm>> -> memref<128xi32, #tpu.memory_space<hbm>>
        %dma_wait3A_24 = tpu.memref_slice %arg3[%mul3A_20] : memref<37760xi32, #tpu.memory_space<hbm>> -> memref<128xi32, #tpu.memory_space<hbm>>
        tpu.wait_dma2 semaphore(%run_scoped3A : memref<!tpu.dma_semaphore, #tpu.memory_space<semaphore_mem>>) src(%dma_wait3A_24 : memref<128xi32, #tpu.memory_space<hbm>>) dst(%arg5 : memref<128xi32, #tpu.memory_space<vmem>>)
        tpu.yield
      }) : () -> ()
      "tpu.region"() ({
        %run_scoped3A = tpu.sem_alloc : memref<!tpu.dma_semaphore, #tpu.memory_space<semaphore_mem>>
        %dma_start3A = arith.constant 0 : i32
        %dma_start3A_23 = arith.constant 0 : i32
        %dma_start3A_24 = tpu.memref_slice %arg2[%dma_start3A, %dma_start3A_23] : memref<9440x128xf32, #tpu.memory_space<hbm>> -> memref<9440x128xf32, #tpu.memory_space<hbm>>
        tpu.enqueue_indirect_dma source(%dma_start3A_24 : memref<9440x128xf32, #tpu.memory_space<hbm>>) target(%arg6 : memref<128x128xf32, #tpu.memory_space<vmem>>) offsets(%arg5 : memref<128xi32, #tpu.memory_space<vmem>>) semaphore(%run_scoped3A : memref<!tpu.dma_semaphore, #tpu.memory_space<semaphore_mem>>)
        %dma_wait3A = arith.constant 0 : i32
        %dma_wait3A_25 = arith.constant 0 : i32
        %dma_wait3A_26 = tpu.memref_slice %arg2[%dma_wait3A, %dma_wait3A_25] : memref<9440x128xf32, #tpu.memory_space<hbm>> -> memref<9440x128xf32, #tpu.memory_space<hbm>>
        tpu.wait_indirect_dma semaphore(%run_scoped3A : memref<!tpu.dma_semaphore, #tpu.memory_space<semaphore_mem>>) src(%dma_wait3A_26 : memref<9440x128xf32, #tpu.memory_space<hbm>>) dst(%arg6 : memref<128x128xf32, #tpu.memory_space<vmem>>)
        tpu.yield
      }) : () -> ()
      %mul3A_21 = arith.constant 128 : i32
      %mul3A_22 = arith.muli %add3A_18, %mul3A_21 : i32
      "tpu.region"() ({
        %run_scoped3A = tpu.sem_alloc : memref<!tpu.dma_semaphore, #tpu.memory_space<semaphore_mem>>
        %dma_start3A = arith.constant 0 : i32
        %dma_start3A_23 = tpu.memref_slice %arg4[%mul3A_22, %dma_start3A] : memref<37760x128xf32, #tpu.memory_space<hbm>> -> memref<128x128xf32, #tpu.memory_space<hbm>>
        %dma_start3A_24 = arith.constant 0 : i32
        %dma_start3A_25 = tpu.memref_slice %arg4[%mul3A_22, %dma_start3A_24] : memref<37760x128xf32, #tpu.memory_space<hbm>> -> memref<128x128xf32, #tpu.memory_space<hbm>>
        tpu.enqueue_dma source(%arg6 : memref<128x128xf32, #tpu.memory_space<vmem>>) target(%dma_start3A_25 : memref<128x128xf32, #tpu.memory_space<hbm>>) target_semaphore(%run_scoped3A : memref<!tpu.dma_semaphore, #tpu.memory_space<semaphore_mem>>)
        %dma_wait3A = arith.constant 0 : i32
        %dma_wait3A_26 = tpu.memref_slice %arg4[%mul3A_22, %dma_wait3A] : memref<37760x128xf32, #tpu.memory_space<hbm>> -> memref<128x128xf32, #tpu.memory_space<hbm>>
        %dma_wait3A_27 = arith.constant 0 : i32
        %dma_wait3A_28 = tpu.memref_slice %arg4[%mul3A_22, %dma_wait3A_27] : memref<37760x128xf32, #tpu.memory_space<hbm>> -> memref<128x128xf32, #tpu.memory_space<hbm>>
        tpu.wait_dma2 semaphore(%run_scoped3A : memref<!tpu.dma_semaphore, #tpu.memory_space<semaphore_mem>>) src(%arg6 : memref<128x128xf32, #tpu.memory_space<vmem>>) dst(%dma_wait3A_28 : memref<128x128xf32, #tpu.memory_space<hbm>>)
        tpu.yield
      }) : () -> ()
    }
    %while3A_15 = arith.constant 1 : i32
    scf.for %while3A_16 = %while3A_13 to %while3A_9 step %while3A_15  : i32 {
      %mul3A_17 = arith.muli %while3A_16, %while3A : i32
      %add3A_18 = arith.addi %add3A, %mul3A_17 : i32
      %mul3A_19 = arith.constant 128 : i32
      %mul3A_20 = arith.muli %add3A_18, %mul3A_19 : i32
      "tpu.region"() ({
        %run_scoped3A = tpu.sem_alloc : memref<!tpu.dma_semaphore, #tpu.memory_space<semaphore_mem>>
        %dma_start3A = tpu.memref_slice %arg3[%mul3A_20] : memref<37760xi32, #tpu.memory_space<hbm>> -> memref<128xi32, #tpu.memory_space<hbm>>
        %dma_start3A_23 = tpu.memref_slice %arg3[%mul3A_20] : memref<37760xi32, #tpu.memory_space<hbm>> -> memref<128xi32, #tpu.memory_space<hbm>>
        tpu.enqueue_dma source(%dma_start3A_23 : memref<128xi32, #tpu.memory_space<hbm>>) target(%arg5 : memref<128xi32, #tpu.memory_space<vmem>>) target_semaphore(%run_scoped3A : memref<!tpu.dma_semaphore, #tpu.memory_space<semaphore_mem>>)
        %dma_wait3A = tpu.memref_slice %arg3[%mul3A_20] : memref<37760xi32, #tpu.memory_space<hbm>> -> memref<128xi32, #tpu.memory_space<hbm>>
        %dma_wait3A_24 = tpu.memref_slice %arg3[%mul3A_20] : memref<37760xi32, #tpu.memory_space<hbm>> -> memref<128xi32, #tpu.memory_space<hbm>>
        tpu.wait_dma2 semaphore(%run_scoped3A : memref<!tpu.dma_semaphore, #tpu.memory_space<semaphore_mem>>) src(%dma_wait3A_24 : memref<128xi32, #tpu.memory_space<hbm>>) dst(%arg5 : memref<128xi32, #tpu.memory_space<vmem>>)
        tpu.yield
      }) : () -> ()
      "tpu.region"() ({
        %run_scoped3A = tpu.sem_alloc : memref<!tpu.dma_semaphore, #tpu.memory_space<semaphore_mem>>
        %dma_start3A = arith.constant 0 : i32
        %dma_start3A_23 = arith.constant 0 : i32
        %dma_start3A_24 = tpu.memref_slice %arg2[%dma_start3A, %dma_start3A_23] : memref<9440x128xf32, #tpu.memory_space<hbm>> -> memref<9440x128xf32, #tpu.memory_space<hbm>>
        tpu.enqueue_indirect_dma source(%dma_start3A_24 : memref<9440x128xf32, #tpu.memory_space<hbm>>) target(%arg6 : memref<128x128xf32, #tpu.memory_space<vmem>>) offsets(%arg5 : memref<128xi32, #tpu.memory_space<vmem>>) semaphore(%run_scoped3A : memref<!tpu.dma_semaphore, #tpu.memory_space<semaphore_mem>>)
        %dma_wait3A = arith.constant 0 : i32
        %dma_wait3A_25 = arith.constant 0 : i32
        %dma_wait3A_26 = tpu.memref_slice %arg2[%dma_wait3A, %dma_wait3A_25] : memref<9440x128xf32, #tpu.memory_space<hbm>> -> memref<9440x128xf32, #tpu.memory_space<hbm>>
        tpu.wait_indirect_dma semaphore(%run_scoped3A : memref<!tpu.dma_semaphore, #tpu.memory_space<semaphore_mem>>) src(%dma_wait3A_26 : memref<9440x128xf32, #tpu.memory_space<hbm>>) dst(%arg6 : memref<128x128xf32, #tpu.memory_space<vmem>>)
        tpu.yield
      }) : () -> ()
      %mul3A_21 = arith.constant 128 : i32
      %mul3A_22 = arith.muli %add3A_18, %mul3A_21 : i32
      "tpu.region"() ({
        %run_scoped3A = tpu.sem_alloc : memref<!tpu.dma_semaphore, #tpu.memory_space<semaphore_mem>>
        %dma_start3A = arith.constant 0 : i32
        %dma_start3A_23 = tpu.memref_slice %arg4[%mul3A_22, %dma_start3A] : memref<37760x128xf32, #tpu.memory_space<hbm>> -> memref<128x128xf32, #tpu.memory_space<hbm>>
        %dma_start3A_24 = arith.constant 0 : i32
        %dma_start3A_25 = tpu.memref_slice %arg4[%mul3A_22, %dma_start3A_24] : memref<37760x128xf32, #tpu.memory_space<hbm>> -> memref<128x128xf32, #tpu.memory_space<hbm>>
        tpu.enqueue_dma source(%arg6 : memref<128x128xf32, #tpu.memory_space<vmem>>) target(%dma_start3A_25 : memref<128x128xf32, #tpu.memory_space<hbm>>) target_semaphore(%run_scoped3A : memref<!tpu.dma_semaphore, #tpu.memory_space<semaphore_mem>>)
        %dma_wait3A = arith.constant 0 : i32
        %dma_wait3A_26 = tpu.memref_slice %arg4[%mul3A_22, %dma_wait3A] : memref<37760x128xf32, #tpu.memory_space<hbm>> -> memref<128x128xf32, #tpu.memory_space<hbm>>
        %dma_wait3A_27 = arith.constant 0 : i32
        %dma_wait3A_28 = tpu.memref_slice %arg4[%mul3A_22, %dma_wait3A_27] : memref<37760x128xf32, #tpu.memory_space<hbm>> -> memref<128x128xf32, #tpu.memory_space<hbm>>
        tpu.wait_dma2 semaphore(%run_scoped3A : memref<!tpu.dma_semaphore, #tpu.memory_space<semaphore_mem>>) src(%arg6 : memref<128x128xf32, #tpu.memory_space<vmem>>) dst(%dma_wait3A_28 : memref<128x128xf32, #tpu.memory_space<hbm>>)
        tpu.yield
      }) : () -> ()
    }
    return
  }
}

module attributes {stable_mosaic.version = 14 : i64} {
  func.func @body(%arg0: memref<8x4736xf32, #tpu.memory_space<vmem>>, %arg1: memref<8x4736xf32, #tpu.memory_space<vmem>>, %arg2: memref<8x4736xf32, #tpu.memory_space<vmem>>, %arg3: memref<8x1180xf32, #tpu.memory_space<vmem>>, %arg4: memref<8x1180xf32, #tpu.memory_space<vmem>>, %arg5: memref<8x1180xf32, #tpu.memory_space<vmem>>) attributes {dimension_semantics = [], scalar_prefetch = 0 : i64, scratch_operands = 0 : i64, tpu.core_type = #tpu.core_type<tc>} {
    %get3A = arith.constant 0 : index
    %get3A_0 = arith.constant 0 : index
    %get3A_1 = vector.load %arg0[%get3A, %get3A_0] : memref<8x4736xf32, #tpu.memory_space<vmem>>, vector<8x4736xf32>
    %get3A_2 = arith.constant 0 : index
    %get3A_3 = arith.constant 0 : index
    %get3A_4 = vector.load %arg1[%get3A_2, %get3A_3] : memref<8x4736xf32, #tpu.memory_space<vmem>>, vector<8x4736xf32>
    %get3A_5 = arith.constant 0 : index
    %get3A_6 = arith.constant 0 : index
    %get3A_7 = vector.load %arg2[%get3A_5, %get3A_6] : memref<8x4736xf32, #tpu.memory_space<vmem>>, vector<8x4736xf32>
    %iota3A = tpu.iota {dimensions = array<i32: 1>} : vector<8x4736xi32>
    %iota3A_8 = tpu.iota {dimensions = array<i32: 1>} : vector<8x1180xi32>
    %broadcast_in_dim3A = arith.constant 0.000000e+00 : f32
    %broadcast_in_dim3A_9 = vector.broadcast %broadcast_in_dim3A : f32 to vector<8x1180xf32>
    %broadcast_in_dim3A_10 = arith.constant 1.000000e+10 : f32
    %broadcast_in_dim3A_11 = vector.broadcast %broadcast_in_dim3A_10 : f32 to vector<8x4736xf32>
    %broadcast_in_dim3A_12 = arith.constant 0 : i32
    %broadcast_in_dim3A_13 = vector.broadcast %broadcast_in_dim3A_12 : i32 to vector<8x1xi32>
    %scan3A = arith.constant 0 : i32
    %scan3A_14 = arith.constant 1180 : i32
    %scan3A_15 = arith.addi %scan3A, %scan3A_14 : i32
    %scan3A_16 = arith.constant 1 : i32
    %scan3A_17:5 = scf.for %scan3A_27 = %scan3A to %scan3A_15 step %scan3A_16 iter_args(%scan3A_28 = %broadcast_in_dim3A_11, %scan3A_29 = %broadcast_in_dim3A_13, %scan3A_30 = %broadcast_in_dim3A_9, %scan3A_31 = %broadcast_in_dim3A_9, %scan3A_32 = %broadcast_in_dim3A_9) -> (vector<8x4736xf32>, vector<8x1xi32>, vector<8x1180xf32>, vector<8x1180xf32>, vector<8x1180xf32>)  : i32 {
      %eq3A = vector.broadcast %scan3A_29 : vector<8x1xi32> to vector<8x4736xi32>
      %eq3A_33 = arith.cmpi eq, %iota3A, %eq3A : vector<8x4736xi32>
      %convert_element_type3A = arith.extui %eq3A_33 : vector<8x4736xi1> to vector<8x4736xi32>
      %convert_element_type3A_34 = arith.sitofp %convert_element_type3A : vector<8x4736xi32> to vector<8x4736xf32>
      %mul3A = arith.mulf %get3A_1, %convert_element_type3A_34 : vector<8x4736xf32>
      %reduce_sum3A = arith.constant dense<0.000000e+00> : vector<8xf32>
      %reduce_sum3A_35 = vector.multi_reduction <add>, %mul3A, %reduce_sum3A [1] : vector<8x4736xf32> to vector<8xf32>
      %broadcast_in_dim3A_36 = vector.shape_cast %reduce_sum3A_35 : vector<8xf32> to vector<8x1xf32>
      %mul3A_37 = arith.mulf %get3A_4, %convert_element_type3A_34 : vector<8x4736xf32>
      %reduce_sum3A_38 = arith.constant dense<0.000000e+00> : vector<8xf32>
      %reduce_sum3A_39 = vector.multi_reduction <add>, %mul3A_37, %reduce_sum3A_38 [1] : vector<8x4736xf32> to vector<8xf32>
      %broadcast_in_dim3A_40 = vector.shape_cast %reduce_sum3A_39 : vector<8xf32> to vector<8x1xf32>
      %mul3A_41 = arith.mulf %get3A_7, %convert_element_type3A_34 : vector<8x4736xf32>
      %reduce_sum3A_42 = arith.constant dense<0.000000e+00> : vector<8xf32>
      %reduce_sum3A_43 = vector.multi_reduction <add>, %mul3A_41, %reduce_sum3A_42 [1] : vector<8x4736xf32> to vector<8xf32>
      %broadcast_in_dim3A_44 = vector.shape_cast %reduce_sum3A_43 : vector<8xf32> to vector<8x1xf32>
      %eq3A_45 = vector.broadcast %scan3A_27 : i32 to vector<8x1180xi32>
      %eq3A_46 = arith.cmpi eq, %iota3A_8, %eq3A_45 : vector<8x1180xi32>
      %broadcast_in_dim3A_47 = vector.shape_cast %broadcast_in_dim3A_36 : vector<8x1xf32> to vector<8x1xf32>
      %broadcast_in_dim3A_48 = vector.broadcast %broadcast_in_dim3A_47 : vector<8x1xf32> to vector<8x1180xf32>
      %select_n3A = arith.select %eq3A_46, %broadcast_in_dim3A_48, %scan3A_30 : vector<8x1180xi1>, vector<8x1180xf32>
      %broadcast_in_dim3A_49 = vector.shape_cast %broadcast_in_dim3A_40 : vector<8x1xf32> to vector<8x1xf32>
      %broadcast_in_dim3A_50 = vector.broadcast %broadcast_in_dim3A_49 : vector<8x1xf32> to vector<8x1180xf32>
      %select_n3A_51 = arith.select %eq3A_46, %broadcast_in_dim3A_50, %scan3A_31 : vector<8x1180xi1>, vector<8x1180xf32>
      %broadcast_in_dim3A_52 = vector.shape_cast %broadcast_in_dim3A_44 : vector<8x1xf32> to vector<8x1xf32>
      %broadcast_in_dim3A_53 = vector.broadcast %broadcast_in_dim3A_52 : vector<8x1xf32> to vector<8x1180xf32>
      %select_n3A_54 = arith.select %eq3A_46, %broadcast_in_dim3A_53, %scan3A_32 : vector<8x1180xi1>, vector<8x1180xf32>
      %sub3A = vector.broadcast %broadcast_in_dim3A_36 : vector<8x1xf32> to vector<8x4736xf32>
      %sub3A_55 = arith.subf %get3A_1, %sub3A : vector<8x4736xf32>
      %sub3A_56 = vector.broadcast %broadcast_in_dim3A_40 : vector<8x1xf32> to vector<8x4736xf32>
      %sub3A_57 = arith.subf %get3A_4, %sub3A_56 : vector<8x4736xf32>
      %sub3A_58 = vector.broadcast %broadcast_in_dim3A_44 : vector<8x1xf32> to vector<8x4736xf32>
      %sub3A_59 = arith.subf %get3A_7, %sub3A_58 : vector<8x4736xf32>
      %mul3A_60 = arith.mulf %sub3A_55, %sub3A_55 : vector<8x4736xf32>
      %mul3A_61 = arith.mulf %sub3A_57, %sub3A_57 : vector<8x4736xf32>
      %add3A = arith.addf %mul3A_60, %mul3A_61 : vector<8x4736xf32>
      %mul3A_62 = arith.mulf %sub3A_59, %sub3A_59 : vector<8x4736xf32>
      %add3A_63 = arith.addf %add3A, %mul3A_62 : vector<8x4736xf32>
      %min3A = arith.minimumf %scan3A_28, %add3A_63 : vector<8x4736xf32>
      %reduce_max3A = arith.constant dense<0xFF800000> : vector<8xf32>
      %reduce_max3A_64 = vector.multi_reduction <maximumf>, %min3A, %reduce_max3A [1] : vector<8x4736xf32> to vector<8xf32>
      %broadcast_in_dim3A_65 = vector.shape_cast %reduce_max3A_64 : vector<8xf32> to vector<8x1xf32>
      %eq3A_66 = vector.broadcast %broadcast_in_dim3A_65 : vector<8x1xf32> to vector<8x4736xf32>
      %eq3A_67 = arith.cmpf oeq, %min3A, %eq3A_66 : vector<8x4736xf32>
      %jit3A = arith.constant 4736 : i32
      %broadcast_in_dim3A_68 = vector.broadcast %jit3A : i32 to vector<8x4736xi32>
      %select_n3A_69 = arith.select %eq3A_67, %iota3A, %broadcast_in_dim3A_68 : vector<8x4736xi1>, vector<8x4736xi32>
      %reduce_min3A = arith.constant dense<2147483647> : vector<8xi32>
      %reduce_min3A_70 = vector.multi_reduction <minsi>, %select_n3A_69, %reduce_min3A [1] : vector<8x4736xi32> to vector<8xi32>
      %broadcast_in_dim3A_71 = vector.shape_cast %reduce_min3A_70 : vector<8xi32> to vector<8x1xi32>
      scf.yield %min3A, %broadcast_in_dim3A_71, %select_n3A, %select_n3A_51, %select_n3A_54 : vector<8x4736xf32>, vector<8x1xi32>, vector<8x1180xf32>, vector<8x1180xf32>, vector<8x1180xf32>
    }
    %scan3A_18 = arith.constant 1180 : i32
    %swap3A = arith.constant 0 : index
    %swap3A_19 = arith.constant 0 : index
    %swap3A_20 = vector.load %arg3[%swap3A, %swap3A_19] : memref<8x1180xf32, #tpu.memory_space<vmem>>, vector<8x1180xf32>
    tpu.vector_store %arg3[%swap3A, %swap3A_19], %scan3A_17#2 {strides = array<i32>} : memref<8x1180xf32, #tpu.memory_space<vmem>>, vector<8x1180xf32>,
    %swap3A_21 = arith.constant 0 : index
    %swap3A_22 = arith.constant 0 : index
    %swap3A_23 = vector.load %arg4[%swap3A_21, %swap3A_22] : memref<8x1180xf32, #tpu.memory_space<vmem>>, vector<8x1180xf32>
    tpu.vector_store %arg4[%swap3A_21, %swap3A_22], %scan3A_17#3 {strides = array<i32>} : memref<8x1180xf32, #tpu.memory_space<vmem>>, vector<8x1180xf32>,
    %swap3A_24 = arith.constant 0 : index
    %swap3A_25 = arith.constant 0 : index
    %swap3A_26 = vector.load %arg5[%swap3A_24, %swap3A_25] : memref<8x1180xf32, #tpu.memory_space<vmem>>, vector<8x1180xf32>
    tpu.vector_store %arg5[%swap3A_24, %swap3A_25], %scan3A_17#4 {strides = array<i32>} : memref<8x1180xf32, #tpu.memory_space<vmem>>, vector<8x1180xf32>,
    return
  }
}

module attributes {stable_mosaic.version = 14 : i64} {
  func.func @body(%arg0: i32, %arg1: i32, %arg2: memref<1x1x4736xf32, #tpu.memory_space<vmem>>, %arg3: memref<1x1x4736xf32, #tpu.memory_space<vmem>>, %arg4: memref<1x1x4736xf32, #tpu.memory_space<vmem>>, %arg5: memref<1x128x1xf32, #tpu.memory_space<vmem>>, %arg6: memref<1x128x1xf32, #tpu.memory_space<vmem>>, %arg7: memref<1x128x1xf32, #tpu.memory_space<vmem>>, %arg8: memref<1x128x16xi32, #tpu.memory_space<vmem>>) attributes {dimension_semantics = [#tpu.dimension_semantics<arbitrary>, #tpu.dimension_semantics<arbitrary>], iteration_bounds = array<i64: 8, 10>, scalar_prefetch = 0 : i64, scratch_operands = 0 : i64, tpu.core_type = #tpu.core_type<tc>, window_params = [{transform_indices = @transform_0, window_bounds = array<i64: 1, 1, 4736>}, {transform_indices = @transform_1, window_bounds = array<i64: 1, 1, 4736>}, {transform_indices = @transform_2, window_bounds = array<i64: 1, 1, 4736>}, {transform_indices = @transform_3, window_bounds = array<i64: 1, 128, 1>}, {transform_indices = @transform_4, window_bounds = array<i64: 1, 128, 1>}, {transform_indices = @transform_5, window_bounds = array<i64: 1, 128, 1>}, {transform_indices = @transform_6, window_bounds = array<i64: 1, 128, 16>}]} {
    %get3A = arith.constant 0 : index
    %get3A_0 = arith.constant 0 : index
    %get3A_1 = arith.constant 0 : index
    %get3A_2 = vector.load %arg2[%get3A, %get3A_0, %get3A_1] : memref<1x1x4736xf32, #tpu.memory_space<vmem>>, vector<1x1x4736xf32>
    %get3A_3 = vector.shape_cast %get3A_2 : vector<1x1x4736xf32> to vector<1x4736xf32>
    %get3A_4 = arith.constant 0 : index
    %get3A_5 = arith.constant 0 : index
    %get3A_6 = arith.constant 0 : index
    %get3A_7 = vector.load %arg3[%get3A_4, %get3A_5, %get3A_6] : memref<1x1x4736xf32, #tpu.memory_space<vmem>>, vector<1x1x4736xf32>
    %get3A_8 = vector.shape_cast %get3A_7 : vector<1x1x4736xf32> to vector<1x4736xf32>
    %get3A_9 = arith.constant 0 : index
    %get3A_10 = arith.constant 0 : index
    %get3A_11 = arith.constant 0 : index
    %get3A_12 = vector.load %arg4[%get3A_9, %get3A_10, %get3A_11] : memref<1x1x4736xf32, #tpu.memory_space<vmem>>, vector<1x1x4736xf32>
    %get3A_13 = vector.shape_cast %get3A_12 : vector<1x1x4736xf32> to vector<1x4736xf32>
    %get3A_14 = arith.constant 0 : index
    %get3A_15 = arith.constant 0 : index
    %get3A_16 = arith.constant 0 : index
    %get3A_17 = vector.load %arg5[%get3A_14, %get3A_15, %get3A_16] : memref<1x128x1xf32, #tpu.memory_space<vmem>>, vector<1x128x1xf32>
    %get3A_18 = vector.shape_cast %get3A_17 : vector<1x128x1xf32> to vector<128x1xf32>
    %get3A_19 = arith.constant 0 : index
    %get3A_20 = arith.constant 0 : index
    %get3A_21 = arith.constant 0 : index
    %get3A_22 = vector.load %arg6[%get3A_19, %get3A_20, %get3A_21] : memref<1x128x1xf32, #tpu.memory_space<vmem>>, vector<1x128x1xf32>
    %get3A_23 = vector.shape_cast %get3A_22 : vector<1x128x1xf32> to vector<128x1xf32>
    %get3A_24 = arith.constant 0 : index
    %get3A_25 = arith.constant 0 : index
    %get3A_26 = arith.constant 0 : index
    %get3A_27 = vector.load %arg7[%get3A_24, %get3A_25, %get3A_26] : memref<1x128x1xf32, #tpu.memory_space<vmem>>, vector<1x128x1xf32>
    %get3A_28 = vector.shape_cast %get3A_27 : vector<1x128x1xf32> to vector<128x1xf32>
    %convert_element_type3A = arith.truncf %get3A_3 : vector<1x4736xf32> to vector<1x4736xbf16>
    %convert_element_type3A_29 = arith.extf %convert_element_type3A : vector<1x4736xbf16> to vector<1x4736xf32>
    %convert_element_type3A_30 = arith.truncf %get3A_8 : vector<1x4736xf32> to vector<1x4736xbf16>
    %convert_element_type3A_31 = arith.extf %convert_element_type3A_30 : vector<1x4736xbf16> to vector<1x4736xf32>
    %convert_element_type3A_32 = arith.truncf %get3A_13 : vector<1x4736xf32> to vector<1x4736xbf16>
    %convert_element_type3A_33 = arith.extf %convert_element_type3A_32 : vector<1x4736xbf16> to vector<1x4736xf32>
    %convert_element_type3A_34 = arith.truncf %get3A_18 : vector<128x1xf32> to vector<128x1xbf16>
    %convert_element_type3A_35 = arith.extf %convert_element_type3A_34 : vector<128x1xbf16> to vector<128x1xf32>
    %convert_element_type3A_36 = arith.truncf %get3A_23 : vector<128x1xf32> to vector<128x1xbf16>
    %convert_element_type3A_37 = arith.extf %convert_element_type3A_36 : vector<128x1xbf16> to vector<128x1xf32>
    %convert_element_type3A_38 = arith.truncf %get3A_28 : vector<128x1xf32> to vector<128x1xbf16>
    %convert_element_type3A_39 = arith.extf %convert_element_type3A_38 : vector<128x1xbf16> to vector<128x1xf32>
    %mul3A = vector.broadcast %convert_element_type3A_35 : vector<128x1xf32> to vector<128x4736xf32>
    %mul3A_40 = vector.broadcast %convert_element_type3A_29 : vector<1x4736xf32> to vector<128x4736xf32>
    %mul3A_41 = arith.mulf %mul3A, %mul3A_40 : vector<128x4736xf32>
    %mul3A_42 = vector.broadcast %convert_element_type3A_37 : vector<128x1xf32> to vector<128x4736xf32>
    %mul3A_43 = vector.broadcast %convert_element_type3A_31 : vector<1x4736xf32> to vector<128x4736xf32>
    %mul3A_44 = arith.mulf %mul3A_42, %mul3A_43 : vector<128x4736xf32>
    %add3A = arith.addf %mul3A_41, %mul3A_44 : vector<128x4736xf32>
    %mul3A_45 = vector.broadcast %convert_element_type3A_39 : vector<128x1xf32> to vector<128x4736xf32>
    %mul3A_46 = vector.broadcast %convert_element_type3A_33 : vector<1x4736xf32> to vector<128x4736xf32>
    %mul3A_47 = arith.mulf %mul3A_45, %mul3A_46 : vector<128x4736xf32>
    %add3A_48 = arith.addf %add3A, %mul3A_47 : vector<128x4736xf32>
    %mul3A_49 = arith.constant -2.000000e+00 : f32
    %mul3A_50 = vector.broadcast %mul3A_49 : f32 to vector<128x4736xf32>
    %mul3A_51 = arith.mulf %mul3A_50, %add3A_48 : vector<128x4736xf32>
    %mul3A_52 = arith.mulf %get3A_18, %get3A_18 : vector<128x1xf32>
    %mul3A_53 = arith.mulf %get3A_23, %get3A_23 : vector<128x1xf32>
    %add3A_54 = arith.addf %mul3A_52, %mul3A_53 : vector<128x1xf32>
    %mul3A_55 = arith.mulf %get3A_28, %get3A_28 : vector<128x1xf32>
    %add3A_56 = arith.addf %add3A_54, %mul3A_55 : vector<128x1xf32>
    %add3A_57 = vector.broadcast %add3A_56 : vector<128x1xf32> to vector<128x4736xf32>
    %add3A_58 = arith.addf %mul3A_51, %add3A_57 : vector<128x4736xf32>
    %mul3A_59 = arith.mulf %get3A_3, %get3A_3 : vector<1x4736xf32>
    %mul3A_60 = arith.mulf %get3A_8, %get3A_8 : vector<1x4736xf32>
    %add3A_61 = arith.addf %mul3A_59, %mul3A_60 : vector<1x4736xf32>
    %mul3A_62 = arith.mulf %get3A_13, %get3A_13 : vector<1x4736xf32>
    %add3A_63 = arith.addf %add3A_61, %mul3A_62 : vector<1x4736xf32>
    %add3A_64 = vector.broadcast %add3A_63 : vector<1x4736xf32> to vector<128x4736xf32>
    %add3A_65 = arith.addf %add3A_58, %add3A_64 : vector<128x4736xf32>
    %iota3A = tpu.iota {dimensions = array<i32: 1>} : vector<128x4736xi32>
    %le3A = arith.constant 4.000000e-02 : f32
    %le3A_66 = vector.broadcast %le3A : f32 to vector<128x4736xf32>
    %le3A_67 = arith.cmpf ole, %add3A_65, %le3A_66 : vector<128x4736xf32>
    %jit3A = arith.constant 4720 : i32
    %broadcast_in_dim3A = vector.broadcast %jit3A : i32 to vector<128x4736xi32>
    %select_n3A = arith.select %le3A_67, %iota3A, %broadcast_in_dim3A : vector<128x4736xi1>, vector<128x4736xi32>
    %reduce_min3A = arith.constant dense<2147483647> : vector<128xi32>
    %reduce_min3A_68 = vector.multi_reduction <minsi>, %select_n3A, %reduce_min3A [1] : vector<128x4736xi32> to vector<128xi32>
    %broadcast_in_dim3A_69 = vector.shape_cast %reduce_min3A_68 : vector<128xi32> to vector<128x1xi32>
    %eq3A = vector.broadcast %broadcast_in_dim3A_69 : vector<128x1xi32> to vector<128x4736xi32>
    %eq3A_70 = arith.cmpi eq, %select_n3A, %eq3A : vector<128x4736xi32>
    %jit3A_71 = arith.constant 4720 : i32
    %broadcast_in_dim3A_72 = vector.broadcast %jit3A_71 : i32 to vector<128x4736xi32>
    %select_n3A_73 = arith.select %eq3A_70, %broadcast_in_dim3A_72, %select_n3A : vector<128x4736xi1>, vector<128x4736xi32>
    %reduce_min3A_74 = arith.constant dense<2147483647> : vector<128xi32>
    %reduce_min3A_75 = vector.multi_reduction <minsi>, %select_n3A_73, %reduce_min3A_74 [1] : vector<128x4736xi32> to vector<128xi32>
    %broadcast_in_dim3A_76 = vector.shape_cast %reduce_min3A_75 : vector<128xi32> to vector<128x1xi32>
    %eq3A_77 = vector.broadcast %broadcast_in_dim3A_76 : vector<128x1xi32> to vector<128x4736xi32>
    %eq3A_78 = arith.cmpi eq, %select_n3A_73, %eq3A_77 : vector<128x4736xi32>
    %jit3A_79 = arith.constant 4720 : i32
    %broadcast_in_dim3A_80 = vector.broadcast %jit3A_79 : i32 to vector<128x4736xi32>
    %select_n3A_81 = arith.select %eq3A_78, %broadcast_in_dim3A_80, %select_n3A_73 : vector<128x4736xi1>, vector<128x4736xi32>
    %reduce_min3A_82 = arith.constant dense<2147483647> : vector<128xi32>
    %reduce_min3A_83 = vector.multi_reduction <minsi>, %select_n3A_81, %reduce_min3A_82 [1] : vector<128x4736xi32> to vector<128xi32>
    %broadcast_in_dim3A_84 = vector.shape_cast %reduce_min3A_83 : vector<128xi32> to vector<128x1xi32>
    %eq3A_85 = vector.broadcast %broadcast_in_dim3A_84 : vector<128x1xi32> to vector<128x4736xi32>
    %eq3A_86 = arith.cmpi eq, %select_n3A_81, %eq3A_85 : vector<128x4736xi32>
    %jit3A_87 = arith.constant 4720 : i32
    %broadcast_in_dim3A_88 = vector.broadcast %jit3A_87 : i32 to vector<128x4736xi32>
    %select_n3A_89 = arith.select %eq3A_86, %broadcast_in_dim3A_88, %select_n3A_81 : vector<128x4736xi1>, vector<128x4736xi32>
    %reduce_min3A_90 = arith.constant dense<2147483647> : vector<128xi32>
    %reduce_min3A_91 = vector.multi_reduction <minsi>, %select_n3A_89, %reduce_min3A_90 [1] : vector<128x4736xi32> to vector<128xi32>
    %broadcast_in_dim3A_92 = vector.shape_cast %reduce_min3A_91 : vector<128xi32> to vector<128x1xi32>
    %eq3A_93 = vector.broadcast %broadcast_in_dim3A_92 : vector<128x1xi32> to vector<128x4736xi32>
    %eq3A_94 = arith.cmpi eq, %select_n3A_89, %eq3A_93 : vector<128x4736xi32>
    %jit3A_95 = arith.constant 4720 : i32
    %broadcast_in_dim3A_96 = vector.broadcast %jit3A_95 : i32 to vector<128x4736xi32>
    %select_n3A_97 = arith.select %eq3A_94, %broadcast_in_dim3A_96, %select_n3A_89 : vector<128x4736xi1>, vector<128x4736xi32>
    %reduce_min3A_98 = arith.constant dense<2147483647> : vector<128xi32>
    %reduce_min3A_99 = vector.multi_reduction <minsi>, %select_n3A_97, %reduce_min3A_98 [1] : vector<128x4736xi32> to vector<128xi32>
    %broadcast_in_dim3A_100 = vector.shape_cast %reduce_min3A_99 : vector<128xi32> to vector<128x1xi32>
    %eq3A_101 = vector.broadcast %broadcast_in_dim3A_100 : vector<128x1xi32> to vector<128x4736xi32>
    %eq3A_102 = arith.cmpi eq, %select_n3A_97, %eq3A_101 : vector<128x4736xi32>
    %jit3A_103 = arith.constant 4720 : i32
    %broadcast_in_dim3A_104 = vector.broadcast %jit3A_103 : i32 to vector<128x4736xi32>
    %select_n3A_105 = arith.select %eq3A_102, %broadcast_in_dim3A_104, %select_n3A_97 : vector<128x4736xi1>, vector<128x4736xi32>
    %reduce_min3A_106 = arith.constant dense<2147483647> : vector<128xi32>
    %reduce_min3A_107 = vector.multi_reduction <minsi>, %select_n3A_105, %reduce_min3A_106 [1] : vector<128x4736xi32> to vector<128xi32>
    %broadcast_in_dim3A_108 = vector.shape_cast %reduce_min3A_107 : vector<128xi32> to vector<128x1xi32>
    %eq3A_109 = vector.broadcast %broadcast_in_dim3A_108 : vector<128x1xi32> to vector<128x4736xi32>
    %eq3A_110 = arith.cmpi eq, %select_n3A_105, %eq3A_109 : vector<128x4736xi32>
    %jit3A_111 = arith.constant 4720 : i32
    %broadcast_in_dim3A_112 = vector.broadcast %jit3A_111 : i32 to vector<128x4736xi32>
    %select_n3A_113 = arith.select %eq3A_110, %broadcast_in_dim3A_112, %select_n3A_105 : vector<128x4736xi1>, vector<128x4736xi32>
    %reduce_min3A_114 = arith.constant dense<2147483647> : vector<128xi32>
    %reduce_min3A_115 = vector.multi_reduction <minsi>, %select_n3A_113, %reduce_min3A_114 [1] : vector<128x4736xi32> to vector<128xi32>
    %broadcast_in_dim3A_116 = vector.shape_cast %reduce_min3A_115 : vector<128xi32> to vector<128x1xi32>
    %eq3A_117 = vector.broadcast %broadcast_in_dim3A_116 : vector<128x1xi32> to vector<128x4736xi32>
    %eq3A_118 = arith.cmpi eq, %select_n3A_113, %eq3A_117 : vector<128x4736xi32>
    %jit3A_119 = arith.constant 4720 : i32
    %broadcast_in_dim3A_120 = vector.broadcast %jit3A_119 : i32 to vector<128x4736xi32>
    %select_n3A_121 = arith.select %eq3A_118, %broadcast_in_dim3A_120, %select_n3A_113 : vector<128x4736xi1>, vector<128x4736xi32>
    %reduce_min3A_122 = arith.constant dense<2147483647> : vector<128xi32>
    %reduce_min3A_123 = vector.multi_reduction <minsi>, %select_n3A_121, %reduce_min3A_122 [1] : vector<128x4736xi32> to vector<128xi32>
    %broadcast_in_dim3A_124 = vector.shape_cast %reduce_min3A_123 : vector<128xi32> to vector<128x1xi32>
    %eq3A_125 = vector.broadcast %broadcast_in_dim3A_124 : vector<128x1xi32> to vector<128x4736xi32>
    %eq3A_126 = arith.cmpi eq, %select_n3A_121, %eq3A_125 : vector<128x4736xi32>
    %jit3A_127 = arith.constant 4720 : i32
    %broadcast_in_dim3A_128 = vector.broadcast %jit3A_127 : i32 to vector<128x4736xi32>
    %select_n3A_129 = arith.select %eq3A_126, %broadcast_in_dim3A_128, %select_n3A_121 : vector<128x4736xi1>, vector<128x4736xi32>
    %reduce_min3A_130 = arith.constant dense<2147483647> : vector<128xi32>
    %reduce_min3A_131 = vector.multi_reduction <minsi>, %select_n3A_129, %reduce_min3A_130 [1] : vector<128x4736xi32> to vector<128xi32>
    %broadcast_in_dim3A_132 = vector.shape_cast %reduce_min3A_131 : vector<128xi32> to vector<128x1xi32>
    %eq3A_133 = vector.broadcast %broadcast_in_dim3A_132 : vector<128x1xi32> to vector<128x4736xi32>
    %eq3A_134 = arith.cmpi eq, %select_n3A_129, %eq3A_133 : vector<128x4736xi32>
    %jit3A_135 = arith.constant 4720 : i32
    %broadcast_in_dim3A_136 = vector.broadcast %jit3A_135 : i32 to vector<128x4736xi32>
    %select_n3A_137 = arith.select %eq3A_134, %broadcast_in_dim3A_136, %select_n3A_129 : vector<128x4736xi1>, vector<128x4736xi32>
    %reduce_min3A_138 = arith.constant dense<2147483647> : vector<128xi32>
    %reduce_min3A_139 = vector.multi_reduction <minsi>, %select_n3A_137, %reduce_min3A_138 [1] : vector<128x4736xi32> to vector<128xi32>
    %broadcast_in_dim3A_140 = vector.shape_cast %reduce_min3A_139 : vector<128xi32> to vector<128x1xi32>
    %eq3A_141 = vector.broadcast %broadcast_in_dim3A_140 : vector<128x1xi32> to vector<128x4736xi32>
    %eq3A_142 = arith.cmpi eq, %select_n3A_137, %eq3A_141 : vector<128x4736xi32>
    %jit3A_143 = arith.constant 4720 : i32
    %broadcast_in_dim3A_144 = vector.broadcast %jit3A_143 : i32 to vector<128x4736xi32>
    %select_n3A_145 = arith.select %eq3A_142, %broadcast_in_dim3A_144, %select_n3A_137 : vector<128x4736xi1>, vector<128x4736xi32>
    %reduce_min3A_146 = arith.constant dense<2147483647> : vector<128xi32>
    %reduce_min3A_147 = vector.multi_reduction <minsi>, %select_n3A_145, %reduce_min3A_146 [1] : vector<128x4736xi32> to vector<128xi32>
    %broadcast_in_dim3A_148 = vector.shape_cast %reduce_min3A_147 : vector<128xi32> to vector<128x1xi32>
    %eq3A_149 = vector.broadcast %broadcast_in_dim3A_148 : vector<128x1xi32> to vector<128x4736xi32>
    %eq3A_150 = arith.cmpi eq, %select_n3A_145, %eq3A_149 : vector<128x4736xi32>
    %jit3A_151 = arith.constant 4720 : i32
    %broadcast_in_dim3A_152 = vector.broadcast %jit3A_151 : i32 to vector<128x4736xi32>
    %select_n3A_153 = arith.select %eq3A_150, %broadcast_in_dim3A_152, %select_n3A_145 : vector<128x4736xi1>, vector<128x4736xi32>
    %reduce_min3A_154 = arith.constant dense<2147483647> : vector<128xi32>
    %reduce_min3A_155 = vector.multi_reduction <minsi>, %select_n3A_153, %reduce_min3A_154 [1] : vector<128x4736xi32> to vector<128xi32>
    %broadcast_in_dim3A_156 = vector.shape_cast %reduce_min3A_155 : vector<128xi32> to vector<128x1xi32>
    %eq3A_157 = vector.broadcast %broadcast_in_dim3A_156 : vector<128x1xi32> to vector<128x4736xi32>
    %eq3A_158 = arith.cmpi eq, %select_n3A_153, %eq3A_157 : vector<128x4736xi32>
    %jit3A_159 = arith.constant 4720 : i32
    %broadcast_in_dim3A_160 = vector.broadcast %jit3A_159 : i32 to vector<128x4736xi32>
    %select_n3A_161 = arith.select %eq3A_158, %broadcast_in_dim3A_160, %select_n3A_153 : vector<128x4736xi1>, vector<128x4736xi32>
    %reduce_min3A_162 = arith.constant dense<2147483647> : vector<128xi32>
    %reduce_min3A_163 = vector.multi_reduction <minsi>, %select_n3A_161, %reduce_min3A_162 [1] : vector<128x4736xi32> to vector<128xi32>
    %broadcast_in_dim3A_164 = vector.shape_cast %reduce_min3A_163 : vector<128xi32> to vector<128x1xi32>
    %eq3A_165 = vector.broadcast %broadcast_in_dim3A_164 : vector<128x1xi32> to vector<128x4736xi32>
    %eq3A_166 = arith.cmpi eq, %select_n3A_161, %eq3A_165 : vector<128x4736xi32>
    %jit3A_167 = arith.constant 4720 : i32
    %broadcast_in_dim3A_168 = vector.broadcast %jit3A_167 : i32 to vector<128x4736xi32>
    %select_n3A_169 = arith.select %eq3A_166, %broadcast_in_dim3A_168, %select_n3A_161 : vector<128x4736xi1>, vector<128x4736xi32>
    %reduce_min3A_170 = arith.constant dense<2147483647> : vector<128xi32>
    %reduce_min3A_171 = vector.multi_reduction <minsi>, %select_n3A_169, %reduce_min3A_170 [1] : vector<128x4736xi32> to vector<128xi32>
    %broadcast_in_dim3A_172 = vector.shape_cast %reduce_min3A_171 : vector<128xi32> to vector<128x1xi32>
    %eq3A_173 = vector.broadcast %broadcast_in_dim3A_172 : vector<128x1xi32> to vector<128x4736xi32>
    %eq3A_174 = arith.cmpi eq, %select_n3A_169, %eq3A_173 : vector<128x4736xi32>
    %jit3A_175 = arith.constant 4720 : i32
    %broadcast_in_dim3A_176 = vector.broadcast %jit3A_175 : i32 to vector<128x4736xi32>
    %select_n3A_177 = arith.select %eq3A_174, %broadcast_in_dim3A_176, %select_n3A_169 : vector<128x4736xi1>, vector<128x4736xi32>
    %reduce_min3A_178 = arith.constant dense<2147483647> : vector<128xi32>
    %reduce_min3A_179 = vector.multi_reduction <minsi>, %select_n3A_177, %reduce_min3A_178 [1] : vector<128x4736xi32> to vector<128xi32>
    %broadcast_in_dim3A_180 = vector.shape_cast %reduce_min3A_179 : vector<128xi32> to vector<128x1xi32>
    %eq3A_181 = vector.broadcast %broadcast_in_dim3A_180 : vector<128x1xi32> to vector<128x4736xi32>
    %eq3A_182 = arith.cmpi eq, %select_n3A_177, %eq3A_181 : vector<128x4736xi32>
    %jit3A_183 = arith.constant 4720 : i32
    %broadcast_in_dim3A_184 = vector.broadcast %jit3A_183 : i32 to vector<128x4736xi32>
    %select_n3A_185 = arith.select %eq3A_182, %broadcast_in_dim3A_184, %select_n3A_177 : vector<128x4736xi1>, vector<128x4736xi32>
    %reduce_min3A_186 = arith.constant dense<2147483647> : vector<128xi32>
    %reduce_min3A_187 = vector.multi_reduction <minsi>, %select_n3A_185, %reduce_min3A_186 [1] : vector<128x4736xi32> to vector<128xi32>
    %broadcast_in_dim3A_188 = vector.shape_cast %reduce_min3A_187 : vector<128xi32> to vector<128x1xi32>
    %concatenate3A = tpu.concatenate %broadcast_in_dim3A_69, %broadcast_in_dim3A_76, %broadcast_in_dim3A_84, %broadcast_in_dim3A_92, %broadcast_in_dim3A_100, %broadcast_in_dim3A_108, %broadcast_in_dim3A_116, %broadcast_in_dim3A_124, %broadcast_in_dim3A_132, %broadcast_in_dim3A_140, %broadcast_in_dim3A_148, %broadcast_in_dim3A_156, %broadcast_in_dim3A_164, %broadcast_in_dim3A_172, %broadcast_in_dim3A_180, %broadcast_in_dim3A_188 in 1 : vector<128x1xi32>, vector<128x1xi32>, vector<128x1xi32>, vector<128x1xi32>, vector<128x1xi32>, vector<128x1xi32>, vector<128x1xi32>, vector<128x1xi32>, vector<128x1xi32>, vector<128x1xi32>, vector<128x1xi32>, vector<128x1xi32>, vector<128x1xi32>, vector<128x1xi32>, vector<128x1xi32>, vector<128x1xi32> -> vector<128x16xi32>
    %slice3A = vector.extract_strided_slice %concatenate3A {offsets = [0, 0], sizes = [128, 1], strides = [1, 1]} : vector<128x16xi32> to vector<128x1xi32>
    %eq3A_189 = arith.constant 4720 : i32
    %eq3A_190 = vector.broadcast %eq3A_189 : i32 to vector<128x16xi32>
    %eq3A_191 = arith.cmpi eq, %concatenate3A, %eq3A_190 : vector<128x16xi32>
    %broadcast_in_dim3A_192 = vector.shape_cast %slice3A : vector<128x1xi32> to vector<128x1xi32>
    %broadcast_in_dim3A_193 = vector.broadcast %broadcast_in_dim3A_192 : vector<128x1xi32> to vector<128x16xi32>
    %select_n3A_194 = arith.select %eq3A_191, %broadcast_in_dim3A_193, %concatenate3A : vector<128x16xi1>, vector<128x16xi32>
    %swap3A = arith.constant 0 : index
    %swap3A_195 = arith.constant 0 : index
    %swap3A_196 = arith.constant 0 : index
    %swap3A_197 = vector.load %arg8[%swap3A, %swap3A_195, %swap3A_196] : memref<1x128x16xi32, #tpu.memory_space<vmem>>, vector<1x128x16xi32>
    %swap3A_198 = vector.shape_cast %swap3A_197 : vector<1x128x16xi32> to vector<128x16xi32>
    %swap3A_199 = vector.shape_cast %select_n3A_194 : vector<128x16xi32> to vector<1x128x16xi32>
    tpu.vector_store %arg8[%swap3A, %swap3A_195, %swap3A_196], %swap3A_199 {strides = array<i32>} : memref<1x128x16xi32, #tpu.memory_space<vmem>>, vector<1x128x16xi32>,
    return
  }
  func.func @transform_0(%arg0: i32, %arg1: i32) -> (i32, i32, i32) {
    %c0_i32 = arith.constant 0 : i32
    %c0_i32_0 = arith.constant 0 : i32
    %c0_i32_1 = arith.constant 0 : i32
    return %arg0, %c0_i32, %c0_i32_0 : i32, i32, i32
  }
  func.func @transform_1(%arg0: i32, %arg1: i32) -> (i32, i32, i32) {
    %c0_i32 = arith.constant 0 : i32
    %c0_i32_0 = arith.constant 0 : i32
    %c0_i32_1 = arith.constant 0 : i32
    return %arg0, %c0_i32, %c0_i32_0 : i32, i32, i32
  }
  func.func @transform_2(%arg0: i32, %arg1: i32) -> (i32, i32, i32) {
    %c0_i32 = arith.constant 0 : i32
    %c0_i32_0 = arith.constant 0 : i32
    %c0_i32_1 = arith.constant 0 : i32
    return %arg0, %c0_i32, %c0_i32_0 : i32, i32, i32
  }
  func.func @transform_3(%arg0: i32, %arg1: i32) -> (i32, i32, i32) {
    %c0_i32 = arith.constant 0 : i32
    %c0_i32_0 = arith.constant 0 : i32
    return %arg0, %arg1, %c0_i32 : i32, i32, i32
  }
  func.func @transform_4(%arg0: i32, %arg1: i32) -> (i32, i32, i32) {
    %c0_i32 = arith.constant 0 : i32
    %c0_i32_0 = arith.constant 0 : i32
    return %arg0, %arg1, %c0_i32 : i32, i32, i32
  }
  func.func @transform_5(%arg0: i32, %arg1: i32) -> (i32, i32, i32) {
    %c0_i32 = arith.constant 0 : i32
    %c0_i32_0 = arith.constant 0 : i32
    return %arg0, %arg1, %c0_i32 : i32, i32, i32
  }
  func.func @transform_6(%arg0: i32, %arg1: i32) -> (i32, i32, i32) {
    %c0_i32 = arith.constant 0 : i32
    %c0_i32_0 = arith.constant 0 : i32
    return %arg0, %arg1, %c0_i32 : i32, i32, i32
  }
}

module attributes {stable_mosaic.version = 14 : i64} {
  func.func @body(%arg0: memref<8x1280xf32, #tpu.memory_space<vmem>>, %arg1: memref<8x1280xf32, #tpu.memory_space<vmem>>, %arg2: memref<8x1280xf32, #tpu.memory_space<vmem>>, %arg3: memref<8x295xf32, #tpu.memory_space<vmem>>, %arg4: memref<8x295xf32, #tpu.memory_space<vmem>>, %arg5: memref<8x295xf32, #tpu.memory_space<vmem>>) attributes {dimension_semantics = [], scalar_prefetch = 0 : i64, scratch_operands = 0 : i64, tpu.core_type = #tpu.core_type<tc>} {
    %get3A = arith.constant 0 : index
    %get3A_0 = arith.constant 0 : index
    %get3A_1 = vector.load %arg0[%get3A, %get3A_0] : memref<8x1280xf32, #tpu.memory_space<vmem>>, vector<8x1280xf32>
    %get3A_2 = arith.constant 0 : index
    %get3A_3 = arith.constant 0 : index
    %get3A_4 = vector.load %arg1[%get3A_2, %get3A_3] : memref<8x1280xf32, #tpu.memory_space<vmem>>, vector<8x1280xf32>
    %get3A_5 = arith.constant 0 : index
    %get3A_6 = arith.constant 0 : index
    %get3A_7 = vector.load %arg2[%get3A_5, %get3A_6] : memref<8x1280xf32, #tpu.memory_space<vmem>>, vector<8x1280xf32>
    %iota3A = tpu.iota {dimensions = array<i32: 1>} : vector<8x1280xi32>
    %iota3A_8 = tpu.iota {dimensions = array<i32: 1>} : vector<8x295xi32>
    %broadcast_in_dim3A = arith.constant 0.000000e+00 : f32
    %broadcast_in_dim3A_9 = vector.broadcast %broadcast_in_dim3A : f32 to vector<8x295xf32>
    %broadcast_in_dim3A_10 = arith.constant 1.000000e+10 : f32
    %broadcast_in_dim3A_11 = vector.broadcast %broadcast_in_dim3A_10 : f32 to vector<8x1280xf32>
    %broadcast_in_dim3A_12 = arith.constant 0 : i32
    %broadcast_in_dim3A_13 = vector.broadcast %broadcast_in_dim3A_12 : i32 to vector<8x1xi32>
    %scan3A = arith.constant 0 : i32
    %scan3A_14 = arith.constant 295 : i32
    %scan3A_15 = arith.addi %scan3A, %scan3A_14 : i32
    %scan3A_16 = arith.constant 1 : i32
    %scan3A_17:5 = scf.for %scan3A_27 = %scan3A to %scan3A_15 step %scan3A_16 iter_args(%scan3A_28 = %broadcast_in_dim3A_11, %scan3A_29 = %broadcast_in_dim3A_13, %scan3A_30 = %broadcast_in_dim3A_9, %scan3A_31 = %broadcast_in_dim3A_9, %scan3A_32 = %broadcast_in_dim3A_9) -> (vector<8x1280xf32>, vector<8x1xi32>, vector<8x295xf32>, vector<8x295xf32>, vector<8x295xf32>)  : i32 {
      %eq3A = vector.broadcast %scan3A_29 : vector<8x1xi32> to vector<8x1280xi32>
      %eq3A_33 = arith.cmpi eq, %iota3A, %eq3A : vector<8x1280xi32>
      %convert_element_type3A = arith.extui %eq3A_33 : vector<8x1280xi1> to vector<8x1280xi32>
      %convert_element_type3A_34 = arith.sitofp %convert_element_type3A : vector<8x1280xi32> to vector<8x1280xf32>
      %mul3A = arith.mulf %get3A_1, %convert_element_type3A_34 : vector<8x1280xf32>
      %reduce_sum3A = arith.constant dense<0.000000e+00> : vector<8xf32>
      %reduce_sum3A_35 = vector.multi_reduction <add>, %mul3A, %reduce_sum3A [1] : vector<8x1280xf32> to vector<8xf32>
      %broadcast_in_dim3A_36 = vector.shape_cast %reduce_sum3A_35 : vector<8xf32> to vector<8x1xf32>
      %mul3A_37 = arith.mulf %get3A_4, %convert_element_type3A_34 : vector<8x1280xf32>
      %reduce_sum3A_38 = arith.constant dense<0.000000e+00> : vector<8xf32>
      %reduce_sum3A_39 = vector.multi_reduction <add>, %mul3A_37, %reduce_sum3A_38 [1] : vector<8x1280xf32> to vector<8xf32>
      %broadcast_in_dim3A_40 = vector.shape_cast %reduce_sum3A_39 : vector<8xf32> to vector<8x1xf32>
      %mul3A_41 = arith.mulf %get3A_7, %convert_element_type3A_34 : vector<8x1280xf32>
      %reduce_sum3A_42 = arith.constant dense<0.000000e+00> : vector<8xf32>
      %reduce_sum3A_43 = vector.multi_reduction <add>, %mul3A_41, %reduce_sum3A_42 [1] : vector<8x1280xf32> to vector<8xf32>
      %broadcast_in_dim3A_44 = vector.shape_cast %reduce_sum3A_43 : vector<8xf32> to vector<8x1xf32>
      %eq3A_45 = vector.broadcast %scan3A_27 : i32 to vector<8x295xi32>
      %eq3A_46 = arith.cmpi eq, %iota3A_8, %eq3A_45 : vector<8x295xi32>
      %broadcast_in_dim3A_47 = vector.shape_cast %broadcast_in_dim3A_36 : vector<8x1xf32> to vector<8x1xf32>
      %broadcast_in_dim3A_48 = vector.broadcast %broadcast_in_dim3A_47 : vector<8x1xf32> to vector<8x295xf32>
      %select_n3A = arith.select %eq3A_46, %broadcast_in_dim3A_48, %scan3A_30 : vector<8x295xi1>, vector<8x295xf32>
      %broadcast_in_dim3A_49 = vector.shape_cast %broadcast_in_dim3A_40 : vector<8x1xf32> to vector<8x1xf32>
      %broadcast_in_dim3A_50 = vector.broadcast %broadcast_in_dim3A_49 : vector<8x1xf32> to vector<8x295xf32>
      %select_n3A_51 = arith.select %eq3A_46, %broadcast_in_dim3A_50, %scan3A_31 : vector<8x295xi1>, vector<8x295xf32>
      %broadcast_in_dim3A_52 = vector.shape_cast %broadcast_in_dim3A_44 : vector<8x1xf32> to vector<8x1xf32>
      %broadcast_in_dim3A_53 = vector.broadcast %broadcast_in_dim3A_52 : vector<8x1xf32> to vector<8x295xf32>
      %select_n3A_54 = arith.select %eq3A_46, %broadcast_in_dim3A_53, %scan3A_32 : vector<8x295xi1>, vector<8x295xf32>
      %sub3A = vector.broadcast %broadcast_in_dim3A_36 : vector<8x1xf32> to vector<8x1280xf32>
      %sub3A_55 = arith.subf %get3A_1, %sub3A : vector<8x1280xf32>
      %sub3A_56 = vector.broadcast %broadcast_in_dim3A_40 : vector<8x1xf32> to vector<8x1280xf32>
      %sub3A_57 = arith.subf %get3A_4, %sub3A_56 : vector<8x1280xf32>
      %sub3A_58 = vector.broadcast %broadcast_in_dim3A_44 : vector<8x1xf32> to vector<8x1280xf32>
      %sub3A_59 = arith.subf %get3A_7, %sub3A_58 : vector<8x1280xf32>
      %mul3A_60 = arith.mulf %sub3A_55, %sub3A_55 : vector<8x1280xf32>
      %mul3A_61 = arith.mulf %sub3A_57, %sub3A_57 : vector<8x1280xf32>
      %add3A = arith.addf %mul3A_60, %mul3A_61 : vector<8x1280xf32>
      %mul3A_62 = arith.mulf %sub3A_59, %sub3A_59 : vector<8x1280xf32>
      %add3A_63 = arith.addf %add3A, %mul3A_62 : vector<8x1280xf32>
      %min3A = arith.minimumf %scan3A_28, %add3A_63 : vector<8x1280xf32>
      %reduce_max3A = arith.constant dense<0xFF800000> : vector<8xf32>
      %reduce_max3A_64 = vector.multi_reduction <maximumf>, %min3A, %reduce_max3A [1] : vector<8x1280xf32> to vector<8xf32>
      %broadcast_in_dim3A_65 = vector.shape_cast %reduce_max3A_64 : vector<8xf32> to vector<8x1xf32>
      %eq3A_66 = vector.broadcast %broadcast_in_dim3A_65 : vector<8x1xf32> to vector<8x1280xf32>
      %eq3A_67 = arith.cmpf oeq, %min3A, %eq3A_66 : vector<8x1280xf32>
      %jit3A = arith.constant 1280 : i32
      %broadcast_in_dim3A_68 = vector.broadcast %jit3A : i32 to vector<8x1280xi32>
      %select_n3A_69 = arith.select %eq3A_67, %iota3A, %broadcast_in_dim3A_68 : vector<8x1280xi1>, vector<8x1280xi32>
      %reduce_min3A = arith.constant dense<2147483647> : vector<8xi32>
      %reduce_min3A_70 = vector.multi_reduction <minsi>, %select_n3A_69, %reduce_min3A [1] : vector<8x1280xi32> to vector<8xi32>
      %broadcast_in_dim3A_71 = vector.shape_cast %reduce_min3A_70 : vector<8xi32> to vector<8x1xi32>
      scf.yield %min3A, %broadcast_in_dim3A_71, %select_n3A, %select_n3A_51, %select_n3A_54 : vector<8x1280xf32>, vector<8x1xi32>, vector<8x295xf32>, vector<8x295xf32>, vector<8x295xf32>
    }
    %scan3A_18 = arith.constant 295 : i32
    %swap3A = arith.constant 0 : index
    %swap3A_19 = arith.constant 0 : index
    %swap3A_20 = vector.load %arg3[%swap3A, %swap3A_19] : memref<8x295xf32, #tpu.memory_space<vmem>>, vector<8x295xf32>
    tpu.vector_store %arg3[%swap3A, %swap3A_19], %scan3A_17#2 {strides = array<i32>} : memref<8x295xf32, #tpu.memory_space<vmem>>, vector<8x295xf32>,
    %swap3A_21 = arith.constant 0 : index
    %swap3A_22 = arith.constant 0 : index
    %swap3A_23 = vector.load %arg4[%swap3A_21, %swap3A_22] : memref<8x295xf32, #tpu.memory_space<vmem>>, vector<8x295xf32>
    tpu.vector_store %arg4[%swap3A_21, %swap3A_22], %scan3A_17#3 {strides = array<i32>} : memref<8x295xf32, #tpu.memory_space<vmem>>, vector<8x295xf32>,
    %swap3A_24 = arith.constant 0 : index
    %swap3A_25 = arith.constant 0 : index
    %swap3A_26 = vector.load %arg5[%swap3A_24, %swap3A_25] : memref<8x295xf32, #tpu.memory_space<vmem>>, vector<8x295xf32>
    tpu.vector_store %arg5[%swap3A_24, %swap3A_25], %scan3A_17#4 {strides = array<i32>} : memref<8x295xf32, #tpu.memory_space<vmem>>, vector<8x295xf32>,
    return
  }
}

module attributes {stable_mosaic.version = 14 : i64} {
  func.func @body(%arg0: i32, %arg1: i32, %arg2: memref<1x1x1280xf32, #tpu.memory_space<vmem>>, %arg3: memref<1x1x1280xf32, #tpu.memory_space<vmem>>, %arg4: memref<1x1x1280xf32, #tpu.memory_space<vmem>>, %arg5: memref<1x128x1xf32, #tpu.memory_space<vmem>>, %arg6: memref<1x128x1xf32, #tpu.memory_space<vmem>>, %arg7: memref<1x128x1xf32, #tpu.memory_space<vmem>>, %arg8: memref<1x128x16xi32, #tpu.memory_space<vmem>>) attributes {dimension_semantics = [#tpu.dimension_semantics<arbitrary>, #tpu.dimension_semantics<arbitrary>], iteration_bounds = array<i64: 8, 3>, scalar_prefetch = 0 : i64, scratch_operands = 0 : i64, tpu.core_type = #tpu.core_type<tc>, window_params = [{transform_indices = @transform_0, window_bounds = array<i64: 1, 1, 1280>}, {transform_indices = @transform_1, window_bounds = array<i64: 1, 1, 1280>}, {transform_indices = @transform_2, window_bounds = array<i64: 1, 1, 1280>}, {transform_indices = @transform_3, window_bounds = array<i64: 1, 128, 1>}, {transform_indices = @transform_4, window_bounds = array<i64: 1, 128, 1>}, {transform_indices = @transform_5, window_bounds = array<i64: 1, 128, 1>}, {transform_indices = @transform_6, window_bounds = array<i64: 1, 128, 16>}]} {
    %get3A = arith.constant 0 : index
    %get3A_0 = arith.constant 0 : index
    %get3A_1 = arith.constant 0 : index
    %get3A_2 = vector.load %arg2[%get3A, %get3A_0, %get3A_1] : memref<1x1x1280xf32, #tpu.memory_space<vmem>>, vector<1x1x1280xf32>
    %get3A_3 = vector.shape_cast %get3A_2 : vector<1x1x1280xf32> to vector<1x1280xf32>
    %get3A_4 = arith.constant 0 : index
    %get3A_5 = arith.constant 0 : index
    %get3A_6 = arith.constant 0 : index
    %get3A_7 = vector.load %arg3[%get3A_4, %get3A_5, %get3A_6] : memref<1x1x1280xf32, #tpu.memory_space<vmem>>, vector<1x1x1280xf32>
    %get3A_8 = vector.shape_cast %get3A_7 : vector<1x1x1280xf32> to vector<1x1280xf32>
    %get3A_9 = arith.constant 0 : index
    %get3A_10 = arith.constant 0 : index
    %get3A_11 = arith.constant 0 : index
    %get3A_12 = vector.load %arg4[%get3A_9, %get3A_10, %get3A_11] : memref<1x1x1280xf32, #tpu.memory_space<vmem>>, vector<1x1x1280xf32>
    %get3A_13 = vector.shape_cast %get3A_12 : vector<1x1x1280xf32> to vector<1x1280xf32>
    %get3A_14 = arith.constant 0 : index
    %get3A_15 = arith.constant 0 : index
    %get3A_16 = arith.constant 0 : index
    %get3A_17 = vector.load %arg5[%get3A_14, %get3A_15, %get3A_16] : memref<1x128x1xf32, #tpu.memory_space<vmem>>, vector<1x128x1xf32>
    %get3A_18 = vector.shape_cast %get3A_17 : vector<1x128x1xf32> to vector<128x1xf32>
    %get3A_19 = arith.constant 0 : index
    %get3A_20 = arith.constant 0 : index
    %get3A_21 = arith.constant 0 : index
    %get3A_22 = vector.load %arg6[%get3A_19, %get3A_20, %get3A_21] : memref<1x128x1xf32, #tpu.memory_space<vmem>>, vector<1x128x1xf32>
    %get3A_23 = vector.shape_cast %get3A_22 : vector<1x128x1xf32> to vector<128x1xf32>
    %get3A_24 = arith.constant 0 : index
    %get3A_25 = arith.constant 0 : index
    %get3A_26 = arith.constant 0 : index
    %get3A_27 = vector.load %arg7[%get3A_24, %get3A_25, %get3A_26] : memref<1x128x1xf32, #tpu.memory_space<vmem>>, vector<1x128x1xf32>
    %get3A_28 = vector.shape_cast %get3A_27 : vector<1x128x1xf32> to vector<128x1xf32>
    %convert_element_type3A = arith.truncf %get3A_3 : vector<1x1280xf32> to vector<1x1280xbf16>
    %convert_element_type3A_29 = arith.extf %convert_element_type3A : vector<1x1280xbf16> to vector<1x1280xf32>
    %convert_element_type3A_30 = arith.truncf %get3A_8 : vector<1x1280xf32> to vector<1x1280xbf16>
    %convert_element_type3A_31 = arith.extf %convert_element_type3A_30 : vector<1x1280xbf16> to vector<1x1280xf32>
    %convert_element_type3A_32 = arith.truncf %get3A_13 : vector<1x1280xf32> to vector<1x1280xbf16>
    %convert_element_type3A_33 = arith.extf %convert_element_type3A_32 : vector<1x1280xbf16> to vector<1x1280xf32>
    %convert_element_type3A_34 = arith.truncf %get3A_18 : vector<128x1xf32> to vector<128x1xbf16>
    %convert_element_type3A_35 = arith.extf %convert_element_type3A_34 : vector<128x1xbf16> to vector<128x1xf32>
    %convert_element_type3A_36 = arith.truncf %get3A_23 : vector<128x1xf32> to vector<128x1xbf16>
    %convert_element_type3A_37 = arith.extf %convert_element_type3A_36 : vector<128x1xbf16> to vector<128x1xf32>
    %convert_element_type3A_38 = arith.truncf %get3A_28 : vector<128x1xf32> to vector<128x1xbf16>
    %convert_element_type3A_39 = arith.extf %convert_element_type3A_38 : vector<128x1xbf16> to vector<128x1xf32>
    %mul3A = vector.broadcast %convert_element_type3A_35 : vector<128x1xf32> to vector<128x1280xf32>
    %mul3A_40 = vector.broadcast %convert_element_type3A_29 : vector<1x1280xf32> to vector<128x1280xf32>
    %mul3A_41 = arith.mulf %mul3A, %mul3A_40 : vector<128x1280xf32>
    %mul3A_42 = vector.broadcast %convert_element_type3A_37 : vector<128x1xf32> to vector<128x1280xf32>
    %mul3A_43 = vector.broadcast %convert_element_type3A_31 : vector<1x1280xf32> to vector<128x1280xf32>
    %mul3A_44 = arith.mulf %mul3A_42, %mul3A_43 : vector<128x1280xf32>
    %add3A = arith.addf %mul3A_41, %mul3A_44 : vector<128x1280xf32>
    %mul3A_45 = vector.broadcast %convert_element_type3A_39 : vector<128x1xf32> to vector<128x1280xf32>
    %mul3A_46 = vector.broadcast %convert_element_type3A_33 : vector<1x1280xf32> to vector<128x1280xf32>
    %mul3A_47 = arith.mulf %mul3A_45, %mul3A_46 : vector<128x1280xf32>
    %add3A_48 = arith.addf %add3A, %mul3A_47 : vector<128x1280xf32>
    %mul3A_49 = arith.constant -2.000000e+00 : f32
    %mul3A_50 = vector.broadcast %mul3A_49 : f32 to vector<128x1280xf32>
    %mul3A_51 = arith.mulf %mul3A_50, %add3A_48 : vector<128x1280xf32>
    %mul3A_52 = arith.mulf %get3A_18, %get3A_18 : vector<128x1xf32>
    %mul3A_53 = arith.mulf %get3A_23, %get3A_23 : vector<128x1xf32>
    %add3A_54 = arith.addf %mul3A_52, %mul3A_53 : vector<128x1xf32>
    %mul3A_55 = arith.mulf %get3A_28, %get3A_28 : vector<128x1xf32>
    %add3A_56 = arith.addf %add3A_54, %mul3A_55 : vector<128x1xf32>
    %add3A_57 = vector.broadcast %add3A_56 : vector<128x1xf32> to vector<128x1280xf32>
    %add3A_58 = arith.addf %mul3A_51, %add3A_57 : vector<128x1280xf32>
    %mul3A_59 = arith.mulf %get3A_3, %get3A_3 : vector<1x1280xf32>
    %mul3A_60 = arith.mulf %get3A_8, %get3A_8 : vector<1x1280xf32>
    %add3A_61 = arith.addf %mul3A_59, %mul3A_60 : vector<1x1280xf32>
    %mul3A_62 = arith.mulf %get3A_13, %get3A_13 : vector<1x1280xf32>
    %add3A_63 = arith.addf %add3A_61, %mul3A_62 : vector<1x1280xf32>
    %add3A_64 = vector.broadcast %add3A_63 : vector<1x1280xf32> to vector<128x1280xf32>
    %add3A_65 = arith.addf %add3A_58, %add3A_64 : vector<128x1280xf32>
    %iota3A = tpu.iota {dimensions = array<i32: 1>} : vector<128x1280xi32>
    %le3A = arith.constant 1.600000e-01 : f32
    %le3A_66 = vector.broadcast %le3A : f32 to vector<128x1280xf32>
    %le3A_67 = arith.cmpf ole, %add3A_65, %le3A_66 : vector<128x1280xf32>
    %jit3A = arith.constant 1180 : i32
    %broadcast_in_dim3A = vector.broadcast %jit3A : i32 to vector<128x1280xi32>
    %select_n3A = arith.select %le3A_67, %iota3A, %broadcast_in_dim3A : vector<128x1280xi1>, vector<128x1280xi32>
    %reduce_min3A = arith.constant dense<2147483647> : vector<128xi32>
    %reduce_min3A_68 = vector.multi_reduction <minsi>, %select_n3A, %reduce_min3A [1] : vector<128x1280xi32> to vector<128xi32>
    %broadcast_in_dim3A_69 = vector.shape_cast %reduce_min3A_68 : vector<128xi32> to vector<128x1xi32>
    %eq3A = vector.broadcast %broadcast_in_dim3A_69 : vector<128x1xi32> to vector<128x1280xi32>
    %eq3A_70 = arith.cmpi eq, %select_n3A, %eq3A : vector<128x1280xi32>
    %jit3A_71 = arith.constant 1180 : i32
    %broadcast_in_dim3A_72 = vector.broadcast %jit3A_71 : i32 to vector<128x1280xi32>
    %select_n3A_73 = arith.select %eq3A_70, %broadcast_in_dim3A_72, %select_n3A : vector<128x1280xi1>, vector<128x1280xi32>
    %reduce_min3A_74 = arith.constant dense<2147483647> : vector<128xi32>
    %reduce_min3A_75 = vector.multi_reduction <minsi>, %select_n3A_73, %reduce_min3A_74 [1] : vector<128x1280xi32> to vector<128xi32>
    %broadcast_in_dim3A_76 = vector.shape_cast %reduce_min3A_75 : vector<128xi32> to vector<128x1xi32>
    %eq3A_77 = vector.broadcast %broadcast_in_dim3A_76 : vector<128x1xi32> to vector<128x1280xi32>
    %eq3A_78 = arith.cmpi eq, %select_n3A_73, %eq3A_77 : vector<128x1280xi32>
    %jit3A_79 = arith.constant 1180 : i32
    %broadcast_in_dim3A_80 = vector.broadcast %jit3A_79 : i32 to vector<128x1280xi32>
    %select_n3A_81 = arith.select %eq3A_78, %broadcast_in_dim3A_80, %select_n3A_73 : vector<128x1280xi1>, vector<128x1280xi32>
    %reduce_min3A_82 = arith.constant dense<2147483647> : vector<128xi32>
    %reduce_min3A_83 = vector.multi_reduction <minsi>, %select_n3A_81, %reduce_min3A_82 [1] : vector<128x1280xi32> to vector<128xi32>
    %broadcast_in_dim3A_84 = vector.shape_cast %reduce_min3A_83 : vector<128xi32> to vector<128x1xi32>
    %eq3A_85 = vector.broadcast %broadcast_in_dim3A_84 : vector<128x1xi32> to vector<128x1280xi32>
    %eq3A_86 = arith.cmpi eq, %select_n3A_81, %eq3A_85 : vector<128x1280xi32>
    %jit3A_87 = arith.constant 1180 : i32
    %broadcast_in_dim3A_88 = vector.broadcast %jit3A_87 : i32 to vector<128x1280xi32>
    %select_n3A_89 = arith.select %eq3A_86, %broadcast_in_dim3A_88, %select_n3A_81 : vector<128x1280xi1>, vector<128x1280xi32>
    %reduce_min3A_90 = arith.constant dense<2147483647> : vector<128xi32>
    %reduce_min3A_91 = vector.multi_reduction <minsi>, %select_n3A_89, %reduce_min3A_90 [1] : vector<128x1280xi32> to vector<128xi32>
    %broadcast_in_dim3A_92 = vector.shape_cast %reduce_min3A_91 : vector<128xi32> to vector<128x1xi32>
    %eq3A_93 = vector.broadcast %broadcast_in_dim3A_92 : vector<128x1xi32> to vector<128x1280xi32>
    %eq3A_94 = arith.cmpi eq, %select_n3A_89, %eq3A_93 : vector<128x1280xi32>
    %jit3A_95 = arith.constant 1180 : i32
    %broadcast_in_dim3A_96 = vector.broadcast %jit3A_95 : i32 to vector<128x1280xi32>
    %select_n3A_97 = arith.select %eq3A_94, %broadcast_in_dim3A_96, %select_n3A_89 : vector<128x1280xi1>, vector<128x1280xi32>
    %reduce_min3A_98 = arith.constant dense<2147483647> : vector<128xi32>
    %reduce_min3A_99 = vector.multi_reduction <minsi>, %select_n3A_97, %reduce_min3A_98 [1] : vector<128x1280xi32> to vector<128xi32>
    %broadcast_in_dim3A_100 = vector.shape_cast %reduce_min3A_99 : vector<128xi32> to vector<128x1xi32>
    %eq3A_101 = vector.broadcast %broadcast_in_dim3A_100 : vector<128x1xi32> to vector<128x1280xi32>
    %eq3A_102 = arith.cmpi eq, %select_n3A_97, %eq3A_101 : vector<128x1280xi32>
    %jit3A_103 = arith.constant 1180 : i32
    %broadcast_in_dim3A_104 = vector.broadcast %jit3A_103 : i32 to vector<128x1280xi32>
    %select_n3A_105 = arith.select %eq3A_102, %broadcast_in_dim3A_104, %select_n3A_97 : vector<128x1280xi1>, vector<128x1280xi32>
    %reduce_min3A_106 = arith.constant dense<2147483647> : vector<128xi32>
    %reduce_min3A_107 = vector.multi_reduction <minsi>, %select_n3A_105, %reduce_min3A_106 [1] : vector<128x1280xi32> to vector<128xi32>
    %broadcast_in_dim3A_108 = vector.shape_cast %reduce_min3A_107 : vector<128xi32> to vector<128x1xi32>
    %eq3A_109 = vector.broadcast %broadcast_in_dim3A_108 : vector<128x1xi32> to vector<128x1280xi32>
    %eq3A_110 = arith.cmpi eq, %select_n3A_105, %eq3A_109 : vector<128x1280xi32>
    %jit3A_111 = arith.constant 1180 : i32
    %broadcast_in_dim3A_112 = vector.broadcast %jit3A_111 : i32 to vector<128x1280xi32>
    %select_n3A_113 = arith.select %eq3A_110, %broadcast_in_dim3A_112, %select_n3A_105 : vector<128x1280xi1>, vector<128x1280xi32>
    %reduce_min3A_114 = arith.constant dense<2147483647> : vector<128xi32>
    %reduce_min3A_115 = vector.multi_reduction <minsi>, %select_n3A_113, %reduce_min3A_114 [1] : vector<128x1280xi32> to vector<128xi32>
    %broadcast_in_dim3A_116 = vector.shape_cast %reduce_min3A_115 : vector<128xi32> to vector<128x1xi32>
    %eq3A_117 = vector.broadcast %broadcast_in_dim3A_116 : vector<128x1xi32> to vector<128x1280xi32>
    %eq3A_118 = arith.cmpi eq, %select_n3A_113, %eq3A_117 : vector<128x1280xi32>
    %jit3A_119 = arith.constant 1180 : i32
    %broadcast_in_dim3A_120 = vector.broadcast %jit3A_119 : i32 to vector<128x1280xi32>
    %select_n3A_121 = arith.select %eq3A_118, %broadcast_in_dim3A_120, %select_n3A_113 : vector<128x1280xi1>, vector<128x1280xi32>
    %reduce_min3A_122 = arith.constant dense<2147483647> : vector<128xi32>
    %reduce_min3A_123 = vector.multi_reduction <minsi>, %select_n3A_121, %reduce_min3A_122 [1] : vector<128x1280xi32> to vector<128xi32>
    %broadcast_in_dim3A_124 = vector.shape_cast %reduce_min3A_123 : vector<128xi32> to vector<128x1xi32>
    %eq3A_125 = vector.broadcast %broadcast_in_dim3A_124 : vector<128x1xi32> to vector<128x1280xi32>
    %eq3A_126 = arith.cmpi eq, %select_n3A_121, %eq3A_125 : vector<128x1280xi32>
    %jit3A_127 = arith.constant 1180 : i32
    %broadcast_in_dim3A_128 = vector.broadcast %jit3A_127 : i32 to vector<128x1280xi32>
    %select_n3A_129 = arith.select %eq3A_126, %broadcast_in_dim3A_128, %select_n3A_121 : vector<128x1280xi1>, vector<128x1280xi32>
    %reduce_min3A_130 = arith.constant dense<2147483647> : vector<128xi32>
    %reduce_min3A_131 = vector.multi_reduction <minsi>, %select_n3A_129, %reduce_min3A_130 [1] : vector<128x1280xi32> to vector<128xi32>
    %broadcast_in_dim3A_132 = vector.shape_cast %reduce_min3A_131 : vector<128xi32> to vector<128x1xi32>
    %eq3A_133 = vector.broadcast %broadcast_in_dim3A_132 : vector<128x1xi32> to vector<128x1280xi32>
    %eq3A_134 = arith.cmpi eq, %select_n3A_129, %eq3A_133 : vector<128x1280xi32>
    %jit3A_135 = arith.constant 1180 : i32
    %broadcast_in_dim3A_136 = vector.broadcast %jit3A_135 : i32 to vector<128x1280xi32>
    %select_n3A_137 = arith.select %eq3A_134, %broadcast_in_dim3A_136, %select_n3A_129 : vector<128x1280xi1>, vector<128x1280xi32>
    %reduce_min3A_138 = arith.constant dense<2147483647> : vector<128xi32>
    %reduce_min3A_139 = vector.multi_reduction <minsi>, %select_n3A_137, %reduce_min3A_138 [1] : vector<128x1280xi32> to vector<128xi32>
    %broadcast_in_dim3A_140 = vector.shape_cast %reduce_min3A_139 : vector<128xi32> to vector<128x1xi32>
    %eq3A_141 = vector.broadcast %broadcast_in_dim3A_140 : vector<128x1xi32> to vector<128x1280xi32>
    %eq3A_142 = arith.cmpi eq, %select_n3A_137, %eq3A_141 : vector<128x1280xi32>
    %jit3A_143 = arith.constant 1180 : i32
    %broadcast_in_dim3A_144 = vector.broadcast %jit3A_143 : i32 to vector<128x1280xi32>
    %select_n3A_145 = arith.select %eq3A_142, %broadcast_in_dim3A_144, %select_n3A_137 : vector<128x1280xi1>, vector<128x1280xi32>
    %reduce_min3A_146 = arith.constant dense<2147483647> : vector<128xi32>
    %reduce_min3A_147 = vector.multi_reduction <minsi>, %select_n3A_145, %reduce_min3A_146 [1] : vector<128x1280xi32> to vector<128xi32>
    %broadcast_in_dim3A_148 = vector.shape_cast %reduce_min3A_147 : vector<128xi32> to vector<128x1xi32>
    %eq3A_149 = vector.broadcast %broadcast_in_dim3A_148 : vector<128x1xi32> to vector<128x1280xi32>
    %eq3A_150 = arith.cmpi eq, %select_n3A_145, %eq3A_149 : vector<128x1280xi32>
    %jit3A_151 = arith.constant 1180 : i32
    %broadcast_in_dim3A_152 = vector.broadcast %jit3A_151 : i32 to vector<128x1280xi32>
    %select_n3A_153 = arith.select %eq3A_150, %broadcast_in_dim3A_152, %select_n3A_145 : vector<128x1280xi1>, vector<128x1280xi32>
    %reduce_min3A_154 = arith.constant dense<2147483647> : vector<128xi32>
    %reduce_min3A_155 = vector.multi_reduction <minsi>, %select_n3A_153, %reduce_min3A_154 [1] : vector<128x1280xi32> to vector<128xi32>
    %broadcast_in_dim3A_156 = vector.shape_cast %reduce_min3A_155 : vector<128xi32> to vector<128x1xi32>
    %eq3A_157 = vector.broadcast %broadcast_in_dim3A_156 : vector<128x1xi32> to vector<128x1280xi32>
    %eq3A_158 = arith.cmpi eq, %select_n3A_153, %eq3A_157 : vector<128x1280xi32>
    %jit3A_159 = arith.constant 1180 : i32
    %broadcast_in_dim3A_160 = vector.broadcast %jit3A_159 : i32 to vector<128x1280xi32>
    %select_n3A_161 = arith.select %eq3A_158, %broadcast_in_dim3A_160, %select_n3A_153 : vector<128x1280xi1>, vector<128x1280xi32>
    %reduce_min3A_162 = arith.constant dense<2147483647> : vector<128xi32>
    %reduce_min3A_163 = vector.multi_reduction <minsi>, %select_n3A_161, %reduce_min3A_162 [1] : vector<128x1280xi32> to vector<128xi32>
    %broadcast_in_dim3A_164 = vector.shape_cast %reduce_min3A_163 : vector<128xi32> to vector<128x1xi32>
    %eq3A_165 = vector.broadcast %broadcast_in_dim3A_164 : vector<128x1xi32> to vector<128x1280xi32>
    %eq3A_166 = arith.cmpi eq, %select_n3A_161, %eq3A_165 : vector<128x1280xi32>
    %jit3A_167 = arith.constant 1180 : i32
    %broadcast_in_dim3A_168 = vector.broadcast %jit3A_167 : i32 to vector<128x1280xi32>
    %select_n3A_169 = arith.select %eq3A_166, %broadcast_in_dim3A_168, %select_n3A_161 : vector<128x1280xi1>, vector<128x1280xi32>
    %reduce_min3A_170 = arith.constant dense<2147483647> : vector<128xi32>
    %reduce_min3A_171 = vector.multi_reduction <minsi>, %select_n3A_169, %reduce_min3A_170 [1] : vector<128x1280xi32> to vector<128xi32>
    %broadcast_in_dim3A_172 = vector.shape_cast %reduce_min3A_171 : vector<128xi32> to vector<128x1xi32>
    %eq3A_173 = vector.broadcast %broadcast_in_dim3A_172 : vector<128x1xi32> to vector<128x1280xi32>
    %eq3A_174 = arith.cmpi eq, %select_n3A_169, %eq3A_173 : vector<128x1280xi32>
    %jit3A_175 = arith.constant 1180 : i32
    %broadcast_in_dim3A_176 = vector.broadcast %jit3A_175 : i32 to vector<128x1280xi32>
    %select_n3A_177 = arith.select %eq3A_174, %broadcast_in_dim3A_176, %select_n3A_169 : vector<128x1280xi1>, vector<128x1280xi32>
    %reduce_min3A_178 = arith.constant dense<2147483647> : vector<128xi32>
    %reduce_min3A_179 = vector.multi_reduction <minsi>, %select_n3A_177, %reduce_min3A_178 [1] : vector<128x1280xi32> to vector<128xi32>
    %broadcast_in_dim3A_180 = vector.shape_cast %reduce_min3A_179 : vector<128xi32> to vector<128x1xi32>
    %eq3A_181 = vector.broadcast %broadcast_in_dim3A_180 : vector<128x1xi32> to vector<128x1280xi32>
    %eq3A_182 = arith.cmpi eq, %select_n3A_177, %eq3A_181 : vector<128x1280xi32>
    %jit3A_183 = arith.constant 1180 : i32
    %broadcast_in_dim3A_184 = vector.broadcast %jit3A_183 : i32 to vector<128x1280xi32>
    %select_n3A_185 = arith.select %eq3A_182, %broadcast_in_dim3A_184, %select_n3A_177 : vector<128x1280xi1>, vector<128x1280xi32>
    %reduce_min3A_186 = arith.constant dense<2147483647> : vector<128xi32>
    %reduce_min3A_187 = vector.multi_reduction <minsi>, %select_n3A_185, %reduce_min3A_186 [1] : vector<128x1280xi32> to vector<128xi32>
    %broadcast_in_dim3A_188 = vector.shape_cast %reduce_min3A_187 : vector<128xi32> to vector<128x1xi32>
    %concatenate3A = tpu.concatenate %broadcast_in_dim3A_69, %broadcast_in_dim3A_76, %broadcast_in_dim3A_84, %broadcast_in_dim3A_92, %broadcast_in_dim3A_100, %broadcast_in_dim3A_108, %broadcast_in_dim3A_116, %broadcast_in_dim3A_124, %broadcast_in_dim3A_132, %broadcast_in_dim3A_140, %broadcast_in_dim3A_148, %broadcast_in_dim3A_156, %broadcast_in_dim3A_164, %broadcast_in_dim3A_172, %broadcast_in_dim3A_180, %broadcast_in_dim3A_188 in 1 : vector<128x1xi32>, vector<128x1xi32>, vector<128x1xi32>, vector<128x1xi32>, vector<128x1xi32>, vector<128x1xi32>, vector<128x1xi32>, vector<128x1xi32>, vector<128x1xi32>, vector<128x1xi32>, vector<128x1xi32>, vector<128x1xi32>, vector<128x1xi32>, vector<128x1xi32>, vector<128x1xi32>, vector<128x1xi32> -> vector<128x16xi32>
    %slice3A = vector.extract_strided_slice %concatenate3A {offsets = [0, 0], sizes = [128, 1], strides = [1, 1]} : vector<128x16xi32> to vector<128x1xi32>
    %eq3A_189 = arith.constant 1180 : i32
    %eq3A_190 = vector.broadcast %eq3A_189 : i32 to vector<128x16xi32>
    %eq3A_191 = arith.cmpi eq, %concatenate3A, %eq3A_190 : vector<128x16xi32>
    %broadcast_in_dim3A_192 = vector.shape_cast %slice3A : vector<128x1xi32> to vector<128x1xi32>
    %broadcast_in_dim3A_193 = vector.broadcast %broadcast_in_dim3A_192 : vector<128x1xi32> to vector<128x16xi32>
    %select_n3A_194 = arith.select %eq3A_191, %broadcast_in_dim3A_193, %concatenate3A : vector<128x16xi1>, vector<128x16xi32>
    %swap3A = arith.constant 0 : index
    %swap3A_195 = arith.constant 0 : index
    %swap3A_196 = arith.constant 0 : index
    %swap3A_197 = vector.load %arg8[%swap3A, %swap3A_195, %swap3A_196] : memref<1x128x16xi32, #tpu.memory_space<vmem>>, vector<1x128x16xi32>
    %swap3A_198 = vector.shape_cast %swap3A_197 : vector<1x128x16xi32> to vector<128x16xi32>
    %swap3A_199 = vector.shape_cast %select_n3A_194 : vector<128x16xi32> to vector<1x128x16xi32>
    tpu.vector_store %arg8[%swap3A, %swap3A_195, %swap3A_196], %swap3A_199 {strides = array<i32>} : memref<1x128x16xi32, #tpu.memory_space<vmem>>, vector<1x128x16xi32>,
    return
  }
  func.func @transform_0(%arg0: i32, %arg1: i32) -> (i32, i32, i32) {
    %c0_i32 = arith.constant 0 : i32
    %c0_i32_0 = arith.constant 0 : i32
    %c0_i32_1 = arith.constant 0 : i32
    return %arg0, %c0_i32, %c0_i32_0 : i32, i32, i32
  }
  func.func @transform_1(%arg0: i32, %arg1: i32) -> (i32, i32, i32) {
    %c0_i32 = arith.constant 0 : i32
    %c0_i32_0 = arith.constant 0 : i32
    %c0_i32_1 = arith.constant 0 : i32
    return %arg0, %c0_i32, %c0_i32_0 : i32, i32, i32
  }
  func.func @transform_2(%arg0: i32, %arg1: i32) -> (i32, i32, i32) {
    %c0_i32 = arith.constant 0 : i32
    %c0_i32_0 = arith.constant 0 : i32
    %c0_i32_1 = arith.constant 0 : i32
    return %arg0, %c0_i32, %c0_i32_0 : i32, i32, i32
  }
  func.func @transform_3(%arg0: i32, %arg1: i32) -> (i32, i32, i32) {
    %c0_i32 = arith.constant 0 : i32
    %c0_i32_0 = arith.constant 0 : i32
    return %arg0, %arg1, %c0_i32 : i32, i32, i32
  }
  func.func @transform_4(%arg0: i32, %arg1: i32) -> (i32, i32, i32) {
    %c0_i32 = arith.constant 0 : i32
    %c0_i32_0 = arith.constant 0 : i32
    return %arg0, %arg1, %c0_i32 : i32, i32, i32
  }
  func.func @transform_5(%arg0: i32, %arg1: i32) -> (i32, i32, i32) {
    %c0_i32 = arith.constant 0 : i32
    %c0_i32_0 = arith.constant 0 : i32
    return %arg0, %arg1, %c0_i32 : i32, i32, i32
  }
  func.func @transform_6(%arg0: i32, %arg1: i32) -> (i32, i32, i32) {
    %c0_i32 = arith.constant 0 : i32
    %c0_i32_0 = arith.constant 0 : i32
    return %arg0, %arg1, %c0_i32 : i32, i32, i32
  }
}

module attributes {stable_mosaic.version = 14 : i64} {
  func.func @body(%arg0: i32, %arg1: memref<1x18880x128xf32, #tpu.memory_space<vmem>>, %arg2: memref<1x1180x128xf32, #tpu.memory_space<vmem>>, %arg3: memref<128x32xf32, #tpu.memory_space<vmem>>, %arg4: memref<1x32xf32, #tpu.memory_space<vmem>>, %arg5: memref<1x32xf32, #tpu.memory_space<vmem>>, %arg6: memref<1x32xf32, #tpu.memory_space<vmem>>, %arg7: memref<32x32xf32, #tpu.memory_space<vmem>>, %arg8: memref<1x32xf32, #tpu.memory_space<vmem>>, %arg9: memref<1x32xf32, #tpu.memory_space<vmem>>, %arg10: memref<1x32xf32, #tpu.memory_space<vmem>>, %arg11: memref<32x64xf32, #tpu.memory_space<vmem>>, %arg12: memref<1x64xf32, #tpu.memory_space<vmem>>, %arg13: memref<1x64xf32, #tpu.memory_space<vmem>>, %arg14: memref<1x64xf32, #tpu.memory_space<vmem>>, %arg15: memref<1x1180x64xf32, #tpu.memory_space<vmem>>) attributes {dimension_semantics = [#tpu.dimension_semantics<arbitrary>], iteration_bounds = array<i64: 8>, scalar_prefetch = 0 : i64, scratch_operands = 0 : i64, tpu.core_type = #tpu.core_type<tc>, window_params = [{transform_indices = @transform_0, window_bounds = array<i64: 1, 18880, 128>}, {transform_indices = @transform_1, window_bounds = array<i64: 1, 1180, 128>}, {pipeline_mode = #tpu.pipeline_mode<synchronous>, transform_indices = @transform_2, window_bounds = array<i64: 128, 32>}, {pipeline_mode = #tpu.pipeline_mode<synchronous>, transform_indices = @transform_3, window_bounds = array<i64: 1, 32>}, {pipeline_mode = #tpu.pipeline_mode<synchronous>, transform_indices = @transform_4, window_bounds = array<i64: 1, 32>}, {pipeline_mode = #tpu.pipeline_mode<synchronous>, transform_indices = @transform_5, window_bounds = array<i64: 1, 32>}, {pipeline_mode = #tpu.pipeline_mode<synchronous>, transform_indices = @transform_6, window_bounds = array<i64: 32, 32>}, {pipeline_mode = #tpu.pipeline_mode<synchronous>, transform_indices = @transform_7, window_bounds = array<i64: 1, 32>}, {pipeline_mode = #tpu.pipeline_mode<synchronous>, transform_indices = @transform_8, window_bounds = array<i64: 1, 32>}, {pipeline_mode = #tpu.pipeline_mode<synchronous>, transform_indices = @transform_9, window_bounds = array<i64: 1, 32>}, {pipeline_mode = #tpu.pipeline_mode<synchronous>, transform_indices = @transform_10, window_bounds = array<i64: 32, 64>}, {pipeline_mode = #tpu.pipeline_mode<synchronous>, transform_indices = @transform_11, window_bounds = array<i64: 1, 64>}, {pipeline_mode = #tpu.pipeline_mode<synchronous>, transform_indices = @transform_12, window_bounds = array<i64: 1, 64>}, {pipeline_mode = #tpu.pipeline_mode<synchronous>, transform_indices = @transform_13, window_bounds = array<i64: 1, 64>}, {transform_indices = @transform_14, window_bounds = array<i64: 1, 1180, 64>}]} {
    %get3A = arith.constant 0 : index
    %get3A_0 = arith.constant 0 : index
    %get3A_1 = arith.constant 0 : index
    %get3A_2 = vector.load %arg1[%get3A, %get3A_0, %get3A_1] : memref<1x18880x128xf32, #tpu.memory_space<vmem>>, vector<1x18880x128xf32>
    %get3A_3 = vector.shape_cast %get3A_2 : vector<1x18880x128xf32> to vector<18880x128xf32>
    %get3A_4 = arith.constant 0 : index
    %get3A_5 = arith.constant 0 : index
    %get3A_6 = arith.constant 0 : index
    %get3A_7 = vector.load %arg2[%get3A_4, %get3A_5, %get3A_6] : memref<1x1180x128xf32, #tpu.memory_space<vmem>>, vector<1x1180x128xf32>
    %get3A_8 = vector.shape_cast %get3A_7 : vector<1x1180x128xf32> to vector<1180x128xf32>
    %reshape3A = vector.shape_cast %get3A_3 : vector<18880x128xf32> to vector<1180x16x128xf32>
    %broadcast_in_dim3A = vector.shape_cast %get3A_8 : vector<1180x128xf32> to vector<1180x1x128xf32>
    %sub3A = vector.broadcast %broadcast_in_dim3A : vector<1180x1x128xf32> to vector<1180x16x128xf32>
    %sub3A_9 = arith.subf %reshape3A, %sub3A : vector<1180x16x128xf32>
    %reshape3A_10 = vector.shape_cast %sub3A_9 : vector<1180x16x128xf32> to vector<18880x128xf32>
    %get3A_11 = arith.constant 0 : index
    %get3A_12 = arith.constant 0 : index
    %get3A_13 = vector.load %arg3[%get3A_11, %get3A_12] : memref<128x32xf32, #tpu.memory_space<vmem>>, vector<128x32xf32>
    %get3A_14 = arith.constant 0 : index
    %get3A_15 = arith.constant 0 : index
    %get3A_16 = vector.load %arg4[%get3A_14, %get3A_15] : memref<1x32xf32, #tpu.memory_space<vmem>>, vector<1x32xf32>
    %get3A_17 = arith.constant 0 : index
    %get3A_18 = arith.constant 0 : index
    %get3A_19 = vector.load %arg5[%get3A_17, %get3A_18] : memref<1x32xf32, #tpu.memory_space<vmem>>, vector<1x32xf32>
    %get3A_20 = arith.constant 0 : index
    %get3A_21 = arith.constant 0 : index
    %get3A_22 = vector.load %arg6[%get3A_20, %get3A_21] : memref<1x32xf32, #tpu.memory_space<vmem>>, vector<1x32xf32>
    %convert_element_type3A = arith.truncf %reshape3A_10 : vector<18880x128xf32> to vector<18880x128xbf16>
    %convert_element_type3A_23 = arith.truncf %get3A_13 : vector<128x32xf32> to vector<128x32xbf16>
    %dot_general3A = arith.constant dense<0.000000e+00> : vector<18880x32xf32>
    %dot_general3A_24 = tpu.matmul %convert_element_type3A, %convert_element_type3A_23, %dot_general3A {dimension_numbers = #tpu.dot_dimension_numbers<[1], [0], [0], [1], [0, 0, 1, 1], [], []>, transpose_lhs_hint = false} : vector<18880x128xbf16>, vector<128x32xbf16>, vector<18880x32xf32> -> vector<18880x32xf32>
    %add3A = vector.broadcast %get3A_16 : vector<1x32xf32> to vector<18880x32xf32>
    %add3A_25 = arith.addf %dot_general3A_24, %add3A : vector<18880x32xf32>
    %mul3A = vector.broadcast %get3A_19 : vector<1x32xf32> to vector<18880x32xf32>
    %mul3A_26 = arith.mulf %mul3A, %add3A_25 : vector<18880x32xf32>
    %div3A = arith.constant 1.00000501 : f32
    %div3A_27 = vector.broadcast %div3A : f32 to vector<18880x32xf32>
    %div3A_28 = arith.divf %mul3A_26, %div3A_27 : vector<18880x32xf32>
    %add3A_29 = vector.broadcast %get3A_22 : vector<1x32xf32> to vector<18880x32xf32>
    %add3A_30 = arith.addf %div3A_28, %add3A_29 : vector<18880x32xf32>
    %max3A = arith.constant 0.000000e+00 : f32
    %max3A_31 = vector.broadcast %max3A : f32 to vector<18880x32xf32>
    %max3A_32 = arith.maximumf %add3A_30, %max3A_31 : vector<18880x32xf32>
    %get3A_33 = arith.constant 0 : index
    %get3A_34 = arith.constant 0 : index
    %get3A_35 = vector.load %arg7[%get3A_33, %get3A_34] : memref<32x32xf32, #tpu.memory_space<vmem>>, vector<32x32xf32>
    %get3A_36 = arith.constant 0 : index
    %get3A_37 = arith.constant 0 : index
    %get3A_38 = vector.load %arg8[%get3A_36, %get3A_37] : memref<1x32xf32, #tpu.memory_space<vmem>>, vector<1x32xf32>
    %get3A_39 = arith.constant 0 : index
    %get3A_40 = arith.constant 0 : index
    %get3A_41 = vector.load %arg9[%get3A_39, %get3A_40] : memref<1x32xf32, #tpu.memory_space<vmem>>, vector<1x32xf32>
    %get3A_42 = arith.constant 0 : index
    %get3A_43 = arith.constant 0 : index
    %get3A_44 = vector.load %arg10[%get3A_42, %get3A_43] : memref<1x32xf32, #tpu.memory_space<vmem>>, vector<1x32xf32>
    %convert_element_type3A_45 = arith.truncf %max3A_32 : vector<18880x32xf32> to vector<18880x32xbf16>
    %convert_element_type3A_46 = arith.truncf %get3A_35 : vector<32x32xf32> to vector<32x32xbf16>
    %dot_general3A_47 = arith.constant dense<0.000000e+00> : vector<18880x32xf32>
    %dot_general3A_48 = tpu.matmul %convert_element_type3A_45, %convert_element_type3A_46, %dot_general3A_47 {dimension_numbers = #tpu.dot_dimension_numbers<[1], [0], [0], [1], [0, 0, 1, 1], [], []>, transpose_lhs_hint = false} : vector<18880x32xbf16>, vector<32x32xbf16>, vector<18880x32xf32> -> vector<18880x32xf32>
    %add3A_49 = vector.broadcast %get3A_38 : vector<1x32xf32> to vector<18880x32xf32>
    %add3A_50 = arith.addf %dot_general3A_48, %add3A_49 : vector<18880x32xf32>
    %mul3A_51 = vector.broadcast %get3A_41 : vector<1x32xf32> to vector<18880x32xf32>
    %mul3A_52 = arith.mulf %mul3A_51, %add3A_50 : vector<18880x32xf32>
    %div3A_53 = arith.constant 1.00000501 : f32
    %div3A_54 = vector.broadcast %div3A_53 : f32 to vector<18880x32xf32>
    %div3A_55 = arith.divf %mul3A_52, %div3A_54 : vector<18880x32xf32>
    %add3A_56 = vector.broadcast %get3A_44 : vector<1x32xf32> to vector<18880x32xf32>
    %add3A_57 = arith.addf %div3A_55, %add3A_56 : vector<18880x32xf32>
    %max3A_58 = arith.constant 0.000000e+00 : f32
    %max3A_59 = vector.broadcast %max3A_58 : f32 to vector<18880x32xf32>
    %max3A_60 = arith.maximumf %add3A_57, %max3A_59 : vector<18880x32xf32>
    %get3A_61 = arith.constant 0 : index
    %get3A_62 = arith.constant 0 : index
    %get3A_63 = vector.load %arg11[%get3A_61, %get3A_62] : memref<32x64xf32, #tpu.memory_space<vmem>>, vector<32x64xf32>
    %get3A_64 = arith.constant 0 : index
    %get3A_65 = arith.constant 0 : index
    %get3A_66 = vector.load %arg12[%get3A_64, %get3A_65] : memref<1x64xf32, #tpu.memory_space<vmem>>, vector<1x64xf32>
    %get3A_67 = arith.constant 0 : index
    %get3A_68 = arith.constant 0 : index
    %get3A_69 = vector.load %arg13[%get3A_67, %get3A_68] : memref<1x64xf32, #tpu.memory_space<vmem>>, vector<1x64xf32>
    %get3A_70 = arith.constant 0 : index
    %get3A_71 = arith.constant 0 : index
    %get3A_72 = vector.load %arg14[%get3A_70, %get3A_71] : memref<1x64xf32, #tpu.memory_space<vmem>>, vector<1x64xf32>
    %convert_element_type3A_73 = arith.truncf %max3A_60 : vector<18880x32xf32> to vector<18880x32xbf16>
    %convert_element_type3A_74 = arith.truncf %get3A_63 : vector<32x64xf32> to vector<32x64xbf16>
    %dot_general3A_75 = arith.constant dense<0.000000e+00> : vector<18880x64xf32>
    %dot_general3A_76 = tpu.matmul %convert_element_type3A_73, %convert_element_type3A_74, %dot_general3A_75 {dimension_numbers = #tpu.dot_dimension_numbers<[1], [0], [0], [1], [0, 0, 1, 1], [], []>, transpose_lhs_hint = false} : vector<18880x32xbf16>, vector<32x64xbf16>, vector<18880x64xf32> -> vector<18880x64xf32>
    %add3A_77 = vector.broadcast %get3A_66 : vector<1x64xf32> to vector<18880x64xf32>
    %add3A_78 = arith.addf %dot_general3A_76, %add3A_77 : vector<18880x64xf32>
    %mul3A_79 = vector.broadcast %get3A_69 : vector<1x64xf32> to vector<18880x64xf32>
    %mul3A_80 = arith.mulf %mul3A_79, %add3A_78 : vector<18880x64xf32>
    %div3A_81 = arith.constant 1.00000501 : f32
    %div3A_82 = vector.broadcast %div3A_81 : f32 to vector<18880x64xf32>
    %div3A_83 = arith.divf %mul3A_80, %div3A_82 : vector<18880x64xf32>
    %add3A_84 = vector.broadcast %get3A_72 : vector<1x64xf32> to vector<18880x64xf32>
    %add3A_85 = arith.addf %div3A_83, %add3A_84 : vector<18880x64xf32>
    %max3A_86 = arith.constant 0.000000e+00 : f32
    %max3A_87 = vector.broadcast %max3A_86 : f32 to vector<18880x64xf32>
    %max3A_88 = arith.maximumf %add3A_85, %max3A_87 : vector<18880x64xf32>
    %reshape3A_89 = vector.shape_cast %max3A_88 : vector<18880x64xf32> to vector<1180x16x64xf32>
    %reduce_max3A = arith.constant dense<0xFF800000> : vector<1180x64xf32>
    %reduce_max3A_90 = vector.multi_reduction <maximumf>, %reshape3A_89, %reduce_max3A [1] : vector<1180x16x64xf32> to vector<1180x64xf32>
    %swap3A = arith.constant 0 : index
    %swap3A_91 = arith.constant 0 : index
    %swap3A_92 = arith.constant 0 : index
    %swap3A_93 = vector.load %arg15[%swap3A, %swap3A_91, %swap3A_92] : memref<1x1180x64xf32, #tpu.memory_space<vmem>>, vector<1x1180x64xf32>
    %swap3A_94 = vector.shape_cast %swap3A_93 : vector<1x1180x64xf32> to vector<1180x64xf32>
    %swap3A_95 = vector.shape_cast %reduce_max3A_90 : vector<1180x64xf32> to vector<1x1180x64xf32>
    tpu.vector_store %arg15[%swap3A, %swap3A_91, %swap3A_92], %swap3A_95 {strides = array<i32>} : memref<1x1180x64xf32, #tpu.memory_space<vmem>>, vector<1x1180x64xf32>,
    return
  }
  func.func @transform_0(%arg0: i32) -> (i32, i32, i32) {
    %c0_i32 = arith.constant 0 : i32
    %c0_i32_0 = arith.constant 0 : i32
    %c0_i32_1 = arith.constant 0 : i32
    return %arg0, %c0_i32, %c0_i32_0 : i32, i32, i32
  }
  func.func @transform_1(%arg0: i32) -> (i32, i32, i32) {
    %c0_i32 = arith.constant 0 : i32
    %c0_i32_0 = arith.constant 0 : i32
    %c0_i32_1 = arith.constant 0 : i32
    return %arg0, %c0_i32, %c0_i32_0 : i32, i32, i32
  }
  func.func @transform_2(%arg0: i32) -> (i32, i32) {
    %c0_i32 = arith.constant 0 : i32
    %c0_i32_0 = arith.constant 0 : i32
    %c0_i32_1 = arith.constant 0 : i32
    return %c0_i32, %c0_i32_0 : i32, i32
  }
  func.func @transform_3(%arg0: i32) -> (i32, i32) {
    %c0_i32 = arith.constant 0 : i32
    %c0_i32_0 = arith.constant 0 : i32
    %c0_i32_1 = arith.constant 0 : i32
    return %c0_i32, %c0_i32_0 : i32, i32
  }
  func.func @transform_4(%arg0: i32) -> (i32, i32) {
    %c0_i32 = arith.constant 0 : i32
    %c0_i32_0 = arith.constant 0 : i32
    %c0_i32_1 = arith.constant 0 : i32
    return %c0_i32, %c0_i32_0 : i32, i32
  }
  func.func @transform_5(%arg0: i32) -> (i32, i32) {
    %c0_i32 = arith.constant 0 : i32
    %c0_i32_0 = arith.constant 0 : i32
    %c0_i32_1 = arith.constant 0 : i32
    return %c0_i32, %c0_i32_0 : i32, i32
  }
  func.func @transform_6(%arg0: i32) -> (i32, i32) {
    %c0_i32 = arith.constant 0 : i32
    %c0_i32_0 = arith.constant 0 : i32
    %c0_i32_1 = arith.constant 0 : i32
    return %c0_i32, %c0_i32_0 : i32, i32
  }
  func.func @transform_7(%arg0: i32) -> (i32, i32) {
    %c0_i32 = arith.constant 0 : i32
    %c0_i32_0 = arith.constant 0 : i32
    %c0_i32_1 = arith.constant 0 : i32
    return %c0_i32, %c0_i32_0 : i32, i32
  }
  func.func @transform_8(%arg0: i32) -> (i32, i32) {
    %c0_i32 = arith.constant 0 : i32
    %c0_i32_0 = arith.constant 0 : i32
    %c0_i32_1 = arith.constant 0 : i32
    return %c0_i32, %c0_i32_0 : i32, i32
  }
  func.func @transform_9(%arg0: i32) -> (i32, i32) {
    %c0_i32 = arith.constant 0 : i32
    %c0_i32_0 = arith.constant 0 : i32
    %c0_i32_1 = arith.constant 0 : i32
    return %c0_i32, %c0_i32_0 : i32, i32
  }
  func.func @transform_10(%arg0: i32) -> (i32, i32) {
    %c0_i32 = arith.constant 0 : i32
    %c0_i32_0 = arith.constant 0 : i32
    %c0_i32_1 = arith.constant 0 : i32
    return %c0_i32, %c0_i32_0 : i32, i32
  }
  func.func @transform_11(%arg0: i32) -> (i32, i32) {
    %c0_i32 = arith.constant 0 : i32
    %c0_i32_0 = arith.constant 0 : i32
    %c0_i32_1 = arith.constant 0 : i32
    return %c0_i32, %c0_i32_0 : i32, i32
  }
  func.func @transform_12(%arg0: i32) -> (i32, i32) {
    %c0_i32 = arith.constant 0 : i32
    %c0_i32_0 = arith.constant 0 : i32
    %c0_i32_1 = arith.constant 0 : i32
    return %c0_i32, %c0_i32_0 : i32, i32
  }
  func.func @transform_13(%arg0: i32) -> (i32, i32) {
    %c0_i32 = arith.constant 0 : i32
    %c0_i32_0 = arith.constant 0 : i32
    %c0_i32_1 = arith.constant 0 : i32
    return %c0_i32, %c0_i32_0 : i32, i32
  }
  func.func @transform_14(%arg0: i32) -> (i32, i32, i32) {
    %c0_i32 = arith.constant 0 : i32
    %c0_i32_0 = arith.constant 0 : i32
    %c0_i32_1 = arith.constant 0 : i32
    return %arg0, %c0_i32, %c0_i32_0 : i32, i32, i32
  }
}

module attributes {stable_mosaic.version = 14 : i64} {
  func.func @body(%arg0: memref<8x384xf32, #tpu.memory_space<vmem>>, %arg1: memref<8x384xf32, #tpu.memory_space<vmem>>, %arg2: memref<8x384xf32, #tpu.memory_space<vmem>>, %arg3: memref<8x59xf32, #tpu.memory_space<vmem>>, %arg4: memref<8x59xf32, #tpu.memory_space<vmem>>, %arg5: memref<8x59xf32, #tpu.memory_space<vmem>>) attributes {dimension_semantics = [], scalar_prefetch = 0 : i64, scratch_operands = 0 : i64, tpu.core_type = #tpu.core_type<tc>} {
    %get3A = arith.constant 0 : index
    %get3A_0 = arith.constant 0 : index
    %get3A_1 = vector.load %arg0[%get3A, %get3A_0] : memref<8x384xf32, #tpu.memory_space<vmem>>, vector<8x384xf32>
    %get3A_2 = arith.constant 0 : index
    %get3A_3 = arith.constant 0 : index
    %get3A_4 = vector.load %arg1[%get3A_2, %get3A_3] : memref<8x384xf32, #tpu.memory_space<vmem>>, vector<8x384xf32>
    %get3A_5 = arith.constant 0 : index
    %get3A_6 = arith.constant 0 : index
    %get3A_7 = vector.load %arg2[%get3A_5, %get3A_6] : memref<8x384xf32, #tpu.memory_space<vmem>>, vector<8x384xf32>
    %iota3A = tpu.iota {dimensions = array<i32: 1>} : vector<8x384xi32>
    %iota3A_8 = tpu.iota {dimensions = array<i32: 1>} : vector<8x59xi32>
    %broadcast_in_dim3A = arith.constant 0.000000e+00 : f32
    %broadcast_in_dim3A_9 = vector.broadcast %broadcast_in_dim3A : f32 to vector<8x59xf32>
    %broadcast_in_dim3A_10 = arith.constant 1.000000e+10 : f32
    %broadcast_in_dim3A_11 = vector.broadcast %broadcast_in_dim3A_10 : f32 to vector<8x384xf32>
    %broadcast_in_dim3A_12 = arith.constant 0 : i32
    %broadcast_in_dim3A_13 = vector.broadcast %broadcast_in_dim3A_12 : i32 to vector<8x1xi32>
    %scan3A = arith.constant 0 : i32
    %scan3A_14 = arith.constant 59 : i32
    %scan3A_15 = arith.addi %scan3A, %scan3A_14 : i32
    %scan3A_16 = arith.constant 1 : i32
    %scan3A_17:5 = scf.for %scan3A_27 = %scan3A to %scan3A_15 step %scan3A_16 iter_args(%scan3A_28 = %broadcast_in_dim3A_11, %scan3A_29 = %broadcast_in_dim3A_13, %scan3A_30 = %broadcast_in_dim3A_9, %scan3A_31 = %broadcast_in_dim3A_9, %scan3A_32 = %broadcast_in_dim3A_9) -> (vector<8x384xf32>, vector<8x1xi32>, vector<8x59xf32>, vector<8x59xf32>, vector<8x59xf32>)  : i32 {
      %eq3A = vector.broadcast %scan3A_29 : vector<8x1xi32> to vector<8x384xi32>
      %eq3A_33 = arith.cmpi eq, %iota3A, %eq3A : vector<8x384xi32>
      %convert_element_type3A = arith.extui %eq3A_33 : vector<8x384xi1> to vector<8x384xi32>
      %convert_element_type3A_34 = arith.sitofp %convert_element_type3A : vector<8x384xi32> to vector<8x384xf32>
      %mul3A = arith.mulf %get3A_1, %convert_element_type3A_34 : vector<8x384xf32>
      %reduce_sum3A = arith.constant dense<0.000000e+00> : vector<8xf32>
      %reduce_sum3A_35 = vector.multi_reduction <add>, %mul3A, %reduce_sum3A [1] : vector<8x384xf32> to vector<8xf32>
      %broadcast_in_dim3A_36 = vector.shape_cast %reduce_sum3A_35 : vector<8xf32> to vector<8x1xf32>
      %mul3A_37 = arith.mulf %get3A_4, %convert_element_type3A_34 : vector<8x384xf32>
      %reduce_sum3A_38 = arith.constant dense<0.000000e+00> : vector<8xf32>
      %reduce_sum3A_39 = vector.multi_reduction <add>, %mul3A_37, %reduce_sum3A_38 [1] : vector<8x384xf32> to vector<8xf32>
      %broadcast_in_dim3A_40 = vector.shape_cast %reduce_sum3A_39 : vector<8xf32> to vector<8x1xf32>
      %mul3A_41 = arith.mulf %get3A_7, %convert_element_type3A_34 : vector<8x384xf32>
      %reduce_sum3A_42 = arith.constant dense<0.000000e+00> : vector<8xf32>
      %reduce_sum3A_43 = vector.multi_reduction <add>, %mul3A_41, %reduce_sum3A_42 [1] : vector<8x384xf32> to vector<8xf32>
      %broadcast_in_dim3A_44 = vector.shape_cast %reduce_sum3A_43 : vector<8xf32> to vector<8x1xf32>
      %eq3A_45 = vector.broadcast %scan3A_27 : i32 to vector<8x59xi32>
      %eq3A_46 = arith.cmpi eq, %iota3A_8, %eq3A_45 : vector<8x59xi32>
      %broadcast_in_dim3A_47 = vector.shape_cast %broadcast_in_dim3A_36 : vector<8x1xf32> to vector<8x1xf32>
      %broadcast_in_dim3A_48 = vector.broadcast %broadcast_in_dim3A_47 : vector<8x1xf32> to vector<8x59xf32>
      %select_n3A = arith.select %eq3A_46, %broadcast_in_dim3A_48, %scan3A_30 : vector<8x59xi1>, vector<8x59xf32>
      %broadcast_in_dim3A_49 = vector.shape_cast %broadcast_in_dim3A_40 : vector<8x1xf32> to vector<8x1xf32>
      %broadcast_in_dim3A_50 = vector.broadcast %broadcast_in_dim3A_49 : vector<8x1xf32> to vector<8x59xf32>
      %select_n3A_51 = arith.select %eq3A_46, %broadcast_in_dim3A_50, %scan3A_31 : vector<8x59xi1>, vector<8x59xf32>
      %broadcast_in_dim3A_52 = vector.shape_cast %broadcast_in_dim3A_44 : vector<8x1xf32> to vector<8x1xf32>
      %broadcast_in_dim3A_53 = vector.broadcast %broadcast_in_dim3A_52 : vector<8x1xf32> to vector<8x59xf32>
      %select_n3A_54 = arith.select %eq3A_46, %broadcast_in_dim3A_53, %scan3A_32 : vector<8x59xi1>, vector<8x59xf32>
      %sub3A = vector.broadcast %broadcast_in_dim3A_36 : vector<8x1xf32> to vector<8x384xf32>
      %sub3A_55 = arith.subf %get3A_1, %sub3A : vector<8x384xf32>
      %sub3A_56 = vector.broadcast %broadcast_in_dim3A_40 : vector<8x1xf32> to vector<8x384xf32>
      %sub3A_57 = arith.subf %get3A_4, %sub3A_56 : vector<8x384xf32>
      %sub3A_58 = vector.broadcast %broadcast_in_dim3A_44 : vector<8x1xf32> to vector<8x384xf32>
      %sub3A_59 = arith.subf %get3A_7, %sub3A_58 : vector<8x384xf32>
      %mul3A_60 = arith.mulf %sub3A_55, %sub3A_55 : vector<8x384xf32>
      %mul3A_61 = arith.mulf %sub3A_57, %sub3A_57 : vector<8x384xf32>
      %add3A = arith.addf %mul3A_60, %mul3A_61 : vector<8x384xf32>
      %mul3A_62 = arith.mulf %sub3A_59, %sub3A_59 : vector<8x384xf32>
      %add3A_63 = arith.addf %add3A, %mul3A_62 : vector<8x384xf32>
      %min3A = arith.minimumf %scan3A_28, %add3A_63 : vector<8x384xf32>
      %reduce_max3A = arith.constant dense<0xFF800000> : vector<8xf32>
      %reduce_max3A_64 = vector.multi_reduction <maximumf>, %min3A, %reduce_max3A [1] : vector<8x384xf32> to vector<8xf32>
      %broadcast_in_dim3A_65 = vector.shape_cast %reduce_max3A_64 : vector<8xf32> to vector<8x1xf32>
      %eq3A_66 = vector.broadcast %broadcast_in_dim3A_65 : vector<8x1xf32> to vector<8x384xf32>
      %eq3A_67 = arith.cmpf oeq, %min3A, %eq3A_66 : vector<8x384xf32>
      %jit3A = arith.constant 384 : i32
      %broadcast_in_dim3A_68 = vector.broadcast %jit3A : i32 to vector<8x384xi32>
      %select_n3A_69 = arith.select %eq3A_67, %iota3A, %broadcast_in_dim3A_68 : vector<8x384xi1>, vector<8x384xi32>
      %reduce_min3A = arith.constant dense<2147483647> : vector<8xi32>
      %reduce_min3A_70 = vector.multi_reduction <minsi>, %select_n3A_69, %reduce_min3A [1] : vector<8x384xi32> to vector<8xi32>
      %broadcast_in_dim3A_71 = vector.shape_cast %reduce_min3A_70 : vector<8xi32> to vector<8x1xi32>
      scf.yield %min3A, %broadcast_in_dim3A_71, %select_n3A, %select_n3A_51, %select_n3A_54 : vector<8x384xf32>, vector<8x1xi32>, vector<8x59xf32>, vector<8x59xf32>, vector<8x59xf32>
    }
    %scan3A_18 = arith.constant 59 : i32
    %swap3A = arith.constant 0 : index
    %swap3A_19 = arith.constant 0 : index
    %swap3A_20 = vector.load %arg3[%swap3A, %swap3A_19] : memref<8x59xf32, #tpu.memory_space<vmem>>, vector<8x59xf32>
    tpu.vector_store %arg3[%swap3A, %swap3A_19], %scan3A_17#2 {strides = array<i32>} : memref<8x59xf32, #tpu.memory_space<vmem>>, vector<8x59xf32>,
    %swap3A_21 = arith.constant 0 : index
    %swap3A_22 = arith.constant 0 : index
    %swap3A_23 = vector.load %arg4[%swap3A_21, %swap3A_22] : memref<8x59xf32, #tpu.memory_space<vmem>>, vector<8x59xf32>
    tpu.vector_store %arg4[%swap3A_21, %swap3A_22], %scan3A_17#3 {strides = array<i32>} : memref<8x59xf32, #tpu.memory_space<vmem>>, vector<8x59xf32>,
    %swap3A_24 = arith.constant 0 : index
    %swap3A_25 = arith.constant 0 : index
    %swap3A_26 = vector.load %arg5[%swap3A_24, %swap3A_25] : memref<8x59xf32, #tpu.memory_space<vmem>>, vector<8x59xf32>
    tpu.vector_store %arg5[%swap3A_24, %swap3A_25], %scan3A_17#4 {strides = array<i32>} : memref<8x59xf32, #tpu.memory_space<vmem>>, vector<8x59xf32>,
    return
  }
}

module attributes {stable_mosaic.version = 14 : i64} {
  func.func @body(%arg0: i32, %arg1: i32, %arg2: memref<1x1x384xf32, #tpu.memory_space<vmem>>, %arg3: memref<1x1x384xf32, #tpu.memory_space<vmem>>, %arg4: memref<1x1x384xf32, #tpu.memory_space<vmem>>, %arg5: memref<1x128x1xf32, #tpu.memory_space<vmem>>, %arg6: memref<1x128x1xf32, #tpu.memory_space<vmem>>, %arg7: memref<1x128x1xf32, #tpu.memory_space<vmem>>, %arg8: memref<1x128x16xi32, #tpu.memory_space<vmem>>) attributes {dimension_semantics = [#tpu.dimension_semantics<arbitrary>, #tpu.dimension_semantics<arbitrary>], iteration_bounds = array<i64: 8, 1>, scalar_prefetch = 0 : i64, scratch_operands = 0 : i64, tpu.core_type = #tpu.core_type<tc>, window_params = [{transform_indices = @transform_0, window_bounds = array<i64: 1, 1, 384>}, {transform_indices = @transform_1, window_bounds = array<i64: 1, 1, 384>}, {transform_indices = @transform_2, window_bounds = array<i64: 1, 1, 384>}, {transform_indices = @transform_3, window_bounds = array<i64: 1, 128, 1>}, {transform_indices = @transform_4, window_bounds = array<i64: 1, 128, 1>}, {transform_indices = @transform_5, window_bounds = array<i64: 1, 128, 1>}, {transform_indices = @transform_6, window_bounds = array<i64: 1, 128, 16>}]} {
    %get3A = arith.constant 0 : index
    %get3A_0 = arith.constant 0 : index
    %get3A_1 = arith.constant 0 : index
    %get3A_2 = vector.load %arg2[%get3A, %get3A_0, %get3A_1] : memref<1x1x384xf32, #tpu.memory_space<vmem>>, vector<1x1x384xf32>
    %get3A_3 = vector.shape_cast %get3A_2 : vector<1x1x384xf32> to vector<1x384xf32>
    %get3A_4 = arith.constant 0 : index
    %get3A_5 = arith.constant 0 : index
    %get3A_6 = arith.constant 0 : index
    %get3A_7 = vector.load %arg3[%get3A_4, %get3A_5, %get3A_6] : memref<1x1x384xf32, #tpu.memory_space<vmem>>, vector<1x1x384xf32>
    %get3A_8 = vector.shape_cast %get3A_7 : vector<1x1x384xf32> to vector<1x384xf32>
    %get3A_9 = arith.constant 0 : index
    %get3A_10 = arith.constant 0 : index
    %get3A_11 = arith.constant 0 : index
    %get3A_12 = vector.load %arg4[%get3A_9, %get3A_10, %get3A_11] : memref<1x1x384xf32, #tpu.memory_space<vmem>>, vector<1x1x384xf32>
    %get3A_13 = vector.shape_cast %get3A_12 : vector<1x1x384xf32> to vector<1x384xf32>
    %get3A_14 = arith.constant 0 : index
    %get3A_15 = arith.constant 0 : index
    %get3A_16 = arith.constant 0 : index
    %get3A_17 = vector.load %arg5[%get3A_14, %get3A_15, %get3A_16] : memref<1x128x1xf32, #tpu.memory_space<vmem>>, vector<1x128x1xf32>
    %get3A_18 = vector.shape_cast %get3A_17 : vector<1x128x1xf32> to vector<128x1xf32>
    %get3A_19 = arith.constant 0 : index
    %get3A_20 = arith.constant 0 : index
    %get3A_21 = arith.constant 0 : index
    %get3A_22 = vector.load %arg6[%get3A_19, %get3A_20, %get3A_21] : memref<1x128x1xf32, #tpu.memory_space<vmem>>, vector<1x128x1xf32>
    %get3A_23 = vector.shape_cast %get3A_22 : vector<1x128x1xf32> to vector<128x1xf32>
    %get3A_24 = arith.constant 0 : index
    %get3A_25 = arith.constant 0 : index
    %get3A_26 = arith.constant 0 : index
    %get3A_27 = vector.load %arg7[%get3A_24, %get3A_25, %get3A_26] : memref<1x128x1xf32, #tpu.memory_space<vmem>>, vector<1x128x1xf32>
    %get3A_28 = vector.shape_cast %get3A_27 : vector<1x128x1xf32> to vector<128x1xf32>
    %convert_element_type3A = arith.truncf %get3A_3 : vector<1x384xf32> to vector<1x384xbf16>
    %convert_element_type3A_29 = arith.extf %convert_element_type3A : vector<1x384xbf16> to vector<1x384xf32>
    %convert_element_type3A_30 = arith.truncf %get3A_8 : vector<1x384xf32> to vector<1x384xbf16>
    %convert_element_type3A_31 = arith.extf %convert_element_type3A_30 : vector<1x384xbf16> to vector<1x384xf32>
    %convert_element_type3A_32 = arith.truncf %get3A_13 : vector<1x384xf32> to vector<1x384xbf16>
    %convert_element_type3A_33 = arith.extf %convert_element_type3A_32 : vector<1x384xbf16> to vector<1x384xf32>
    %convert_element_type3A_34 = arith.truncf %get3A_18 : vector<128x1xf32> to vector<128x1xbf16>
    %convert_element_type3A_35 = arith.extf %convert_element_type3A_34 : vector<128x1xbf16> to vector<128x1xf32>
    %convert_element_type3A_36 = arith.truncf %get3A_23 : vector<128x1xf32> to vector<128x1xbf16>
    %convert_element_type3A_37 = arith.extf %convert_element_type3A_36 : vector<128x1xbf16> to vector<128x1xf32>
    %convert_element_type3A_38 = arith.truncf %get3A_28 : vector<128x1xf32> to vector<128x1xbf16>
    %convert_element_type3A_39 = arith.extf %convert_element_type3A_38 : vector<128x1xbf16> to vector<128x1xf32>
    %mul3A = vector.broadcast %convert_element_type3A_35 : vector<128x1xf32> to vector<128x384xf32>
    %mul3A_40 = vector.broadcast %convert_element_type3A_29 : vector<1x384xf32> to vector<128x384xf32>
    %mul3A_41 = arith.mulf %mul3A, %mul3A_40 : vector<128x384xf32>
    %mul3A_42 = vector.broadcast %convert_element_type3A_37 : vector<128x1xf32> to vector<128x384xf32>
    %mul3A_43 = vector.broadcast %convert_element_type3A_31 : vector<1x384xf32> to vector<128x384xf32>
    %mul3A_44 = arith.mulf %mul3A_42, %mul3A_43 : vector<128x384xf32>
    %add3A = arith.addf %mul3A_41, %mul3A_44 : vector<128x384xf32>
    %mul3A_45 = vector.broadcast %convert_element_type3A_39 : vector<128x1xf32> to vector<128x384xf32>
    %mul3A_46 = vector.broadcast %convert_element_type3A_33 : vector<1x384xf32> to vector<128x384xf32>
    %mul3A_47 = arith.mulf %mul3A_45, %mul3A_46 : vector<128x384xf32>
    %add3A_48 = arith.addf %add3A, %mul3A_47 : vector<128x384xf32>
    %mul3A_49 = arith.constant -2.000000e+00 : f32
    %mul3A_50 = vector.broadcast %mul3A_49 : f32 to vector<128x384xf32>
    %mul3A_51 = arith.mulf %mul3A_50, %add3A_48 : vector<128x384xf32>
    %mul3A_52 = arith.mulf %get3A_18, %get3A_18 : vector<128x1xf32>
    %mul3A_53 = arith.mulf %get3A_23, %get3A_23 : vector<128x1xf32>
    %add3A_54 = arith.addf %mul3A_52, %mul3A_53 : vector<128x1xf32>
    %mul3A_55 = arith.mulf %get3A_28, %get3A_28 : vector<128x1xf32>
    %add3A_56 = arith.addf %add3A_54, %mul3A_55 : vector<128x1xf32>
    %add3A_57 = vector.broadcast %add3A_56 : vector<128x1xf32> to vector<128x384xf32>
    %add3A_58 = arith.addf %mul3A_51, %add3A_57 : vector<128x384xf32>
    %mul3A_59 = arith.mulf %get3A_3, %get3A_3 : vector<1x384xf32>
    %mul3A_60 = arith.mulf %get3A_8, %get3A_8 : vector<1x384xf32>
    %add3A_61 = arith.addf %mul3A_59, %mul3A_60 : vector<1x384xf32>
    %mul3A_62 = arith.mulf %get3A_13, %get3A_13 : vector<1x384xf32>
    %add3A_63 = arith.addf %add3A_61, %mul3A_62 : vector<1x384xf32>
    %add3A_64 = vector.broadcast %add3A_63 : vector<1x384xf32> to vector<128x384xf32>
    %add3A_65 = arith.addf %add3A_58, %add3A_64 : vector<128x384xf32>
    %iota3A = tpu.iota {dimensions = array<i32: 1>} : vector<128x384xi32>
    %le3A = arith.constant 3.600000e-01 : f32
    %le3A_66 = vector.broadcast %le3A : f32 to vector<128x384xf32>
    %le3A_67 = arith.cmpf ole, %add3A_65, %le3A_66 : vector<128x384xf32>
    %jit3A = arith.constant 295 : i32
    %broadcast_in_dim3A = vector.broadcast %jit3A : i32 to vector<128x384xi32>
    %select_n3A = arith.select %le3A_67, %iota3A, %broadcast_in_dim3A : vector<128x384xi1>, vector<128x384xi32>
    %reduce_min3A = arith.constant dense<2147483647> : vector<128xi32>
    %reduce_min3A_68 = vector.multi_reduction <minsi>, %select_n3A, %reduce_min3A [1] : vector<128x384xi32> to vector<128xi32>
    %broadcast_in_dim3A_69 = vector.shape_cast %reduce_min3A_68 : vector<128xi32> to vector<128x1xi32>
    %eq3A = vector.broadcast %broadcast_in_dim3A_69 : vector<128x1xi32> to vector<128x384xi32>
    %eq3A_70 = arith.cmpi eq, %select_n3A, %eq3A : vector<128x384xi32>
    %jit3A_71 = arith.constant 295 : i32
    %broadcast_in_dim3A_72 = vector.broadcast %jit3A_71 : i32 to vector<128x384xi32>
    %select_n3A_73 = arith.select %eq3A_70, %broadcast_in_dim3A_72, %select_n3A : vector<128x384xi1>, vector<128x384xi32>
    %reduce_min3A_74 = arith.constant dense<2147483647> : vector<128xi32>
    %reduce_min3A_75 = vector.multi_reduction <minsi>, %select_n3A_73, %reduce_min3A_74 [1] : vector<128x384xi32> to vector<128xi32>
    %broadcast_in_dim3A_76 = vector.shape_cast %reduce_min3A_75 : vector<128xi32> to vector<128x1xi32>
    %eq3A_77 = vector.broadcast %broadcast_in_dim3A_76 : vector<128x1xi32> to vector<128x384xi32>
    %eq3A_78 = arith.cmpi eq, %select_n3A_73, %eq3A_77 : vector<128x384xi32>
    %jit3A_79 = arith.constant 295 : i32
    %broadcast_in_dim3A_80 = vector.broadcast %jit3A_79 : i32 to vector<128x384xi32>
    %select_n3A_81 = arith.select %eq3A_78, %broadcast_in_dim3A_80, %select_n3A_73 : vector<128x384xi1>, vector<128x384xi32>
    %reduce_min3A_82 = arith.constant dense<2147483647> : vector<128xi32>
    %reduce_min3A_83 = vector.multi_reduction <minsi>, %select_n3A_81, %reduce_min3A_82 [1] : vector<128x384xi32> to vector<128xi32>
    %broadcast_in_dim3A_84 = vector.shape_cast %reduce_min3A_83 : vector<128xi32> to vector<128x1xi32>
    %eq3A_85 = vector.broadcast %broadcast_in_dim3A_84 : vector<128x1xi32> to vector<128x384xi32>
    %eq3A_86 = arith.cmpi eq, %select_n3A_81, %eq3A_85 : vector<128x384xi32>
    %jit3A_87 = arith.constant 295 : i32
    %broadcast_in_dim3A_88 = vector.broadcast %jit3A_87 : i32 to vector<128x384xi32>
    %select_n3A_89 = arith.select %eq3A_86, %broadcast_in_dim3A_88, %select_n3A_81 : vector<128x384xi1>, vector<128x384xi32>
    %reduce_min3A_90 = arith.constant dense<2147483647> : vector<128xi32>
    %reduce_min3A_91 = vector.multi_reduction <minsi>, %select_n3A_89, %reduce_min3A_90 [1] : vector<128x384xi32> to vector<128xi32>
    %broadcast_in_dim3A_92 = vector.shape_cast %reduce_min3A_91 : vector<128xi32> to vector<128x1xi32>
    %eq3A_93 = vector.broadcast %broadcast_in_dim3A_92 : vector<128x1xi32> to vector<128x384xi32>
    %eq3A_94 = arith.cmpi eq, %select_n3A_89, %eq3A_93 : vector<128x384xi32>
    %jit3A_95 = arith.constant 295 : i32
    %broadcast_in_dim3A_96 = vector.broadcast %jit3A_95 : i32 to vector<128x384xi32>
    %select_n3A_97 = arith.select %eq3A_94, %broadcast_in_dim3A_96, %select_n3A_89 : vector<128x384xi1>, vector<128x384xi32>
    %reduce_min3A_98 = arith.constant dense<2147483647> : vector<128xi32>
    %reduce_min3A_99 = vector.multi_reduction <minsi>, %select_n3A_97, %reduce_min3A_98 [1] : vector<128x384xi32> to vector<128xi32>
    %broadcast_in_dim3A_100 = vector.shape_cast %reduce_min3A_99 : vector<128xi32> to vector<128x1xi32>
    %eq3A_101 = vector.broadcast %broadcast_in_dim3A_100 : vector<128x1xi32> to vector<128x384xi32>
    %eq3A_102 = arith.cmpi eq, %select_n3A_97, %eq3A_101 : vector<128x384xi32>
    %jit3A_103 = arith.constant 295 : i32
    %broadcast_in_dim3A_104 = vector.broadcast %jit3A_103 : i32 to vector<128x384xi32>
    %select_n3A_105 = arith.select %eq3A_102, %broadcast_in_dim3A_104, %select_n3A_97 : vector<128x384xi1>, vector<128x384xi32>
    %reduce_min3A_106 = arith.constant dense<2147483647> : vector<128xi32>
    %reduce_min3A_107 = vector.multi_reduction <minsi>, %select_n3A_105, %reduce_min3A_106 [1] : vector<128x384xi32> to vector<128xi32>
    %broadcast_in_dim3A_108 = vector.shape_cast %reduce_min3A_107 : vector<128xi32> to vector<128x1xi32>
    %eq3A_109 = vector.broadcast %broadcast_in_dim3A_108 : vector<128x1xi32> to vector<128x384xi32>
    %eq3A_110 = arith.cmpi eq, %select_n3A_105, %eq3A_109 : vector<128x384xi32>
    %jit3A_111 = arith.constant 295 : i32
    %broadcast_in_dim3A_112 = vector.broadcast %jit3A_111 : i32 to vector<128x384xi32>
    %select_n3A_113 = arith.select %eq3A_110, %broadcast_in_dim3A_112, %select_n3A_105 : vector<128x384xi1>, vector<128x384xi32>
    %reduce_min3A_114 = arith.constant dense<2147483647> : vector<128xi32>
    %reduce_min3A_115 = vector.multi_reduction <minsi>, %select_n3A_113, %reduce_min3A_114 [1] : vector<128x384xi32> to vector<128xi32>
    %broadcast_in_dim3A_116 = vector.shape_cast %reduce_min3A_115 : vector<128xi32> to vector<128x1xi32>
    %eq3A_117 = vector.broadcast %broadcast_in_dim3A_116 : vector<128x1xi32> to vector<128x384xi32>
    %eq3A_118 = arith.cmpi eq, %select_n3A_113, %eq3A_117 : vector<128x384xi32>
    %jit3A_119 = arith.constant 295 : i32
    %broadcast_in_dim3A_120 = vector.broadcast %jit3A_119 : i32 to vector<128x384xi32>
    %select_n3A_121 = arith.select %eq3A_118, %broadcast_in_dim3A_120, %select_n3A_113 : vector<128x384xi1>, vector<128x384xi32>
    %reduce_min3A_122 = arith.constant dense<2147483647> : vector<128xi32>
    %reduce_min3A_123 = vector.multi_reduction <minsi>, %select_n3A_121, %reduce_min3A_122 [1] : vector<128x384xi32> to vector<128xi32>
    %broadcast_in_dim3A_124 = vector.shape_cast %reduce_min3A_123 : vector<128xi32> to vector<128x1xi32>
    %eq3A_125 = vector.broadcast %broadcast_in_dim3A_124 : vector<128x1xi32> to vector<128x384xi32>
    %eq3A_126 = arith.cmpi eq, %select_n3A_121, %eq3A_125 : vector<128x384xi32>
    %jit3A_127 = arith.constant 295 : i32
    %broadcast_in_dim3A_128 = vector.broadcast %jit3A_127 : i32 to vector<128x384xi32>
    %select_n3A_129 = arith.select %eq3A_126, %broadcast_in_dim3A_128, %select_n3A_121 : vector<128x384xi1>, vector<128x384xi32>
    %reduce_min3A_130 = arith.constant dense<2147483647> : vector<128xi32>
    %reduce_min3A_131 = vector.multi_reduction <minsi>, %select_n3A_129, %reduce_min3A_130 [1] : vector<128x384xi32> to vector<128xi32>
    %broadcast_in_dim3A_132 = vector.shape_cast %reduce_min3A_131 : vector<128xi32> to vector<128x1xi32>
    %eq3A_133 = vector.broadcast %broadcast_in_dim3A_132 : vector<128x1xi32> to vector<128x384xi32>
    %eq3A_134 = arith.cmpi eq, %select_n3A_129, %eq3A_133 : vector<128x384xi32>
    %jit3A_135 = arith.constant 295 : i32
    %broadcast_in_dim3A_136 = vector.broadcast %jit3A_135 : i32 to vector<128x384xi32>
    %select_n3A_137 = arith.select %eq3A_134, %broadcast_in_dim3A_136, %select_n3A_129 : vector<128x384xi1>, vector<128x384xi32>
    %reduce_min3A_138 = arith.constant dense<2147483647> : vector<128xi32>
    %reduce_min3A_139 = vector.multi_reduction <minsi>, %select_n3A_137, %reduce_min3A_138 [1] : vector<128x384xi32> to vector<128xi32>
    %broadcast_in_dim3A_140 = vector.shape_cast %reduce_min3A_139 : vector<128xi32> to vector<128x1xi32>
    %eq3A_141 = vector.broadcast %broadcast_in_dim3A_140 : vector<128x1xi32> to vector<128x384xi32>
    %eq3A_142 = arith.cmpi eq, %select_n3A_137, %eq3A_141 : vector<128x384xi32>
    %jit3A_143 = arith.constant 295 : i32
    %broadcast_in_dim3A_144 = vector.broadcast %jit3A_143 : i32 to vector<128x384xi32>
    %select_n3A_145 = arith.select %eq3A_142, %broadcast_in_dim3A_144, %select_n3A_137 : vector<128x384xi1>, vector<128x384xi32>
    %reduce_min3A_146 = arith.constant dense<2147483647> : vector<128xi32>
    %reduce_min3A_147 = vector.multi_reduction <minsi>, %select_n3A_145, %reduce_min3A_146 [1] : vector<128x384xi32> to vector<128xi32>
    %broadcast_in_dim3A_148 = vector.shape_cast %reduce_min3A_147 : vector<128xi32> to vector<128x1xi32>
    %eq3A_149 = vector.broadcast %broadcast_in_dim3A_148 : vector<128x1xi32> to vector<128x384xi32>
    %eq3A_150 = arith.cmpi eq, %select_n3A_145, %eq3A_149 : vector<128x384xi32>
    %jit3A_151 = arith.constant 295 : i32
    %broadcast_in_dim3A_152 = vector.broadcast %jit3A_151 : i32 to vector<128x384xi32>
    %select_n3A_153 = arith.select %eq3A_150, %broadcast_in_dim3A_152, %select_n3A_145 : vector<128x384xi1>, vector<128x384xi32>
    %reduce_min3A_154 = arith.constant dense<2147483647> : vector<128xi32>
    %reduce_min3A_155 = vector.multi_reduction <minsi>, %select_n3A_153, %reduce_min3A_154 [1] : vector<128x384xi32> to vector<128xi32>
    %broadcast_in_dim3A_156 = vector.shape_cast %reduce_min3A_155 : vector<128xi32> to vector<128x1xi32>
    %eq3A_157 = vector.broadcast %broadcast_in_dim3A_156 : vector<128x1xi32> to vector<128x384xi32>
    %eq3A_158 = arith.cmpi eq, %select_n3A_153, %eq3A_157 : vector<128x384xi32>
    %jit3A_159 = arith.constant 295 : i32
    %broadcast_in_dim3A_160 = vector.broadcast %jit3A_159 : i32 to vector<128x384xi32>
    %select_n3A_161 = arith.select %eq3A_158, %broadcast_in_dim3A_160, %select_n3A_153 : vector<128x384xi1>, vector<128x384xi32>
    %reduce_min3A_162 = arith.constant dense<2147483647> : vector<128xi32>
    %reduce_min3A_163 = vector.multi_reduction <minsi>, %select_n3A_161, %reduce_min3A_162 [1] : vector<128x384xi32> to vector<128xi32>
    %broadcast_in_dim3A_164 = vector.shape_cast %reduce_min3A_163 : vector<128xi32> to vector<128x1xi32>
    %eq3A_165 = vector.broadcast %broadcast_in_dim3A_164 : vector<128x1xi32> to vector<128x384xi32>
    %eq3A_166 = arith.cmpi eq, %select_n3A_161, %eq3A_165 : vector<128x384xi32>
    %jit3A_167 = arith.constant 295 : i32
    %broadcast_in_dim3A_168 = vector.broadcast %jit3A_167 : i32 to vector<128x384xi32>
    %select_n3A_169 = arith.select %eq3A_166, %broadcast_in_dim3A_168, %select_n3A_161 : vector<128x384xi1>, vector<128x384xi32>
    %reduce_min3A_170 = arith.constant dense<2147483647> : vector<128xi32>
    %reduce_min3A_171 = vector.multi_reduction <minsi>, %select_n3A_169, %reduce_min3A_170 [1] : vector<128x384xi32> to vector<128xi32>
    %broadcast_in_dim3A_172 = vector.shape_cast %reduce_min3A_171 : vector<128xi32> to vector<128x1xi32>
    %eq3A_173 = vector.broadcast %broadcast_in_dim3A_172 : vector<128x1xi32> to vector<128x384xi32>
    %eq3A_174 = arith.cmpi eq, %select_n3A_169, %eq3A_173 : vector<128x384xi32>
    %jit3A_175 = arith.constant 295 : i32
    %broadcast_in_dim3A_176 = vector.broadcast %jit3A_175 : i32 to vector<128x384xi32>
    %select_n3A_177 = arith.select %eq3A_174, %broadcast_in_dim3A_176, %select_n3A_169 : vector<128x384xi1>, vector<128x384xi32>
    %reduce_min3A_178 = arith.constant dense<2147483647> : vector<128xi32>
    %reduce_min3A_179 = vector.multi_reduction <minsi>, %select_n3A_177, %reduce_min3A_178 [1] : vector<128x384xi32> to vector<128xi32>
    %broadcast_in_dim3A_180 = vector.shape_cast %reduce_min3A_179 : vector<128xi32> to vector<128x1xi32>
    %eq3A_181 = vector.broadcast %broadcast_in_dim3A_180 : vector<128x1xi32> to vector<128x384xi32>
    %eq3A_182 = arith.cmpi eq, %select_n3A_177, %eq3A_181 : vector<128x384xi32>
    %jit3A_183 = arith.constant 295 : i32
    %broadcast_in_dim3A_184 = vector.broadcast %jit3A_183 : i32 to vector<128x384xi32>
    %select_n3A_185 = arith.select %eq3A_182, %broadcast_in_dim3A_184, %select_n3A_177 : vector<128x384xi1>, vector<128x384xi32>
    %reduce_min3A_186 = arith.constant dense<2147483647> : vector<128xi32>
    %reduce_min3A_187 = vector.multi_reduction <minsi>, %select_n3A_185, %reduce_min3A_186 [1] : vector<128x384xi32> to vector<128xi32>
    %broadcast_in_dim3A_188 = vector.shape_cast %reduce_min3A_187 : vector<128xi32> to vector<128x1xi32>
    %concatenate3A = tpu.concatenate %broadcast_in_dim3A_69, %broadcast_in_dim3A_76, %broadcast_in_dim3A_84, %broadcast_in_dim3A_92, %broadcast_in_dim3A_100, %broadcast_in_dim3A_108, %broadcast_in_dim3A_116, %broadcast_in_dim3A_124, %broadcast_in_dim3A_132, %broadcast_in_dim3A_140, %broadcast_in_dim3A_148, %broadcast_in_dim3A_156, %broadcast_in_dim3A_164, %broadcast_in_dim3A_172, %broadcast_in_dim3A_180, %broadcast_in_dim3A_188 in 1 : vector<128x1xi32>, vector<128x1xi32>, vector<128x1xi32>, vector<128x1xi32>, vector<128x1xi32>, vector<128x1xi32>, vector<128x1xi32>, vector<128x1xi32>, vector<128x1xi32>, vector<128x1xi32>, vector<128x1xi32>, vector<128x1xi32>, vector<128x1xi32>, vector<128x1xi32>, vector<128x1xi32>, vector<128x1xi32> -> vector<128x16xi32>
    %slice3A = vector.extract_strided_slice %concatenate3A {offsets = [0, 0], sizes = [128, 1], strides = [1, 1]} : vector<128x16xi32> to vector<128x1xi32>
    %eq3A_189 = arith.constant 295 : i32
    %eq3A_190 = vector.broadcast %eq3A_189 : i32 to vector<128x16xi32>
    %eq3A_191 = arith.cmpi eq, %concatenate3A, %eq3A_190 : vector<128x16xi32>
    %broadcast_in_dim3A_192 = vector.shape_cast %slice3A : vector<128x1xi32> to vector<128x1xi32>
    %broadcast_in_dim3A_193 = vector.broadcast %broadcast_in_dim3A_192 : vector<128x1xi32> to vector<128x16xi32>
    %select_n3A_194 = arith.select %eq3A_191, %broadcast_in_dim3A_193, %concatenate3A : vector<128x16xi1>, vector<128x16xi32>
    %swap3A = arith.constant 0 : index
    %swap3A_195 = arith.constant 0 : index
    %swap3A_196 = arith.constant 0 : index
    %swap3A_197 = vector.load %arg8[%swap3A, %swap3A_195, %swap3A_196] : memref<1x128x16xi32, #tpu.memory_space<vmem>>, vector<1x128x16xi32>
    %swap3A_198 = vector.shape_cast %swap3A_197 : vector<1x128x16xi32> to vector<128x16xi32>
    %swap3A_199 = vector.shape_cast %select_n3A_194 : vector<128x16xi32> to vector<1x128x16xi32>
    tpu.vector_store %arg8[%swap3A, %swap3A_195, %swap3A_196], %swap3A_199 {strides = array<i32>} : memref<1x128x16xi32, #tpu.memory_space<vmem>>, vector<1x128x16xi32>,
    return
  }
  func.func @transform_0(%arg0: i32, %arg1: i32) -> (i32, i32, i32) {
    %c0_i32 = arith.constant 0 : i32
    %c0_i32_0 = arith.constant 0 : i32
    %c0_i32_1 = arith.constant 0 : i32
    return %arg0, %c0_i32, %c0_i32_0 : i32, i32, i32
  }
  func.func @transform_1(%arg0: i32, %arg1: i32) -> (i32, i32, i32) {
    %c0_i32 = arith.constant 0 : i32
    %c0_i32_0 = arith.constant 0 : i32
    %c0_i32_1 = arith.constant 0 : i32
    return %arg0, %c0_i32, %c0_i32_0 : i32, i32, i32
  }
  func.func @transform_2(%arg0: i32, %arg1: i32) -> (i32, i32, i32) {
    %c0_i32 = arith.constant 0 : i32
    %c0_i32_0 = arith.constant 0 : i32
    %c0_i32_1 = arith.constant 0 : i32
    return %arg0, %c0_i32, %c0_i32_0 : i32, i32, i32
  }
  func.func @transform_3(%arg0: i32, %arg1: i32) -> (i32, i32, i32) {
    %c0_i32 = arith.constant 0 : i32
    %c0_i32_0 = arith.constant 0 : i32
    return %arg0, %arg1, %c0_i32 : i32, i32, i32
  }
  func.func @transform_4(%arg0: i32, %arg1: i32) -> (i32, i32, i32) {
    %c0_i32 = arith.constant 0 : i32
    %c0_i32_0 = arith.constant 0 : i32
    return %arg0, %arg1, %c0_i32 : i32, i32, i32
  }
  func.func @transform_5(%arg0: i32, %arg1: i32) -> (i32, i32, i32) {
    %c0_i32 = arith.constant 0 : i32
    %c0_i32_0 = arith.constant 0 : i32
    return %arg0, %arg1, %c0_i32 : i32, i32, i32
  }
  func.func @transform_6(%arg0: i32, %arg1: i32) -> (i32, i32, i32) {
    %c0_i32 = arith.constant 0 : i32
    %c0_i32_0 = arith.constant 0 : i32
    return %arg0, %arg1, %c0_i32 : i32, i32, i32
  }
}

module attributes {stable_mosaic.version = 14 : i64} {
  func.func @body(%arg0: i32, %arg1: memref<1x4720x128xf32, #tpu.memory_space<vmem>>, %arg2: memref<1x295x128xf32, #tpu.memory_space<vmem>>, %arg3: memref<128x64xf32, #tpu.memory_space<vmem>>, %arg4: memref<1x64xf32, #tpu.memory_space<vmem>>, %arg5: memref<1x64xf32, #tpu.memory_space<vmem>>, %arg6: memref<1x64xf32, #tpu.memory_space<vmem>>, %arg7: memref<64x64xf32, #tpu.memory_space<vmem>>, %arg8: memref<1x64xf32, #tpu.memory_space<vmem>>, %arg9: memref<1x64xf32, #tpu.memory_space<vmem>>, %arg10: memref<1x64xf32, #tpu.memory_space<vmem>>, %arg11: memref<64x128xf32, #tpu.memory_space<vmem>>, %arg12: memref<1x128xf32, #tpu.memory_space<vmem>>, %arg13: memref<1x128xf32, #tpu.memory_space<vmem>>, %arg14: memref<1x128xf32, #tpu.memory_space<vmem>>, %arg15: memref<1x295x128xf32, #tpu.memory_space<vmem>>) attributes {dimension_semantics = [#tpu.dimension_semantics<arbitrary>], iteration_bounds = array<i64: 8>, scalar_prefetch = 0 : i64, scratch_operands = 0 : i64, tpu.core_type = #tpu.core_type<tc>, window_params = [{transform_indices = @transform_0, window_bounds = array<i64: 1, 4720, 128>}, {transform_indices = @transform_1, window_bounds = array<i64: 1, 295, 128>}, {pipeline_mode = #tpu.pipeline_mode<synchronous>, transform_indices = @transform_2, window_bounds = array<i64: 128, 64>}, {pipeline_mode = #tpu.pipeline_mode<synchronous>, transform_indices = @transform_3, window_bounds = array<i64: 1, 64>}, {pipeline_mode = #tpu.pipeline_mode<synchronous>, transform_indices = @transform_4, window_bounds = array<i64: 1, 64>}, {pipeline_mode = #tpu.pipeline_mode<synchronous>, transform_indices = @transform_5, window_bounds = array<i64: 1, 64>}, {pipeline_mode = #tpu.pipeline_mode<synchronous>, transform_indices = @transform_6, window_bounds = array<i64: 64, 64>}, {pipeline_mode = #tpu.pipeline_mode<synchronous>, transform_indices = @transform_7, window_bounds = array<i64: 1, 64>}, {pipeline_mode = #tpu.pipeline_mode<synchronous>, transform_indices = @transform_8, window_bounds = array<i64: 1, 64>}, {pipeline_mode = #tpu.pipeline_mode<synchronous>, transform_indices = @transform_9, window_bounds = array<i64: 1, 64>}, {pipeline_mode = #tpu.pipeline_mode<synchronous>, transform_indices = @transform_10, window_bounds = array<i64: 64, 128>}, {pipeline_mode = #tpu.pipeline_mode<synchronous>, transform_indices = @transform_11, window_bounds = array<i64: 1, 128>}, {pipeline_mode = #tpu.pipeline_mode<synchronous>, transform_indices = @transform_12, window_bounds = array<i64: 1, 128>}, {pipeline_mode = #tpu.pipeline_mode<synchronous>, transform_indices = @transform_13, window_bounds = array<i64: 1, 128>}, {transform_indices = @transform_14, window_bounds = array<i64: 1, 295, 128>}]} {
    %get3A = arith.constant 0 : index
    %get3A_0 = arith.constant 0 : index
    %get3A_1 = arith.constant 0 : index
    %get3A_2 = vector.load %arg1[%get3A, %get3A_0, %get3A_1] : memref<1x4720x128xf32, #tpu.memory_space<vmem>>, vector<1x4720x128xf32>
    %get3A_3 = vector.shape_cast %get3A_2 : vector<1x4720x128xf32> to vector<4720x128xf32>
    %get3A_4 = arith.constant 0 : index
    %get3A_5 = arith.constant 0 : index
    %get3A_6 = arith.constant 0 : index
    %get3A_7 = vector.load %arg2[%get3A_4, %get3A_5, %get3A_6] : memref<1x295x128xf32, #tpu.memory_space<vmem>>, vector<1x295x128xf32>
    %get3A_8 = vector.shape_cast %get3A_7 : vector<1x295x128xf32> to vector<295x128xf32>
    %reshape3A = vector.shape_cast %get3A_3 : vector<4720x128xf32> to vector<295x16x128xf32>
    %broadcast_in_dim3A = vector.shape_cast %get3A_8 : vector<295x128xf32> to vector<295x1x128xf32>
    %sub3A = vector.broadcast %broadcast_in_dim3A : vector<295x1x128xf32> to vector<295x16x128xf32>
    %sub3A_9 = arith.subf %reshape3A, %sub3A : vector<295x16x128xf32>
    %reshape3A_10 = vector.shape_cast %sub3A_9 : vector<295x16x128xf32> to vector<4720x128xf32>
    %get3A_11 = arith.constant 0 : index
    %get3A_12 = arith.constant 0 : index
    %get3A_13 = vector.load %arg3[%get3A_11, %get3A_12] : memref<128x64xf32, #tpu.memory_space<vmem>>, vector<128x64xf32>
    %get3A_14 = arith.constant 0 : index
    %get3A_15 = arith.constant 0 : index
    %get3A_16 = vector.load %arg4[%get3A_14, %get3A_15] : memref<1x64xf32, #tpu.memory_space<vmem>>, vector<1x64xf32>
    %get3A_17 = arith.constant 0 : index
    %get3A_18 = arith.constant 0 : index
    %get3A_19 = vector.load %arg5[%get3A_17, %get3A_18] : memref<1x64xf32, #tpu.memory_space<vmem>>, vector<1x64xf32>
    %get3A_20 = arith.constant 0 : index
    %get3A_21 = arith.constant 0 : index
    %get3A_22 = vector.load %arg6[%get3A_20, %get3A_21] : memref<1x64xf32, #tpu.memory_space<vmem>>, vector<1x64xf32>
    %convert_element_type3A = arith.truncf %reshape3A_10 : vector<4720x128xf32> to vector<4720x128xbf16>
    %convert_element_type3A_23 = arith.truncf %get3A_13 : vector<128x64xf32> to vector<128x64xbf16>
    %dot_general3A = arith.constant dense<0.000000e+00> : vector<4720x64xf32>
    %dot_general3A_24 = tpu.matmul %convert_element_type3A, %convert_element_type3A_23, %dot_general3A {dimension_numbers = #tpu.dot_dimension_numbers<[1], [0], [0], [1], [0, 0, 1, 1], [], []>, transpose_lhs_hint = false} : vector<4720x128xbf16>, vector<128x64xbf16>, vector<4720x64xf32> -> vector<4720x64xf32>
    %add3A = vector.broadcast %get3A_16 : vector<1x64xf32> to vector<4720x64xf32>
    %add3A_25 = arith.addf %dot_general3A_24, %add3A : vector<4720x64xf32>
    %mul3A = vector.broadcast %get3A_19 : vector<1x64xf32> to vector<4720x64xf32>
    %mul3A_26 = arith.mulf %mul3A, %add3A_25 : vector<4720x64xf32>
    %div3A = arith.constant 1.00000501 : f32
    %div3A_27 = vector.broadcast %div3A : f32 to vector<4720x64xf32>
    %div3A_28 = arith.divf %mul3A_26, %div3A_27 : vector<4720x64xf32>
    %add3A_29 = vector.broadcast %get3A_22 : vector<1x64xf32> to vector<4720x64xf32>
    %add3A_30 = arith.addf %div3A_28, %add3A_29 : vector<4720x64xf32>
    %max3A = arith.constant 0.000000e+00 : f32
    %max3A_31 = vector.broadcast %max3A : f32 to vector<4720x64xf32>
    %max3A_32 = arith.maximumf %add3A_30, %max3A_31 : vector<4720x64xf32>
    %get3A_33 = arith.constant 0 : index
    %get3A_34 = arith.constant 0 : index
    %get3A_35 = vector.load %arg7[%get3A_33, %get3A_34] : memref<64x64xf32, #tpu.memory_space<vmem>>, vector<64x64xf32>
    %get3A_36 = arith.constant 0 : index
    %get3A_37 = arith.constant 0 : index
    %get3A_38 = vector.load %arg8[%get3A_36, %get3A_37] : memref<1x64xf32, #tpu.memory_space<vmem>>, vector<1x64xf32>
    %get3A_39 = arith.constant 0 : index
    %get3A_40 = arith.constant 0 : index
    %get3A_41 = vector.load %arg9[%get3A_39, %get3A_40] : memref<1x64xf32, #tpu.memory_space<vmem>>, vector<1x64xf32>
    %get3A_42 = arith.constant 0 : index
    %get3A_43 = arith.constant 0 : index
    %get3A_44 = vector.load %arg10[%get3A_42, %get3A_43] : memref<1x64xf32, #tpu.memory_space<vmem>>, vector<1x64xf32>
    %convert_element_type3A_45 = arith.truncf %max3A_32 : vector<4720x64xf32> to vector<4720x64xbf16>
    %convert_element_type3A_46 = arith.truncf %get3A_35 : vector<64x64xf32> to vector<64x64xbf16>
    %dot_general3A_47 = arith.constant dense<0.000000e+00> : vector<4720x64xf32>
    %dot_general3A_48 = tpu.matmul %convert_element_type3A_45, %convert_element_type3A_46, %dot_general3A_47 {dimension_numbers = #tpu.dot_dimension_numbers<[1], [0], [0], [1], [0, 0, 1, 1], [], []>, transpose_lhs_hint = false} : vector<4720x64xbf16>, vector<64x64xbf16>, vector<4720x64xf32> -> vector<4720x64xf32>
    %add3A_49 = vector.broadcast %get3A_38 : vector<1x64xf32> to vector<4720x64xf32>
    %add3A_50 = arith.addf %dot_general3A_48, %add3A_49 : vector<4720x64xf32>
    %mul3A_51 = vector.broadcast %get3A_41 : vector<1x64xf32> to vector<4720x64xf32>
    %mul3A_52 = arith.mulf %mul3A_51, %add3A_50 : vector<4720x64xf32>
    %div3A_53 = arith.constant 1.00000501 : f32
    %div3A_54 = vector.broadcast %div3A_53 : f32 to vector<4720x64xf32>
    %div3A_55 = arith.divf %mul3A_52, %div3A_54 : vector<4720x64xf32>
    %add3A_56 = vector.broadcast %get3A_44 : vector<1x64xf32> to vector<4720x64xf32>
    %add3A_57 = arith.addf %div3A_55, %add3A_56 : vector<4720x64xf32>
    %max3A_58 = arith.constant 0.000000e+00 : f32
    %max3A_59 = vector.broadcast %max3A_58 : f32 to vector<4720x64xf32>
    %max3A_60 = arith.maximumf %add3A_57, %max3A_59 : vector<4720x64xf32>
    %get3A_61 = arith.constant 0 : index
    %get3A_62 = arith.constant 0 : index
    %get3A_63 = vector.load %arg11[%get3A_61, %get3A_62] : memref<64x128xf32, #tpu.memory_space<vmem>>, vector<64x128xf32>
    %get3A_64 = arith.constant 0 : index
    %get3A_65 = arith.constant 0 : index
    %get3A_66 = vector.load %arg12[%get3A_64, %get3A_65] : memref<1x128xf32, #tpu.memory_space<vmem>>, vector<1x128xf32>
    %get3A_67 = arith.constant 0 : index
    %get3A_68 = arith.constant 0 : index
    %get3A_69 = vector.load %arg13[%get3A_67, %get3A_68] : memref<1x128xf32, #tpu.memory_space<vmem>>, vector<1x128xf32>
    %get3A_70 = arith.constant 0 : index
    %get3A_71 = arith.constant 0 : index
    %get3A_72 = vector.load %arg14[%get3A_70, %get3A_71] : memref<1x128xf32, #tpu.memory_space<vmem>>, vector<1x128xf32>
    %convert_element_type3A_73 = arith.truncf %max3A_60 : vector<4720x64xf32> to vector<4720x64xbf16>
    %convert_element_type3A_74 = arith.truncf %get3A_63 : vector<64x128xf32> to vector<64x128xbf16>
    %dot_general3A_75 = arith.constant dense<0.000000e+00> : vector<4720x128xf32>
    %dot_general3A_76 = tpu.matmul %convert_element_type3A_73, %convert_element_type3A_74, %dot_general3A_75 {dimension_numbers = #tpu.dot_dimension_numbers<[1], [0], [0], [1], [0, 0, 1, 1], [], []>, transpose_lhs_hint = false} : vector<4720x64xbf16>, vector<64x128xbf16>, vector<4720x128xf32> -> vector<4720x128xf32>
    %add3A_77 = vector.broadcast %get3A_66 : vector<1x128xf32> to vector<4720x128xf32>
    %add3A_78 = arith.addf %dot_general3A_76, %add3A_77 : vector<4720x128xf32>
    %mul3A_79 = vector.broadcast %get3A_69 : vector<1x128xf32> to vector<4720x128xf32>
    %mul3A_80 = arith.mulf %mul3A_79, %add3A_78 : vector<4720x128xf32>
    %div3A_81 = arith.constant 1.00000501 : f32
    %div3A_82 = vector.broadcast %div3A_81 : f32 to vector<4720x128xf32>
    %div3A_83 = arith.divf %mul3A_80, %div3A_82 : vector<4720x128xf32>
    %add3A_84 = vector.broadcast %get3A_72 : vector<1x128xf32> to vector<4720x128xf32>
    %add3A_85 = arith.addf %div3A_83, %add3A_84 : vector<4720x128xf32>
    %max3A_86 = arith.constant 0.000000e+00 : f32
    %max3A_87 = vector.broadcast %max3A_86 : f32 to vector<4720x128xf32>
    %max3A_88 = arith.maximumf %add3A_85, %max3A_87 : vector<4720x128xf32>
    %reshape3A_89 = vector.shape_cast %max3A_88 : vector<4720x128xf32> to vector<295x16x128xf32>
    %reduce_max3A = arith.constant dense<0xFF800000> : vector<295x128xf32>
    %reduce_max3A_90 = vector.multi_reduction <maximumf>, %reshape3A_89, %reduce_max3A [1] : vector<295x16x128xf32> to vector<295x128xf32>
    %swap3A = arith.constant 0 : index
    %swap3A_91 = arith.constant 0 : index
    %swap3A_92 = arith.constant 0 : index
    %swap3A_93 = vector.load %arg15[%swap3A, %swap3A_91, %swap3A_92] : memref<1x295x128xf32, #tpu.memory_space<vmem>>, vector<1x295x128xf32>
    %swap3A_94 = vector.shape_cast %swap3A_93 : vector<1x295x128xf32> to vector<295x128xf32>
    %swap3A_95 = vector.shape_cast %reduce_max3A_90 : vector<295x128xf32> to vector<1x295x128xf32>
    tpu.vector_store %arg15[%swap3A, %swap3A_91, %swap3A_92], %swap3A_95 {strides = array<i32>} : memref<1x295x128xf32, #tpu.memory_space<vmem>>, vector<1x295x128xf32>,
    return
  }
  func.func @transform_0(%arg0: i32) -> (i32, i32, i32) {
    %c0_i32 = arith.constant 0 : i32
    %c0_i32_0 = arith.constant 0 : i32
    %c0_i32_1 = arith.constant 0 : i32
    return %arg0, %c0_i32, %c0_i32_0 : i32, i32, i32
  }
  func.func @transform_1(%arg0: i32) -> (i32, i32, i32) {
    %c0_i32 = arith.constant 0 : i32
    %c0_i32_0 = arith.constant 0 : i32
    %c0_i32_1 = arith.constant 0 : i32
    return %arg0, %c0_i32, %c0_i32_0 : i32, i32, i32
  }
  func.func @transform_2(%arg0: i32) -> (i32, i32) {
    %c0_i32 = arith.constant 0 : i32
    %c0_i32_0 = arith.constant 0 : i32
    %c0_i32_1 = arith.constant 0 : i32
    return %c0_i32, %c0_i32_0 : i32, i32
  }
  func.func @transform_3(%arg0: i32) -> (i32, i32) {
    %c0_i32 = arith.constant 0 : i32
    %c0_i32_0 = arith.constant 0 : i32
    %c0_i32_1 = arith.constant 0 : i32
    return %c0_i32, %c0_i32_0 : i32, i32
  }
  func.func @transform_4(%arg0: i32) -> (i32, i32) {
    %c0_i32 = arith.constant 0 : i32
    %c0_i32_0 = arith.constant 0 : i32
    %c0_i32_1 = arith.constant 0 : i32
    return %c0_i32, %c0_i32_0 : i32, i32
  }
  func.func @transform_5(%arg0: i32) -> (i32, i32) {
    %c0_i32 = arith.constant 0 : i32
    %c0_i32_0 = arith.constant 0 : i32
    %c0_i32_1 = arith.constant 0 : i32
    return %c0_i32, %c0_i32_0 : i32, i32
  }
  func.func @transform_6(%arg0: i32) -> (i32, i32) {
    %c0_i32 = arith.constant 0 : i32
    %c0_i32_0 = arith.constant 0 : i32
    %c0_i32_1 = arith.constant 0 : i32
    return %c0_i32, %c0_i32_0 : i32, i32
  }
  func.func @transform_7(%arg0: i32) -> (i32, i32) {
    %c0_i32 = arith.constant 0 : i32
    %c0_i32_0 = arith.constant 0 : i32
    %c0_i32_1 = arith.constant 0 : i32
    return %c0_i32, %c0_i32_0 : i32, i32
  }
  func.func @transform_8(%arg0: i32) -> (i32, i32) {
    %c0_i32 = arith.constant 0 : i32
    %c0_i32_0 = arith.constant 0 : i32
    %c0_i32_1 = arith.constant 0 : i32
    return %c0_i32, %c0_i32_0 : i32, i32
  }
  func.func @transform_9(%arg0: i32) -> (i32, i32) {
    %c0_i32 = arith.constant 0 : i32
    %c0_i32_0 = arith.constant 0 : i32
    %c0_i32_1 = arith.constant 0 : i32
    return %c0_i32, %c0_i32_0 : i32, i32
  }
  func.func @transform_10(%arg0: i32) -> (i32, i32) {
    %c0_i32 = arith.constant 0 : i32
    %c0_i32_0 = arith.constant 0 : i32
    %c0_i32_1 = arith.constant 0 : i32
    return %c0_i32, %c0_i32_0 : i32, i32
  }
  func.func @transform_11(%arg0: i32) -> (i32, i32) {
    %c0_i32 = arith.constant 0 : i32
    %c0_i32_0 = arith.constant 0 : i32
    %c0_i32_1 = arith.constant 0 : i32
    return %c0_i32, %c0_i32_0 : i32, i32
  }
  func.func @transform_12(%arg0: i32) -> (i32, i32) {
    %c0_i32 = arith.constant 0 : i32
    %c0_i32_0 = arith.constant 0 : i32
    %c0_i32_1 = arith.constant 0 : i32
    return %c0_i32, %c0_i32_0 : i32, i32
  }
  func.func @transform_13(%arg0: i32) -> (i32, i32) {
    %c0_i32 = arith.constant 0 : i32
    %c0_i32_0 = arith.constant 0 : i32
    %c0_i32_1 = arith.constant 0 : i32
    return %c0_i32, %c0_i32_0 : i32, i32
  }
  func.func @transform_14(%arg0: i32) -> (i32, i32, i32) {
    %c0_i32 = arith.constant 0 : i32
    %c0_i32_0 = arith.constant 0 : i32
    %c0_i32_1 = arith.constant 0 : i32
    return %arg0, %c0_i32, %c0_i32_0 : i32, i32, i32
  }
}

module attributes {stable_mosaic.version = 14 : i64} {
  func.func @body(%arg0: i32, %arg1: memref<1x944x256xf32, #tpu.memory_space<vmem>>, %arg2: memref<1x59x256xf32, #tpu.memory_space<vmem>>, %arg3: memref<256x128xf32, #tpu.memory_space<vmem>>, %arg4: memref<1x128xf32, #tpu.memory_space<vmem>>, %arg5: memref<1x128xf32, #tpu.memory_space<vmem>>, %arg6: memref<1x128xf32, #tpu.memory_space<vmem>>, %arg7: memref<128x128xf32, #tpu.memory_space<vmem>>, %arg8: memref<1x128xf32, #tpu.memory_space<vmem>>, %arg9: memref<1x128xf32, #tpu.memory_space<vmem>>, %arg10: memref<1x128xf32, #tpu.memory_space<vmem>>, %arg11: memref<128x256xf32, #tpu.memory_space<vmem>>, %arg12: memref<1x256xf32, #tpu.memory_space<vmem>>, %arg13: memref<1x256xf32, #tpu.memory_space<vmem>>, %arg14: memref<1x256xf32, #tpu.memory_space<vmem>>, %arg15: memref<1x59x256xf32, #tpu.memory_space<vmem>>) attributes {dimension_semantics = [#tpu.dimension_semantics<arbitrary>], iteration_bounds = array<i64: 8>, scalar_prefetch = 0 : i64, scratch_operands = 0 : i64, tpu.core_type = #tpu.core_type<tc>, window_params = [{transform_indices = @transform_0, window_bounds = array<i64: 1, 944, 256>}, {transform_indices = @transform_1, window_bounds = array<i64: 1, 59, 256>}, {pipeline_mode = #tpu.pipeline_mode<synchronous>, transform_indices = @transform_2, window_bounds = array<i64: 256, 128>}, {pipeline_mode = #tpu.pipeline_mode<synchronous>, transform_indices = @transform_3, window_bounds = array<i64: 1, 128>}, {pipeline_mode = #tpu.pipeline_mode<synchronous>, transform_indices = @transform_4, window_bounds = array<i64: 1, 128>}, {pipeline_mode = #tpu.pipeline_mode<synchronous>, transform_indices = @transform_5, window_bounds = array<i64: 1, 128>}, {pipeline_mode = #tpu.pipeline_mode<synchronous>, transform_indices = @transform_6, window_bounds = array<i64: 128, 128>}, {pipeline_mode = #tpu.pipeline_mode<synchronous>, transform_indices = @transform_7, window_bounds = array<i64: 1, 128>}, {pipeline_mode = #tpu.pipeline_mode<synchronous>, transform_indices = @transform_8, window_bounds = array<i64: 1, 128>}, {pipeline_mode = #tpu.pipeline_mode<synchronous>, transform_indices = @transform_9, window_bounds = array<i64: 1, 128>}, {pipeline_mode = #tpu.pipeline_mode<synchronous>, transform_indices = @transform_10, window_bounds = array<i64: 128, 256>}, {pipeline_mode = #tpu.pipeline_mode<synchronous>, transform_indices = @transform_11, window_bounds = array<i64: 1, 256>}, {pipeline_mode = #tpu.pipeline_mode<synchronous>, transform_indices = @transform_12, window_bounds = array<i64: 1, 256>}, {pipeline_mode = #tpu.pipeline_mode<synchronous>, transform_indices = @transform_13, window_bounds = array<i64: 1, 256>}, {transform_indices = @transform_14, window_bounds = array<i64: 1, 59, 256>}]} {
    %get3A = arith.constant 0 : index
    %get3A_0 = arith.constant 0 : index
    %get3A_1 = arith.constant 0 : index
    %get3A_2 = vector.load %arg1[%get3A, %get3A_0, %get3A_1] : memref<1x944x256xf32, #tpu.memory_space<vmem>>, vector<1x944x256xf32>
    %get3A_3 = vector.shape_cast %get3A_2 : vector<1x944x256xf32> to vector<944x256xf32>
    %get3A_4 = arith.constant 0 : index
    %get3A_5 = arith.constant 0 : index
    %get3A_6 = arith.constant 0 : index
    %get3A_7 = vector.load %arg2[%get3A_4, %get3A_5, %get3A_6] : memref<1x59x256xf32, #tpu.memory_space<vmem>>, vector<1x59x256xf32>
    %get3A_8 = vector.shape_cast %get3A_7 : vector<1x59x256xf32> to vector<59x256xf32>
    %reshape3A = vector.shape_cast %get3A_3 : vector<944x256xf32> to vector<59x16x256xf32>
    %broadcast_in_dim3A = vector.shape_cast %get3A_8 : vector<59x256xf32> to vector<59x1x256xf32>
    %sub3A = vector.broadcast %broadcast_in_dim3A : vector<59x1x256xf32> to vector<59x16x256xf32>
    %sub3A_9 = arith.subf %reshape3A, %sub3A : vector<59x16x256xf32>
    %reshape3A_10 = vector.shape_cast %sub3A_9 : vector<59x16x256xf32> to vector<944x256xf32>
    %get3A_11 = arith.constant 0 : index
    %get3A_12 = arith.constant 0 : index
    %get3A_13 = vector.load %arg3[%get3A_11, %get3A_12] : memref<256x128xf32, #tpu.memory_space<vmem>>, vector<256x128xf32>
    %get3A_14 = arith.constant 0 : index
    %get3A_15 = arith.constant 0 : index
    %get3A_16 = vector.load %arg4[%get3A_14, %get3A_15] : memref<1x128xf32, #tpu.memory_space<vmem>>, vector<1x128xf32>
    %get3A_17 = arith.constant 0 : index
    %get3A_18 = arith.constant 0 : index
    %get3A_19 = vector.load %arg5[%get3A_17, %get3A_18] : memref<1x128xf32, #tpu.memory_space<vmem>>, vector<1x128xf32>
    %get3A_20 = arith.constant 0 : index
    %get3A_21 = arith.constant 0 : index
    %get3A_22 = vector.load %arg6[%get3A_20, %get3A_21] : memref<1x128xf32, #tpu.memory_space<vmem>>, vector<1x128xf32>
    %convert_element_type3A = arith.truncf %reshape3A_10 : vector<944x256xf32> to vector<944x256xbf16>
    %convert_element_type3A_23 = arith.truncf %get3A_13 : vector<256x128xf32> to vector<256x128xbf16>
    %dot_general3A = arith.constant dense<0.000000e+00> : vector<944x128xf32>
    %dot_general3A_24 = tpu.matmul %convert_element_type3A, %convert_element_type3A_23, %dot_general3A {dimension_numbers = #tpu.dot_dimension_numbers<[1], [0], [0], [1], [0, 0, 1, 1], [], []>, transpose_lhs_hint = false} : vector<944x256xbf16>, vector<256x128xbf16>, vector<944x128xf32> -> vector<944x128xf32>
    %add3A = vector.broadcast %get3A_16 : vector<1x128xf32> to vector<944x128xf32>
    %add3A_25 = arith.addf %dot_general3A_24, %add3A : vector<944x128xf32>
    %mul3A = vector.broadcast %get3A_19 : vector<1x128xf32> to vector<944x128xf32>
    %mul3A_26 = arith.mulf %mul3A, %add3A_25 : vector<944x128xf32>
    %div3A = arith.constant 1.00000501 : f32
    %div3A_27 = vector.broadcast %div3A : f32 to vector<944x128xf32>
    %div3A_28 = arith.divf %mul3A_26, %div3A_27 : vector<944x128xf32>
    %add3A_29 = vector.broadcast %get3A_22 : vector<1x128xf32> to vector<944x128xf32>
    %add3A_30 = arith.addf %div3A_28, %add3A_29 : vector<944x128xf32>
    %max3A = arith.constant 0.000000e+00 : f32
    %max3A_31 = vector.broadcast %max3A : f32 to vector<944x128xf32>
    %max3A_32 = arith.maximumf %add3A_30, %max3A_31 : vector<944x128xf32>
    %get3A_33 = arith.constant 0 : index
    %get3A_34 = arith.constant 0 : index
    %get3A_35 = vector.load %arg7[%get3A_33, %get3A_34] : memref<128x128xf32, #tpu.memory_space<vmem>>, vector<128x128xf32>
    %get3A_36 = arith.constant 0 : index
    %get3A_37 = arith.constant 0 : index
    %get3A_38 = vector.load %arg8[%get3A_36, %get3A_37] : memref<1x128xf32, #tpu.memory_space<vmem>>, vector<1x128xf32>
    %get3A_39 = arith.constant 0 : index
    %get3A_40 = arith.constant 0 : index
    %get3A_41 = vector.load %arg9[%get3A_39, %get3A_40] : memref<1x128xf32, #tpu.memory_space<vmem>>, vector<1x128xf32>
    %get3A_42 = arith.constant 0 : index
    %get3A_43 = arith.constant 0 : index
    %get3A_44 = vector.load %arg10[%get3A_42, %get3A_43] : memref<1x128xf32, #tpu.memory_space<vmem>>, vector<1x128xf32>
    %convert_element_type3A_45 = arith.truncf %max3A_32 : vector<944x128xf32> to vector<944x128xbf16>
    %convert_element_type3A_46 = arith.truncf %get3A_35 : vector<128x128xf32> to vector<128x128xbf16>
    %dot_general3A_47 = arith.constant dense<0.000000e+00> : vector<944x128xf32>
    %dot_general3A_48 = tpu.matmul %convert_element_type3A_45, %convert_element_type3A_46, %dot_general3A_47 {dimension_numbers = #tpu.dot_dimension_numbers<[1], [0], [0], [1], [0, 0, 1, 1], [], []>, transpose_lhs_hint = false} : vector<944x128xbf16>, vector<128x128xbf16>, vector<944x128xf32> -> vector<944x128xf32>
    %add3A_49 = vector.broadcast %get3A_38 : vector<1x128xf32> to vector<944x128xf32>
    %add3A_50 = arith.addf %dot_general3A_48, %add3A_49 : vector<944x128xf32>
    %mul3A_51 = vector.broadcast %get3A_41 : vector<1x128xf32> to vector<944x128xf32>
    %mul3A_52 = arith.mulf %mul3A_51, %add3A_50 : vector<944x128xf32>
    %div3A_53 = arith.constant 1.00000501 : f32
    %div3A_54 = vector.broadcast %div3A_53 : f32 to vector<944x128xf32>
    %div3A_55 = arith.divf %mul3A_52, %div3A_54 : vector<944x128xf32>
    %add3A_56 = vector.broadcast %get3A_44 : vector<1x128xf32> to vector<944x128xf32>
    %add3A_57 = arith.addf %div3A_55, %add3A_56 : vector<944x128xf32>
    %max3A_58 = arith.constant 0.000000e+00 : f32
    %max3A_59 = vector.broadcast %max3A_58 : f32 to vector<944x128xf32>
    %max3A_60 = arith.maximumf %add3A_57, %max3A_59 : vector<944x128xf32>
    %get3A_61 = arith.constant 0 : index
    %get3A_62 = arith.constant 0 : index
    %get3A_63 = vector.load %arg11[%get3A_61, %get3A_62] : memref<128x256xf32, #tpu.memory_space<vmem>>, vector<128x256xf32>
    %get3A_64 = arith.constant 0 : index
    %get3A_65 = arith.constant 0 : index
    %get3A_66 = vector.load %arg12[%get3A_64, %get3A_65] : memref<1x256xf32, #tpu.memory_space<vmem>>, vector<1x256xf32>
    %get3A_67 = arith.constant 0 : index
    %get3A_68 = arith.constant 0 : index
    %get3A_69 = vector.load %arg13[%get3A_67, %get3A_68] : memref<1x256xf32, #tpu.memory_space<vmem>>, vector<1x256xf32>
    %get3A_70 = arith.constant 0 : index
    %get3A_71 = arith.constant 0 : index
    %get3A_72 = vector.load %arg14[%get3A_70, %get3A_71] : memref<1x256xf32, #tpu.memory_space<vmem>>, vector<1x256xf32>
    %convert_element_type3A_73 = arith.truncf %max3A_60 : vector<944x128xf32> to vector<944x128xbf16>
    %convert_element_type3A_74 = arith.truncf %get3A_63 : vector<128x256xf32> to vector<128x256xbf16>
    %dot_general3A_75 = arith.constant dense<0.000000e+00> : vector<944x256xf32>
    %dot_general3A_76 = tpu.matmul %convert_element_type3A_73, %convert_element_type3A_74, %dot_general3A_75 {dimension_numbers = #tpu.dot_dimension_numbers<[1], [0], [0], [1], [0, 0, 1, 1], [], []>, transpose_lhs_hint = false} : vector<944x128xbf16>, vector<128x256xbf16>, vector<944x256xf32> -> vector<944x256xf32>
    %add3A_77 = vector.broadcast %get3A_66 : vector<1x256xf32> to vector<944x256xf32>
    %add3A_78 = arith.addf %dot_general3A_76, %add3A_77 : vector<944x256xf32>
    %mul3A_79 = vector.broadcast %get3A_69 : vector<1x256xf32> to vector<944x256xf32>
    %mul3A_80 = arith.mulf %mul3A_79, %add3A_78 : vector<944x256xf32>
    %div3A_81 = arith.constant 1.00000501 : f32
    %div3A_82 = vector.broadcast %div3A_81 : f32 to vector<944x256xf32>
    %div3A_83 = arith.divf %mul3A_80, %div3A_82 : vector<944x256xf32>
    %add3A_84 = vector.broadcast %get3A_72 : vector<1x256xf32> to vector<944x256xf32>
    %add3A_85 = arith.addf %div3A_83, %add3A_84 : vector<944x256xf32>
    %max3A_86 = arith.constant 0.000000e+00 : f32
    %max3A_87 = vector.broadcast %max3A_86 : f32 to vector<944x256xf32>
    %max3A_88 = arith.maximumf %add3A_85, %max3A_87 : vector<944x256xf32>
    %reshape3A_89 = vector.shape_cast %max3A_88 : vector<944x256xf32> to vector<59x16x256xf32>
    %reduce_max3A = arith.constant dense<0xFF800000> : vector<59x256xf32>
    %reduce_max3A_90 = vector.multi_reduction <maximumf>, %reshape3A_89, %reduce_max3A [1] : vector<59x16x256xf32> to vector<59x256xf32>
    %swap3A = arith.constant 0 : index
    %swap3A_91 = arith.constant 0 : index
    %swap3A_92 = arith.constant 0 : index
    %swap3A_93 = vector.load %arg15[%swap3A, %swap3A_91, %swap3A_92] : memref<1x59x256xf32, #tpu.memory_space<vmem>>, vector<1x59x256xf32>
    %swap3A_94 = vector.shape_cast %swap3A_93 : vector<1x59x256xf32> to vector<59x256xf32>
    %swap3A_95 = vector.shape_cast %reduce_max3A_90 : vector<59x256xf32> to vector<1x59x256xf32>
    tpu.vector_store %arg15[%swap3A, %swap3A_91, %swap3A_92], %swap3A_95 {strides = array<i32>} : memref<1x59x256xf32, #tpu.memory_space<vmem>>, vector<1x59x256xf32>,
    return
  }
  func.func @transform_0(%arg0: i32) -> (i32, i32, i32) {
    %c0_i32 = arith.constant 0 : i32
    %c0_i32_0 = arith.constant 0 : i32
    %c0_i32_1 = arith.constant 0 : i32
    return %arg0, %c0_i32, %c0_i32_0 : i32, i32, i32
  }
  func.func @transform_1(%arg0: i32) -> (i32, i32, i32) {
    %c0_i32 = arith.constant 0 : i32
    %c0_i32_0 = arith.constant 0 : i32
    %c0_i32_1 = arith.constant 0 : i32
    return %arg0, %c0_i32, %c0_i32_0 : i32, i32, i32
  }
  func.func @transform_2(%arg0: i32) -> (i32, i32) {
    %c0_i32 = arith.constant 0 : i32
    %c0_i32_0 = arith.constant 0 : i32
    %c0_i32_1 = arith.constant 0 : i32
    return %c0_i32, %c0_i32_0 : i32, i32
  }
  func.func @transform_3(%arg0: i32) -> (i32, i32) {
    %c0_i32 = arith.constant 0 : i32
    %c0_i32_0 = arith.constant 0 : i32
    %c0_i32_1 = arith.constant 0 : i32
    return %c0_i32, %c0_i32_0 : i32, i32
  }
  func.func @transform_4(%arg0: i32) -> (i32, i32) {
    %c0_i32 = arith.constant 0 : i32
    %c0_i32_0 = arith.constant 0 : i32
    %c0_i32_1 = arith.constant 0 : i32
    return %c0_i32, %c0_i32_0 : i32, i32
  }
  func.func @transform_5(%arg0: i32) -> (i32, i32) {
    %c0_i32 = arith.constant 0 : i32
    %c0_i32_0 = arith.constant 0 : i32
    %c0_i32_1 = arith.constant 0 : i32
    return %c0_i32, %c0_i32_0 : i32, i32
  }
  func.func @transform_6(%arg0: i32) -> (i32, i32) {
    %c0_i32 = arith.constant 0 : i32
    %c0_i32_0 = arith.constant 0 : i32
    %c0_i32_1 = arith.constant 0 : i32
    return %c0_i32, %c0_i32_0 : i32, i32
  }
  func.func @transform_7(%arg0: i32) -> (i32, i32) {
    %c0_i32 = arith.constant 0 : i32
    %c0_i32_0 = arith.constant 0 : i32
    %c0_i32_1 = arith.constant 0 : i32
    return %c0_i32, %c0_i32_0 : i32, i32
  }
  func.func @transform_8(%arg0: i32) -> (i32, i32) {
    %c0_i32 = arith.constant 0 : i32
    %c0_i32_0 = arith.constant 0 : i32
    %c0_i32_1 = arith.constant 0 : i32
    return %c0_i32, %c0_i32_0 : i32, i32
  }
  func.func @transform_9(%arg0: i32) -> (i32, i32) {
    %c0_i32 = arith.constant 0 : i32
    %c0_i32_0 = arith.constant 0 : i32
    %c0_i32_1 = arith.constant 0 : i32
    return %c0_i32, %c0_i32_0 : i32, i32
  }
  func.func @transform_10(%arg0: i32) -> (i32, i32) {
    %c0_i32 = arith.constant 0 : i32
    %c0_i32_0 = arith.constant 0 : i32
    %c0_i32_1 = arith.constant 0 : i32
    return %c0_i32, %c0_i32_0 : i32, i32
  }
  func.func @transform_11(%arg0: i32) -> (i32, i32) {
    %c0_i32 = arith.constant 0 : i32
    %c0_i32_0 = arith.constant 0 : i32
    %c0_i32_1 = arith.constant 0 : i32
    return %c0_i32, %c0_i32_0 : i32, i32
  }
  func.func @transform_12(%arg0: i32) -> (i32, i32) {
    %c0_i32 = arith.constant 0 : i32
    %c0_i32_0 = arith.constant 0 : i32
    %c0_i32_1 = arith.constant 0 : i32
    return %c0_i32, %c0_i32_0 : i32, i32
  }
  func.func @transform_13(%arg0: i32) -> (i32, i32) {
    %c0_i32 = arith.constant 0 : i32
    %c0_i32_0 = arith.constant 0 : i32
    %c0_i32_1 = arith.constant 0 : i32
    return %c0_i32, %c0_i32_0 : i32, i32
  }
  func.func @transform_14(%arg0: i32) -> (i32, i32, i32) {
    %c0_i32 = arith.constant 0 : i32
    %c0_i32_0 = arith.constant 0 : i32
    %c0_i32_1 = arith.constant 0 : i32
    return %arg0, %c0_i32, %c0_i32_0 : i32, i32, i32
  }
}

module attributes {stable_mosaic.version = 14 : i64} {
  func.func @body(%arg0: i32, %arg1: i32, %arg2: memref<1x384x1xf32, #tpu.memory_space<vmem>>, %arg3: memref<1x384x1xf32, #tpu.memory_space<vmem>>, %arg4: memref<1x384x1xf32, #tpu.memory_space<vmem>>, %arg5: memref<1x1x128xf32, #tpu.memory_space<vmem>>, %arg6: memref<1x1x128xf32, #tpu.memory_space<vmem>>, %arg7: memref<1x1x128xf32, #tpu.memory_space<vmem>>, %arg8: memref<1x128x256xf32, #tpu.memory_space<vmem>>, %arg9: memref<1x384x128xf32, #tpu.memory_space<vmem>>, %arg10: memref<384x256xf32, #tpu.memory_space<vmem>>, %arg11: memref<1x256xf32, #tpu.memory_space<vmem>>, %arg12: memref<1x256xf32, #tpu.memory_space<vmem>>, %arg13: memref<1x256xf32, #tpu.memory_space<vmem>>, %arg14: memref<256x256xf32, #tpu.memory_space<vmem>>, %arg15: memref<1x256xf32, #tpu.memory_space<vmem>>, %arg16: memref<1x256xf32, #tpu.memory_space<vmem>>, %arg17: memref<1x256xf32, #tpu.memory_space<vmem>>, %arg18: memref<1x384x256xf32, #tpu.memory_space<vmem>>) attributes {dimension_semantics = [#tpu.dimension_semantics<arbitrary>, #tpu.dimension_semantics<arbitrary>], iteration_bounds = array<i64: 8, 1>, scalar_prefetch = 0 : i64, scratch_operands = 0 : i64, tpu.core_type = #tpu.core_type<tc>, window_params = [{transform_indices = @transform_0, window_bounds = array<i64: 1, 384, 1>}, {transform_indices = @transform_1, window_bounds = array<i64: 1, 384, 1>}, {transform_indices = @transform_2, window_bounds = array<i64: 1, 384, 1>}, {transform_indices = @transform_3, window_bounds = array<i64: 1, 1, 128>}, {transform_indices = @transform_4, window_bounds = array<i64: 1, 1, 128>}, {transform_indices = @transform_5, window_bounds = array<i64: 1, 1, 128>}, {transform_indices = @transform_6, window_bounds = array<i64: 1, 128, 256>}, {transform_indices = @transform_7, window_bounds = array<i64: 1, 384, 128>}, {pipeline_mode = #tpu.pipeline_mode<synchronous>, transform_indices = @transform_8, window_bounds = array<i64: 384, 256>}, {pipeline_mode = #tpu.pipeline_mode<synchronous>, transform_indices = @transform_9, window_bounds = array<i64: 1, 256>}, {pipeline_mode = #tpu.pipeline_mode<synchronous>, transform_indices = @transform_10, window_bounds = array<i64: 1, 256>}, {pipeline_mode = #tpu.pipeline_mode<synchronous>, transform_indices = @transform_11, window_bounds = array<i64: 1, 256>}, {pipeline_mode = #tpu.pipeline_mode<synchronous>, transform_indices = @transform_12, window_bounds = array<i64: 256, 256>}, {pipeline_mode = #tpu.pipeline_mode<synchronous>, transform_indices = @transform_13, window_bounds = array<i64: 1, 256>}, {pipeline_mode = #tpu.pipeline_mode<synchronous>, transform_indices = @transform_14, window_bounds = array<i64: 1, 256>}, {pipeline_mode = #tpu.pipeline_mode<synchronous>, transform_indices = @transform_15, window_bounds = array<i64: 1, 256>}, {transform_indices = @transform_16, window_bounds = array<i64: 1, 384, 256>}]} {
    %get3A = arith.constant 0 : index
    %get3A_0 = arith.constant 0 : index
    %get3A_1 = arith.constant 0 : index
    %get3A_2 = vector.load %arg2[%get3A, %get3A_0, %get3A_1] : memref<1x384x1xf32, #tpu.memory_space<vmem>>, vector<1x384x1xf32>
    %get3A_3 = vector.shape_cast %get3A_2 : vector<1x384x1xf32> to vector<384x1xf32>
    %get3A_4 = arith.constant 0 : index
    %get3A_5 = arith.constant 0 : index
    %get3A_6 = arith.constant 0 : index
    %get3A_7 = vector.load %arg3[%get3A_4, %get3A_5, %get3A_6] : memref<1x384x1xf32, #tpu.memory_space<vmem>>, vector<1x384x1xf32>
    %get3A_8 = vector.shape_cast %get3A_7 : vector<1x384x1xf32> to vector<384x1xf32>
    %get3A_9 = arith.constant 0 : index
    %get3A_10 = arith.constant 0 : index
    %get3A_11 = arith.constant 0 : index
    %get3A_12 = vector.load %arg4[%get3A_9, %get3A_10, %get3A_11] : memref<1x384x1xf32, #tpu.memory_space<vmem>>, vector<1x384x1xf32>
    %get3A_13 = vector.shape_cast %get3A_12 : vector<1x384x1xf32> to vector<384x1xf32>
    %get3A_14 = arith.constant 0 : index
    %get3A_15 = arith.constant 0 : index
    %get3A_16 = arith.constant 0 : index
    %get3A_17 = vector.load %arg5[%get3A_14, %get3A_15, %get3A_16] : memref<1x1x128xf32, #tpu.memory_space<vmem>>, vector<1x1x128xf32>
    %get3A_18 = vector.shape_cast %get3A_17 : vector<1x1x128xf32> to vector<1x128xf32>
    %get3A_19 = arith.constant 0 : index
    %get3A_20 = arith.constant 0 : index
    %get3A_21 = arith.constant 0 : index
    %get3A_22 = vector.load %arg6[%get3A_19, %get3A_20, %get3A_21] : memref<1x1x128xf32, #tpu.memory_space<vmem>>, vector<1x1x128xf32>
    %get3A_23 = vector.shape_cast %get3A_22 : vector<1x1x128xf32> to vector<1x128xf32>
    %get3A_24 = arith.constant 0 : index
    %get3A_25 = arith.constant 0 : index
    %get3A_26 = arith.constant 0 : index
    %get3A_27 = vector.load %arg7[%get3A_24, %get3A_25, %get3A_26] : memref<1x1x128xf32, #tpu.memory_space<vmem>>, vector<1x1x128xf32>
    %get3A_28 = vector.shape_cast %get3A_27 : vector<1x1x128xf32> to vector<1x128xf32>
    %convert_element_type3A = arith.truncf %get3A_3 : vector<384x1xf32> to vector<384x1xbf16>
    %convert_element_type3A_29 = arith.extf %convert_element_type3A : vector<384x1xbf16> to vector<384x1xf32>
    %convert_element_type3A_30 = arith.truncf %get3A_8 : vector<384x1xf32> to vector<384x1xbf16>
    %convert_element_type3A_31 = arith.extf %convert_element_type3A_30 : vector<384x1xbf16> to vector<384x1xf32>
    %convert_element_type3A_32 = arith.truncf %get3A_13 : vector<384x1xf32> to vector<384x1xbf16>
    %convert_element_type3A_33 = arith.extf %convert_element_type3A_32 : vector<384x1xbf16> to vector<384x1xf32>
    %convert_element_type3A_34 = arith.truncf %get3A_18 : vector<1x128xf32> to vector<1x128xbf16>
    %convert_element_type3A_35 = arith.extf %convert_element_type3A_34 : vector<1x128xbf16> to vector<1x128xf32>
    %convert_element_type3A_36 = arith.truncf %get3A_23 : vector<1x128xf32> to vector<1x128xbf16>
    %convert_element_type3A_37 = arith.extf %convert_element_type3A_36 : vector<1x128xbf16> to vector<1x128xf32>
    %convert_element_type3A_38 = arith.truncf %get3A_28 : vector<1x128xf32> to vector<1x128xbf16>
    %convert_element_type3A_39 = arith.extf %convert_element_type3A_38 : vector<1x128xbf16> to vector<1x128xf32>
    %mul3A = vector.broadcast %convert_element_type3A_29 : vector<384x1xf32> to vector<384x128xf32>
    %mul3A_40 = vector.broadcast %convert_element_type3A_35 : vector<1x128xf32> to vector<384x128xf32>
    %mul3A_41 = arith.mulf %mul3A, %mul3A_40 : vector<384x128xf32>
    %mul3A_42 = vector.broadcast %convert_element_type3A_31 : vector<384x1xf32> to vector<384x128xf32>
    %mul3A_43 = vector.broadcast %convert_element_type3A_37 : vector<1x128xf32> to vector<384x128xf32>
    %mul3A_44 = arith.mulf %mul3A_42, %mul3A_43 : vector<384x128xf32>
    %add3A = arith.addf %mul3A_41, %mul3A_44 : vector<384x128xf32>
    %mul3A_45 = vector.broadcast %convert_element_type3A_33 : vector<384x1xf32> to vector<384x128xf32>
    %mul3A_46 = vector.broadcast %convert_element_type3A_39 : vector<1x128xf32> to vector<384x128xf32>
    %mul3A_47 = arith.mulf %mul3A_45, %mul3A_46 : vector<384x128xf32>
    %add3A_48 = arith.addf %add3A, %mul3A_47 : vector<384x128xf32>
    %mul3A_49 = arith.constant -2.000000e+00 : f32
    %mul3A_50 = vector.broadcast %mul3A_49 : f32 to vector<384x128xf32>
    %mul3A_51 = arith.mulf %mul3A_50, %add3A_48 : vector<384x128xf32>
    %mul3A_52 = arith.mulf %get3A_3, %get3A_3 : vector<384x1xf32>
    %mul3A_53 = arith.mulf %get3A_8, %get3A_8 : vector<384x1xf32>
    %add3A_54 = arith.addf %mul3A_52, %mul3A_53 : vector<384x1xf32>
    %mul3A_55 = arith.mulf %get3A_13, %get3A_13 : vector<384x1xf32>
    %add3A_56 = arith.addf %add3A_54, %mul3A_55 : vector<384x1xf32>
    %add3A_57 = vector.broadcast %add3A_56 : vector<384x1xf32> to vector<384x128xf32>
    %add3A_58 = arith.addf %mul3A_51, %add3A_57 : vector<384x128xf32>
    %mul3A_59 = arith.mulf %get3A_18, %get3A_18 : vector<1x128xf32>
    %mul3A_60 = arith.mulf %get3A_23, %get3A_23 : vector<1x128xf32>
    %add3A_61 = arith.addf %mul3A_59, %mul3A_60 : vector<1x128xf32>
    %mul3A_62 = arith.mulf %get3A_28, %get3A_28 : vector<1x128xf32>
    %add3A_63 = arith.addf %add3A_61, %mul3A_62 : vector<1x128xf32>
    %add3A_64 = vector.broadcast %add3A_63 : vector<1x128xf32> to vector<384x128xf32>
    %add3A_65 = arith.addf %add3A_58, %add3A_64 : vector<384x128xf32>
    %iota3A = tpu.iota {dimensions = array<i32: 1>} : vector<384x128xi32>
    %broadcast_in_dim3A = arith.constant 0.000000e+00 : f32
    %broadcast_in_dim3A_66 = vector.broadcast %broadcast_in_dim3A : f32 to vector<384x1xf32>
    %broadcast_in_dim3A_67 = arith.constant 0.000000e+00 : f32
    %broadcast_in_dim3A_68 = vector.broadcast %broadcast_in_dim3A_67 : f32 to vector<384x128xf32>
    %reduce_min3A = arith.constant dense<0x7F800000> : vector<384xf32>
    %reduce_min3A_69 = vector.multi_reduction <minimumf>, %add3A_65, %reduce_min3A [1] : vector<384x128xf32> to vector<384xf32>
    %broadcast_in_dim3A_70 = vector.shape_cast %reduce_min3A_69 : vector<384xf32> to vector<384x1xf32>
    %eq3A = vector.broadcast %broadcast_in_dim3A_70 : vector<384x1xf32> to vector<384x128xf32>
    %eq3A_71 = arith.cmpf oeq, %add3A_65, %eq3A : vector<384x128xf32>
    %jit3A = arith.constant 128 : i32
    %broadcast_in_dim3A_72 = vector.broadcast %jit3A : i32 to vector<384x128xi32>
    %select_n3A = arith.select %eq3A_71, %iota3A, %broadcast_in_dim3A_72 : vector<384x128xi1>, vector<384x128xi32>
    %reduce_min3A_73 = arith.constant dense<2147483647> : vector<384xi32>
    %reduce_min3A_74 = vector.multi_reduction <minsi>, %select_n3A, %reduce_min3A_73 [1] : vector<384x128xi32> to vector<384xi32>
    %broadcast_in_dim3A_75 = vector.shape_cast %reduce_min3A_74 : vector<384xi32> to vector<384x1xi32>
    %eq3A_76 = vector.broadcast %broadcast_in_dim3A_75 : vector<384x1xi32> to vector<384x128xi32>
    %eq3A_77 = arith.cmpi eq, %iota3A, %eq3A_76 : vector<384x128xi32>
    %convert_element_type3A_78 = arith.extui %eq3A_77 : vector<384x128xi1> to vector<384x128xi32>
    %convert_element_type3A_79 = arith.sitofp %convert_element_type3A_78 : vector<384x128xi32> to vector<384x128xf32>
    %add3A_80 = arith.constant 9.99999993E-9 : f32
    %add3A_81 = vector.broadcast %add3A_80 : f32 to vector<384x1xf32>
    %add3A_82 = arith.addf %broadcast_in_dim3A_70, %add3A_81 : vector<384x1xf32>
    %div3A = arith.constant 1.000000e+00 : f32
    %div3A_83 = vector.broadcast %div3A : f32 to vector<384x1xf32>
    %div3A_84 = arith.divf %div3A_83, %add3A_82 : vector<384x1xf32>
    %add3A_85 = arith.addf %broadcast_in_dim3A_66, %div3A_84 : vector<384x1xf32>
    %mul3A_86 = vector.broadcast %div3A_84 : vector<384x1xf32> to vector<384x128xf32>
    %mul3A_87 = arith.mulf %convert_element_type3A_79, %mul3A_86 : vector<384x128xf32>
    %add3A_88 = arith.addf %broadcast_in_dim3A_68, %mul3A_87 : vector<384x128xf32>
    %gt3A = arith.constant 0.000000e+00 : f32
    %gt3A_89 = vector.broadcast %gt3A : f32 to vector<384x128xf32>
    %gt3A_90 = arith.cmpf ogt, %convert_element_type3A_79, %gt3A_89 : vector<384x128xf32>
    %jit3A_91 = arith.constant 0x7F800000 : f32
    %broadcast_in_dim3A_92 = vector.broadcast %jit3A_91 : f32 to vector<384x128xf32>
    %select_n3A_93 = arith.select %gt3A_90, %broadcast_in_dim3A_92, %add3A_65 : vector<384x128xi1>, vector<384x128xf32>
    %reduce_min3A_94 = arith.constant dense<0x7F800000> : vector<384xf32>
    %reduce_min3A_95 = vector.multi_reduction <minimumf>, %select_n3A_93, %reduce_min3A_94 [1] : vector<384x128xf32> to vector<384xf32>
    %broadcast_in_dim3A_96 = vector.shape_cast %reduce_min3A_95 : vector<384xf32> to vector<384x1xf32>
    %eq3A_97 = vector.broadcast %broadcast_in_dim3A_96 : vector<384x1xf32> to vector<384x128xf32>
    %eq3A_98 = arith.cmpf oeq, %select_n3A_93, %eq3A_97 : vector<384x128xf32>
    %jit3A_99 = arith.constant 128 : i32
    %broadcast_in_dim3A_100 = vector.broadcast %jit3A_99 : i32 to vector<384x128xi32>
    %select_n3A_101 = arith.select %eq3A_98, %iota3A, %broadcast_in_dim3A_100 : vector<384x128xi1>, vector<384x128xi32>
    %reduce_min3A_102 = arith.constant dense<2147483647> : vector<384xi32>
    %reduce_min3A_103 = vector.multi_reduction <minsi>, %select_n3A_101, %reduce_min3A_102 [1] : vector<384x128xi32> to vector<384xi32>
    %broadcast_in_dim3A_104 = vector.shape_cast %reduce_min3A_103 : vector<384xi32> to vector<384x1xi32>
    %eq3A_105 = vector.broadcast %broadcast_in_dim3A_104 : vector<384x1xi32> to vector<384x128xi32>
    %eq3A_106 = arith.cmpi eq, %iota3A, %eq3A_105 : vector<384x128xi32>
    %convert_element_type3A_107 = arith.extui %eq3A_106 : vector<384x128xi1> to vector<384x128xi32>
    %convert_element_type3A_108 = arith.sitofp %convert_element_type3A_107 : vector<384x128xi32> to vector<384x128xf32>
    %add3A_109 = arith.constant 9.99999993E-9 : f32
    %add3A_110 = vector.broadcast %add3A_109 : f32 to vector<384x1xf32>
    %add3A_111 = arith.addf %broadcast_in_dim3A_96, %add3A_110 : vector<384x1xf32>
    %div3A_112 = arith.constant 1.000000e+00 : f32
    %div3A_113 = vector.broadcast %div3A_112 : f32 to vector<384x1xf32>
    %div3A_114 = arith.divf %div3A_113, %add3A_111 : vector<384x1xf32>
    %add3A_115 = arith.addf %add3A_85, %div3A_114 : vector<384x1xf32>
    %mul3A_116 = vector.broadcast %div3A_114 : vector<384x1xf32> to vector<384x128xf32>
    %mul3A_117 = arith.mulf %convert_element_type3A_108, %mul3A_116 : vector<384x128xf32>
    %add3A_118 = arith.addf %add3A_88, %mul3A_117 : vector<384x128xf32>
    %gt3A_119 = arith.constant 0.000000e+00 : f32
    %gt3A_120 = vector.broadcast %gt3A_119 : f32 to vector<384x128xf32>
    %gt3A_121 = arith.cmpf ogt, %convert_element_type3A_108, %gt3A_120 : vector<384x128xf32>
    %jit3A_122 = arith.constant 0x7F800000 : f32
    %broadcast_in_dim3A_123 = vector.broadcast %jit3A_122 : f32 to vector<384x128xf32>
    %select_n3A_124 = arith.select %gt3A_121, %broadcast_in_dim3A_123, %select_n3A_93 : vector<384x128xi1>, vector<384x128xf32>
    %reduce_min3A_125 = arith.constant dense<0x7F800000> : vector<384xf32>
    %reduce_min3A_126 = vector.multi_reduction <minimumf>, %select_n3A_124, %reduce_min3A_125 [1] : vector<384x128xf32> to vector<384xf32>
    %broadcast_in_dim3A_127 = vector.shape_cast %reduce_min3A_126 : vector<384xf32> to vector<384x1xf32>
    %eq3A_128 = vector.broadcast %broadcast_in_dim3A_127 : vector<384x1xf32> to vector<384x128xf32>
    %eq3A_129 = arith.cmpf oeq, %select_n3A_124, %eq3A_128 : vector<384x128xf32>
    %jit3A_130 = arith.constant 128 : i32
    %broadcast_in_dim3A_131 = vector.broadcast %jit3A_130 : i32 to vector<384x128xi32>
    %select_n3A_132 = arith.select %eq3A_129, %iota3A, %broadcast_in_dim3A_131 : vector<384x128xi1>, vector<384x128xi32>
    %reduce_min3A_133 = arith.constant dense<2147483647> : vector<384xi32>
    %reduce_min3A_134 = vector.multi_reduction <minsi>, %select_n3A_132, %reduce_min3A_133 [1] : vector<384x128xi32> to vector<384xi32>
    %broadcast_in_dim3A_135 = vector.shape_cast %reduce_min3A_134 : vector<384xi32> to vector<384x1xi32>
    %eq3A_136 = vector.broadcast %broadcast_in_dim3A_135 : vector<384x1xi32> to vector<384x128xi32>
    %eq3A_137 = arith.cmpi eq, %iota3A, %eq3A_136 : vector<384x128xi32>
    %convert_element_type3A_138 = arith.extui %eq3A_137 : vector<384x128xi1> to vector<384x128xi32>
    %convert_element_type3A_139 = arith.sitofp %convert_element_type3A_138 : vector<384x128xi32> to vector<384x128xf32>
    %add3A_140 = arith.constant 9.99999993E-9 : f32
    %add3A_141 = vector.broadcast %add3A_140 : f32 to vector<384x1xf32>
    %add3A_142 = arith.addf %broadcast_in_dim3A_127, %add3A_141 : vector<384x1xf32>
    %div3A_143 = arith.constant 1.000000e+00 : f32
    %div3A_144 = vector.broadcast %div3A_143 : f32 to vector<384x1xf32>
    %div3A_145 = arith.divf %div3A_144, %add3A_142 : vector<384x1xf32>
    %add3A_146 = arith.addf %add3A_115, %div3A_145 : vector<384x1xf32>
    %mul3A_147 = vector.broadcast %div3A_145 : vector<384x1xf32> to vector<384x128xf32>
    %mul3A_148 = arith.mulf %convert_element_type3A_139, %mul3A_147 : vector<384x128xf32>
    %add3A_149 = arith.addf %add3A_118, %mul3A_148 : vector<384x128xf32>
    %div3A_150 = vector.broadcast %add3A_146 : vector<384x1xf32> to vector<384x128xf32>
    %div3A_151 = arith.divf %add3A_149, %div3A_150 : vector<384x128xf32>
    %get3A_152 = arith.constant 0 : index
    %get3A_153 = arith.constant 0 : index
    %get3A_154 = arith.constant 0 : index
    %get3A_155 = vector.load %arg8[%get3A_152, %get3A_153, %get3A_154] : memref<1x128x256xf32, #tpu.memory_space<vmem>>, vector<1x128x256xf32>
    %get3A_156 = vector.shape_cast %get3A_155 : vector<1x128x256xf32> to vector<128x256xf32>
    %dot_general3A = arith.constant dense<0.000000e+00> : vector<384x256xf32>
    %dot_general3A_157 = tpu.matmul %div3A_151, %get3A_156, %dot_general3A {dimension_numbers = #tpu.dot_dimension_numbers<[1], [0], [0], [1], [0, 0, 1, 1], [], []>, precision = #tpu.contract_precision<fp32>, transpose_lhs_hint = false} : vector<384x128xf32>, vector<128x256xf32>, vector<384x256xf32> -> vector<384x256xf32>
    %get3A_158 = arith.constant 0 : index
    %get3A_159 = arith.constant 0 : index
    %get3A_160 = arith.constant 0 : index
    %get3A_161 = vector.load %arg9[%get3A_158, %get3A_159, %get3A_160] : memref<1x384x128xf32, #tpu.memory_space<vmem>>, vector<1x384x128xf32>
    %get3A_162 = vector.shape_cast %get3A_161 : vector<1x384x128xf32> to vector<384x128xf32>
    %concatenate3A = tpu.concatenate %get3A_162, %dot_general3A_157 in 1 : vector<384x128xf32>, vector<384x256xf32> -> vector<384x384xf32>
    %get3A_163 = arith.constant 0 : index
    %get3A_164 = arith.constant 0 : index
    %get3A_165 = vector.load %arg10[%get3A_163, %get3A_164] : memref<384x256xf32, #tpu.memory_space<vmem>>, vector<384x256xf32>
    %get3A_166 = arith.constant 0 : index
    %get3A_167 = arith.constant 0 : index
    %get3A_168 = vector.load %arg11[%get3A_166, %get3A_167] : memref<1x256xf32, #tpu.memory_space<vmem>>, vector<1x256xf32>
    %get3A_169 = arith.constant 0 : index
    %get3A_170 = arith.constant 0 : index
    %get3A_171 = vector.load %arg12[%get3A_169, %get3A_170] : memref<1x256xf32, #tpu.memory_space<vmem>>, vector<1x256xf32>
    %get3A_172 = arith.constant 0 : index
    %get3A_173 = arith.constant 0 : index
    %get3A_174 = vector.load %arg13[%get3A_172, %get3A_173] : memref<1x256xf32, #tpu.memory_space<vmem>>, vector<1x256xf32>
    %convert_element_type3A_175 = arith.truncf %concatenate3A : vector<384x384xf32> to vector<384x384xbf16>
    %convert_element_type3A_176 = arith.truncf %get3A_165 : vector<384x256xf32> to vector<384x256xbf16>
    %dot_general3A_177 = arith.constant dense<0.000000e+00> : vector<384x256xf32>
    %dot_general3A_178 = tpu.matmul %convert_element_type3A_175, %convert_element_type3A_176, %dot_general3A_177 {dimension_numbers = #tpu.dot_dimension_numbers<[1], [0], [0], [1], [0, 0, 1, 1], [], []>, transpose_lhs_hint = false} : vector<384x384xbf16>, vector<384x256xbf16>, vector<384x256xf32> -> vector<384x256xf32>
    %add3A_179 = vector.broadcast %get3A_168 : vector<1x256xf32> to vector<384x256xf32>
    %add3A_180 = arith.addf %dot_general3A_178, %add3A_179 : vector<384x256xf32>
    %mul3A_181 = vector.broadcast %get3A_171 : vector<1x256xf32> to vector<384x256xf32>
    %mul3A_182 = arith.mulf %mul3A_181, %add3A_180 : vector<384x256xf32>
    %div3A_183 = arith.constant 1.00000501 : f32
    %div3A_184 = vector.broadcast %div3A_183 : f32 to vector<384x256xf32>
    %div3A_185 = arith.divf %mul3A_182, %div3A_184 : vector<384x256xf32>
    %add3A_186 = vector.broadcast %get3A_174 : vector<1x256xf32> to vector<384x256xf32>
    %add3A_187 = arith.addf %div3A_185, %add3A_186 : vector<384x256xf32>
    %max3A = arith.constant 0.000000e+00 : f32
    %max3A_188 = vector.broadcast %max3A : f32 to vector<384x256xf32>
    %max3A_189 = arith.maximumf %add3A_187, %max3A_188 : vector<384x256xf32>
    %get3A_190 = arith.constant 0 : index
    %get3A_191 = arith.constant 0 : index
    %get3A_192 = vector.load %arg14[%get3A_190, %get3A_191] : memref<256x256xf32, #tpu.memory_space<vmem>>, vector<256x256xf32>
    %get3A_193 = arith.constant 0 : index
    %get3A_194 = arith.constant 0 : index
    %get3A_195 = vector.load %arg15[%get3A_193, %get3A_194] : memref<1x256xf32, #tpu.memory_space<vmem>>, vector<1x256xf32>
    %get3A_196 = arith.constant 0 : index
    %get3A_197 = arith.constant 0 : index
    %get3A_198 = vector.load %arg16[%get3A_196, %get3A_197] : memref<1x256xf32, #tpu.memory_space<vmem>>, vector<1x256xf32>
    %get3A_199 = arith.constant 0 : index
    %get3A_200 = arith.constant 0 : index
    %get3A_201 = vector.load %arg17[%get3A_199, %get3A_200] : memref<1x256xf32, #tpu.memory_space<vmem>>, vector<1x256xf32>
    %convert_element_type3A_202 = arith.truncf %max3A_189 : vector<384x256xf32> to vector<384x256xbf16>
    %convert_element_type3A_203 = arith.truncf %get3A_192 : vector<256x256xf32> to vector<256x256xbf16>
    %dot_general3A_204 = arith.constant dense<0.000000e+00> : vector<384x256xf32>
    %dot_general3A_205 = tpu.matmul %convert_element_type3A_202, %convert_element_type3A_203, %dot_general3A_204 {dimension_numbers = #tpu.dot_dimension_numbers<[1], [0], [0], [1], [0, 0, 1, 1], [], []>, transpose_lhs_hint = false} : vector<384x256xbf16>, vector<256x256xbf16>, vector<384x256xf32> -> vector<384x256xf32>
    %add3A_206 = vector.broadcast %get3A_195 : vector<1x256xf32> to vector<384x256xf32>
    %add3A_207 = arith.addf %dot_general3A_205, %add3A_206 : vector<384x256xf32>
    %mul3A_208 = vector.broadcast %get3A_198 : vector<1x256xf32> to vector<384x256xf32>
    %mul3A_209 = arith.mulf %mul3A_208, %add3A_207 : vector<384x256xf32>
    %div3A_210 = arith.constant 1.00000501 : f32
    %div3A_211 = vector.broadcast %div3A_210 : f32 to vector<384x256xf32>
    %div3A_212 = arith.divf %mul3A_209, %div3A_211 : vector<384x256xf32>
    %add3A_213 = vector.broadcast %get3A_201 : vector<1x256xf32> to vector<384x256xf32>
    %add3A_214 = arith.addf %div3A_212, %add3A_213 : vector<384x256xf32>
    %max3A_215 = arith.constant 0.000000e+00 : f32
    %max3A_216 = vector.broadcast %max3A_215 : f32 to vector<384x256xf32>
    %max3A_217 = arith.maximumf %add3A_214, %max3A_216 : vector<384x256xf32>
    %swap3A = arith.constant 0 : index
    %swap3A_218 = arith.constant 0 : index
    %swap3A_219 = arith.constant 0 : index
    %swap3A_220 = vector.load %arg18[%swap3A, %swap3A_218, %swap3A_219] : memref<1x384x256xf32, #tpu.memory_space<vmem>>, vector<1x384x256xf32>
    %swap3A_221 = vector.shape_cast %swap3A_220 : vector<1x384x256xf32> to vector<384x256xf32>
    %swap3A_222 = vector.shape_cast %max3A_217 : vector<384x256xf32> to vector<1x384x256xf32>
    tpu.vector_store %arg18[%swap3A, %swap3A_218, %swap3A_219], %swap3A_222 {strides = array<i32>} : memref<1x384x256xf32, #tpu.memory_space<vmem>>, vector<1x384x256xf32>,
    return
  }
  func.func @transform_0(%arg0: i32, %arg1: i32) -> (i32, i32, i32) {
    %c0_i32 = arith.constant 0 : i32
    %c0_i32_0 = arith.constant 0 : i32
    return %arg0, %arg1, %c0_i32 : i32, i32, i32
  }
  func.func @transform_1(%arg0: i32, %arg1: i32) -> (i32, i32, i32) {
    %c0_i32 = arith.constant 0 : i32
    %c0_i32_0 = arith.constant 0 : i32
    return %arg0, %arg1, %c0_i32 : i32, i32, i32
  }
  func.func @transform_2(%arg0: i32, %arg1: i32) -> (i32, i32, i32) {
    %c0_i32 = arith.constant 0 : i32
    %c0_i32_0 = arith.constant 0 : i32
    return %arg0, %arg1, %c0_i32 : i32, i32, i32
  }
  func.func @transform_3(%arg0: i32, %arg1: i32) -> (i32, i32, i32) {
    %c0_i32 = arith.constant 0 : i32
    %c0_i32_0 = arith.constant 0 : i32
    %c0_i32_1 = arith.constant 0 : i32
    return %arg0, %c0_i32, %c0_i32_0 : i32, i32, i32
  }
  func.func @transform_4(%arg0: i32, %arg1: i32) -> (i32, i32, i32) {
    %c0_i32 = arith.constant 0 : i32
    %c0_i32_0 = arith.constant 0 : i32
    %c0_i32_1 = arith.constant 0 : i32
    return %arg0, %c0_i32, %c0_i32_0 : i32, i32, i32
  }
  func.func @transform_5(%arg0: i32, %arg1: i32) -> (i32, i32, i32) {
    %c0_i32 = arith.constant 0 : i32
    %c0_i32_0 = arith.constant 0 : i32
    %c0_i32_1 = arith.constant 0 : i32
    return %arg0, %c0_i32, %c0_i32_0 : i32, i32, i32
  }
  func.func @transform_6(%arg0: i32, %arg1: i32) -> (i32, i32, i32) {
    %c0_i32 = arith.constant 0 : i32
    %c0_i32_0 = arith.constant 0 : i32
    %c0_i32_1 = arith.constant 0 : i32
    return %arg0, %c0_i32, %c0_i32_0 : i32, i32, i32
  }
  func.func @transform_7(%arg0: i32, %arg1: i32) -> (i32, i32, i32) {
    %c0_i32 = arith.constant 0 : i32
    %c0_i32_0 = arith.constant 0 : i32
    return %arg0, %arg1, %c0_i32 : i32, i32, i32
  }
  func.func @transform_8(%arg0: i32, %arg1: i32) -> (i32, i32) {
    %c0_i32 = arith.constant 0 : i32
    %c0_i32_0 = arith.constant 0 : i32
    %c0_i32_1 = arith.constant 0 : i32
    return %c0_i32, %c0_i32_0 : i32, i32
  }
  func.func @transform_9(%arg0: i32, %arg1: i32) -> (i32, i32) {
    %c0_i32 = arith.constant 0 : i32
    %c0_i32_0 = arith.constant 0 : i32
    %c0_i32_1 = arith.constant 0 : i32
    return %c0_i32, %c0_i32_0 : i32, i32
  }
  func.func @transform_10(%arg0: i32, %arg1: i32) -> (i32, i32) {
    %c0_i32 = arith.constant 0 : i32
    %c0_i32_0 = arith.constant 0 : i32
    %c0_i32_1 = arith.constant 0 : i32
    return %c0_i32, %c0_i32_0 : i32, i32
  }
  func.func @transform_11(%arg0: i32, %arg1: i32) -> (i32, i32) {
    %c0_i32 = arith.constant 0 : i32
    %c0_i32_0 = arith.constant 0 : i32
    %c0_i32_1 = arith.constant 0 : i32
    return %c0_i32, %c0_i32_0 : i32, i32
  }
  func.func @transform_12(%arg0: i32, %arg1: i32) -> (i32, i32) {
    %c0_i32 = arith.constant 0 : i32
    %c0_i32_0 = arith.constant 0 : i32
    %c0_i32_1 = arith.constant 0 : i32
    return %c0_i32, %c0_i32_0 : i32, i32
  }
  func.func @transform_13(%arg0: i32, %arg1: i32) -> (i32, i32) {
    %c0_i32 = arith.constant 0 : i32
    %c0_i32_0 = arith.constant 0 : i32
    %c0_i32_1 = arith.constant 0 : i32
    return %c0_i32, %c0_i32_0 : i32, i32
  }
  func.func @transform_14(%arg0: i32, %arg1: i32) -> (i32, i32) {
    %c0_i32 = arith.constant 0 : i32
    %c0_i32_0 = arith.constant 0 : i32
    %c0_i32_1 = arith.constant 0 : i32
    return %c0_i32, %c0_i32_0 : i32, i32
  }
  func.func @transform_15(%arg0: i32, %arg1: i32) -> (i32, i32) {
    %c0_i32 = arith.constant 0 : i32
    %c0_i32_0 = arith.constant 0 : i32
    %c0_i32_1 = arith.constant 0 : i32
    return %c0_i32, %c0_i32_0 : i32, i32
  }
  func.func @transform_16(%arg0: i32, %arg1: i32) -> (i32, i32, i32) {
    %c0_i32 = arith.constant 0 : i32
    %c0_i32_0 = arith.constant 0 : i32
    return %arg0, %arg1, %c0_i32 : i32, i32, i32
  }
}

module attributes {stable_mosaic.version = 14 : i64} {
  func.func @body(%arg0: i32, %arg1: i32, %arg2: memref<1x1280x1xf32, #tpu.memory_space<vmem>>, %arg3: memref<1x1280x1xf32, #tpu.memory_space<vmem>>, %arg4: memref<1x1280x1xf32, #tpu.memory_space<vmem>>, %arg5: memref<1x1x384xf32, #tpu.memory_space<vmem>>, %arg6: memref<1x1x384xf32, #tpu.memory_space<vmem>>, %arg7: memref<1x1x384xf32, #tpu.memory_space<vmem>>, %arg8: memref<1x384x256xf32, #tpu.memory_space<vmem>>, %arg9: memref<1x1280x64xf32, #tpu.memory_space<vmem>>, %arg10: memref<320x256xf32, #tpu.memory_space<vmem>>, %arg11: memref<1x256xf32, #tpu.memory_space<vmem>>, %arg12: memref<1x256xf32, #tpu.memory_space<vmem>>, %arg13: memref<1x256xf32, #tpu.memory_space<vmem>>, %arg14: memref<256x128xf32, #tpu.memory_space<vmem>>, %arg15: memref<1x128xf32, #tpu.memory_space<vmem>>, %arg16: memref<1x128xf32, #tpu.memory_space<vmem>>, %arg17: memref<1x128xf32, #tpu.memory_space<vmem>>, %arg18: memref<1x1280x128xf32, #tpu.memory_space<vmem>>) attributes {dimension_semantics = [#tpu.dimension_semantics<arbitrary>, #tpu.dimension_semantics<arbitrary>], iteration_bounds = array<i64: 8, 1>, scalar_prefetch = 0 : i64, scratch_operands = 0 : i64, tpu.core_type = #tpu.core_type<tc>, window_params = [{transform_indices = @transform_0, window_bounds = array<i64: 1, 1280, 1>}, {transform_indices = @transform_1, window_bounds = array<i64: 1, 1280, 1>}, {transform_indices = @transform_2, window_bounds = array<i64: 1, 1280, 1>}, {transform_indices = @transform_3, window_bounds = array<i64: 1, 1, 384>}, {transform_indices = @transform_4, window_bounds = array<i64: 1, 1, 384>}, {transform_indices = @transform_5, window_bounds = array<i64: 1, 1, 384>}, {transform_indices = @transform_6, window_bounds = array<i64: 1, 384, 256>}, {transform_indices = @transform_7, window_bounds = array<i64: 1, 1280, 64>}, {pipeline_mode = #tpu.pipeline_mode<synchronous>, transform_indices = @transform_8, window_bounds = array<i64: 320, 256>}, {pipeline_mode = #tpu.pipeline_mode<synchronous>, transform_indices = @transform_9, window_bounds = array<i64: 1, 256>}, {pipeline_mode = #tpu.pipeline_mode<synchronous>, transform_indices = @transform_10, window_bounds = array<i64: 1, 256>}, {pipeline_mode = #tpu.pipeline_mode<synchronous>, transform_indices = @transform_11, window_bounds = array<i64: 1, 256>}, {pipeline_mode = #tpu.pipeline_mode<synchronous>, transform_indices = @transform_12, window_bounds = array<i64: 256, 128>}, {pipeline_mode = #tpu.pipeline_mode<synchronous>, transform_indices = @transform_13, window_bounds = array<i64: 1, 128>}, {pipeline_mode = #tpu.pipeline_mode<synchronous>, transform_indices = @transform_14, window_bounds = array<i64: 1, 128>}, {pipeline_mode = #tpu.pipeline_mode<synchronous>, transform_indices = @transform_15, window_bounds = array<i64: 1, 128>}, {transform_indices = @transform_16, window_bounds = array<i64: 1, 1280, 128>}]} {
    %get3A = arith.constant 0 : index
    %get3A_0 = arith.constant 0 : index
    %get3A_1 = arith.constant 0 : index
    %get3A_2 = vector.load %arg2[%get3A, %get3A_0, %get3A_1] : memref<1x1280x1xf32, #tpu.memory_space<vmem>>, vector<1x1280x1xf32>
    %get3A_3 = vector.shape_cast %get3A_2 : vector<1x1280x1xf32> to vector<1280x1xf32>
    %get3A_4 = arith.constant 0 : index
    %get3A_5 = arith.constant 0 : index
    %get3A_6 = arith.constant 0 : index
    %get3A_7 = vector.load %arg3[%get3A_4, %get3A_5, %get3A_6] : memref<1x1280x1xf32, #tpu.memory_space<vmem>>, vector<1x1280x1xf32>
    %get3A_8 = vector.shape_cast %get3A_7 : vector<1x1280x1xf32> to vector<1280x1xf32>
    %get3A_9 = arith.constant 0 : index
    %get3A_10 = arith.constant 0 : index
    %get3A_11 = arith.constant 0 : index
    %get3A_12 = vector.load %arg4[%get3A_9, %get3A_10, %get3A_11] : memref<1x1280x1xf32, #tpu.memory_space<vmem>>, vector<1x1280x1xf32>
    %get3A_13 = vector.shape_cast %get3A_12 : vector<1x1280x1xf32> to vector<1280x1xf32>
    %get3A_14 = arith.constant 0 : index
    %get3A_15 = arith.constant 0 : index
    %get3A_16 = arith.constant 0 : index
    %get3A_17 = vector.load %arg5[%get3A_14, %get3A_15, %get3A_16] : memref<1x1x384xf32, #tpu.memory_space<vmem>>, vector<1x1x384xf32>
    %get3A_18 = vector.shape_cast %get3A_17 : vector<1x1x384xf32> to vector<1x384xf32>
    %get3A_19 = arith.constant 0 : index
    %get3A_20 = arith.constant 0 : index
    %get3A_21 = arith.constant 0 : index
    %get3A_22 = vector.load %arg6[%get3A_19, %get3A_20, %get3A_21] : memref<1x1x384xf32, #tpu.memory_space<vmem>>, vector<1x1x384xf32>
    %get3A_23 = vector.shape_cast %get3A_22 : vector<1x1x384xf32> to vector<1x384xf32>
    %get3A_24 = arith.constant 0 : index
    %get3A_25 = arith.constant 0 : index
    %get3A_26 = arith.constant 0 : index
    %get3A_27 = vector.load %arg7[%get3A_24, %get3A_25, %get3A_26] : memref<1x1x384xf32, #tpu.memory_space<vmem>>, vector<1x1x384xf32>
    %get3A_28 = vector.shape_cast %get3A_27 : vector<1x1x384xf32> to vector<1x384xf32>
    %convert_element_type3A = arith.truncf %get3A_3 : vector<1280x1xf32> to vector<1280x1xbf16>
    %convert_element_type3A_29 = arith.extf %convert_element_type3A : vector<1280x1xbf16> to vector<1280x1xf32>
    %convert_element_type3A_30 = arith.truncf %get3A_8 : vector<1280x1xf32> to vector<1280x1xbf16>
    %convert_element_type3A_31 = arith.extf %convert_element_type3A_30 : vector<1280x1xbf16> to vector<1280x1xf32>
    %convert_element_type3A_32 = arith.truncf %get3A_13 : vector<1280x1xf32> to vector<1280x1xbf16>
    %convert_element_type3A_33 = arith.extf %convert_element_type3A_32 : vector<1280x1xbf16> to vector<1280x1xf32>
    %convert_element_type3A_34 = arith.truncf %get3A_18 : vector<1x384xf32> to vector<1x384xbf16>
    %convert_element_type3A_35 = arith.extf %convert_element_type3A_34 : vector<1x384xbf16> to vector<1x384xf32>
    %convert_element_type3A_36 = arith.truncf %get3A_23 : vector<1x384xf32> to vector<1x384xbf16>
    %convert_element_type3A_37 = arith.extf %convert_element_type3A_36 : vector<1x384xbf16> to vector<1x384xf32>
    %convert_element_type3A_38 = arith.truncf %get3A_28 : vector<1x384xf32> to vector<1x384xbf16>
    %convert_element_type3A_39 = arith.extf %convert_element_type3A_38 : vector<1x384xbf16> to vector<1x384xf32>
    %mul3A = vector.broadcast %convert_element_type3A_29 : vector<1280x1xf32> to vector<1280x384xf32>
    %mul3A_40 = vector.broadcast %convert_element_type3A_35 : vector<1x384xf32> to vector<1280x384xf32>
    %mul3A_41 = arith.mulf %mul3A, %mul3A_40 : vector<1280x384xf32>
    %mul3A_42 = vector.broadcast %convert_element_type3A_31 : vector<1280x1xf32> to vector<1280x384xf32>
    %mul3A_43 = vector.broadcast %convert_element_type3A_37 : vector<1x384xf32> to vector<1280x384xf32>
    %mul3A_44 = arith.mulf %mul3A_42, %mul3A_43 : vector<1280x384xf32>
    %add3A = arith.addf %mul3A_41, %mul3A_44 : vector<1280x384xf32>
    %mul3A_45 = vector.broadcast %convert_element_type3A_33 : vector<1280x1xf32> to vector<1280x384xf32>
    %mul3A_46 = vector.broadcast %convert_element_type3A_39 : vector<1x384xf32> to vector<1280x384xf32>
    %mul3A_47 = arith.mulf %mul3A_45, %mul3A_46 : vector<1280x384xf32>
    %add3A_48 = arith.addf %add3A, %mul3A_47 : vector<1280x384xf32>
    %mul3A_49 = arith.constant -2.000000e+00 : f32
    %mul3A_50 = vector.broadcast %mul3A_49 : f32 to vector<1280x384xf32>
    %mul3A_51 = arith.mulf %mul3A_50, %add3A_48 : vector<1280x384xf32>
    %mul3A_52 = arith.mulf %get3A_3, %get3A_3 : vector<1280x1xf32>
    %mul3A_53 = arith.mulf %get3A_8, %get3A_8 : vector<1280x1xf32>
    %add3A_54 = arith.addf %mul3A_52, %mul3A_53 : vector<1280x1xf32>
    %mul3A_55 = arith.mulf %get3A_13, %get3A_13 : vector<1280x1xf32>
    %add3A_56 = arith.addf %add3A_54, %mul3A_55 : vector<1280x1xf32>
    %add3A_57 = vector.broadcast %add3A_56 : vector<1280x1xf32> to vector<1280x384xf32>
    %add3A_58 = arith.addf %mul3A_51, %add3A_57 : vector<1280x384xf32>
    %mul3A_59 = arith.mulf %get3A_18, %get3A_18 : vector<1x384xf32>
    %mul3A_60 = arith.mulf %get3A_23, %get3A_23 : vector<1x384xf32>
    %add3A_61 = arith.addf %mul3A_59, %mul3A_60 : vector<1x384xf32>
    %mul3A_62 = arith.mulf %get3A_28, %get3A_28 : vector<1x384xf32>
    %add3A_63 = arith.addf %add3A_61, %mul3A_62 : vector<1x384xf32>
    %add3A_64 = vector.broadcast %add3A_63 : vector<1x384xf32> to vector<1280x384xf32>
    %add3A_65 = arith.addf %add3A_58, %add3A_64 : vector<1280x384xf32>
    %iota3A = tpu.iota {dimensions = array<i32: 1>} : vector<1280x384xi32>
    %broadcast_in_dim3A = arith.constant 0.000000e+00 : f32
    %broadcast_in_dim3A_66 = vector.broadcast %broadcast_in_dim3A : f32 to vector<1280x1xf32>
    %broadcast_in_dim3A_67 = arith.constant 0.000000e+00 : f32
    %broadcast_in_dim3A_68 = vector.broadcast %broadcast_in_dim3A_67 : f32 to vector<1280x384xf32>
    %reduce_min3A = arith.constant dense<0x7F800000> : vector<1280xf32>
    %reduce_min3A_69 = vector.multi_reduction <minimumf>, %add3A_65, %reduce_min3A [1] : vector<1280x384xf32> to vector<1280xf32>
    %broadcast_in_dim3A_70 = vector.shape_cast %reduce_min3A_69 : vector<1280xf32> to vector<1280x1xf32>
    %eq3A = vector.broadcast %broadcast_in_dim3A_70 : vector<1280x1xf32> to vector<1280x384xf32>
    %eq3A_71 = arith.cmpf oeq, %add3A_65, %eq3A : vector<1280x384xf32>
    %jit3A = arith.constant 384 : i32
    %broadcast_in_dim3A_72 = vector.broadcast %jit3A : i32 to vector<1280x384xi32>
    %select_n3A = arith.select %eq3A_71, %iota3A, %broadcast_in_dim3A_72 : vector<1280x384xi1>, vector<1280x384xi32>
    %reduce_min3A_73 = arith.constant dense<2147483647> : vector<1280xi32>
    %reduce_min3A_74 = vector.multi_reduction <minsi>, %select_n3A, %reduce_min3A_73 [1] : vector<1280x384xi32> to vector<1280xi32>
    %broadcast_in_dim3A_75 = vector.shape_cast %reduce_min3A_74 : vector<1280xi32> to vector<1280x1xi32>
    %eq3A_76 = vector.broadcast %broadcast_in_dim3A_75 : vector<1280x1xi32> to vector<1280x384xi32>
    %eq3A_77 = arith.cmpi eq, %iota3A, %eq3A_76 : vector<1280x384xi32>
    %convert_element_type3A_78 = arith.extui %eq3A_77 : vector<1280x384xi1> to vector<1280x384xi32>
    %convert_element_type3A_79 = arith.sitofp %convert_element_type3A_78 : vector<1280x384xi32> to vector<1280x384xf32>
    %add3A_80 = arith.constant 9.99999993E-9 : f32
    %add3A_81 = vector.broadcast %add3A_80 : f32 to vector<1280x1xf32>
    %add3A_82 = arith.addf %broadcast_in_dim3A_70, %add3A_81 : vector<1280x1xf32>
    %div3A = arith.constant 1.000000e+00 : f32
    %div3A_83 = vector.broadcast %div3A : f32 to vector<1280x1xf32>
    %div3A_84 = arith.divf %div3A_83, %add3A_82 : vector<1280x1xf32>
    %add3A_85 = arith.addf %broadcast_in_dim3A_66, %div3A_84 : vector<1280x1xf32>
    %mul3A_86 = vector.broadcast %div3A_84 : vector<1280x1xf32> to vector<1280x384xf32>
    %mul3A_87 = arith.mulf %convert_element_type3A_79, %mul3A_86 : vector<1280x384xf32>
    %add3A_88 = arith.addf %broadcast_in_dim3A_68, %mul3A_87 : vector<1280x384xf32>
    %gt3A = arith.constant 0.000000e+00 : f32
    %gt3A_89 = vector.broadcast %gt3A : f32 to vector<1280x384xf32>
    %gt3A_90 = arith.cmpf ogt, %convert_element_type3A_79, %gt3A_89 : vector<1280x384xf32>
    %jit3A_91 = arith.constant 0x7F800000 : f32
    %broadcast_in_dim3A_92 = vector.broadcast %jit3A_91 : f32 to vector<1280x384xf32>
    %select_n3A_93 = arith.select %gt3A_90, %broadcast_in_dim3A_92, %add3A_65 : vector<1280x384xi1>, vector<1280x384xf32>
    %reduce_min3A_94 = arith.constant dense<0x7F800000> : vector<1280xf32>
    %reduce_min3A_95 = vector.multi_reduction <minimumf>, %select_n3A_93, %reduce_min3A_94 [1] : vector<1280x384xf32> to vector<1280xf32>
    %broadcast_in_dim3A_96 = vector.shape_cast %reduce_min3A_95 : vector<1280xf32> to vector<1280x1xf32>
    %eq3A_97 = vector.broadcast %broadcast_in_dim3A_96 : vector<1280x1xf32> to vector<1280x384xf32>
    %eq3A_98 = arith.cmpf oeq, %select_n3A_93, %eq3A_97 : vector<1280x384xf32>
    %jit3A_99 = arith.constant 384 : i32
    %broadcast_in_dim3A_100 = vector.broadcast %jit3A_99 : i32 to vector<1280x384xi32>
    %select_n3A_101 = arith.select %eq3A_98, %iota3A, %broadcast_in_dim3A_100 : vector<1280x384xi1>, vector<1280x384xi32>
    %reduce_min3A_102 = arith.constant dense<2147483647> : vector<1280xi32>
    %reduce_min3A_103 = vector.multi_reduction <minsi>, %select_n3A_101, %reduce_min3A_102 [1] : vector<1280x384xi32> to vector<1280xi32>
    %broadcast_in_dim3A_104 = vector.shape_cast %reduce_min3A_103 : vector<1280xi32> to vector<1280x1xi32>
    %eq3A_105 = vector.broadcast %broadcast_in_dim3A_104 : vector<1280x1xi32> to vector<1280x384xi32>
    %eq3A_106 = arith.cmpi eq, %iota3A, %eq3A_105 : vector<1280x384xi32>
    %convert_element_type3A_107 = arith.extui %eq3A_106 : vector<1280x384xi1> to vector<1280x384xi32>
    %convert_element_type3A_108 = arith.sitofp %convert_element_type3A_107 : vector<1280x384xi32> to vector<1280x384xf32>
    %add3A_109 = arith.constant 9.99999993E-9 : f32
    %add3A_110 = vector.broadcast %add3A_109 : f32 to vector<1280x1xf32>
    %add3A_111 = arith.addf %broadcast_in_dim3A_96, %add3A_110 : vector<1280x1xf32>
    %div3A_112 = arith.constant 1.000000e+00 : f32
    %div3A_113 = vector.broadcast %div3A_112 : f32 to vector<1280x1xf32>
    %div3A_114 = arith.divf %div3A_113, %add3A_111 : vector<1280x1xf32>
    %add3A_115 = arith.addf %add3A_85, %div3A_114 : vector<1280x1xf32>
    %mul3A_116 = vector.broadcast %div3A_114 : vector<1280x1xf32> to vector<1280x384xf32>
    %mul3A_117 = arith.mulf %convert_element_type3A_108, %mul3A_116 : vector<1280x384xf32>
    %add3A_118 = arith.addf %add3A_88, %mul3A_117 : vector<1280x384xf32>
    %gt3A_119 = arith.constant 0.000000e+00 : f32
    %gt3A_120 = vector.broadcast %gt3A_119 : f32 to vector<1280x384xf32>
    %gt3A_121 = arith.cmpf ogt, %convert_element_type3A_108, %gt3A_120 : vector<1280x384xf32>
    %jit3A_122 = arith.constant 0x7F800000 : f32
    %broadcast_in_dim3A_123 = vector.broadcast %jit3A_122 : f32 to vector<1280x384xf32>
    %select_n3A_124 = arith.select %gt3A_121, %broadcast_in_dim3A_123, %select_n3A_93 : vector<1280x384xi1>, vector<1280x384xf32>
    %reduce_min3A_125 = arith.constant dense<0x7F800000> : vector<1280xf32>
    %reduce_min3A_126 = vector.multi_reduction <minimumf>, %select_n3A_124, %reduce_min3A_125 [1] : vector<1280x384xf32> to vector<1280xf32>
    %broadcast_in_dim3A_127 = vector.shape_cast %reduce_min3A_126 : vector<1280xf32> to vector<1280x1xf32>
    %eq3A_128 = vector.broadcast %broadcast_in_dim3A_127 : vector<1280x1xf32> to vector<1280x384xf32>
    %eq3A_129 = arith.cmpf oeq, %select_n3A_124, %eq3A_128 : vector<1280x384xf32>
    %jit3A_130 = arith.constant 384 : i32
    %broadcast_in_dim3A_131 = vector.broadcast %jit3A_130 : i32 to vector<1280x384xi32>
    %select_n3A_132 = arith.select %eq3A_129, %iota3A, %broadcast_in_dim3A_131 : vector<1280x384xi1>, vector<1280x384xi32>
    %reduce_min3A_133 = arith.constant dense<2147483647> : vector<1280xi32>
    %reduce_min3A_134 = vector.multi_reduction <minsi>, %select_n3A_132, %reduce_min3A_133 [1] : vector<1280x384xi32> to vector<1280xi32>
    %broadcast_in_dim3A_135 = vector.shape_cast %reduce_min3A_134 : vector<1280xi32> to vector<1280x1xi32>
    %eq3A_136 = vector.broadcast %broadcast_in_dim3A_135 : vector<1280x1xi32> to vector<1280x384xi32>
    %eq3A_137 = arith.cmpi eq, %iota3A, %eq3A_136 : vector<1280x384xi32>
    %convert_element_type3A_138 = arith.extui %eq3A_137 : vector<1280x384xi1> to vector<1280x384xi32>
    %convert_element_type3A_139 = arith.sitofp %convert_element_type3A_138 : vector<1280x384xi32> to vector<1280x384xf32>
    %add3A_140 = arith.constant 9.99999993E-9 : f32
    %add3A_141 = vector.broadcast %add3A_140 : f32 to vector<1280x1xf32>
    %add3A_142 = arith.addf %broadcast_in_dim3A_127, %add3A_141 : vector<1280x1xf32>
    %div3A_143 = arith.constant 1.000000e+00 : f32
    %div3A_144 = vector.broadcast %div3A_143 : f32 to vector<1280x1xf32>
    %div3A_145 = arith.divf %div3A_144, %add3A_142 : vector<1280x1xf32>
    %add3A_146 = arith.addf %add3A_115, %div3A_145 : vector<1280x1xf32>
    %mul3A_147 = vector.broadcast %div3A_145 : vector<1280x1xf32> to vector<1280x384xf32>
    %mul3A_148 = arith.mulf %convert_element_type3A_139, %mul3A_147 : vector<1280x384xf32>
    %add3A_149 = arith.addf %add3A_118, %mul3A_148 : vector<1280x384xf32>
    %div3A_150 = vector.broadcast %add3A_146 : vector<1280x1xf32> to vector<1280x384xf32>
    %div3A_151 = arith.divf %add3A_149, %div3A_150 : vector<1280x384xf32>
    %get3A_152 = arith.constant 0 : index
    %get3A_153 = arith.constant 0 : index
    %get3A_154 = arith.constant 0 : index
    %get3A_155 = vector.load %arg8[%get3A_152, %get3A_153, %get3A_154] : memref<1x384x256xf32, #tpu.memory_space<vmem>>, vector<1x384x256xf32>
    %get3A_156 = vector.shape_cast %get3A_155 : vector<1x384x256xf32> to vector<384x256xf32>
    %dot_general3A = arith.constant dense<0.000000e+00> : vector<1280x256xf32>
    %dot_general3A_157 = tpu.matmul %div3A_151, %get3A_156, %dot_general3A {dimension_numbers = #tpu.dot_dimension_numbers<[1], [0], [0], [1], [0, 0, 1, 1], [], []>, precision = #tpu.contract_precision<fp32>, transpose_lhs_hint = false} : vector<1280x384xf32>, vector<384x256xf32>, vector<1280x256xf32> -> vector<1280x256xf32>
    %get3A_158 = arith.constant 0 : index
    %get3A_159 = arith.constant 0 : index
    %get3A_160 = arith.constant 0 : index
    %get3A_161 = vector.load %arg9[%get3A_158, %get3A_159, %get3A_160] : memref<1x1280x64xf32, #tpu.memory_space<vmem>>, vector<1x1280x64xf32>
    %get3A_162 = vector.shape_cast %get3A_161 : vector<1x1280x64xf32> to vector<1280x64xf32>
    %concatenate3A = tpu.concatenate %get3A_162, %dot_general3A_157 in 1 : vector<1280x64xf32>, vector<1280x256xf32> -> vector<1280x320xf32>
    %get3A_163 = arith.constant 0 : index
    %get3A_164 = arith.constant 0 : index
    %get3A_165 = vector.load %arg10[%get3A_163, %get3A_164] : memref<320x256xf32, #tpu.memory_space<vmem>>, vector<320x256xf32>
    %get3A_166 = arith.constant 0 : index
    %get3A_167 = arith.constant 0 : index
    %get3A_168 = vector.load %arg11[%get3A_166, %get3A_167] : memref<1x256xf32, #tpu.memory_space<vmem>>, vector<1x256xf32>
    %get3A_169 = arith.constant 0 : index
    %get3A_170 = arith.constant 0 : index
    %get3A_171 = vector.load %arg12[%get3A_169, %get3A_170] : memref<1x256xf32, #tpu.memory_space<vmem>>, vector<1x256xf32>
    %get3A_172 = arith.constant 0 : index
    %get3A_173 = arith.constant 0 : index
    %get3A_174 = vector.load %arg13[%get3A_172, %get3A_173] : memref<1x256xf32, #tpu.memory_space<vmem>>, vector<1x256xf32>
    %convert_element_type3A_175 = arith.truncf %concatenate3A : vector<1280x320xf32> to vector<1280x320xbf16>
    %convert_element_type3A_176 = arith.truncf %get3A_165 : vector<320x256xf32> to vector<320x256xbf16>
    %dot_general3A_177 = arith.constant dense<0.000000e+00> : vector<1280x256xf32>
    %dot_general3A_178 = tpu.matmul %convert_element_type3A_175, %convert_element_type3A_176, %dot_general3A_177 {dimension_numbers = #tpu.dot_dimension_numbers<[1], [0], [0], [1], [0, 0, 1, 1], [], []>, transpose_lhs_hint = false} : vector<1280x320xbf16>, vector<320x256xbf16>, vector<1280x256xf32> -> vector<1280x256xf32>
    %add3A_179 = vector.broadcast %get3A_168 : vector<1x256xf32> to vector<1280x256xf32>
    %add3A_180 = arith.addf %dot_general3A_178, %add3A_179 : vector<1280x256xf32>
    %mul3A_181 = vector.broadcast %get3A_171 : vector<1x256xf32> to vector<1280x256xf32>
    %mul3A_182 = arith.mulf %mul3A_181, %add3A_180 : vector<1280x256xf32>
    %div3A_183 = arith.constant 1.00000501 : f32
    %div3A_184 = vector.broadcast %div3A_183 : f32 to vector<1280x256xf32>
    %div3A_185 = arith.divf %mul3A_182, %div3A_184 : vector<1280x256xf32>
    %add3A_186 = vector.broadcast %get3A_174 : vector<1x256xf32> to vector<1280x256xf32>
    %add3A_187 = arith.addf %div3A_185, %add3A_186 : vector<1280x256xf32>
    %max3A = arith.constant 0.000000e+00 : f32
    %max3A_188 = vector.broadcast %max3A : f32 to vector<1280x256xf32>
    %max3A_189 = arith.maximumf %add3A_187, %max3A_188 : vector<1280x256xf32>
    %get3A_190 = arith.constant 0 : index
    %get3A_191 = arith.constant 0 : index
    %get3A_192 = vector.load %arg14[%get3A_190, %get3A_191] : memref<256x128xf32, #tpu.memory_space<vmem>>, vector<256x128xf32>
    %get3A_193 = arith.constant 0 : index
    %get3A_194 = arith.constant 0 : index
    %get3A_195 = vector.load %arg15[%get3A_193, %get3A_194] : memref<1x128xf32, #tpu.memory_space<vmem>>, vector<1x128xf32>
    %get3A_196 = arith.constant 0 : index
    %get3A_197 = arith.constant 0 : index
    %get3A_198 = vector.load %arg16[%get3A_196, %get3A_197] : memref<1x128xf32, #tpu.memory_space<vmem>>, vector<1x128xf32>
    %get3A_199 = arith.constant 0 : index
    %get3A_200 = arith.constant 0 : index
    %get3A_201 = vector.load %arg17[%get3A_199, %get3A_200] : memref<1x128xf32, #tpu.memory_space<vmem>>, vector<1x128xf32>
    %convert_element_type3A_202 = arith.truncf %max3A_189 : vector<1280x256xf32> to vector<1280x256xbf16>
    %convert_element_type3A_203 = arith.truncf %get3A_192 : vector<256x128xf32> to vector<256x128xbf16>
    %dot_general3A_204 = arith.constant dense<0.000000e+00> : vector<1280x128xf32>
    %dot_general3A_205 = tpu.matmul %convert_element_type3A_202, %convert_element_type3A_203, %dot_general3A_204 {dimension_numbers = #tpu.dot_dimension_numbers<[1], [0], [0], [1], [0, 0, 1, 1], [], []>, transpose_lhs_hint = false} : vector<1280x256xbf16>, vector<256x128xbf16>, vector<1280x128xf32> -> vector<1280x128xf32>
    %add3A_206 = vector.broadcast %get3A_195 : vector<1x128xf32> to vector<1280x128xf32>
    %add3A_207 = arith.addf %dot_general3A_205, %add3A_206 : vector<1280x128xf32>
    %mul3A_208 = vector.broadcast %get3A_198 : vector<1x128xf32> to vector<1280x128xf32>
    %mul3A_209 = arith.mulf %mul3A_208, %add3A_207 : vector<1280x128xf32>
    %div3A_210 = arith.constant 1.00000501 : f32
    %div3A_211 = vector.broadcast %div3A_210 : f32 to vector<1280x128xf32>
    %div3A_212 = arith.divf %mul3A_209, %div3A_211 : vector<1280x128xf32>
    %add3A_213 = vector.broadcast %get3A_201 : vector<1x128xf32> to vector<1280x128xf32>
    %add3A_214 = arith.addf %div3A_212, %add3A_213 : vector<1280x128xf32>
    %max3A_215 = arith.constant 0.000000e+00 : f32
    %max3A_216 = vector.broadcast %max3A_215 : f32 to vector<1280x128xf32>
    %max3A_217 = arith.maximumf %add3A_214, %max3A_216 : vector<1280x128xf32>
    %swap3A = arith.constant 0 : index
    %swap3A_218 = arith.constant 0 : index
    %swap3A_219 = arith.constant 0 : index
    %swap3A_220 = vector.load %arg18[%swap3A, %swap3A_218, %swap3A_219] : memref<1x1280x128xf32, #tpu.memory_space<vmem>>, vector<1x1280x128xf32>
    %swap3A_221 = vector.shape_cast %swap3A_220 : vector<1x1280x128xf32> to vector<1280x128xf32>
    %swap3A_222 = vector.shape_cast %max3A_217 : vector<1280x128xf32> to vector<1x1280x128xf32>
    tpu.vector_store %arg18[%swap3A, %swap3A_218, %swap3A_219], %swap3A_222 {strides = array<i32>} : memref<1x1280x128xf32, #tpu.memory_space<vmem>>, vector<1x1280x128xf32>,
    return
  }
  func.func @transform_0(%arg0: i32, %arg1: i32) -> (i32, i32, i32) {
    %c0_i32 = arith.constant 0 : i32
    %c0_i32_0 = arith.constant 0 : i32
    return %arg0, %arg1, %c0_i32 : i32, i32, i32
  }
  func.func @transform_1(%arg0: i32, %arg1: i32) -> (i32, i32, i32) {
    %c0_i32 = arith.constant 0 : i32
    %c0_i32_0 = arith.constant 0 : i32
    return %arg0, %arg1, %c0_i32 : i32, i32, i32
  }
  func.func @transform_2(%arg0: i32, %arg1: i32) -> (i32, i32, i32) {
    %c0_i32 = arith.constant 0 : i32
    %c0_i32_0 = arith.constant 0 : i32
    return %arg0, %arg1, %c0_i32 : i32, i32, i32
  }
  func.func @transform_3(%arg0: i32, %arg1: i32) -> (i32, i32, i32) {
    %c0_i32 = arith.constant 0 : i32
    %c0_i32_0 = arith.constant 0 : i32
    %c0_i32_1 = arith.constant 0 : i32
    return %arg0, %c0_i32, %c0_i32_0 : i32, i32, i32
  }
  func.func @transform_4(%arg0: i32, %arg1: i32) -> (i32, i32, i32) {
    %c0_i32 = arith.constant 0 : i32
    %c0_i32_0 = arith.constant 0 : i32
    %c0_i32_1 = arith.constant 0 : i32
    return %arg0, %c0_i32, %c0_i32_0 : i32, i32, i32
  }
  func.func @transform_5(%arg0: i32, %arg1: i32) -> (i32, i32, i32) {
    %c0_i32 = arith.constant 0 : i32
    %c0_i32_0 = arith.constant 0 : i32
    %c0_i32_1 = arith.constant 0 : i32
    return %arg0, %c0_i32, %c0_i32_0 : i32, i32, i32
  }
  func.func @transform_6(%arg0: i32, %arg1: i32) -> (i32, i32, i32) {
    %c0_i32 = arith.constant 0 : i32
    %c0_i32_0 = arith.constant 0 : i32
    %c0_i32_1 = arith.constant 0 : i32
    return %arg0, %c0_i32, %c0_i32_0 : i32, i32, i32
  }
  func.func @transform_7(%arg0: i32, %arg1: i32) -> (i32, i32, i32) {
    %c0_i32 = arith.constant 0 : i32
    %c0_i32_0 = arith.constant 0 : i32
    return %arg0, %arg1, %c0_i32 : i32, i32, i32
  }
  func.func @transform_8(%arg0: i32, %arg1: i32) -> (i32, i32) {
    %c0_i32 = arith.constant 0 : i32
    %c0_i32_0 = arith.constant 0 : i32
    %c0_i32_1 = arith.constant 0 : i32
    return %c0_i32, %c0_i32_0 : i32, i32
  }
  func.func @transform_9(%arg0: i32, %arg1: i32) -> (i32, i32) {
    %c0_i32 = arith.constant 0 : i32
    %c0_i32_0 = arith.constant 0 : i32
    %c0_i32_1 = arith.constant 0 : i32
    return %c0_i32, %c0_i32_0 : i32, i32
  }
  func.func @transform_10(%arg0: i32, %arg1: i32) -> (i32, i32) {
    %c0_i32 = arith.constant 0 : i32
    %c0_i32_0 = arith.constant 0 : i32
    %c0_i32_1 = arith.constant 0 : i32
    return %c0_i32, %c0_i32_0 : i32, i32
  }
  func.func @transform_11(%arg0: i32, %arg1: i32) -> (i32, i32) {
    %c0_i32 = arith.constant 0 : i32
    %c0_i32_0 = arith.constant 0 : i32
    %c0_i32_1 = arith.constant 0 : i32
    return %c0_i32, %c0_i32_0 : i32, i32
  }
  func.func @transform_12(%arg0: i32, %arg1: i32) -> (i32, i32) {
    %c0_i32 = arith.constant 0 : i32
    %c0_i32_0 = arith.constant 0 : i32
    %c0_i32_1 = arith.constant 0 : i32
    return %c0_i32, %c0_i32_0 : i32, i32
  }
  func.func @transform_13(%arg0: i32, %arg1: i32) -> (i32, i32) {
    %c0_i32 = arith.constant 0 : i32
    %c0_i32_0 = arith.constant 0 : i32
    %c0_i32_1 = arith.constant 0 : i32
    return %c0_i32, %c0_i32_0 : i32, i32
  }
  func.func @transform_14(%arg0: i32, %arg1: i32) -> (i32, i32) {
    %c0_i32 = arith.constant 0 : i32
    %c0_i32_0 = arith.constant 0 : i32
    %c0_i32_1 = arith.constant 0 : i32
    return %c0_i32, %c0_i32_0 : i32, i32
  }
  func.func @transform_15(%arg0: i32, %arg1: i32) -> (i32, i32) {
    %c0_i32 = arith.constant 0 : i32
    %c0_i32_0 = arith.constant 0 : i32
    %c0_i32_1 = arith.constant 0 : i32
    return %c0_i32, %c0_i32_0 : i32, i32
  }
  func.func @transform_16(%arg0: i32, %arg1: i32) -> (i32, i32, i32) {
    %c0_i32 = arith.constant 0 : i32
    %c0_i32_0 = arith.constant 0 : i32
    return %arg0, %arg1, %c0_i32 : i32, i32, i32
  }
}

module attributes {stable_mosaic.version = 14 : i64} {
  func.func @body(%arg0: i32, %arg1: i32, %arg2: memref<1x592x1xf32, #tpu.memory_space<vmem>>, %arg3: memref<1x592x1xf32, #tpu.memory_space<vmem>>, %arg4: memref<1x592x1xf32, #tpu.memory_space<vmem>>, %arg5: memref<1x1x1280xf32, #tpu.memory_space<vmem>>, %arg6: memref<1x1x1280xf32, #tpu.memory_space<vmem>>, %arg7: memref<1x1x1280xf32, #tpu.memory_space<vmem>>, %arg8: memref<1x1280x128xf32, #tpu.memory_space<vmem>>, %arg9: memref<128x128xf32, #tpu.memory_space<vmem>>, %arg10: memref<1x128xf32, #tpu.memory_space<vmem>>, %arg11: memref<1x128xf32, #tpu.memory_space<vmem>>, %arg12: memref<1x128xf32, #tpu.memory_space<vmem>>, %arg13: memref<128x128xf32, #tpu.memory_space<vmem>>, %arg14: memref<1x128xf32, #tpu.memory_space<vmem>>, %arg15: memref<1x128xf32, #tpu.memory_space<vmem>>, %arg16: memref<1x128xf32, #tpu.memory_space<vmem>>, %arg17: memref<128x128xf32, #tpu.memory_space<vmem>>, %arg18: memref<1x128xf32, #tpu.memory_space<vmem>>, %arg19: memref<1x128xf32, #tpu.memory_space<vmem>>, %arg20: memref<1x128xf32, #tpu.memory_space<vmem>>, %arg21: memref<128x128xf32, #tpu.memory_space<vmem>>, %arg22: memref<1x128xf32, #tpu.memory_space<vmem>>, %arg23: memref<1x128xf32, #tpu.memory_space<vmem>>, %arg24: memref<1x128xf32, #tpu.memory_space<vmem>>, %arg25: memref<128x1xf32, #tpu.memory_space<vmem>>, %arg26: memref<1x1xf32, #tpu.memory_space<vmem>>, %arg27: memref<1x1xf32, #tpu.memory_space<vmem>>, %arg28: memref<1x1xf32, #tpu.memory_space<vmem>>, %arg29: memref<1x592x1xf32, #tpu.memory_space<vmem>>) attributes {dimension_semantics = [#tpu.dimension_semantics<arbitrary>, #tpu.dimension_semantics<arbitrary>], iteration_bounds = array<i64: 8, 8>, scalar_prefetch = 0 : i64, scratch_operands = 0 : i64, tpu.core_type = #tpu.core_type<tc>, window_params = [{transform_indices = @transform_0, window_bounds = array<i64: 1, 592, 1>}, {transform_indices = @transform_1, window_bounds = array<i64: 1, 592, 1>}, {transform_indices = @transform_2, window_bounds = array<i64: 1, 592, 1>}, {transform_indices = @transform_3, window_bounds = array<i64: 1, 1, 1280>}, {transform_indices = @transform_4, window_bounds = array<i64: 1, 1, 1280>}, {transform_indices = @transform_5, window_bounds = array<i64: 1, 1, 1280>}, {transform_indices = @transform_6, window_bounds = array<i64: 1, 1280, 128>}, {pipeline_mode = #tpu.pipeline_mode<synchronous>, transform_indices = @transform_7, window_bounds = array<i64: 128, 128>}, {pipeline_mode = #tpu.pipeline_mode<synchronous>, transform_indices = @transform_8, window_bounds = array<i64: 1, 128>}, {pipeline_mode = #tpu.pipeline_mode<synchronous>, transform_indices = @transform_9, window_bounds = array<i64: 1, 128>}, {pipeline_mode = #tpu.pipeline_mode<synchronous>, transform_indices = @transform_10, window_bounds = array<i64: 1, 128>}, {pipeline_mode = #tpu.pipeline_mode<synchronous>, transform_indices = @transform_11, window_bounds = array<i64: 128, 128>}, {pipeline_mode = #tpu.pipeline_mode<synchronous>, transform_indices = @transform_12, window_bounds = array<i64: 1, 128>}, {pipeline_mode = #tpu.pipeline_mode<synchronous>, transform_indices = @transform_13, window_bounds = array<i64: 1, 128>}, {pipeline_mode = #tpu.pipeline_mode<synchronous>, transform_indices = @transform_14, window_bounds = array<i64: 1, 128>}, {pipeline_mode = #tpu.pipeline_mode<synchronous>, transform_indices = @transform_15, window_bounds = array<i64: 128, 128>}, {pipeline_mode = #tpu.pipeline_mode<synchronous>, transform_indices = @transform_16, window_bounds = array<i64: 1, 128>}, {pipeline_mode = #tpu.pipeline_mode<synchronous>, transform_indices = @transform_17, window_bounds = array<i64: 1, 128>}, {pipeline_mode = #tpu.pipeline_mode<synchronous>, transform_indices = @transform_18, window_bounds = array<i64: 1, 128>}, {pipeline_mode = #tpu.pipeline_mode<synchronous>, transform_indices = @transform_19, window_bounds = array<i64: 128, 128>}, {pipeline_mode = #tpu.pipeline_mode<synchronous>, transform_indices = @transform_20, window_bounds = array<i64: 1, 128>}, {pipeline_mode = #tpu.pipeline_mode<synchronous>, transform_indices = @transform_21, window_bounds = array<i64: 1, 128>}, {pipeline_mode = #tpu.pipeline_mode<synchronous>, transform_indices = @transform_22, window_bounds = array<i64: 1, 128>}, {pipeline_mode = #tpu.pipeline_mode<synchronous>, transform_indices = @transform_23, window_bounds = array<i64: 128, 1>}, {pipeline_mode = #tpu.pipeline_mode<synchronous>, transform_indices = @transform_24, window_bounds = array<i64: 1, 1>}, {pipeline_mode = #tpu.pipeline_mode<synchronous>, transform_indices = @transform_25, window_bounds = array<i64: 1, 1>}, {pipeline_mode = #tpu.pipeline_mode<synchronous>, transform_indices = @transform_26, window_bounds = array<i64: 1, 1>}, {transform_indices = @transform_27, window_bounds = array<i64: 1, 592, 1>}]} {
    %get3A = arith.constant 0 : index
    %get3A_0 = arith.constant 0 : index
    %get3A_1 = arith.constant 0 : index
    %get3A_2 = vector.load %arg2[%get3A, %get3A_0, %get3A_1] : memref<1x592x1xf32, #tpu.memory_space<vmem>>, vector<1x592x1xf32>
    %get3A_3 = vector.shape_cast %get3A_2 : vector<1x592x1xf32> to vector<592x1xf32>
    %get3A_4 = arith.constant 0 : index
    %get3A_5 = arith.constant 0 : index
    %get3A_6 = arith.constant 0 : index
    %get3A_7 = vector.load %arg3[%get3A_4, %get3A_5, %get3A_6] : memref<1x592x1xf32, #tpu.memory_space<vmem>>, vector<1x592x1xf32>
    %get3A_8 = vector.shape_cast %get3A_7 : vector<1x592x1xf32> to vector<592x1xf32>
    %get3A_9 = arith.constant 0 : index
    %get3A_10 = arith.constant 0 : index
    %get3A_11 = arith.constant 0 : index
    %get3A_12 = vector.load %arg4[%get3A_9, %get3A_10, %get3A_11] : memref<1x592x1xf32, #tpu.memory_space<vmem>>, vector<1x592x1xf32>
    %get3A_13 = vector.shape_cast %get3A_12 : vector<1x592x1xf32> to vector<592x1xf32>
    %get3A_14 = arith.constant 0 : index
    %get3A_15 = arith.constant 0 : index
    %get3A_16 = arith.constant 0 : index
    %get3A_17 = vector.load %arg5[%get3A_14, %get3A_15, %get3A_16] : memref<1x1x1280xf32, #tpu.memory_space<vmem>>, vector<1x1x1280xf32>
    %get3A_18 = vector.shape_cast %get3A_17 : vector<1x1x1280xf32> to vector<1x1280xf32>
    %get3A_19 = arith.constant 0 : index
    %get3A_20 = arith.constant 0 : index
    %get3A_21 = arith.constant 0 : index
    %get3A_22 = vector.load %arg6[%get3A_19, %get3A_20, %get3A_21] : memref<1x1x1280xf32, #tpu.memory_space<vmem>>, vector<1x1x1280xf32>
    %get3A_23 = vector.shape_cast %get3A_22 : vector<1x1x1280xf32> to vector<1x1280xf32>
    %get3A_24 = arith.constant 0 : index
    %get3A_25 = arith.constant 0 : index
    %get3A_26 = arith.constant 0 : index
    %get3A_27 = vector.load %arg7[%get3A_24, %get3A_25, %get3A_26] : memref<1x1x1280xf32, #tpu.memory_space<vmem>>, vector<1x1x1280xf32>
    %get3A_28 = vector.shape_cast %get3A_27 : vector<1x1x1280xf32> to vector<1x1280xf32>
    %convert_element_type3A = arith.truncf %get3A_3 : vector<592x1xf32> to vector<592x1xbf16>
    %convert_element_type3A_29 = arith.extf %convert_element_type3A : vector<592x1xbf16> to vector<592x1xf32>
    %convert_element_type3A_30 = arith.truncf %get3A_8 : vector<592x1xf32> to vector<592x1xbf16>
    %convert_element_type3A_31 = arith.extf %convert_element_type3A_30 : vector<592x1xbf16> to vector<592x1xf32>
    %convert_element_type3A_32 = arith.truncf %get3A_13 : vector<592x1xf32> to vector<592x1xbf16>
    %convert_element_type3A_33 = arith.extf %convert_element_type3A_32 : vector<592x1xbf16> to vector<592x1xf32>
    %convert_element_type3A_34 = arith.truncf %get3A_18 : vector<1x1280xf32> to vector<1x1280xbf16>
    %convert_element_type3A_35 = arith.extf %convert_element_type3A_34 : vector<1x1280xbf16> to vector<1x1280xf32>
    %convert_element_type3A_36 = arith.truncf %get3A_23 : vector<1x1280xf32> to vector<1x1280xbf16>
    %convert_element_type3A_37 = arith.extf %convert_element_type3A_36 : vector<1x1280xbf16> to vector<1x1280xf32>
    %convert_element_type3A_38 = arith.truncf %get3A_28 : vector<1x1280xf32> to vector<1x1280xbf16>
    %convert_element_type3A_39 = arith.extf %convert_element_type3A_38 : vector<1x1280xbf16> to vector<1x1280xf32>
    %mul3A = vector.broadcast %convert_element_type3A_29 : vector<592x1xf32> to vector<592x1280xf32>
    %mul3A_40 = vector.broadcast %convert_element_type3A_35 : vector<1x1280xf32> to vector<592x1280xf32>
    %mul3A_41 = arith.mulf %mul3A, %mul3A_40 : vector<592x1280xf32>
    %mul3A_42 = vector.broadcast %convert_element_type3A_31 : vector<592x1xf32> to vector<592x1280xf32>
    %mul3A_43 = vector.broadcast %convert_element_type3A_37 : vector<1x1280xf32> to vector<592x1280xf32>
    %mul3A_44 = arith.mulf %mul3A_42, %mul3A_43 : vector<592x1280xf32>
    %add3A = arith.addf %mul3A_41, %mul3A_44 : vector<592x1280xf32>
    %mul3A_45 = vector.broadcast %convert_element_type3A_33 : vector<592x1xf32> to vector<592x1280xf32>
    %mul3A_46 = vector.broadcast %convert_element_type3A_39 : vector<1x1280xf32> to vector<592x1280xf32>
    %mul3A_47 = arith.mulf %mul3A_45, %mul3A_46 : vector<592x1280xf32>
    %add3A_48 = arith.addf %add3A, %mul3A_47 : vector<592x1280xf32>
    %mul3A_49 = arith.constant -2.000000e+00 : f32
    %mul3A_50 = vector.broadcast %mul3A_49 : f32 to vector<592x1280xf32>
    %mul3A_51 = arith.mulf %mul3A_50, %add3A_48 : vector<592x1280xf32>
    %mul3A_52 = arith.mulf %get3A_3, %get3A_3 : vector<592x1xf32>
    %mul3A_53 = arith.mulf %get3A_8, %get3A_8 : vector<592x1xf32>
    %add3A_54 = arith.addf %mul3A_52, %mul3A_53 : vector<592x1xf32>
    %mul3A_55 = arith.mulf %get3A_13, %get3A_13 : vector<592x1xf32>
    %add3A_56 = arith.addf %add3A_54, %mul3A_55 : vector<592x1xf32>
    %add3A_57 = vector.broadcast %add3A_56 : vector<592x1xf32> to vector<592x1280xf32>
    %add3A_58 = arith.addf %mul3A_51, %add3A_57 : vector<592x1280xf32>
    %mul3A_59 = arith.mulf %get3A_18, %get3A_18 : vector<1x1280xf32>
    %mul3A_60 = arith.mulf %get3A_23, %get3A_23 : vector<1x1280xf32>
    %add3A_61 = arith.addf %mul3A_59, %mul3A_60 : vector<1x1280xf32>
    %mul3A_62 = arith.mulf %get3A_28, %get3A_28 : vector<1x1280xf32>
    %add3A_63 = arith.addf %add3A_61, %mul3A_62 : vector<1x1280xf32>
    %add3A_64 = vector.broadcast %add3A_63 : vector<1x1280xf32> to vector<592x1280xf32>
    %add3A_65 = arith.addf %add3A_58, %add3A_64 : vector<592x1280xf32>
    %iota3A = tpu.iota {dimensions = array<i32: 1>} : vector<592x1280xi32>
    %broadcast_in_dim3A = arith.constant 0.000000e+00 : f32
    %broadcast_in_dim3A_66 = vector.broadcast %broadcast_in_dim3A : f32 to vector<592x1xf32>
    %broadcast_in_dim3A_67 = arith.constant 0.000000e+00 : f32
    %broadcast_in_dim3A_68 = vector.broadcast %broadcast_in_dim3A_67 : f32 to vector<592x1280xf32>
    %reduce_min3A = arith.constant dense<0x7F800000> : vector<592xf32>
    %reduce_min3A_69 = vector.multi_reduction <minimumf>, %add3A_65, %reduce_min3A [1] : vector<592x1280xf32> to vector<592xf32>
    %broadcast_in_dim3A_70 = vector.shape_cast %reduce_min3A_69 : vector<592xf32> to vector<592x1xf32>
    %eq3A = vector.broadcast %broadcast_in_dim3A_70 : vector<592x1xf32> to vector<592x1280xf32>
    %eq3A_71 = arith.cmpf oeq, %add3A_65, %eq3A : vector<592x1280xf32>
    %jit3A = arith.constant 1280 : i32
    %broadcast_in_dim3A_72 = vector.broadcast %jit3A : i32 to vector<592x1280xi32>
    %select_n3A = arith.select %eq3A_71, %iota3A, %broadcast_in_dim3A_72 : vector<592x1280xi1>, vector<592x1280xi32>
    %reduce_min3A_73 = arith.constant dense<2147483647> : vector<592xi32>
    %reduce_min3A_74 = vector.multi_reduction <minsi>, %select_n3A, %reduce_min3A_73 [1] : vector<592x1280xi32> to vector<592xi32>
    %broadcast_in_dim3A_75 = vector.shape_cast %reduce_min3A_74 : vector<592xi32> to vector<592x1xi32>
    %eq3A_76 = vector.broadcast %broadcast_in_dim3A_75 : vector<592x1xi32> to vector<592x1280xi32>
    %eq3A_77 = arith.cmpi eq, %iota3A, %eq3A_76 : vector<592x1280xi32>
    %convert_element_type3A_78 = arith.extui %eq3A_77 : vector<592x1280xi1> to vector<592x1280xi32>
    %convert_element_type3A_79 = arith.sitofp %convert_element_type3A_78 : vector<592x1280xi32> to vector<592x1280xf32>
    %add3A_80 = arith.constant 9.99999993E-9 : f32
    %add3A_81 = vector.broadcast %add3A_80 : f32 to vector<592x1xf32>
    %add3A_82 = arith.addf %broadcast_in_dim3A_70, %add3A_81 : vector<592x1xf32>
    %div3A = arith.constant 1.000000e+00 : f32
    %div3A_83 = vector.broadcast %div3A : f32 to vector<592x1xf32>
    %div3A_84 = arith.divf %div3A_83, %add3A_82 : vector<592x1xf32>
    %add3A_85 = arith.addf %broadcast_in_dim3A_66, %div3A_84 : vector<592x1xf32>
    %mul3A_86 = vector.broadcast %div3A_84 : vector<592x1xf32> to vector<592x1280xf32>
    %mul3A_87 = arith.mulf %convert_element_type3A_79, %mul3A_86 : vector<592x1280xf32>
    %add3A_88 = arith.addf %broadcast_in_dim3A_68, %mul3A_87 : vector<592x1280xf32>
    %gt3A = arith.constant 0.000000e+00 : f32
    %gt3A_89 = vector.broadcast %gt3A : f32 to vector<592x1280xf32>
    %gt3A_90 = arith.cmpf ogt, %convert_element_type3A_79, %gt3A_89 : vector<592x1280xf32>
    %jit3A_91 = arith.constant 0x7F800000 : f32
    %broadcast_in_dim3A_92 = vector.broadcast %jit3A_91 : f32 to vector<592x1280xf32>
    %select_n3A_93 = arith.select %gt3A_90, %broadcast_in_dim3A_92, %add3A_65 : vector<592x1280xi1>, vector<592x1280xf32>
    %reduce_min3A_94 = arith.constant dense<0x7F800000> : vector<592xf32>
    %reduce_min3A_95 = vector.multi_reduction <minimumf>, %select_n3A_93, %reduce_min3A_94 [1] : vector<592x1280xf32> to vector<592xf32>
    %broadcast_in_dim3A_96 = vector.shape_cast %reduce_min3A_95 : vector<592xf32> to vector<592x1xf32>
    %eq3A_97 = vector.broadcast %broadcast_in_dim3A_96 : vector<592x1xf32> to vector<592x1280xf32>
    %eq3A_98 = arith.cmpf oeq, %select_n3A_93, %eq3A_97 : vector<592x1280xf32>
    %jit3A_99 = arith.constant 1280 : i32
    %broadcast_in_dim3A_100 = vector.broadcast %jit3A_99 : i32 to vector<592x1280xi32>
    %select_n3A_101 = arith.select %eq3A_98, %iota3A, %broadcast_in_dim3A_100 : vector<592x1280xi1>, vector<592x1280xi32>
    %reduce_min3A_102 = arith.constant dense<2147483647> : vector<592xi32>
    %reduce_min3A_103 = vector.multi_reduction <minsi>, %select_n3A_101, %reduce_min3A_102 [1] : vector<592x1280xi32> to vector<592xi32>
    %broadcast_in_dim3A_104 = vector.shape_cast %reduce_min3A_103 : vector<592xi32> to vector<592x1xi32>
    %eq3A_105 = vector.broadcast %broadcast_in_dim3A_104 : vector<592x1xi32> to vector<592x1280xi32>
    %eq3A_106 = arith.cmpi eq, %iota3A, %eq3A_105 : vector<592x1280xi32>
    %convert_element_type3A_107 = arith.extui %eq3A_106 : vector<592x1280xi1> to vector<592x1280xi32>
    %convert_element_type3A_108 = arith.sitofp %convert_element_type3A_107 : vector<592x1280xi32> to vector<592x1280xf32>
    %add3A_109 = arith.constant 9.99999993E-9 : f32
    %add3A_110 = vector.broadcast %add3A_109 : f32 to vector<592x1xf32>
    %add3A_111 = arith.addf %broadcast_in_dim3A_96, %add3A_110 : vector<592x1xf32>
    %div3A_112 = arith.constant 1.000000e+00 : f32
    %div3A_113 = vector.broadcast %div3A_112 : f32 to vector<592x1xf32>
    %div3A_114 = arith.divf %div3A_113, %add3A_111 : vector<592x1xf32>
    %add3A_115 = arith.addf %add3A_85, %div3A_114 : vector<592x1xf32>
    %mul3A_116 = vector.broadcast %div3A_114 : vector<592x1xf32> to vector<592x1280xf32>
    %mul3A_117 = arith.mulf %convert_element_type3A_108, %mul3A_116 : vector<592x1280xf32>
    %add3A_118 = arith.addf %add3A_88, %mul3A_117 : vector<592x1280xf32>
    %gt3A_119 = arith.constant 0.000000e+00 : f32
    %gt3A_120 = vector.broadcast %gt3A_119 : f32 to vector<592x1280xf32>
    %gt3A_121 = arith.cmpf ogt, %convert_element_type3A_108, %gt3A_120 : vector<592x1280xf32>
    %jit3A_122 = arith.constant 0x7F800000 : f32
    %broadcast_in_dim3A_123 = vector.broadcast %jit3A_122 : f32 to vector<592x1280xf32>
    %select_n3A_124 = arith.select %gt3A_121, %broadcast_in_dim3A_123, %select_n3A_93 : vector<592x1280xi1>, vector<592x1280xf32>
    %reduce_min3A_125 = arith.constant dense<0x7F800000> : vector<592xf32>
    %reduce_min3A_126 = vector.multi_reduction <minimumf>, %select_n3A_124, %reduce_min3A_125 [1] : vector<592x1280xf32> to vector<592xf32>
    %broadcast_in_dim3A_127 = vector.shape_cast %reduce_min3A_126 : vector<592xf32> to vector<592x1xf32>
    %eq3A_128 = vector.broadcast %broadcast_in_dim3A_127 : vector<592x1xf32> to vector<592x1280xf32>
    %eq3A_129 = arith.cmpf oeq, %select_n3A_124, %eq3A_128 : vector<592x1280xf32>
    %jit3A_130 = arith.constant 1280 : i32
    %broadcast_in_dim3A_131 = vector.broadcast %jit3A_130 : i32 to vector<592x1280xi32>
    %select_n3A_132 = arith.select %eq3A_129, %iota3A, %broadcast_in_dim3A_131 : vector<592x1280xi1>, vector<592x1280xi32>
    %reduce_min3A_133 = arith.constant dense<2147483647> : vector<592xi32>
    %reduce_min3A_134 = vector.multi_reduction <minsi>, %select_n3A_132, %reduce_min3A_133 [1] : vector<592x1280xi32> to vector<592xi32>
    %broadcast_in_dim3A_135 = vector.shape_cast %reduce_min3A_134 : vector<592xi32> to vector<592x1xi32>
    %eq3A_136 = vector.broadcast %broadcast_in_dim3A_135 : vector<592x1xi32> to vector<592x1280xi32>
    %eq3A_137 = arith.cmpi eq, %iota3A, %eq3A_136 : vector<592x1280xi32>
    %convert_element_type3A_138 = arith.extui %eq3A_137 : vector<592x1280xi1> to vector<592x1280xi32>
    %convert_element_type3A_139 = arith.sitofp %convert_element_type3A_138 : vector<592x1280xi32> to vector<592x1280xf32>
    %add3A_140 = arith.constant 9.99999993E-9 : f32
    %add3A_141 = vector.broadcast %add3A_140 : f32 to vector<592x1xf32>
    %add3A_142 = arith.addf %broadcast_in_dim3A_127, %add3A_141 : vector<592x1xf32>
    %div3A_143 = arith.constant 1.000000e+00 : f32
    %div3A_144 = vector.broadcast %div3A_143 : f32 to vector<592x1xf32>
    %div3A_145 = arith.divf %div3A_144, %add3A_142 : vector<592x1xf32>
    %add3A_146 = arith.addf %add3A_115, %div3A_145 : vector<592x1xf32>
    %mul3A_147 = vector.broadcast %div3A_145 : vector<592x1xf32> to vector<592x1280xf32>
    %mul3A_148 = arith.mulf %convert_element_type3A_139, %mul3A_147 : vector<592x1280xf32>
    %add3A_149 = arith.addf %add3A_118, %mul3A_148 : vector<592x1280xf32>
    %div3A_150 = vector.broadcast %add3A_146 : vector<592x1xf32> to vector<592x1280xf32>
    %div3A_151 = arith.divf %add3A_149, %div3A_150 : vector<592x1280xf32>
    %get3A_152 = arith.constant 0 : index
    %get3A_153 = arith.constant 0 : index
    %get3A_154 = arith.constant 0 : index
    %get3A_155 = vector.load %arg8[%get3A_152, %get3A_153, %get3A_154] : memref<1x1280x128xf32, #tpu.memory_space<vmem>>, vector<1x1280x128xf32>
    %get3A_156 = vector.shape_cast %get3A_155 : vector<1x1280x128xf32> to vector<1280x128xf32>
    %dot_general3A = arith.constant dense<0.000000e+00> : vector<592x128xf32>
    %dot_general3A_157 = tpu.matmul %div3A_151, %get3A_156, %dot_general3A {dimension_numbers = #tpu.dot_dimension_numbers<[1], [0], [0], [1], [0, 0, 1, 1], [], []>, precision = #tpu.contract_precision<fp32>, transpose_lhs_hint = false} : vector<592x1280xf32>, vector<1280x128xf32>, vector<592x128xf32> -> vector<592x128xf32>
    %get3A_158 = arith.constant 0 : index
    %get3A_159 = arith.constant 0 : index
    %get3A_160 = vector.load %arg9[%get3A_158, %get3A_159] : memref<128x128xf32, #tpu.memory_space<vmem>>, vector<128x128xf32>
    %get3A_161 = arith.constant 0 : index
    %get3A_162 = arith.constant 0 : index
    %get3A_163 = vector.load %arg10[%get3A_161, %get3A_162] : memref<1x128xf32, #tpu.memory_space<vmem>>, vector<1x128xf32>
    %get3A_164 = arith.constant 0 : index
    %get3A_165 = arith.constant 0 : index
    %get3A_166 = vector.load %arg11[%get3A_164, %get3A_165] : memref<1x128xf32, #tpu.memory_space<vmem>>, vector<1x128xf32>
    %get3A_167 = arith.constant 0 : index
    %get3A_168 = arith.constant 0 : index
    %get3A_169 = vector.load %arg12[%get3A_167, %get3A_168] : memref<1x128xf32, #tpu.memory_space<vmem>>, vector<1x128xf32>
    %convert_element_type3A_170 = arith.truncf %dot_general3A_157 : vector<592x128xf32> to vector<592x128xbf16>
    %convert_element_type3A_171 = arith.truncf %get3A_160 : vector<128x128xf32> to vector<128x128xbf16>
    %dot_general3A_172 = arith.constant dense<0.000000e+00> : vector<592x128xf32>
    %dot_general3A_173 = tpu.matmul %convert_element_type3A_170, %convert_element_type3A_171, %dot_general3A_172 {dimension_numbers = #tpu.dot_dimension_numbers<[1], [0], [0], [1], [0, 0, 1, 1], [], []>, transpose_lhs_hint = false} : vector<592x128xbf16>, vector<128x128xbf16>, vector<592x128xf32> -> vector<592x128xf32>
    %add3A_174 = vector.broadcast %get3A_163 : vector<1x128xf32> to vector<592x128xf32>
    %add3A_175 = arith.addf %dot_general3A_173, %add3A_174 : vector<592x128xf32>
    %mul3A_176 = vector.broadcast %get3A_166 : vector<1x128xf32> to vector<592x128xf32>
    %mul3A_177 = arith.mulf %mul3A_176, %add3A_175 : vector<592x128xf32>
    %div3A_178 = arith.constant 1.00000501 : f32
    %div3A_179 = vector.broadcast %div3A_178 : f32 to vector<592x128xf32>
    %div3A_180 = arith.divf %mul3A_177, %div3A_179 : vector<592x128xf32>
    %add3A_181 = vector.broadcast %get3A_169 : vector<1x128xf32> to vector<592x128xf32>
    %add3A_182 = arith.addf %div3A_180, %add3A_181 : vector<592x128xf32>
    %max3A = arith.constant 0.000000e+00 : f32
    %max3A_183 = vector.broadcast %max3A : f32 to vector<592x128xf32>
    %max3A_184 = arith.maximumf %add3A_182, %max3A_183 : vector<592x128xf32>
    %get3A_185 = arith.constant 0 : index
    %get3A_186 = arith.constant 0 : index
    %get3A_187 = vector.load %arg13[%get3A_185, %get3A_186] : memref<128x128xf32, #tpu.memory_space<vmem>>, vector<128x128xf32>
    %get3A_188 = arith.constant 0 : index
    %get3A_189 = arith.constant 0 : index
    %get3A_190 = vector.load %arg14[%get3A_188, %get3A_189] : memref<1x128xf32, #tpu.memory_space<vmem>>, vector<1x128xf32>
    %get3A_191 = arith.constant 0 : index
    %get3A_192 = arith.constant 0 : index
    %get3A_193 = vector.load %arg15[%get3A_191, %get3A_192] : memref<1x128xf32, #tpu.memory_space<vmem>>, vector<1x128xf32>
    %get3A_194 = arith.constant 0 : index
    %get3A_195 = arith.constant 0 : index
    %get3A_196 = vector.load %arg16[%get3A_194, %get3A_195] : memref<1x128xf32, #tpu.memory_space<vmem>>, vector<1x128xf32>
    %convert_element_type3A_197 = arith.truncf %max3A_184 : vector<592x128xf32> to vector<592x128xbf16>
    %convert_element_type3A_198 = arith.truncf %get3A_187 : vector<128x128xf32> to vector<128x128xbf16>
    %dot_general3A_199 = arith.constant dense<0.000000e+00> : vector<592x128xf32>
    %dot_general3A_200 = tpu.matmul %convert_element_type3A_197, %convert_element_type3A_198, %dot_general3A_199 {dimension_numbers = #tpu.dot_dimension_numbers<[1], [0], [0], [1], [0, 0, 1, 1], [], []>, transpose_lhs_hint = false} : vector<592x128xbf16>, vector<128x128xbf16>, vector<592x128xf32> -> vector<592x128xf32>
    %add3A_201 = vector.broadcast %get3A_190 : vector<1x128xf32> to vector<592x128xf32>
    %add3A_202 = arith.addf %dot_general3A_200, %add3A_201 : vector<592x128xf32>
    %mul3A_203 = vector.broadcast %get3A_193 : vector<1x128xf32> to vector<592x128xf32>
    %mul3A_204 = arith.mulf %mul3A_203, %add3A_202 : vector<592x128xf32>
    %div3A_205 = arith.constant 1.00000501 : f32
    %div3A_206 = vector.broadcast %div3A_205 : f32 to vector<592x128xf32>
    %div3A_207 = arith.divf %mul3A_204, %div3A_206 : vector<592x128xf32>
    %add3A_208 = vector.broadcast %get3A_196 : vector<1x128xf32> to vector<592x128xf32>
    %add3A_209 = arith.addf %div3A_207, %add3A_208 : vector<592x128xf32>
    %max3A_210 = arith.constant 0.000000e+00 : f32
    %max3A_211 = vector.broadcast %max3A_210 : f32 to vector<592x128xf32>
    %max3A_212 = arith.maximumf %add3A_209, %max3A_211 : vector<592x128xf32>
    %get3A_213 = arith.constant 0 : index
    %get3A_214 = arith.constant 0 : index
    %get3A_215 = vector.load %arg17[%get3A_213, %get3A_214] : memref<128x128xf32, #tpu.memory_space<vmem>>, vector<128x128xf32>
    %get3A_216 = arith.constant 0 : index
    %get3A_217 = arith.constant 0 : index
    %get3A_218 = vector.load %arg18[%get3A_216, %get3A_217] : memref<1x128xf32, #tpu.memory_space<vmem>>, vector<1x128xf32>
    %get3A_219 = arith.constant 0 : index
    %get3A_220 = arith.constant 0 : index
    %get3A_221 = vector.load %arg19[%get3A_219, %get3A_220] : memref<1x128xf32, #tpu.memory_space<vmem>>, vector<1x128xf32>
    %get3A_222 = arith.constant 0 : index
    %get3A_223 = arith.constant 0 : index
    %get3A_224 = vector.load %arg20[%get3A_222, %get3A_223] : memref<1x128xf32, #tpu.memory_space<vmem>>, vector<1x128xf32>
    %convert_element_type3A_225 = arith.truncf %max3A_212 : vector<592x128xf32> to vector<592x128xbf16>
    %convert_element_type3A_226 = arith.truncf %get3A_215 : vector<128x128xf32> to vector<128x128xbf16>
    %dot_general3A_227 = arith.constant dense<0.000000e+00> : vector<592x128xf32>
    %dot_general3A_228 = tpu.matmul %convert_element_type3A_225, %convert_element_type3A_226, %dot_general3A_227 {dimension_numbers = #tpu.dot_dimension_numbers<[1], [0], [0], [1], [0, 0, 1, 1], [], []>, transpose_lhs_hint = false} : vector<592x128xbf16>, vector<128x128xbf16>, vector<592x128xf32> -> vector<592x128xf32>
    %add3A_229 = vector.broadcast %get3A_218 : vector<1x128xf32> to vector<592x128xf32>
    %add3A_230 = arith.addf %dot_general3A_228, %add3A_229 : vector<592x128xf32>
    %mul3A_231 = vector.broadcast %get3A_221 : vector<1x128xf32> to vector<592x128xf32>
    %mul3A_232 = arith.mulf %mul3A_231, %add3A_230 : vector<592x128xf32>
    %div3A_233 = arith.constant 1.00000501 : f32
    %div3A_234 = vector.broadcast %div3A_233 : f32 to vector<592x128xf32>
    %div3A_235 = arith.divf %mul3A_232, %div3A_234 : vector<592x128xf32>
    %add3A_236 = vector.broadcast %get3A_224 : vector<1x128xf32> to vector<592x128xf32>
    %add3A_237 = arith.addf %div3A_235, %add3A_236 : vector<592x128xf32>
    %max3A_238 = arith.constant 0.000000e+00 : f32
    %max3A_239 = vector.broadcast %max3A_238 : f32 to vector<592x128xf32>
    %max3A_240 = arith.maximumf %add3A_237, %max3A_239 : vector<592x128xf32>
    %get3A_241 = arith.constant 0 : index
    %get3A_242 = arith.constant 0 : index
    %get3A_243 = vector.load %arg21[%get3A_241, %get3A_242] : memref<128x128xf32, #tpu.memory_space<vmem>>, vector<128x128xf32>
    %get3A_244 = arith.constant 0 : index
    %get3A_245 = arith.constant 0 : index
    %get3A_246 = vector.load %arg22[%get3A_244, %get3A_245] : memref<1x128xf32, #tpu.memory_space<vmem>>, vector<1x128xf32>
    %get3A_247 = arith.constant 0 : index
    %get3A_248 = arith.constant 0 : index
    %get3A_249 = vector.load %arg23[%get3A_247, %get3A_248] : memref<1x128xf32, #tpu.memory_space<vmem>>, vector<1x128xf32>
    %get3A_250 = arith.constant 0 : index
    %get3A_251 = arith.constant 0 : index
    %get3A_252 = vector.load %arg24[%get3A_250, %get3A_251] : memref<1x128xf32, #tpu.memory_space<vmem>>, vector<1x128xf32>
    %convert_element_type3A_253 = arith.truncf %max3A_240 : vector<592x128xf32> to vector<592x128xbf16>
    %convert_element_type3A_254 = arith.truncf %get3A_243 : vector<128x128xf32> to vector<128x128xbf16>
    %dot_general3A_255 = arith.constant dense<0.000000e+00> : vector<592x128xf32>
    %dot_general3A_256 = tpu.matmul %convert_element_type3A_253, %convert_element_type3A_254, %dot_general3A_255 {dimension_numbers = #tpu.dot_dimension_numbers<[1], [0], [0], [1], [0, 0, 1, 1], [], []>, transpose_lhs_hint = false} : vector<592x128xbf16>, vector<128x128xbf16>, vector<592x128xf32> -> vector<592x128xf32>
    %add3A_257 = vector.broadcast %get3A_246 : vector<1x128xf32> to vector<592x128xf32>
    %add3A_258 = arith.addf %dot_general3A_256, %add3A_257 : vector<592x128xf32>
    %mul3A_259 = vector.broadcast %get3A_249 : vector<1x128xf32> to vector<592x128xf32>
    %mul3A_260 = arith.mulf %mul3A_259, %add3A_258 : vector<592x128xf32>
    %div3A_261 = arith.constant 1.00000501 : f32
    %div3A_262 = vector.broadcast %div3A_261 : f32 to vector<592x128xf32>
    %div3A_263 = arith.divf %mul3A_260, %div3A_262 : vector<592x128xf32>
    %add3A_264 = vector.broadcast %get3A_252 : vector<1x128xf32> to vector<592x128xf32>
    %add3A_265 = arith.addf %div3A_263, %add3A_264 : vector<592x128xf32>
    %max3A_266 = arith.constant 0.000000e+00 : f32
    %max3A_267 = vector.broadcast %max3A_266 : f32 to vector<592x128xf32>
    %max3A_268 = arith.maximumf %add3A_265, %max3A_267 : vector<592x128xf32>
    %get3A_269 = arith.constant 0 : index
    %get3A_270 = arith.constant 0 : index
    %get3A_271 = vector.load %arg25[%get3A_269, %get3A_270] : memref<128x1xf32, #tpu.memory_space<vmem>>, vector<128x1xf32>
    %get3A_272 = arith.constant 0 : index
    %get3A_273 = arith.constant 0 : index
    %get3A_274 = vector.load %arg26[%get3A_272, %get3A_273] : memref<1x1xf32, #tpu.memory_space<vmem>>, vector<1x1xf32>
    %convert_element_type3A_275 = arith.truncf %max3A_268 : vector<592x128xf32> to vector<592x128xbf16>
    %convert_element_type3A_276 = arith.truncf %get3A_271 : vector<128x1xf32> to vector<128x1xbf16>
    %dot_general3A_277 = arith.constant dense<0.000000e+00> : vector<592x1xf32>
    %dot_general3A_278 = tpu.matmul %convert_element_type3A_275, %convert_element_type3A_276, %dot_general3A_277 {dimension_numbers = #tpu.dot_dimension_numbers<[1], [0], [0], [1], [0, 0, 1, 1], [], []>, transpose_lhs_hint = false} : vector<592x128xbf16>, vector<128x1xbf16>, vector<592x1xf32> -> vector<592x1xf32>
    %add3A_279 = vector.broadcast %get3A_274 : vector<1x1xf32> to vector<592x1xf32>
    %add3A_280 = arith.addf %dot_general3A_278, %add3A_279 : vector<592x1xf32>
    %swap3A = arith.constant 0 : index
    %swap3A_281 = arith.constant 0 : index
    %swap3A_282 = arith.constant 0 : index
    %swap3A_283 = vector.load %arg29[%swap3A, %swap3A_281, %swap3A_282] : memref<1x592x1xf32, #tpu.memory_space<vmem>>, vector<1x592x1xf32>
    %swap3A_284 = vector.shape_cast %swap3A_283 : vector<1x592x1xf32> to vector<592x1xf32>
    %swap3A_285 = vector.shape_cast %add3A_280 : vector<592x1xf32> to vector<1x592x1xf32>
    tpu.vector_store %arg29[%swap3A, %swap3A_281, %swap3A_282], %swap3A_285 {strides = array<i32>} : memref<1x592x1xf32, #tpu.memory_space<vmem>>, vector<1x592x1xf32>,
    return
  }
  func.func @transform_0(%arg0: i32, %arg1: i32) -> (i32, i32, i32) {
    %c0_i32 = arith.constant 0 : i32
    %c0_i32_0 = arith.constant 0 : i32
    return %arg0, %arg1, %c0_i32 : i32, i32, i32
  }
  func.func @transform_1(%arg0: i32, %arg1: i32) -> (i32, i32, i32) {
    %c0_i32 = arith.constant 0 : i32
    %c0_i32_0 = arith.constant 0 : i32
    return %arg0, %arg1, %c0_i32 : i32, i32, i32
  }
  func.func @transform_2(%arg0: i32, %arg1: i32) -> (i32, i32, i32) {
    %c0_i32 = arith.constant 0 : i32
    %c0_i32_0 = arith.constant 0 : i32
    return %arg0, %arg1, %c0_i32 : i32, i32, i32
  }
  func.func @transform_3(%arg0: i32, %arg1: i32) -> (i32, i32, i32) {
    %c0_i32 = arith.constant 0 : i32
    %c0_i32_0 = arith.constant 0 : i32
    %c0_i32_1 = arith.constant 0 : i32
    return %arg0, %c0_i32, %c0_i32_0 : i32, i32, i32
  }
  func.func @transform_4(%arg0: i32, %arg1: i32) -> (i32, i32, i32) {
    %c0_i32 = arith.constant 0 : i32
    %c0_i32_0 = arith.constant 0 : i32
    %c0_i32_1 = arith.constant 0 : i32
    return %arg0, %c0_i32, %c0_i32_0 : i32, i32, i32
  }
  func.func @transform_5(%arg0: i32, %arg1: i32) -> (i32, i32, i32) {
    %c0_i32 = arith.constant 0 : i32
    %c0_i32_0 = arith.constant 0 : i32
    %c0_i32_1 = arith.constant 0 : i32
    return %arg0, %c0_i32, %c0_i32_0 : i32, i32, i32
  }
  func.func @transform_6(%arg0: i32, %arg1: i32) -> (i32, i32, i32) {
    %c0_i32 = arith.constant 0 : i32
    %c0_i32_0 = arith.constant 0 : i32
    %c0_i32_1 = arith.constant 0 : i32
    return %arg0, %c0_i32, %c0_i32_0 : i32, i32, i32
  }
  func.func @transform_7(%arg0: i32, %arg1: i32) -> (i32, i32) {
    %c0_i32 = arith.constant 0 : i32
    %c0_i32_0 = arith.constant 0 : i32
    %c0_i32_1 = arith.constant 0 : i32
    return %c0_i32, %c0_i32_0 : i32, i32
  }
  func.func @transform_8(%arg0: i32, %arg1: i32) -> (i32, i32) {
    %c0_i32 = arith.constant 0 : i32
    %c0_i32_0 = arith.constant 0 : i32
    %c0_i32_1 = arith.constant 0 : i32
    return %c0_i32, %c0_i32_0 : i32, i32
  }
  func.func @transform_9(%arg0: i32, %arg1: i32) -> (i32, i32) {
    %c0_i32 = arith.constant 0 : i32
    %c0_i32_0 = arith.constant 0 : i32
    %c0_i32_1 = arith.constant 0 : i32
    return %c0_i32, %c0_i32_0 : i32, i32
  }
  func.func @transform_10(%arg0: i32, %arg1: i32) -> (i32, i32) {
    %c0_i32 = arith.constant 0 : i32
    %c0_i32_0 = arith.constant 0 : i32
    %c0_i32_1 = arith.constant 0 : i32
    return %c0_i32, %c0_i32_0 : i32, i32
  }
  func.func @transform_11(%arg0: i32, %arg1: i32) -> (i32, i32) {
    %c0_i32 = arith.constant 0 : i32
    %c0_i32_0 = arith.constant 0 : i32
    %c0_i32_1 = arith.constant 0 : i32
    return %c0_i32, %c0_i32_0 : i32, i32
  }
  func.func @transform_12(%arg0: i32, %arg1: i32) -> (i32, i32) {
    %c0_i32 = arith.constant 0 : i32
    %c0_i32_0 = arith.constant 0 : i32
    %c0_i32_1 = arith.constant 0 : i32
    return %c0_i32, %c0_i32_0 : i32, i32
  }
  func.func @transform_13(%arg0: i32, %arg1: i32) -> (i32, i32) {
    %c0_i32 = arith.constant 0 : i32
    %c0_i32_0 = arith.constant 0 : i32
    %c0_i32_1 = arith.constant 0 : i32
    return %c0_i32, %c0_i32_0 : i32, i32
  }
  func.func @transform_14(%arg0: i32, %arg1: i32) -> (i32, i32) {
    %c0_i32 = arith.constant 0 : i32
    %c0_i32_0 = arith.constant 0 : i32
    %c0_i32_1 = arith.constant 0 : i32
    return %c0_i32, %c0_i32_0 : i32, i32
  }
  func.func @transform_15(%arg0: i32, %arg1: i32) -> (i32, i32) {
    %c0_i32 = arith.constant 0 : i32
    %c0_i32_0 = arith.constant 0 : i32
    %c0_i32_1 = arith.constant 0 : i32
    return %c0_i32, %c0_i32_0 : i32, i32
  }
  func.func @transform_16(%arg0: i32, %arg1: i32) -> (i32, i32) {
    %c0_i32 = arith.constant 0 : i32
    %c0_i32_0 = arith.constant 0 : i32
    %c0_i32_1 = arith.constant 0 : i32
    return %c0_i32, %c0_i32_0 : i32, i32
  }
  func.func @transform_17(%arg0: i32, %arg1: i32) -> (i32, i32) {
    %c0_i32 = arith.constant 0 : i32
    %c0_i32_0 = arith.constant 0 : i32
    %c0_i32_1 = arith.constant 0 : i32
    return %c0_i32, %c0_i32_0 : i32, i32
  }
  func.func @transform_18(%arg0: i32, %arg1: i32) -> (i32, i32) {
    %c0_i32 = arith.constant 0 : i32
    %c0_i32_0 = arith.constant 0 : i32
    %c0_i32_1 = arith.constant 0 : i32
    return %c0_i32, %c0_i32_0 : i32, i32
  }
  func.func @transform_19(%arg0: i32, %arg1: i32) -> (i32, i32) {
    %c0_i32 = arith.constant 0 : i32
    %c0_i32_0 = arith.constant 0 : i32
    %c0_i32_1 = arith.constant 0 : i32
    return %c0_i32, %c0_i32_0 : i32, i32
  }
  func.func @transform_20(%arg0: i32, %arg1: i32) -> (i32, i32) {
    %c0_i32 = arith.constant 0 : i32
    %c0_i32_0 = arith.constant 0 : i32
    %c0_i32_1 = arith.constant 0 : i32
    return %c0_i32, %c0_i32_0 : i32, i32
  }
  func.func @transform_21(%arg0: i32, %arg1: i32) -> (i32, i32) {
    %c0_i32 = arith.constant 0 : i32
    %c0_i32_0 = arith.constant 0 : i32
    %c0_i32_1 = arith.constant 0 : i32
    return %c0_i32, %c0_i32_0 : i32, i32
  }
  func.func @transform_22(%arg0: i32, %arg1: i32) -> (i32, i32) {
    %c0_i32 = arith.constant 0 : i32
    %c0_i32_0 = arith.constant 0 : i32
    %c0_i32_1 = arith.constant 0 : i32
    return %c0_i32, %c0_i32_0 : i32, i32
  }
  func.func @transform_23(%arg0: i32, %arg1: i32) -> (i32, i32) {
    %c0_i32 = arith.constant 0 : i32
    %c0_i32_0 = arith.constant 0 : i32
    %c0_i32_1 = arith.constant 0 : i32
    return %c0_i32, %c0_i32_0 : i32, i32
  }
  func.func @transform_24(%arg0: i32, %arg1: i32) -> (i32, i32) {
    %c0_i32 = arith.constant 0 : i32
    %c0_i32_0 = arith.constant 0 : i32
    %c0_i32_1 = arith.constant 0 : i32
    return %c0_i32, %c0_i32_0 : i32, i32
  }
  func.func @transform_25(%arg0: i32, %arg1: i32) -> (i32, i32) {
    %c0_i32 = arith.constant 0 : i32
    %c0_i32_0 = arith.constant 0 : i32
    %c0_i32_1 = arith.constant 0 : i32
    return %c0_i32, %c0_i32_0 : i32, i32
  }
  func.func @transform_26(%arg0: i32, %arg1: i32) -> (i32, i32) {
    %c0_i32 = arith.constant 0 : i32
    %c0_i32_0 = arith.constant 0 : i32
    %c0_i32_1 = arith.constant 0 : i32
    return %c0_i32, %c0_i32_0 : i32, i32
  }
  func.func @transform_27(%arg0: i32, %arg1: i32) -> (i32, i32, i32) {
    %c0_i32 = arith.constant 0 : i32
    %c0_i32_0 = arith.constant 0 : i32
    return %arg0, %arg1, %c0_i32 : i32, i32, i32
  }
}

</mosaic_0001>

<sc_bundles>
// kernel: kernel.17.cloned.1.call-start
scs
__scs_entry_jumppad:
0x0: {  	(pc) =	sbr.rel $0x88, $3  }
0x1: {  	(tag) =	ssettag $0x0;
	lr =	simm.s32 $0x1  }
0x2: {  	[smem:$0x3F5A] =	sst lr;
	_ =	strace $0xD0000000  }
0x3: {  	_ = 	snop  }
0x4: {  	_ = 	snop  }
0x5: {  	_ = 	snop  }
0x6: {  	_ = 	snop  }
0x7: {  	_ = 	snop  }
__scs_overlays_trampoline_lowered:
0x8: {  	[smem:$0x3F69] =	sst s0  }
0x9: {  	[smem:$0x3F6A] =	sst s1  }
0xa: {  	[smem:$0x3F6B] =	sst s2  }
0xb: {  	[smem:$0x3F6C] =	sst s3  }
0xc: {  	[smem:$0x3F6D] =	sst s4  }
0xd: {  	[smem:$0x3F6E] =	sst s5  }
0xe: {  	[smem:$0x3F6F] =	sst s6  }
0xf: {  	[smem:$0x3F70] =	sst s7  }
0x10: {  	[smem:$0x3F71] =	sst s8  }
0x11: {  	[smem:$0x3F72] =	sst s9;
	s0 =	simm.s32 @!p0 $0x0  }
0x12: {  	s1 =	sld [smem:$0x3F58];
	s0 =	simm.s32 @p0 $0x1  }
0x13: {  	[smem:$0x3F73] =	sst s0;
	s0 =	simm.s32 @!p1 $0x0  }
0x14: {  	s2 =	sld [smem:$0x3F57];
	s0 =	simm.s32 @p1 $0x1  }
0x15: {  	[smem:$0x3F74] =	sst s0;
	s0 =	simm.s32 @!p2 $0x0  }
0x16: {  	s3 =	sld [smem:$0x3FDB];
	s0 =	simm.s32 @p2 $0x1  }
0x17: {  	s4 =	simm.s32 $0x1BF5;
	[smem:$0x3F76] =	sst s0  }
0x18: {  	s0 =	sld [smem:$0x3F59];
	_ =	swait.ge [sflag:s4], $0x0  }
0x19: {  	s7 =	sld [smem:$0x3F5A]  }
0x1a: {  	s8 =	sadd.s32 $0xFFFFE003, lr  }
0x1b: {  	s9 =	sadd.s32 $0xFFFFFEF7, lr;
	s5 =	simm.s32 $0xFFFFFFFF;
	p2 =	slt.u32 s8, $0xFFFFF086  }
0x1c: {  	p1 =	slt.u32 s9, $0xF7A;
	s5 =	simm.s32 @!p2 $0x0  }
0x1d: {  	s5 =	simm.s32 @p1 $0x1;
	p0 =	seq.s32 s7, s2  }
0x1e: {  	s7 =	smul.u32 @!p0 $0xF7A, s2;
	p2 =	seq.s32 @!p0 s5, $0x0  }
0x1f: {  	s9 =	smul.u32 $0xF7A, s1;
	s8 =	simm.s32 @!p0 $0x1BF5;
	p2 =	por !p2, p0  }
0x20: {  	[sflag:s8] =	ssyncset.s32 @!p0 $0xFFFFF086;
	s6 =	sadd.s32 @!p0 s3, s7;
	s7 =	simm.s32 @!p0 $0x108  }
0x21: {  	s3 =	sadd.s32 s3, s9;
	s6 =	sadd.s32 @!p0 $0x88, s6;
	s7 =	simm.s32 @p2 $0x1082  }
0x22: {  	[simem:s7], [sflag:s8] =	dma.local @!p0 [hbm:s6], $0xF7A  }
0x23: {  	s9 =	sor.u32 $0xD0000000, s2;
	s6 =	simm.s32 $0x108;
	_ =	swait.ge @!p0 [sflag:s8], $0x0  }
0x24: {  	s3 =	sadd.s32 $0x88, s3;
	s6 =	simm.s32 @!p1 $0x1082;
	[sflag:s4] =	ssyncset.s32 $0xFFFFF086  }
0x25: {  	[simem:s6], [sflag:s4] =	dma.local [hbm:s3], $0xF7A  }
0x26: {  	[smem:$0x3F5A] =	sst s1;
	(tag) =	ssettag s2;
	_ =	strace s9  }
0x27: {  	s1 =	sld [smem:$0x3F6A]  }
0x28: {  	s2 =	sld [smem:$0x3F6B]  }
0x29: {  	s4 =	sld [smem:$0x3F6D]  }
0x2a: {  	p0 =	seq.s32 s5, $0x0;
	s5 =	sld [smem:$0x3F6E]  }
0x2b: {  	s6 =	sld [smem:$0x3F6F]  }
0x2c: {  	s7 =	sld [smem:$0x3F70]  }
0x2d: {  	s3 =	simm.s32 $0x108;
	s8 =	sld [smem:$0x3F71]  }
0x2e: {  	s3 =	simm.s32 @!p0 $0x1082;
	s9 =	sld [smem:$0x3F72]  }
0x2f: {  	lr =	sadd.s32 s0, s3;
	s0 =	sld [smem:$0x3F69]  }
0x30: {  	s3 =	sld [smem:$0x3F6C]  }
0x31: {  	[smem:$0x3F75] =	sst s10  }
0x32: {  	s10 =	sld [smem:$0x3F73];
	_ =	sdelay $0x3  }
0x33: {  	p0 =	seq.s32 s10, $0x1;
	s10 =	sld [smem:$0x3F75];
	_ =	sdelay $0x3  }
0x34: {  	[smem:$0x3F75] =	sst s10  }
0x35: {  	s10 =	sld [smem:$0x3F74];
	_ =	sdelay $0x3  }
0x36: {  	p1 =	seq.s32 s10, $0x1;
	s10 =	sld [smem:$0x3F75];
	_ =	sdelay $0x3  }
0x37: {  	[smem:$0x3F75] =	sst s10  }
0x38: {  	s10 =	sld [smem:$0x3F76]  }
0x39: {  	_ = 	snop;
	(pc) =	sbr.ind lr, $3  }
0x3a: {  	_ = 	snop  }
0x3b: {  	_ = 	snop  }
0x3c: {  	p2 =	seq.s32 s10, $0x1;
	s10 =	sld [smem:$0x3F75]  }
0x3d: {  	_ =	shalt  }
0x3e: {  	_ =	shalt  }
0x3f: {  	_ =	shalt  }
0x40: {  	_ =	shalt  }
0x41: {  	_ =	shalt  }
0x42: {  	_ =	shalt  }
0x43: {  	_ =	shalt  }
0x44: {  	_ =	shalt  }
0x45: {  	_ =	shalt  }
0x46: {  	_ =	shalt  }
0x47: {  	_ =	shalt  }
0x48: {  	_ =	shalt  }
0x49: {  	_ =	shalt  }
0x4a: {  	_ =	shalt  }
0x4b: {  	_ =	shalt  }
0x4c: {  	_ =	shalt  }
0x4d: {  	_ =	shalt  }
0x4e: {  	_ =	shalt  }
0x4f: {  	_ =	shalt  }
0x50: {  	_ =	shalt  }
0x51: {  	_ =	shalt  }
0x52: {  	_ =	shalt  }
0x53: {  	_ =	shalt  }
0x54: {  	_ =	shalt  }
0x55: {  	_ =	shalt  }
0x56: {  	_ =	shalt  }
0x57: {  	_ =	shalt  }
0x58: {  	_ =	shalt  }
0x59: {  	_ =	shalt  }
0x5a: {  	_ =	shalt  }
0x5b: {  	_ =	shalt  }
0x5c: {  	_ =	shalt  }
0x5d: {  	_ =	shalt  }
0x5e: {  	_ =	shalt  }
0x5f: {  	_ =	shalt  }
0x60: {  	_ =	shalt  }
0x61: {  	_ =	shalt  }
0x62: {  	_ =	shalt  }
0x63: {  	_ =	shalt  }
0x64: {  	_ =	shalt  }
0x65: {  	_ =	shalt  }
0x66: {  	_ =	shalt  }
0x67: {  	_ =	shalt  }
0x68: {  	_ =	shalt  }
0x69: {  	_ =	shalt  }
0x6a: {  	_ =	shalt  }
0x6b: {  	_ =	shalt  }
0x6c: {  	_ =	shalt  }
0x6d: {  	_ =	shalt  }
0x6e: {  	_ =	shalt  }
0x6f: {  	_ =	shalt  }
0x70: {  	_ =	shalt  }
0x71: {  	_ =	shalt  }
0x72: {  	_ =	shalt  }
0x73: {  	_ =	shalt  }
0x74: {  	_ =	shalt  }
0x75: {  	_ =	shalt  }
0x76: {  	_ =	shalt  }
0x77: {  	_ =	shalt  }
0x78: {  	_ =	shalt  }
0x79: {  	_ =	shalt  }
0x7a: {  	_ =	shalt  }
0x7b: {  	_ =	shalt  }
0x7c: {  	_ =	shalt  }
0x7d: {  	_ =	shalt  }
0x7e: {  	_ =	shalt  }
0x7f: {  	_ =	shalt  }
0x80: {  	_ =	shalt  }
0x81: {  	_ =	shalt  }
0x82: {  	_ =	shalt  }
0x83: {  	_ =	shalt  }
0x84: {  	_ =	shalt  }
0x85: {  	_ =	shalt  }
0x86: {  	_ =	shalt  }
0x87: {  	_ =	shalt  }
.Lfunc_end0:
.L_simem_size_0:
called_computation_lowered:
.L_overlay_start_0:
0x88: {  	s2 =	sld [smem:$0x3FD9]  }
0x89: {  	s3 =	sld [smem:$0x3FFE];
	_ =	sdelay $0x1  }
0x8a: {  	s1 =	srdreg.scid  }
0x8b: {  	s0 =	sand.u32 $0x1, s1  }
0x8c: {  	s16 =	sshll.u32 s0, $0xA;
	s2 =	sadd.s32 s3, s2  }
0x8d: {  	s2 =	sadd.s32 s2, s16  }
0x8e: {  	[smem:$0x3F81] =	sst s2  }
0x8f: {  	_ = 	snop  }
0x90: {  	(tm) =	ssettm $0x1  }
0x91: {  	s17 =	sld [smem:$0x3FFB];
	_ =	sdelay $0x3  }
0x92: {  	_ =	strace s17  }
0x93: {  	s2 =	sld [smem:$0x3FFC];
	_ =	sdelay $0x3  }
0x94: {  	_ =	strace s2  }
0x95: {  	s2 =	sld [smem:$0x3FFD];
	_ =	sdelay $0x3  }
0x96: {  	_ =	strace s2  }
0x97: {  	_ =	strace $0x8FFFFFFF  }
0x98: {  	s18 =	sld [smem:$0x3FDB];
	_ =	sdelay $0x1  }
0x99: {  	s19 =	simm.s32 $_scs_section_size  }
0x9a: {  	s4 =	simm.s32 $_size__tile_overlayer_lowered;
	s5 =	simm.s32 $_tile_overlayer_lowered  }
0x9b: {  	s22 =	simm.s32 $0x1BFF;
	s21 =	sshll.u32 s5, $0x1;
	s2 =	sadd.s32 s19, s18  }
0x9c: {  	s6 =	simm.s32 $0x0;
	s20 =	sshll.u32 s4, $0x1;
	s4 =	sadd.s32 s21, s2  }
0x9d: {  	[timem:s6], [sflag:s22] =	dma.local [hbm:s4], s20  }
0x9e: {  	_ =	swait.ge [sflag:s22], s20  }
0x9f: {  	s3 =	ssub.s32 $0x0, s20;
	[sflag:s22] =	ssyncset.done $0x0  }
0xa0: {  	[sflag:s22] =	ssyncadd.s32 s3;
	_ =	sdelay $0x1  }
0xa1: {  	s23 =	simm.s32 $0x1B8B  }
0xa2: {  	_ =	swait.ge [sflag:s23], $0x1  }
0xa3: {  	[sflag:s23] =	ssyncset.done $0x0  }
0xa4: {  	s25 =	simm.s32 $0x1B8E;
	s24 =	sld [smem:$0x3FFE];
	[sflag:s23] =	ssyncadd.s32 $0xFFFFFFFF  }
0xa5: {  	s26 =	simm.s32 $execute0_lowered;
	[smem:$0x3FD2] =	sst s25  }
0xa6: {  	s4 =	sshll.u32 s26, $0x1;
	_ =	strace $0x80000046;
	[dreg:$0x1] =	wrdreg $0xFFFFFFFF  }
0xa7: {  	s28 =	simm.s32 $_size_execute0_lowered;
	s2 =	sadd.s32 s2, s4;
	[dreg:$0x0] =	wrdreg $0x0  }
0xa8: {  	s4 =	sshll.u32 s28, $0x1;
	[dreg:$0x2] =	wrdreg s2  }
0xa9: {  	[dreg:$0x3] =	wrdreg s4  }
0xaa: {  	[dreg:$0x4] =	wrdreg $0xC0  }
0xab: {  	_ =	task [dreg:s6], $0x5FFFF  }
0xac: {  	[dreg:$0x1] =	wrdreg $0xFFFFFFFF  }
0xad: {  	[dreg:$0x0] =	wrdreg $0x60  }
0xae: {  	[dreg:$0x2] =	wrdreg s24  }
0xaf: {  	[dreg:$0x3] =	wrdreg $0x9  }
0xb0: {  	_ =	task.clear_ibuf [dreg:s6], $0x4FFFF;
	_ =	strace $0x90000046  }
0xb1: {  	s29 =	simm.s32 $0x9;
	_ =	strace $0x80000048  }
0xb2: {  	_ =	swait.ge [sflag:s29], $0x1  }
0xb3: {  	[sflag:s29] =	ssyncadd.s32 $0xFFFFFFFF  }
0xb4: {  	_ =	strace $0x90000048  }
0xb5: {  	_ =	sfence  }
0xb6: {  	s30 =	sld [smem:$0x0];
	_ =	sdelay $0x2  }
0xb7: {  	s31 =	sshll.u32 s1, $0xD;
	s1 =	sshrl.u32 s1, $0x2  }
0xb8: {  	s3 =	sand.u32 $0x4000, s31;
	s1 =	sadd.s32 s1, s30  }
0xb9: {  	s0 =	sor.u32 s3, s0;
	s1 =	sshll.u32 s1, $0x11  }
0xba: {  	s0 =	sor.u32 s1, s0  }
0xbb: {  	s0 =	sadd.s32 $0x8F2B, s0  }
0xbc: {  	[sflag:s0] =	ssyncadd.remote.s32 $0x1  }
0xbd: {  	_ =	sfence.sel $0xFFFF  }
0xbe: {  	[dreg:$0x0] =	wrdreg $0xFFFFFFFF;
	(pc) =	sbr.abs _section_cstart, $3  }
0xbf: {  	[dreg:$0x1] =	wrdreg $0xFFFFFFFF  }
0xc0: {  	_ =	task.clear_ibuf [dreg:s6], $0x2FFFF;
	_ =	strace $0x9FFFFFFF  }
0xc1: {  	(tm) =	ssettm $0x7FFFFFFF  }
tec
execute0_lowered:
.L_overlay_start_1:
0x0: {  	(tag) =	ssettag $0x1  }
0x1: {  	s5 =	rddreg [dreg:$0x0]  }
0x2: {  	s0 =	rddreg [dreg:$0x1]  }
0x3: {  	s1 =	simm.s32 $0x0;
	s2 =	srdreg.scid;
	s11 =	simm.s32 $0x0  }
0x4: {  	[smem:$0x7FF] =	sst s1;
	s3 =	sadd.s32 $0x11E200, s5;
	s6 =	sand.u32 $0x1, s2  }
0x5: {  	s4 =	sadd.s32 $0x119800, s5;
	s2 =	stileid.u32;
	_ =	strace $0x80000047  }
0x6: {  	s7 =	ssub.s32 $0x2, s6;
	s8 =	sshll.u32 s2, $0xC;
	s10 =	sshll.u32 s2, $0x1  }
0x7: {  	s29 =	sshll.u32 s6, $0xB;
	s30 =	sshll.u32 s2, $0x8;
	s31 =	sshll.u32 s6, $0x7  }
0x8: {  	s9 =	sshrl.u32 s7, $0x1;
	s8 =	sadd.s32 s8, s5;
	s28 =	sor.u32 s10, s6  }
0x9: {  	s10 =	simm.s32 $0x80;
	s26 =	ssub.s32 s7, s9;
	s7 =	ssub.s32 $0x4BB, s28  }
0xa: {  	s8 =	sadd.s32 s29, s8;
	s9 =	simm.s32 $0x1;
	s5 =	smax.u32 s26, $0x1  }
0xb: {  	s6 =	sshrl.u32 s7, $0x5;
	s7 =	sadd.s32 $0x1B1A00, s8;
	s8 =	sor.u32 s31, s30  }
.LBB2_1:
0xc: {  	p1 =	sne.s32 s6, $0x1  }
.Ltmp0:
0xd: {  	_ = 	snop;
	(pc) =	sbr.rel @!p1 .LBB2_2-.Ltmp0, $2  }
0xe: {  	_ =	sdelay $0x2  }
0xf: {  	s12 =	sadd.s32 $0xFFFFFFFF, s6;
	s15 =	sshrl.u32 s8, $0x3;
	p0 =	por $0x0, $0x0  }
0x10: {  	s13 =	sadd.s32 s4, s15  }
0x11: {  	[tilespmem:s1], [sflag:$0x1] =	stream.linear.gather [hbm4b:s13+s1], $0x80, $0x38;
	[tilespmem:$0x4080] =	vst v63  }
0x12: {  	_ =	swait.ge [sflag:s9], $0x80  }
0x13: {  	[sflag:s9] =	ssyncset.done $0x0  }
0x14: {  	[sflag:s9] =	ssyncadd.s32 $0xFFFFFF80  }
0x15: {  	[tilespmem:s10], [sflag:$0x1] =	stream.indirect.gather [hbm4b:s3+s10], $0x80, s1, s10, $0xb8;
	[tilespmem:$0x4080] =	vst v63  }
0x16: {  	p1 =	sne.s32 s12, $0x1;
	_ =	swait.ge [sflag:s9], $0x4000  }
.Ltmp1:
0x17: {  	[sflag:s9] =	ssyncset.done $0x0;
	(pc) =	sbr.rel @!p1 .LBB2_4-.Ltmp1, $4  }
0x18: {  	s14 =	sadd.s32 $0x1000, s8;
	[sflag:s9] =	ssyncadd.s32 $0xFFFFC000  }
0x19: {  	[hbm4b:s7+s1] =	stream.linear.scatter [tilespmem:s10], [sflag:$0x1], $0x4000, $0x38;
	[tilespmem:$0x4080] =	vst v63  }
0x1a: {  	p0 =	por $0x1, $0x1;
	s13 =	sadd.s32 $0xFFFFFFFF, s12;
	_ =	swait.ge [sflag:s9], $0x4000  }
0x1b: {  	s15 =	sshrl.u32 s14, $0x3;
	s12 =	smov.u32 s7;
	[sflag:s9] =	ssyncset.done $0x0  }
.LBB2_5:
0x1c: {  	s15 =	sadd.s32 s4, s15;
	[sflag:s9] =	ssyncadd.s32 $0xFFFFC000;
	s12 =	sadd.s32 $0x10000, s12  }
0x1d: {  	[tilespmem:s1], [sflag:$0x1] =	stream.linear.gather [hbm4b:s15+s1], $0x80, $0x38;
	[tilespmem:$0x4080] =	vst v63  }
0x1e: {  	p1 =	sne.s32 s13, $0x1;
	s13 =	sadd.s32 $0xFFFFFFFF, s13;
	_ =	swait.ge [sflag:s9], $0x80  }
0x1f: {  	[sflag:s9] =	ssyncset.done $0x0  }
0x20: {  	[sflag:s9] =	ssyncadd.s32 $0xFFFFFF80  }
0x21: {  	[tilespmem:s10], [sflag:$0x1] =	stream.indirect.gather [hbm4b:s3+s10], $0x80, s1, s10, $0xb8;
	[tilespmem:$0x4080] =	vst v63  }
0x22: {  	_ =	swait.ge [sflag:s9], $0x4000  }
.Ltmp2:
0x23: {  	[sflag:s9] =	ssyncset.done $0x0;
	(pc) =	sbr.rel @p1 .LBB2_5-.Ltmp2, $4  }
0x24: {  	[sflag:s9] =	ssyncadd.s32 $0xFFFFC000  }
0x25: {  	[hbm4b:s12+s1] =	stream.linear.scatter [tilespmem:s10], [sflag:$0x1], $0x4000, $0x38;
	[tilespmem:$0x4080] =	vst v63  }
0x26: {  	s14 =	sadd.s32 $0x1000, s14;
	_ =	swait.ge [sflag:s9], $0x4000  }
0x27: {  	s15 =	sshrl.u32 s14, $0x3;
	[sflag:s9] =	ssyncset.done $0x0  }
.LBB2_6:
0x28: {  	s13 =	sadd.s32 s4, s15;
	[sflag:s9] =	ssyncadd.s32 @p0 $0xFFFFC000  }
0x29: {  	[tilespmem:s1], [sflag:$0x1] =	stream.linear.gather [hbm4b:s13+s1], $0x80, $0x38;
	[tilespmem:$0x4080] =	vst v63  }
0x2a: {  	_ =	swait.ge [sflag:s9], $0x80  }
0x2b: {  	[sflag:s9] =	ssyncset.done $0x0  }
0x2c: {  	[sflag:s9] =	ssyncadd.s32 $0xFFFFFF80  }
0x2d: {  	[tilespmem:s10], [sflag:$0x1] =	stream.indirect.gather [hbm4b:s3+s10], $0x80, s1, s10, $0xb8;
	[tilespmem:$0x4080] =	vst v63  }
0x2e: {  	s12 =	sadd.s32 @p0 $0x10000, s12;
	_ =	swait.ge [sflag:s9], $0x4000  }
0x2f: {  	s11 =	sadd.s32 $0x1, s11;
	s13 =	smov.u32 s7;
	[sflag:s9] =	ssyncset.done $0x0  }
0x30: {  	s13 =	smov.u32 @p0 s12;
	p0 =	sne.s32 s11, s5;
	[sflag:s9] =	ssyncadd.s32 $0xFFFFC000  }
0x31: {  	[hbm4b:s13+s1] =	stream.linear.scatter [tilespmem:s10], [sflag:$0x1], $0x4000, $0x38;
	[tilespmem:$0x4080] =	vst v63  }
.Ltmp3:
0x32: {  	_ = 	snop;
	(pc) =	sbr.rel @p0 .LBB2_1-.Ltmp3, $4  }
.Ltmp4:
0x33: {  	_ = 	snop;
	(pc) =	sbr.rel @!p0 .LBB2_7-.Ltmp4, $4  }
0x34: {  	_ =	swait.ge [sflag:s9], $0x4000  }
0x35: {  	[sflag:s9] =	ssyncset.done $0x0  }
0x36: {  	[sflag:s9] =	ssyncadd.s32 $0xFFFFC000  }
0x37: {  	_ = 	snop  }
.LBB2_2:
.Ltmp5:
0x38: {  	(pc) =	sbr.rel .LBB2_6-.Ltmp5, $2  }
0x39: {  	_ =	sdelay $0x2  }
0x3a: {  	s12 =	smov.u32 s7  }
.LBB2_4:
.Ltmp6:
0x3b: {  	(pc) =	sbr.rel .LBB2_6-.Ltmp6, $2  }
0x3c: {  	_ =	sdelay $0x2  }
0x3d: {  	s12 =	smov.u32 s7  }
.LBB2_7:
0x3e: {  	_ =	sfence.sel $0x180000  }
0x3f: {  	[bflag:$0x0] =	sbarrier.arrive $0xFFFF  }
0x40: {  	p0 =	sne.s32 s2, $0x0;
	_ =	strace $0x90000047  }
0x41: {  	s0 =	sadd.s32 @!p0 $0x100000, s0;
	[bflag:$0x2] =	sbarrier.arrive $0xFFFF  }
0x42: {  	[sflag:s0] =	ssyncadd.tile.s32 @!p0 $0x1;
	_ =	shalt  }
.Lfunc_end2:
_tile_overlayer_lowered:
.L_overlay_start_2:
0x43: {  	(tag) =	ssettag $0x2  }
0x44: {  	s0 =	rddreg [dreg:$0x0];
	s2 =	stileid.u32  }
0x45: {  	s1 =	rddreg [dreg:$0x1];
	p0 =	sne.s32 s2, $0x0  }
0x46: {  	s3 =	rddreg [dreg:$0x2];
	[bflag:$0x3] =	sbarrier.arrive $0xFFFF;
	s2 =	simm.s32 @!p0 $0x1C01  }
0x47: {  	[timem:s3], [sflag:s2] =	dma.local @!p0 [hbm:s0], s1  }
0x48: {  	s0 =	simm.s32 @!p0 $0x1  }
0x49: {  	_ =	swait.ge @!p0 [sflag:s0], s1  }
0x4a: {  	s1 =	ssub.s32 @!p0 $0x0, s1;
	[sflag:s0] =	ssyncset.done @!p0 $0x0  }
0x4b: {  	[sflag:s0] =	ssyncadd.s32 @!p0 s1  }
0x4c: {  	[bflag:$0x3] =	sbarrier.arrive $0xFFFF  }
0x4d: {  	_ =	shalt  }

// kernel: kernel.20.cloned.1.call-start
scs
__scs_entry_jumppad:
0x0: {  	(pc) =	sbr.rel $0x88, $3  }
0x1: {  	(tag) =	ssettag $0x0;
	lr =	simm.s32 $0x1  }
0x2: {  	[smem:$0x3F5A] =	sst lr;
	_ =	strace $0xD0000000  }
0x3: {  	_ = 	snop  }
0x4: {  	_ = 	snop  }
0x5: {  	_ = 	snop  }
0x6: {  	_ = 	snop  }
0x7: {  	_ = 	snop  }
__scs_overlays_trampoline_lowered:
0x8: {  	[smem:$0x3F69] =	sst s0  }
0x9: {  	[smem:$0x3F6A] =	sst s1  }
0xa: {  	[smem:$0x3F6B] =	sst s2  }
0xb: {  	[smem:$0x3F6C] =	sst s3  }
0xc: {  	[smem:$0x3F6D] =	sst s4  }
0xd: {  	[smem:$0x3F6E] =	sst s5  }
0xe: {  	[smem:$0x3F6F] =	sst s6  }
0xf: {  	[smem:$0x3F70] =	sst s7  }
0x10: {  	[smem:$0x3F71] =	sst s8  }
0x11: {  	[smem:$0x3F72] =	sst s9;
	s0 =	simm.s32 @!p0 $0x0  }
0x12: {  	s1 =	sld [smem:$0x3F58];
	s0 =	simm.s32 @p0 $0x1  }
0x13: {  	[smem:$0x3F73] =	sst s0;
	s0 =	simm.s32 @!p1 $0x0  }
0x14: {  	s2 =	sld [smem:$0x3F57];
	s0 =	simm.s32 @p1 $0x1  }
0x15: {  	[smem:$0x3F74] =	sst s0;
	s0 =	simm.s32 @!p2 $0x0  }
0x16: {  	s3 =	sld [smem:$0x3FDB];
	s0 =	simm.s32 @p2 $0x1  }
0x17: {  	s4 =	simm.s32 $0x1BF5;
	[smem:$0x3F76] =	sst s0  }
0x18: {  	s0 =	sld [smem:$0x3F59];
	_ =	swait.ge [sflag:s4], $0x0  }
0x19: {  	s7 =	sld [smem:$0x3F5A]  }
0x1a: {  	s8 =	sadd.s32 $0xFFFFE003, lr  }
0x1b: {  	s9 =	sadd.s32 $0xFFFFFEF7, lr;
	s5 =	simm.s32 $0xFFFFFFFF;
	p2 =	slt.u32 s8, $0xFFFFF086  }
0x1c: {  	p1 =	slt.u32 s9, $0xF7A;
	s5 =	simm.s32 @!p2 $0x0  }
0x1d: {  	s5 =	simm.s32 @p1 $0x1;
	p0 =	seq.s32 s7, s2  }
0x1e: {  	s7 =	smul.u32 @!p0 $0xF7A, s2;
	p2 =	seq.s32 @!p0 s5, $0x0  }
0x1f: {  	s9 =	smul.u32 $0xF7A, s1;
	s8 =	simm.s32 @!p0 $0x1BF5;
	p2 =	por !p2, p0  }
0x20: {  	[sflag:s8] =	ssyncset.s32 @!p0 $0xFFFFF086;
	s6 =	sadd.s32 @!p0 s3, s7;
	s7 =	simm.s32 @!p0 $0x108  }
0x21: {  	s3 =	sadd.s32 s3, s9;
	s6 =	sadd.s32 @!p0 $0x88, s6;
	s7 =	simm.s32 @p2 $0x1082  }
0x22: {  	[simem:s7], [sflag:s8] =	dma.local @!p0 [hbm:s6], $0xF7A  }
0x23: {  	s9 =	sor.u32 $0xD0000000, s2;
	s6 =	simm.s32 $0x108;
	_ =	swait.ge @!p0 [sflag:s8], $0x0  }
0x24: {  	s3 =	sadd.s32 $0x88, s3;
	s6 =	simm.s32 @!p1 $0x1082;
	[sflag:s4] =	ssyncset.s32 $0xFFFFF086  }
0x25: {  	[simem:s6], [sflag:s4] =	dma.local [hbm:s3], $0xF7A  }
0x26: {  	[smem:$0x3F5A] =	sst s1;
	(tag) =	ssettag s2;
	_ =	strace s9  }
0x27: {  	s1 =	sld [smem:$0x3F6A]  }
0x28: {  	s2 =	sld [smem:$0x3F6B]  }
0x29: {  	s4 =	sld [smem:$0x3F6D]  }
0x2a: {  	p0 =	seq.s32 s5, $0x0;
	s5 =	sld [smem:$0x3F6E]  }
0x2b: {  	s6 =	sld [smem:$0x3F6F]  }
0x2c: {  	s7 =	sld [smem:$0x3F70]  }
0x2d: {  	s3 =	simm.s32 $0x108;
	s8 =	sld [smem:$0x3F71]  }
0x2e: {  	s3 =	simm.s32 @!p0 $0x1082;
	s9 =	sld [smem:$0x3F72]  }
0x2f: {  	lr =	sadd.s32 s0, s3;
	s0 =	sld [smem:$0x3F69]  }
0x30: {  	s3 =	sld [smem:$0x3F6C]  }
0x31: {  	[smem:$0x3F75] =	sst s10  }
0x32: {  	s10 =	sld [smem:$0x3F73];
	_ =	sdelay $0x3  }
0x33: {  	p0 =	seq.s32 s10, $0x1;
	s10 =	sld [smem:$0x3F75];
	_ =	sdelay $0x3  }
0x34: {  	[smem:$0x3F75] =	sst s10  }
0x35: {  	s10 =	sld [smem:$0x3F74];
	_ =	sdelay $0x3  }
0x36: {  	p1 =	seq.s32 s10, $0x1;
	s10 =	sld [smem:$0x3F75];
	_ =	sdelay $0x3  }
0x37: {  	[smem:$0x3F75] =	sst s10  }
0x38: {  	s10 =	sld [smem:$0x3F76]  }
0x39: {  	_ = 	snop;
	(pc) =	sbr.ind lr, $3  }
0x3a: {  	_ = 	snop  }
0x3b: {  	_ = 	snop  }
0x3c: {  	p2 =	seq.s32 s10, $0x1;
	s10 =	sld [smem:$0x3F75]  }
0x3d: {  	_ =	shalt  }
0x3e: {  	_ =	shalt  }
0x3f: {  	_ =	shalt  }
0x40: {  	_ =	shalt  }
0x41: {  	_ =	shalt  }
0x42: {  	_ =	shalt  }
0x43: {  	_ =	shalt  }
0x44: {  	_ =	shalt  }
0x45: {  	_ =	shalt  }
0x46: {  	_ =	shalt  }
0x47: {  	_ =	shalt  }
0x48: {  	_ =	shalt  }
0x49: {  	_ =	shalt  }
0x4a: {  	_ =	shalt  }
0x4b: {  	_ =	shalt  }
0x4c: {  	_ =	shalt  }
0x4d: {  	_ =	shalt  }
0x4e: {  	_ =	shalt  }
0x4f: {  	_ =	shalt  }
0x50: {  	_ =	shalt  }
0x51: {  	_ =	shalt  }
0x52: {  	_ =	shalt  }
0x53: {  	_ =	shalt  }
0x54: {  	_ =	shalt  }
0x55: {  	_ =	shalt  }
0x56: {  	_ =	shalt  }
0x57: {  	_ =	shalt  }
0x58: {  	_ =	shalt  }
0x59: {  	_ =	shalt  }
0x5a: {  	_ =	shalt  }
0x5b: {  	_ =	shalt  }
0x5c: {  	_ =	shalt  }
0x5d: {  	_ =	shalt  }
0x5e: {  	_ =	shalt  }
0x5f: {  	_ =	shalt  }
0x60: {  	_ =	shalt  }
0x61: {  	_ =	shalt  }
0x62: {  	_ =	shalt  }
0x63: {  	_ =	shalt  }
0x64: {  	_ =	shalt  }
0x65: {  	_ =	shalt  }
0x66: {  	_ =	shalt  }
0x67: {  	_ =	shalt  }
0x68: {  	_ =	shalt  }
0x69: {  	_ =	shalt  }
0x6a: {  	_ =	shalt  }
0x6b: {  	_ =	shalt  }
0x6c: {  	_ =	shalt  }
0x6d: {  	_ =	shalt  }
0x6e: {  	_ =	shalt  }
0x6f: {  	_ =	shalt  }
0x70: {  	_ =	shalt  }
0x71: {  	_ =	shalt  }
0x72: {  	_ =	shalt  }
0x73: {  	_ =	shalt  }
0x74: {  	_ =	shalt  }
0x75: {  	_ =	shalt  }
0x76: {  	_ =	shalt  }
0x77: {  	_ =	shalt  }
0x78: {  	_ =	shalt  }
0x79: {  	_ =	shalt  }
0x7a: {  	_ =	shalt  }
0x7b: {  	_ =	shalt  }
0x7c: {  	_ =	shalt  }
0x7d: {  	_ =	shalt  }
0x7e: {  	_ =	shalt  }
0x7f: {  	_ =	shalt  }
0x80: {  	_ =	shalt  }
0x81: {  	_ =	shalt  }
0x82: {  	_ =	shalt  }
0x83: {  	_ =	shalt  }
0x84: {  	_ =	shalt  }
0x85: {  	_ =	shalt  }
0x86: {  	_ =	shalt  }
0x87: {  	_ =	shalt  }
.Lfunc_end0:
.L_simem_size_0:
called_computation.1_lowered:
.L_overlay_start_0:
0x88: {  	s2 =	sld [smem:$0x3FD9]  }
0x89: {  	s3 =	sld [smem:$0x3FFE];
	_ =	sdelay $0x1  }
0x8a: {  	s1 =	srdreg.scid  }
0x8b: {  	s0 =	sand.u32 $0x1, s1  }
0x8c: {  	s16 =	sshll.u32 s0, $0xA;
	s2 =	sadd.s32 s3, s2  }
0x8d: {  	s2 =	sadd.s32 s2, s16  }
0x8e: {  	[smem:$0x3F81] =	sst s2  }
0x8f: {  	_ = 	snop  }
0x90: {  	(tm) =	ssettm $0x1  }
0x91: {  	s17 =	sld [smem:$0x3FFB];
	_ =	sdelay $0x3  }
0x92: {  	_ =	strace s17  }
0x93: {  	s2 =	sld [smem:$0x3FFC];
	_ =	sdelay $0x3  }
0x94: {  	_ =	strace s2  }
0x95: {  	s2 =	sld [smem:$0x3FFD];
	_ =	sdelay $0x3  }
0x96: {  	_ =	strace s2  }
0x97: {  	_ =	strace $0x8FFFFFFF  }
0x98: {  	s18 =	sld [smem:$0x3FDB];
	_ =	sdelay $0x1  }
0x99: {  	s19 =	simm.s32 $_scs_section_size  }
0x9a: {  	s4 =	simm.s32 $_size__tile_overlayer_lowered;
	s5 =	simm.s32 $_tile_overlayer_lowered  }
0x9b: {  	s22 =	simm.s32 $0x1BFF;
	s21 =	sshll.u32 s5, $0x1;
	s2 =	sadd.s32 s19, s18  }
0x9c: {  	s6 =	simm.s32 $0x0;
	s20 =	sshll.u32 s4, $0x1;
	s4 =	sadd.s32 s21, s2  }
0x9d: {  	[timem:s6], [sflag:s22] =	dma.local [hbm:s4], s20  }
0x9e: {  	_ =	swait.ge [sflag:s22], s20  }
0x9f: {  	s3 =	ssub.s32 $0x0, s20;
	[sflag:s22] =	ssyncset.done $0x0  }
0xa0: {  	[sflag:s22] =	ssyncadd.s32 s3;
	_ =	sdelay $0x1  }
0xa1: {  	s23 =	simm.s32 $0x1B8B  }
0xa2: {  	_ =	swait.ge [sflag:s23], $0x1  }
0xa3: {  	[sflag:s23] =	ssyncset.done $0x0  }
0xa4: {  	s25 =	simm.s32 $0x1B8E;
	s24 =	sld [smem:$0x3FFE];
	[sflag:s23] =	ssyncadd.s32 $0xFFFFFFFF  }
0xa5: {  	s26 =	simm.s32 $execute0_lowered;
	[smem:$0x3FD2] =	sst s25  }
0xa6: {  	s4 =	sshll.u32 s26, $0x1;
	_ =	strace $0x80000049;
	[dreg:$0x1] =	wrdreg $0xFFFFFFFF  }
0xa7: {  	s28 =	simm.s32 $_size_execute0_lowered;
	s2 =	sadd.s32 s2, s4;
	[dreg:$0x0] =	wrdreg $0x0  }
0xa8: {  	s4 =	sshll.u32 s28, $0x1;
	[dreg:$0x2] =	wrdreg s2  }
0xa9: {  	[dreg:$0x3] =	wrdreg s4  }
0xaa: {  	[dreg:$0x4] =	wrdreg $0xC0  }
0xab: {  	_ =	task [dreg:s6], $0x5FFFF  }
0xac: {  	[dreg:$0x1] =	wrdreg $0xFFFFFFFF  }
0xad: {  	[dreg:$0x0] =	wrdreg $0x60  }
0xae: {  	[dreg:$0x2] =	wrdreg s24  }
0xaf: {  	[dreg:$0x3] =	wrdreg $0x9  }
0xb0: {  	_ =	task.clear_ibuf [dreg:s6], $0x4FFFF;
	_ =	strace $0x90000049  }
0xb1: {  	s29 =	simm.s32 $0x9;
	_ =	strace $0x8000004B  }
0xb2: {  	_ =	swait.ge [sflag:s29], $0x1  }
0xb3: {  	[sflag:s29] =	ssyncadd.s32 $0xFFFFFFFF  }
0xb4: {  	_ =	strace $0x9000004B  }
0xb5: {  	_ =	sfence  }
0xb6: {  	s30 =	sld [smem:$0x0];
	_ =	sdelay $0x2  }
0xb7: {  	s31 =	sshll.u32 s1, $0xD;
	s1 =	sshrl.u32 s1, $0x2  }
0xb8: {  	s3 =	sand.u32 $0x4000, s31;
	s1 =	sadd.s32 s1, s30  }
0xb9: {  	s0 =	sor.u32 s3, s0;
	s1 =	sshll.u32 s1, $0x11  }
0xba: {  	s0 =	sor.u32 s1, s0  }
0xbb: {  	s0 =	sadd.s32 $0x8F2B, s0  }
0xbc: {  	[sflag:s0] =	ssyncadd.remote.s32 $0x1  }
0xbd: {  	_ =	sfence.sel $0xFFFF  }
0xbe: {  	[dreg:$0x0] =	wrdreg $0xFFFFFFFF;
	(pc) =	sbr.abs _section_cstart, $3  }
0xbf: {  	[dreg:$0x1] =	wrdreg $0xFFFFFFFF  }
0xc0: {  	_ =	task.clear_ibuf [dreg:s6], $0x2FFFF;
	_ =	strace $0x9FFFFFFF  }
0xc1: {  	(tm) =	ssettm $0x7FFFFFFF  }
tec
execute0_lowered:
.L_overlay_start_1:
0x0: {  	(tag) =	ssettag $0x1  }
0x1: {  	s5 =	rddreg [dreg:$0x0]  }
0x2: {  	s0 =	rddreg [dreg:$0x1]  }
0x3: {  	s1 =	simm.s32 $0x0;
	s2 =	srdreg.scid;
	s11 =	simm.s32 $0x0  }
0x4: {  	[smem:$0x7FF] =	sst s1;
	s3 =	sadd.s32 $0x18C00, s5;
	s6 =	sand.u32 $0x1, s2  }
0x5: {  	s4 =	sadd.s32 $0x17800, s5;
	s2 =	stileid.u32;
	_ =	strace $0x8000004A  }
0x6: {  	s7 =	ssub.s32 $0x2, s6;
	s8 =	sshll.u32 s2, $0xC;
	s10 =	sshll.u32 s2, $0x1  }
0x7: {  	s29 =	sshll.u32 s6, $0xB;
	s30 =	sshll.u32 s2, $0x8;
	s31 =	sshll.u32 s6, $0x7  }
0x8: {  	s9 =	sshrl.u32 s7, $0x1;
	s8 =	sadd.s32 s8, s5;
	s28 =	sor.u32 s10, s6  }
0x9: {  	s10 =	simm.s32 $0x80;
	s26 =	ssub.s32 s7, s9;
	s7 =	ssub.s32 $0x146, s28  }
0xa: {  	s8 =	sadd.s32 s29, s8;
	s9 =	simm.s32 $0x1;
	s5 =	smax.u32 s26, $0x1  }
0xb: {  	s6 =	sshrl.u32 s7, $0x5;
	s7 =	sadd.s32 $0x119800, s8;
	s8 =	sor.u32 s31, s30  }
.LBB2_1:
0xc: {  	p1 =	sne.s32 s6, $0x1  }
.Ltmp0:
0xd: {  	_ = 	snop;
	(pc) =	sbr.rel @!p1 .LBB2_2-.Ltmp0, $2  }
0xe: {  	_ =	sdelay $0x2  }
0xf: {  	s12 =	sadd.s32 $0xFFFFFFFF, s6;
	s15 =	sshrl.u32 s8, $0x3;
	p0 =	por $0x0, $0x0  }
0x10: {  	s13 =	sadd.s32 s4, s15  }
0x11: {  	[tilespmem:s1], [sflag:$0x1] =	stream.linear.gather [hbm4b:s13+s1], $0x80, $0x38;
	[tilespmem:$0x4080] =	vst v63  }
0x12: {  	_ =	swait.ge [sflag:s9], $0x80  }
0x13: {  	[sflag:s9] =	ssyncset.done $0x0  }
0x14: {  	[sflag:s9] =	ssyncadd.s32 $0xFFFFFF80  }
0x15: {  	[tilespmem:s10], [sflag:$0x1] =	stream.indirect.gather [hbm4b:s3+s10], $0x80, s1, s10, $0xb8;
	[tilespmem:$0x4080] =	vst v63  }
0x16: {  	p1 =	sne.s32 s12, $0x1;
	_ =	swait.ge [sflag:s9], $0x4000  }
.Ltmp1:
0x17: {  	[sflag:s9] =	ssyncset.done $0x0;
	(pc) =	sbr.rel @!p1 .LBB2_4-.Ltmp1, $4  }
0x18: {  	s14 =	sadd.s32 $0x1000, s8;
	[sflag:s9] =	ssyncadd.s32 $0xFFFFC000  }
0x19: {  	[hbm4b:s7+s1] =	stream.linear.scatter [tilespmem:s10], [sflag:$0x1], $0x4000, $0x38;
	[tilespmem:$0x4080] =	vst v63  }
0x1a: {  	p0 =	por $0x1, $0x1;
	s13 =	sadd.s32 $0xFFFFFFFF, s12;
	_ =	swait.ge [sflag:s9], $0x4000  }
0x1b: {  	s15 =	sshrl.u32 s14, $0x3;
	s12 =	smov.u32 s7;
	[sflag:s9] =	ssyncset.done $0x0  }
.LBB2_5:
0x1c: {  	s15 =	sadd.s32 s4, s15;
	[sflag:s9] =	ssyncadd.s32 $0xFFFFC000;
	s12 =	sadd.s32 $0x10000, s12  }
0x1d: {  	[tilespmem:s1], [sflag:$0x1] =	stream.linear.gather [hbm4b:s15+s1], $0x80, $0x38;
	[tilespmem:$0x4080] =	vst v63  }
0x1e: {  	p1 =	sne.s32 s13, $0x1;
	s13 =	sadd.s32 $0xFFFFFFFF, s13;
	_ =	swait.ge [sflag:s9], $0x80  }
0x1f: {  	[sflag:s9] =	ssyncset.done $0x0  }
0x20: {  	[sflag:s9] =	ssyncadd.s32 $0xFFFFFF80  }
0x21: {  	[tilespmem:s10], [sflag:$0x1] =	stream.indirect.gather [hbm4b:s3+s10], $0x80, s1, s10, $0xb8;
	[tilespmem:$0x4080] =	vst v63  }
0x22: {  	_ =	swait.ge [sflag:s9], $0x4000  }
.Ltmp2:
0x23: {  	[sflag:s9] =	ssyncset.done $0x0;
	(pc) =	sbr.rel @p1 .LBB2_5-.Ltmp2, $4  }
0x24: {  	[sflag:s9] =	ssyncadd.s32 $0xFFFFC000  }
0x25: {  	[hbm4b:s12+s1] =	stream.linear.scatter [tilespmem:s10], [sflag:$0x1], $0x4000, $0x38;
	[tilespmem:$0x4080] =	vst v63  }
0x26: {  	s14 =	sadd.s32 $0x1000, s14;
	_ =	swait.ge [sflag:s9], $0x4000  }
0x27: {  	s15 =	sshrl.u32 s14, $0x3;
	[sflag:s9] =	ssyncset.done $0x0  }
.LBB2_6:
0x28: {  	s13 =	sadd.s32 s4, s15;
	[sflag:s9] =	ssyncadd.s32 @p0 $0xFFFFC000  }
0x29: {  	[tilespmem:s1], [sflag:$0x1] =	stream.linear.gather [hbm4b:s13+s1], $0x80, $0x38;
	[tilespmem:$0x4080] =	vst v63  }
0x2a: {  	_ =	swait.ge [sflag:s9], $0x80  }
0x2b: {  	[sflag:s9] =	ssyncset.done $0x0  }
0x2c: {  	[sflag:s9] =	ssyncadd.s32 $0xFFFFFF80  }
0x2d: {  	[tilespmem:s10], [sflag:$0x1] =	stream.indirect.gather [hbm4b:s3+s10], $0x80, s1, s10, $0xb8;
	[tilespmem:$0x4080] =	vst v63  }
0x2e: {  	s12 =	sadd.s32 @p0 $0x10000, s12;
	_ =	swait.ge [sflag:s9], $0x4000  }
0x2f: {  	s11 =	sadd.s32 $0x1, s11;
	s13 =	smov.u32 s7;
	[sflag:s9] =	ssyncset.done $0x0  }
0x30: {  	s13 =	smov.u32 @p0 s12;
	p0 =	sne.s32 s11, s5;
	[sflag:s9] =	ssyncadd.s32 $0xFFFFC000  }
0x31: {  	[hbm4b:s13+s1] =	stream.linear.scatter [tilespmem:s10], [sflag:$0x1], $0x4000, $0x38;
	[tilespmem:$0x4080] =	vst v63  }
.Ltmp3:
0x32: {  	_ = 	snop;
	(pc) =	sbr.rel @p0 .LBB2_1-.Ltmp3, $4  }
.Ltmp4:
0x33: {  	_ = 	snop;
	(pc) =	sbr.rel @!p0 .LBB2_7-.Ltmp4, $4  }
0x34: {  	_ =	swait.ge [sflag:s9], $0x4000  }
0x35: {  	[sflag:s9] =	ssyncset.done $0x0  }
0x36: {  	[sflag:s9] =	ssyncadd.s32 $0xFFFFC000  }
0x37: {  	_ = 	snop  }
.LBB2_2:
.Ltmp5:
0x38: {  	(pc) =	sbr.rel .LBB2_6-.Ltmp5, $2  }
0x39: {  	_ =	sdelay $0x2  }
0x3a: {  	s12 =	smov.u32 s7  }
.LBB2_4:
.Ltmp6:
0x3b: {  	(pc) =	sbr.rel .LBB2_6-.Ltmp6, $2  }
0x3c: {  	_ =	sdelay $0x2  }
0x3d: {  	s12 =	smov.u32 s7  }
.LBB2_7:
0x3e: {  	_ =	sfence.sel $0x180000  }
0x3f: {  	[bflag:$0x0] =	sbarrier.arrive $0xFFFF  }
0x40: {  	p0 =	sne.s32 s2, $0x0;
	_ =	strace $0x9000004A  }
0x41: {  	s0 =	sadd.s32 @!p0 $0x100000, s0;
	[bflag:$0x2] =	sbarrier.arrive $0xFFFF  }
0x42: {  	[sflag:s0] =	ssyncadd.tile.s32 @!p0 $0x1;
	_ =	shalt  }
.Lfunc_end2:
_tile_overlayer_lowered:
.L_overlay_start_2:
0x43: {  	(tag) =	ssettag $0x2  }
0x44: {  	s0 =	rddreg [dreg:$0x0];
	s2 =	stileid.u32  }
0x45: {  	s1 =	rddreg [dreg:$0x1];
	p0 =	sne.s32 s2, $0x0  }
0x46: {  	s3 =	rddreg [dreg:$0x2];
	[bflag:$0x3] =	sbarrier.arrive $0xFFFF;
	s2 =	simm.s32 @!p0 $0x1C01  }
0x47: {  	[timem:s3], [sflag:s2] =	dma.local @!p0 [hbm:s0], s1  }
0x48: {  	s0 =	simm.s32 @!p0 $0x1  }
0x49: {  	_ =	swait.ge @!p0 [sflag:s0], s1  }
0x4a: {  	s1 =	ssub.s32 @!p0 $0x0, s1;
	[sflag:s0] =	ssyncset.done @!p0 $0x0  }
0x4b: {  	[sflag:s0] =	ssyncadd.s32 @!p0 s1  }
0x4c: {  	[bflag:$0x3] =	sbarrier.arrive $0xFFFF  }
0x4d: {  	_ =	shalt  }

// kernel: kernel.23.cloned.1.call-start
scs
__scs_entry_jumppad:
0x0: {  	(pc) =	sbr.rel $0x88, $3  }
0x1: {  	(tag) =	ssettag $0x0;
	lr =	simm.s32 $0x1  }
0x2: {  	[smem:$0x3F5A] =	sst lr;
	_ =	strace $0xD0000000  }
0x3: {  	_ = 	snop  }
0x4: {  	_ = 	snop  }
0x5: {  	_ = 	snop  }
0x6: {  	_ = 	snop  }
0x7: {  	_ = 	snop  }
__scs_overlays_trampoline_lowered:
0x8: {  	[smem:$0x3F69] =	sst s0  }
0x9: {  	[smem:$0x3F6A] =	sst s1  }
0xa: {  	[smem:$0x3F6B] =	sst s2  }
0xb: {  	[smem:$0x3F6C] =	sst s3  }
0xc: {  	[smem:$0x3F6D] =	sst s4  }
0xd: {  	[smem:$0x3F6E] =	sst s5  }
0xe: {  	[smem:$0x3F6F] =	sst s6  }
0xf: {  	[smem:$0x3F70] =	sst s7  }
0x10: {  	[smem:$0x3F71] =	sst s8  }
0x11: {  	[smem:$0x3F72] =	sst s9;
	s0 =	simm.s32 @!p0 $0x0  }
0x12: {  	s1 =	sld [smem:$0x3F58];
	s0 =	simm.s32 @p0 $0x1  }
0x13: {  	[smem:$0x3F73] =	sst s0;
	s0 =	simm.s32 @!p1 $0x0  }
0x14: {  	s2 =	sld [smem:$0x3F57];
	s0 =	simm.s32 @p1 $0x1  }
0x15: {  	[smem:$0x3F74] =	sst s0;
	s0 =	simm.s32 @!p2 $0x0  }
0x16: {  	s3 =	sld [smem:$0x3FDB];
	s0 =	simm.s32 @p2 $0x1  }
0x17: {  	s4 =	simm.s32 $0x1BF5;
	[smem:$0x3F76] =	sst s0  }
0x18: {  	s0 =	sld [smem:$0x3F59];
	_ =	swait.ge [sflag:s4], $0x0  }
0x19: {  	s7 =	sld [smem:$0x3F5A]  }
0x1a: {  	s8 =	sadd.s32 $0xFFFFE003, lr  }
0x1b: {  	s9 =	sadd.s32 $0xFFFFFEF7, lr;
	s5 =	simm.s32 $0xFFFFFFFF;
	p2 =	slt.u32 s8, $0xFFFFF086  }
0x1c: {  	p1 =	slt.u32 s9, $0xF7A;
	s5 =	simm.s32 @!p2 $0x0  }
0x1d: {  	s5 =	simm.s32 @p1 $0x1;
	p0 =	seq.s32 s7, s2  }
0x1e: {  	s7 =	smul.u32 @!p0 $0xF7A, s2;
	p2 =	seq.s32 @!p0 s5, $0x0  }
0x1f: {  	s9 =	smul.u32 $0xF7A, s1;
	s8 =	simm.s32 @!p0 $0x1BF5;
	p2 =	por !p2, p0  }
0x20: {  	[sflag:s8] =	ssyncset.s32 @!p0 $0xFFFFF086;
	s6 =	sadd.s32 @!p0 s3, s7;
	s7 =	simm.s32 @!p0 $0x108  }
0x21: {  	s3 =	sadd.s32 s3, s9;
	s6 =	sadd.s32 @!p0 $0x88, s6;
	s7 =	simm.s32 @p2 $0x1082  }
0x22: {  	[simem:s7], [sflag:s8] =	dma.local @!p0 [hbm:s6], $0xF7A  }
0x23: {  	s9 =	sor.u32 $0xD0000000, s2;
	s6 =	simm.s32 $0x108;
	_ =	swait.ge @!p0 [sflag:s8], $0x0  }
0x24: {  	s3 =	sadd.s32 $0x88, s3;
	s6 =	simm.s32 @!p1 $0x1082;
	[sflag:s4] =	ssyncset.s32 $0xFFFFF086  }
0x25: {  	[simem:s6], [sflag:s4] =	dma.local [hbm:s3], $0xF7A  }
0x26: {  	[smem:$0x3F5A] =	sst s1;
	(tag) =	ssettag s2;
	_ =	strace s9  }
0x27: {  	s1 =	sld [smem:$0x3F6A]  }
0x28: {  	s2 =	sld [smem:$0x3F6B]  }
0x29: {  	s4 =	sld [smem:$0x3F6D]  }
0x2a: {  	p0 =	seq.s32 s5, $0x0;
	s5 =	sld [smem:$0x3F6E]  }
0x2b: {  	s6 =	sld [smem:$0x3F6F]  }
0x2c: {  	s7 =	sld [smem:$0x3F70]  }
0x2d: {  	s3 =	simm.s32 $0x108;
	s8 =	sld [smem:$0x3F71]  }
0x2e: {  	s3 =	simm.s32 @!p0 $0x1082;
	s9 =	sld [smem:$0x3F72]  }
0x2f: {  	lr =	sadd.s32 s0, s3;
	s0 =	sld [smem:$0x3F69]  }
0x30: {  	s3 =	sld [smem:$0x3F6C]  }
0x31: {  	[smem:$0x3F75] =	sst s10  }
0x32: {  	s10 =	sld [smem:$0x3F73];
	_ =	sdelay $0x3  }
0x33: {  	p0 =	seq.s32 s10, $0x1;
	s10 =	sld [smem:$0x3F75];
	_ =	sdelay $0x3  }
0x34: {  	[smem:$0x3F75] =	sst s10  }
0x35: {  	s10 =	sld [smem:$0x3F74];
	_ =	sdelay $0x3  }
0x36: {  	p1 =	seq.s32 s10, $0x1;
	s10 =	sld [smem:$0x3F75];
	_ =	sdelay $0x3  }
0x37: {  	[smem:$0x3F75] =	sst s10  }
0x38: {  	s10 =	sld [smem:$0x3F76]  }
0x39: {  	_ = 	snop;
	(pc) =	sbr.ind lr, $3  }
0x3a: {  	_ = 	snop  }
0x3b: {  	_ = 	snop  }
0x3c: {  	p2 =	seq.s32 s10, $0x1;
	s10 =	sld [smem:$0x3F75]  }
0x3d: {  	_ =	shalt  }
0x3e: {  	_ =	shalt  }
0x3f: {  	_ =	shalt  }
0x40: {  	_ =	shalt  }
0x41: {  	_ =	shalt  }
0x42: {  	_ =	shalt  }
0x43: {  	_ =	shalt  }
0x44: {  	_ =	shalt  }
0x45: {  	_ =	shalt  }
0x46: {  	_ =	shalt  }
0x47: {  	_ =	shalt  }
0x48: {  	_ =	shalt  }
0x49: {  	_ =	shalt  }
0x4a: {  	_ =	shalt  }
0x4b: {  	_ =	shalt  }
0x4c: {  	_ =	shalt  }
0x4d: {  	_ =	shalt  }
0x4e: {  	_ =	shalt  }
0x4f: {  	_ =	shalt  }
0x50: {  	_ =	shalt  }
0x51: {  	_ =	shalt  }
0x52: {  	_ =	shalt  }
0x53: {  	_ =	shalt  }
0x54: {  	_ =	shalt  }
0x55: {  	_ =	shalt  }
0x56: {  	_ =	shalt  }
0x57: {  	_ =	shalt  }
0x58: {  	_ =	shalt  }
0x59: {  	_ =	shalt  }
0x5a: {  	_ =	shalt  }
0x5b: {  	_ =	shalt  }
0x5c: {  	_ =	shalt  }
0x5d: {  	_ =	shalt  }
0x5e: {  	_ =	shalt  }
0x5f: {  	_ =	shalt  }
0x60: {  	_ =	shalt  }
0x61: {  	_ =	shalt  }
0x62: {  	_ =	shalt  }
0x63: {  	_ =	shalt  }
0x64: {  	_ =	shalt  }
0x65: {  	_ =	shalt  }
0x66: {  	_ =	shalt  }
0x67: {  	_ =	shalt  }
0x68: {  	_ =	shalt  }
0x69: {  	_ =	shalt  }
0x6a: {  	_ =	shalt  }
0x6b: {  	_ =	shalt  }
0x6c: {  	_ =	shalt  }
0x6d: {  	_ =	shalt  }
0x6e: {  	_ =	shalt  }
0x6f: {  	_ =	shalt  }
0x70: {  	_ =	shalt  }
0x71: {  	_ =	shalt  }
0x72: {  	_ =	shalt  }
0x73: {  	_ =	shalt  }
0x74: {  	_ =	shalt  }
0x75: {  	_ =	shalt  }
0x76: {  	_ =	shalt  }
0x77: {  	_ =	shalt  }
0x78: {  	_ =	shalt  }
0x79: {  	_ =	shalt  }
0x7a: {  	_ =	shalt  }
0x7b: {  	_ =	shalt  }
0x7c: {  	_ =	shalt  }
0x7d: {  	_ =	shalt  }
0x7e: {  	_ =	shalt  }
0x7f: {  	_ =	shalt  }
0x80: {  	_ =	shalt  }
0x81: {  	_ =	shalt  }
0x82: {  	_ =	shalt  }
0x83: {  	_ =	shalt  }
0x84: {  	_ =	shalt  }
0x85: {  	_ =	shalt  }
0x86: {  	_ =	shalt  }
0x87: {  	_ =	shalt  }
.Lfunc_end0:
.L_simem_size_0:
called_computation.2_lowered:
.L_overlay_start_0:
0x88: {  	s2 =	sld [smem:$0x3FD9]  }
0x89: {  	s3 =	sld [smem:$0x3FFE];
	_ =	sdelay $0x1  }
0x8a: {  	s1 =	srdreg.scid  }
0x8b: {  	s0 =	sand.u32 $0x1, s1  }
0x8c: {  	s16 =	sshll.u32 s0, $0xA;
	s2 =	sadd.s32 s3, s2  }
0x8d: {  	s2 =	sadd.s32 s2, s16  }
0x8e: {  	[smem:$0x3F81] =	sst s2  }
0x8f: {  	_ = 	snop  }
0x90: {  	(tm) =	ssettm $0x1  }
0x91: {  	s17 =	sld [smem:$0x3FFB];
	_ =	sdelay $0x3  }
0x92: {  	_ =	strace s17  }
0x93: {  	s2 =	sld [smem:$0x3FFC];
	_ =	sdelay $0x3  }
0x94: {  	_ =	strace s2  }
0x95: {  	s2 =	sld [smem:$0x3FFD];
	_ =	sdelay $0x3  }
0x96: {  	_ =	strace s2  }
0x97: {  	_ =	strace $0x8FFFFFFF  }
0x98: {  	s18 =	sld [smem:$0x3FDB];
	_ =	sdelay $0x1  }
0x99: {  	s19 =	simm.s32 $_scs_section_size  }
0x9a: {  	s4 =	simm.s32 $_size__tile_overlayer_lowered;
	s5 =	simm.s32 $_tile_overlayer_lowered  }
0x9b: {  	s22 =	simm.s32 $0x1BFF;
	s21 =	sshll.u32 s5, $0x1;
	s2 =	sadd.s32 s19, s18  }
0x9c: {  	s6 =	simm.s32 $0x0;
	s20 =	sshll.u32 s4, $0x1;
	s4 =	sadd.s32 s21, s2  }
0x9d: {  	[timem:s6], [sflag:s22] =	dma.local [hbm:s4], s20  }
0x9e: {  	_ =	swait.ge [sflag:s22], s20  }
0x9f: {  	s3 =	ssub.s32 $0x0, s20;
	[sflag:s22] =	ssyncset.done $0x0  }
0xa0: {  	[sflag:s22] =	ssyncadd.s32 s3;
	_ =	sdelay $0x1  }
0xa1: {  	s23 =	simm.s32 $0x1B8B  }
0xa2: {  	_ =	swait.ge [sflag:s23], $0x1  }
0xa3: {  	[sflag:s23] =	ssyncset.done $0x0  }
0xa4: {  	s25 =	simm.s32 $0x1B8E;
	s24 =	sld [smem:$0x3FFE];
	[sflag:s23] =	ssyncadd.s32 $0xFFFFFFFF  }
0xa5: {  	s26 =	simm.s32 $execute0_lowered;
	[smem:$0x3FD2] =	sst s25  }
0xa6: {  	s4 =	sshll.u32 s26, $0x1;
	_ =	strace $0x8000004C;
	[dreg:$0x1] =	wrdreg $0xFFFFFFFF  }
0xa7: {  	s28 =	simm.s32 $_size_execute0_lowered;
	s2 =	sadd.s32 s2, s4;
	[dreg:$0x0] =	wrdreg $0x0  }
0xa8: {  	s4 =	sshll.u32 s28, $0x1;
	[dreg:$0x2] =	wrdreg s2  }
0xa9: {  	[dreg:$0x3] =	wrdreg s4  }
0xaa: {  	[dreg:$0x4] =	wrdreg $0xC0  }
0xab: {  	_ =	task [dreg:s6], $0x5FFFF  }
0xac: {  	[dreg:$0x1] =	wrdreg $0xFFFFFFFF  }
0xad: {  	[dreg:$0x0] =	wrdreg $0x60  }
0xae: {  	[dreg:$0x2] =	wrdreg s24  }
0xaf: {  	[dreg:$0x3] =	wrdreg $0x9  }
0xb0: {  	_ =	task.clear_ibuf [dreg:s6], $0x4FFFF;
	_ =	strace $0x9000004C  }
0xb1: {  	s29 =	simm.s32 $0x9;
	_ =	strace $0x8000004E  }
0xb2: {  	_ =	swait.ge [sflag:s29], $0x1  }
0xb3: {  	[sflag:s29] =	ssyncadd.s32 $0xFFFFFFFF  }
0xb4: {  	_ =	strace $0x9000004E  }
0xb5: {  	_ =	sfence  }
0xb6: {  	s30 =	sld [smem:$0x0];
	_ =	sdelay $0x2  }
0xb7: {  	s31 =	sshll.u32 s1, $0xD;
	s1 =	sshrl.u32 s1, $0x2  }
0xb8: {  	s3 =	sand.u32 $0x4000, s31;
	s1 =	sadd.s32 s1, s30  }
0xb9: {  	s0 =	sor.u32 s3, s0;
	s1 =	sshll.u32 s1, $0x11  }
0xba: {  	s0 =	sor.u32 s1, s0  }
0xbb: {  	s0 =	sadd.s32 $0x8F2B, s0  }
0xbc: {  	[sflag:s0] =	ssyncadd.remote.s32 $0x1  }
0xbd: {  	_ =	sfence.sel $0xFFFF  }
0xbe: {  	[dreg:$0x0] =	wrdreg $0xFFFFFFFF;
	(pc) =	sbr.abs _section_cstart, $3  }
0xbf: {  	[dreg:$0x1] =	wrdreg $0xFFFFFFFF  }
0xc0: {  	_ =	task.clear_ibuf [dreg:s6], $0x2FFFF;
	_ =	strace $0x9FFFFFFF  }
0xc1: {  	(tm) =	ssettm $0x7FFFFFFF  }
tec
execute0_lowered:
.L_overlay_start_1:
0x0: {  	(tag) =	ssettag $0x1  }
0x1: {  	s5 =	rddreg [dreg:$0x0]  }
0x2: {  	s0 =	rddreg [dreg:$0x1]  }
0x3: {  	s1 =	simm.s32 $0x0;
	s2 =	srdreg.scid;
	s11 =	simm.s32 $0x880  }
0x4: {  	s12 =	simm.s32 $0x1080;
	s13 =	simm.s32 $0x1880;
	s14 =	simm.s32 $0x2080  }
0x5: {  	s15 =	simm.s32 $0x2880;
	s16 =	simm.s32 $0x3080;
	s17 =	simm.s32 $0x3880  }
0x6: {  	s18 =	simm.s32 $0x4080;
	s19 =	simm.s32 $0x4880;
	s20 =	simm.s32 $0x5080  }
0x7: {  	s21 =	simm.s32 $0x5880;
	s22 =	simm.s32 $0x6080;
	s23 =	simm.s32 $0x6880  }
0x8: {  	s24 =	simm.s32 $0x7080;
	s25 =	simm.s32 $0x7880;
	[smem:$0x7FF] =	sst s1  }
0x9: {  	s3 =	sadd.s32 $0x17800, s5;
	s6 =	sand.u32 $0x1, s2;
	s4 =	sadd.s32 $0x3E400, s5  }
0xa: {  	s2 =	stileid.u32;
	_ =	strace $0x8000004D;
	s7 =	ssub.s32 $0x2, s6  }
0xb: {  	s8 =	sshll.u32 s2, $0xD;
	s10 =	sshll.u32 s2, $0x1;
	s29 =	sshll.u32 s6, $0xC  }
0xc: {  	s30 =	sshll.u32 s2, $0x8;
	s31 =	sshll.u32 s6, $0x7;
	s9 =	sshrl.u32 s7, $0x1  }
0xd: {  	s8 =	sadd.s32 s8, s5;
	s28 =	sor.u32 s10, s6;
	s10 =	simm.s32 $0x80  }
0xe: {  	v2 =	vlaneseq.u32;
	s26 =	ssub.s32 s7, s9;
	s7 =	ssub.s32 $0x5A, s28;
	s8 =	sadd.s32 s29, s8  }
0xf: {  	vm0 =	vmmov $0xffff;
	v1 =	vshrl.u32 v2, $0x3;
	s9 =	simm.s32 $0x1;
	s5 =	smax.u32 s26, $0x1;
	s6 =	sshrl.u32 s7, $0x5  }
0x10: {  	v0 =	vand.u32 $0x7, v2;
	v2 =	vor.u32 $0x8, v2;
	v1 =	vmul.u32 $0x8, v1;
	s7 =	sadd.s32 $0x3E800, s8;
	s8 =	sor.u32 s31, s30;
	s26 =	simm.s32 $0x0  }
.LBB2_1:
0x11: {  	s28 =	smov.u32 s8;
	s29 =	smov.u32 s7;
	s30 =	smov.u32 s6  }
.LBB2_2:
0x12: {  	s31 =	sshrl.u32 s28, $0x3  }
0x13: {  	s31 =	sadd.s32 s4, s31  }
0x14: {  	[tilespmem:s1], [sflag:$0x1] =	stream.linear.gather [hbm4b:s31+s1], $0x80, $0x38;
	[tilespmem:$0x8080] =	vst v63  }
0x15: {  	_ =	swait.ge [sflag:s9], $0x80  }
0x16: {  	[sflag:s9] =	ssyncset.done $0x0  }
0x17: {  	[sflag:s9] =	ssyncadd.s32 $0xFFFFFF80  }
0x18: {  	v3 =	vld [tilespmem:$0x0];
	_ =	sdelay $0x4  }
0x19: {  	v4 =	vshll.u32 v3, $0x1  }
0x1a: {  	v3 =	vand.u32 $0x7, v3;
	v4 =	vand.u32 $0xFFFFFFF0, v4  }
0x1b: {  	v3 =	vor.u32 v3, v4  }
0x1c: {  	v4 =	vperm.xlane v3, v0;
	_ =	sdelay $0x1  }
0x1d: {  	v3 =	vperm.xlane v3, v2;
	v4 =	vadd.s32 v1, v4;
	_ =	sdelay $0x1  }
0x1e: {  	v3 =	vadd.s32 v1, v3;
	_ =	sdelay $0x2  }
0x1f: {  	[tilespmem:s10], [sflag:$0x1] =	stream.indirect_vreg.gather [hbm4b:s3+s1], $0x80, v4, vm0, $0xb8;
	[tilespmem:$0x8080] =	vst v63  }
0x20: {  	_ = 	snop  }
0x21: {  	[tilespmem:s11], [sflag:$0x1] =	stream.indirect_vreg.gather [hbm4b:s3+s1], $0x80, v3, vm0, $0xb8;
	[tilespmem:$0x8080] =	vst v63  }
0x22: {  	v3 =	vld [tilespmem:$0x10];
	_ =	sdelay $0x4  }
0x23: {  	v57 =	vshll.u32 v3, $0x1  }
0x24: {  	v3 =	vand.u32 $0x7, v3;
	v4 =	vand.u32 $0xFFFFFFF0, v57  }
0x25: {  	v3 =	vor.u32 v3, v4  }
0x26: {  	v4 =	vperm.xlane v3, v0;
	_ =	sdelay $0x1  }
0x27: {  	v3 =	vperm.xlane v3, v2;
	v4 =	vadd.s32 v1, v4;
	_ =	sdelay $0x1  }
0x28: {  	v3 =	vadd.s32 v1, v3;
	_ =	sdelay $0x2  }
0x29: {  	[tilespmem:s12], [sflag:$0x1] =	stream.indirect_vreg.gather [hbm4b:s3+s1], $0x80, v4, vm0, $0xb8;
	[tilespmem:$0x8080] =	vst v63  }
0x2a: {  	_ = 	snop  }
0x2b: {  	[tilespmem:s13], [sflag:$0x1] =	stream.indirect_vreg.gather [hbm4b:s3+s1], $0x80, v3, vm0, $0xb8;
	[tilespmem:$0x8080] =	vst v63  }
0x2c: {  	v3 =	vld [tilespmem:$0x20];
	_ =	sdelay $0x4  }
0x2d: {  	v58 =	vshll.u32 v3, $0x1  }
0x2e: {  	v3 =	vand.u32 $0x7, v3;
	v4 =	vand.u32 $0xFFFFFFF0, v58  }
0x2f: {  	v3 =	vor.u32 v3, v4  }
0x30: {  	v4 =	vperm.xlane v3, v0;
	_ =	sdelay $0x1  }
0x31: {  	v3 =	vperm.xlane v3, v2;
	v4 =	vadd.s32 v1, v4;
	_ =	sdelay $0x1  }
0x32: {  	v3 =	vadd.s32 v1, v3;
	_ =	sdelay $0x2  }
0x33: {  	[tilespmem:s14], [sflag:$0x1] =	stream.indirect_vreg.gather [hbm4b:s3+s1], $0x80, v4, vm0, $0xb8;
	[tilespmem:$0x8080] =	vst v63  }
0x34: {  	_ = 	snop  }
0x35: {  	[tilespmem:s15], [sflag:$0x1] =	stream.indirect_vreg.gather [hbm4b:s3+s1], $0x80, v3, vm0, $0xb8;
	[tilespmem:$0x8080] =	vst v63  }
0x36: {  	v3 =	vld [tilespmem:$0x30];
	_ =	sdelay $0x4  }
0x37: {  	v59 =	vshll.u32 v3, $0x1  }
0x38: {  	v3 =	vand.u32 $0x7, v3;
	v4 =	vand.u32 $0xFFFFFFF0, v59  }
0x39: {  	v3 =	vor.u32 v3, v4  }
0x3a: {  	v4 =	vperm.xlane v3, v0;
	_ =	sdelay $0x1  }
0x3b: {  	v3 =	vperm.xlane v3, v2;
	v4 =	vadd.s32 v1, v4;
	_ =	sdelay $0x1  }
0x3c: {  	v3 =	vadd.s32 v1, v3;
	_ =	sdelay $0x2  }
0x3d: {  	[tilespmem:s16], [sflag:$0x1] =	stream.indirect_vreg.gather [hbm4b:s3+s1], $0x80, v4, vm0, $0xb8;
	[tilespmem:$0x8080] =	vst v63  }
0x3e: {  	_ = 	snop  }
0x3f: {  	[tilespmem:s17], [sflag:$0x1] =	stream.indirect_vreg.gather [hbm4b:s3+s1], $0x80, v3, vm0, $0xb8;
	[tilespmem:$0x8080] =	vst v63  }
0x40: {  	v3 =	vld [tilespmem:$0x40];
	_ =	sdelay $0x4  }
0x41: {  	v60 =	vshll.u32 v3, $0x1  }
0x42: {  	v3 =	vand.u32 $0x7, v3;
	v4 =	vand.u32 $0xFFFFFFF0, v60  }
0x43: {  	v3 =	vor.u32 v3, v4  }
0x44: {  	v4 =	vperm.xlane v3, v0;
	_ =	sdelay $0x1  }
0x45: {  	v3 =	vperm.xlane v3, v2;
	v4 =	vadd.s32 v1, v4;
	_ =	sdelay $0x1  }
0x46: {  	v3 =	vadd.s32 v1, v3;
	_ =	sdelay $0x2  }
0x47: {  	[tilespmem:s18], [sflag:$0x1] =	stream.indirect_vreg.gather [hbm4b:s3+s1], $0x80, v4, vm0, $0xb8;
	[tilespmem:$0x8080] =	vst v63  }
0x48: {  	_ = 	snop  }
0x49: {  	[tilespmem:s19], [sflag:$0x1] =	stream.indirect_vreg.gather [hbm4b:s3+s1], $0x80, v3, vm0, $0xb8;
	[tilespmem:$0x8080] =	vst v63  }
0x4a: {  	v3 =	vld [tilespmem:$0x50];
	_ =	sdelay $0x4  }
0x4b: {  	v61 =	vshll.u32 v3, $0x1  }
0x4c: {  	v3 =	vand.u32 $0x7, v3;
	v4 =	vand.u32 $0xFFFFFFF0, v61  }
0x4d: {  	v3 =	vor.u32 v3, v4  }
0x4e: {  	v4 =	vperm.xlane v3, v0;
	_ =	sdelay $0x1  }
0x4f: {  	v3 =	vperm.xlane v3, v2;
	v4 =	vadd.s32 v1, v4;
	_ =	sdelay $0x1  }
0x50: {  	v3 =	vadd.s32 v1, v3;
	_ =	sdelay $0x2  }
0x51: {  	[tilespmem:s20], [sflag:$0x1] =	stream.indirect_vreg.gather [hbm4b:s3+s1], $0x80, v4, vm0, $0xb8;
	[tilespmem:$0x8080] =	vst v63  }
0x52: {  	_ = 	snop  }
0x53: {  	[tilespmem:s21], [sflag:$0x1] =	stream.indirect_vreg.gather [hbm4b:s3+s1], $0x80, v3, vm0, $0xb8;
	[tilespmem:$0x8080] =	vst v63  }
0x54: {  	v3 =	vld [tilespmem:$0x60];
	_ =	sdelay $0x4  }
0x55: {  	v62 =	vshll.u32 v3, $0x1  }
0x56: {  	v3 =	vand.u32 $0x7, v3;
	v4 =	vand.u32 $0xFFFFFFF0, v62  }
0x57: {  	v3 =	vor.u32 v3, v4  }
0x58: {  	v4 =	vperm.xlane v3, v0;
	_ =	sdelay $0x1  }
0x59: {  	v3 =	vperm.xlane v3, v2;
	v4 =	vadd.s32 v1, v4;
	_ =	sdelay $0x1  }
0x5a: {  	v3 =	vadd.s32 v1, v3;
	_ =	sdelay $0x2  }
0x5b: {  	[tilespmem:s22], [sflag:$0x1] =	stream.indirect_vreg.gather [hbm4b:s3+s1], $0x80, v4, vm0, $0xb8;
	[tilespmem:$0x8080] =	vst v63  }
0x5c: {  	_ = 	snop  }
0x5d: {  	[tilespmem:s23], [sflag:$0x1] =	stream.indirect_vreg.gather [hbm4b:s3+s1], $0x80, v3, vm0, $0xb8;
	[tilespmem:$0x8080] =	vst v63  }
0x5e: {  	v3 =	vld [tilespmem:$0x70];
	_ =	sdelay $0x4  }
0x5f: {  	v63 =	vshll.u32 v3, $0x1  }
0x60: {  	v3 =	vand.u32 $0x7, v3;
	v4 =	vand.u32 $0xFFFFFFF0, v63  }
0x61: {  	v3 =	vor.u32 v3, v4  }
0x62: {  	v4 =	vperm.xlane v3, v0;
	_ =	sdelay $0x1  }
0x63: {  	v3 =	vperm.xlane v3, v2;
	v4 =	vadd.s32 v1, v4;
	_ =	sdelay $0x1  }
0x64: {  	v3 =	vadd.s32 v1, v3;
	_ =	sdelay $0x2  }
0x65: {  	[tilespmem:s24], [sflag:$0x1] =	stream.indirect_vreg.gather [hbm4b:s3+s1], $0x80, v4, vm0, $0xb8;
	[tilespmem:$0x8080] =	vst v63  }
0x66: {  	_ = 	snop  }
0x67: {  	[tilespmem:s25], [sflag:$0x1] =	stream.indirect_vreg.gather [hbm4b:s3+s1], $0x80, v3, vm0, $0xb8;
	[tilespmem:$0x8080] =	vst v63  }
0x68: {  	_ =	swait.ge [sflag:s9], $0x8000  }
0x69: {  	p0 =	sne.s32 s30, $0x1;
	[sflag:s9] =	ssyncset.done $0x0  }
.Ltmp0:
0x6a: {  	[sflag:s9] =	ssyncadd.s32 $0xFFFF8000;
	(pc) =	sbr.rel @p0 .LBB2_2-.Ltmp0, $4  }
0x6b: {  	[hbm4b:s29+s1] =	stream.linear.scatter [tilespmem:s10], [sflag:$0x1], $0x8000, $0x38;
	[tilespmem:$0x8080] =	vst v63  }
0x6c: {  	_ =	swait.ge [sflag:s9], $0x8000  }
0x6d: {  	s28 =	sadd.s32 $0x1000, s28;
	[sflag:s9] =	ssyncset.done $0x0  }
0x6e: {  	s30 =	sadd.s32 $0xFFFFFFFF, s30;
	s29 =	sadd.s32 $0x20000, s29;
	[sflag:s9] =	ssyncadd.s32 $0xFFFF8000  }
0x6f: {  	s26 =	sadd.s32 $0x1, s26  }
0x70: {  	p0 =	sne.s32 s26, s5  }
.Ltmp1:
0x71: {  	_ = 	snop;
	(pc) =	sbr.rel @p0 .LBB2_1-.Ltmp1, $1  }
0x72: {  	_ =	sdelay $0x3  }
0x73: {  	_ =	sfence.sel $0x180000  }
0x74: {  	[bflag:$0x0] =	sbarrier.arrive $0xFFFF  }
0x75: {  	p0 =	sne.s32 s2, $0x0;
	_ =	strace $0x9000004D  }
0x76: {  	s0 =	sadd.s32 @!p0 $0x100000, s0;
	[bflag:$0x2] =	sbarrier.arrive $0xFFFF  }
0x77: {  	[sflag:s0] =	ssyncadd.tile.s32 @!p0 $0x1;
	_ =	shalt  }
.Lfunc_end2:
_tile_overlayer_lowered:
.L_overlay_start_2:
0x78: {  	(tag) =	ssettag $0x2  }
0x79: {  	s0 =	rddreg [dreg:$0x0];
	s2 =	stileid.u32  }
0x7a: {  	s1 =	rddreg [dreg:$0x1];
	p0 =	sne.s32 s2, $0x0  }
0x7b: {  	s3 =	rddreg [dreg:$0x2];
	[bflag:$0x3] =	sbarrier.arrive $0xFFFF;
	s2 =	simm.s32 @!p0 $0x1C01  }
0x7c: {  	[timem:s3], [sflag:s2] =	dma.local @!p0 [hbm:s0], s1  }
0x7d: {  	s0 =	simm.s32 @!p0 $0x1  }
0x7e: {  	_ =	swait.ge @!p0 [sflag:s0], s1  }
0x7f: {  	s1 =	ssub.s32 @!p0 $0x0, s1;
	[sflag:s0] =	ssyncset.done @!p0 $0x0  }
0x80: {  	[sflag:s0] =	ssyncadd.s32 @!p0 s1  }
0x81: {  	[bflag:$0x3] =	sbarrier.arrive $0xFFFF  }
0x82: {  	_ =	shalt  }

</sc_bundles>
